<compile_context>
chip_gen: v7x
topology: tpu7x:2x2x1
jax: 0.10.2.dev20260603
libtpu: 0.0.44.dev20260713+nightly
codegen_flags: <defaults>
</compile_context>

<pallas_src>
import functools

import jax
import jax.numpy as jnp
import numpy as np
from jax import lax
from jax.experimental import pallas as pl
from jax.experimental.pallas import tpu as pltpu
from jax.experimental.pallas import tpu_sc as plsc

VOCAB = 1000000
D_MODEL = 64
SEQ = 200
BATCH = 1024

NUM_CORES = 2
NUM_SUBCORES = 16
NW = NUM_CORES * NUM_SUBCORES
QB = 128
NQ = BATCH // QB
UNITS = SEQ * NQ
UPW = UNITS // NW
NBUF = 4
PIPE = 3
SUBG = 4

CH = 8192
N_IN_BLOCKS = -(-VOCAB // CH)
VOCAB_P = ((N_IN_BLOCKS + 1) // 2) * CH


def _positional_encoding(length, depth):
    depth_h = depth / 2
    positions = np.arange(length)[:, np.newaxis]
    depths = np.arange(depth_h)[np.newaxis, :] / depth_h
    angle_rates = 1 / 10000 ** depths
    angle_rads = positions * angle_rates
    return np.concatenate(
        [np.sin(angle_rads), np.cos(angle_rads)], axis=-1
    ).astype(np.float32)


_POS_SPLAT_NP = np.zeros((SEQ + 8, 16 * D_MODEL), np.float32)
_POS_SPLAT_NP[:SEQ] = np.repeat(
    _positional_encoding(SEQ, D_MODEL), 16, axis=1
)


def _tc_pack_kernel(t_ref, out_ref):
    a = jnp.transpose(t_ref[...], (1, 0))
    i = pl.program_id(0)

    @pl.when(i % 2 == 0)
    def _():
        out_ref[:, 0:D_MODEL] = a

    @pl.when(i % 2 == 1)
    def _():
        out_ref[:, D_MODEL:2 * D_MODEL] = a


def _pack_table(tT):
    return pl.pallas_call(
        _tc_pack_kernel,
        grid=(N_IN_BLOCKS,),
        in_specs=[pl.BlockSpec((D_MODEL, CH), lambda i: (0, i))],
        out_specs=pl.BlockSpec((CH, 2 * D_MODEL), lambda i: (i // 2, 0)),
        out_shape=jax.ShapeDtypeStruct((VOCAB_P, 2 * D_MODEL), jnp.float32),
    )(tT)


def _sc_kernel(tableP, xT, posS, outT, idx_v, pairs_v, hoff_v, g_v, pos_v,
               out_v, sem_i, sem_g, sem_o):
    wid = lax.axis_index("s") * NUM_CORES + lax.axis_index("c")
    u0 = wid * UPW
    p0a = ((u0 // NQ) // 8) * 8
    iota = lax.iota(jnp.int32, 16)
    scale = jnp.float32(8.0)

    pltpu.sync_copy(posS.at[pl.ds(p0a, 16)], pos_v)

    def pq(k):
        u = u0 + k
        return u // NQ, u % NQ

    def idx_start(k):
        kc = jnp.minimum(k, UPW - 1)
        p, q = pq(kc)
        p8 = (p // 8) * 8
        b = lax.rem(k, NBUF)
        pltpu.async_copy(
            xT.at[pl.ds(p8, 8), pl.ds(q * QB, QB)],
            idx_v.at[pl.ds(b * 8, 8)],
            sem_i.at[b],
        )

    def prep_and_gather_start(k):
        b = lax.rem(k, NBUF)
        p, _ = pq(k)
        row = b * 8 + lax.rem(p, 8)

        def prep(i, _):
            rsl = pl.ds(i * 16, 16)
            wsl = pl.ds(b * QB + i * 16, 16)
            raw = idx_v[row, rsl]
            pairs_v[wsl] = lax.bitwise_or(
                lax.shift_left(lax.shift_right_logical(raw, 14), 13),
                lax.bitwise_and(raw, 8191),
            )
            hoff_v[wsl] = lax.shift_right_logical(
                lax.bitwise_and(raw, 8192), 7
            )
            return 0

        lax.fori_loop(0, QB // 16, prep, 0)
        sw = QB // SUBG
        for s in range(SUBG):
            pltpu.async_copy(
                tableP.at[pairs_v.at[pl.ds(b * QB + s * sw, sw)]],
                g_v.at[pl.ds(b * QB + s * sw, sw)],
                sem_g.at[b],
            )

    def compute(k):
        bg = lax.rem(k, NBUF)
        bo = lax.rem(k, 2)
        p, _ = pq(k)
        pi = p - p0a
        ob = bo * D_MODEL

        rvecs = [iota + (bg * QB + g * 16) for g in range(QB // 16)]
        hsls = [hoff_v[pl.ds(bg * QB + g * 16, 16)] for g in range(QB // 16)]

        def dloop(d, _):
            pv = pos_v[pi, pl.ds(d * 16, 16)]
            orow = ob + d
            for g in range(QB // 16):
                val = plsc.load_gather(g_v, [rvecs[g], hsls[g] + d])
                out_v[orow, pl.ds(g * 16, 16)] = val * scale + pv
            return 0

        lax.fori_loop(0, D_MODEL, dloop, 0)

    def out_start(k):
        b = lax.rem(k, 2)
        p, q = pq(k)
        pltpu.async_copy(
            out_v.at[pl.ds(b * D_MODEL, D_MODEL)],
            outT.at[p, :, pl.ds(q * QB, QB)],
            sem_o.at[b],
        )

    def wait_i(b):
        pltpu.make_async_copy(
            xT.at[pl.ds(0, 8), pl.ds(0, QB)], idx_v.at[pl.ds(0, 8)],
            sem_i.at[b],
        ).wait()

    def wait_g(b):
        for _ in range(SUBG):
            pltpu.make_async_copy(
                tableP.at[pl.ds(0, QB // SUBG)],
                g_v.at[pl.ds(0, QB // SUBG)],
                sem_g.at[b],
            ).wait()

    def wait_o(b):
        pltpu.make_async_copy(
            out_v.at[pl.ds(0, D_MODEL)], outT.at[0, :, pl.ds(0, QB)],
            sem_o.at[b],
        ).wait()

    for j in range(NBUF):
        idx_start(jnp.int32(j))
    for j in range(PIPE):
        wait_i(jnp.int32(j))
        prep_and_gather_start(jnp.int32(j))

    def stage(k, drain_out):
        b4 = lax.rem(k + PIPE, NBUF)
        if drain_out:
            wait_o(lax.rem(k, 2))
        wait_i(b4)
        prep_and_gather_start(k + PIPE)
        idx_start(k + NBUF)
        wait_g(lax.rem(k, NBUF))
        compute(k)
        out_start(k)

    stage(jnp.int32(0), False)
    stage(jnp.int32(1), False)

    def body(k, _):
        stage(k, True)
        return 0

    lax.fori_loop(2, UPW - PIPE, body, 0)

    for j in range(PIPE, 0, -1):
        kl = jnp.int32(UPW - j)
        wait_o(lax.rem(kl, 2))
        wait_g(lax.rem(kl, NBUF))
        compute(kl)
        out_start(kl)
    wait_i(lax.rem(jnp.int32(UPW), NBUF))
    wait_o(lax.rem(jnp.int32(UPW - 2), 2))
    wait_o(lax.rem(jnp.int32(UPW - 1), 2))


@jax.jit
def _run(x, table):
    tT = table.T
    tableP = _pack_table(tT)
    xT = x.T
    mesh = plsc.VectorSubcoreMesh(core_axis_name="c", subcore_axis_name="s")
    k = functools.partial(
        pl.kernel,
        out_type=jax.ShapeDtypeStruct((SEQ, D_MODEL, BATCH), jnp.float32),
        mesh=mesh,
        scratch_types=[
            pltpu.VMEM((NBUF * 8, QB), jnp.int32),
            pltpu.VMEM((NBUF * QB,), jnp.int32),
            pltpu.VMEM((NBUF * QB,), jnp.int32),
            pltpu.VMEM((NBUF * QB, 2 * D_MODEL), jnp.float32),
            pltpu.VMEM((16, 16 * D_MODEL), jnp.float32),
            pltpu.VMEM((2 * D_MODEL, QB), jnp.float32),
            pltpu.SemaphoreType.DMA((NBUF,)),
            pltpu.SemaphoreType.DMA((NBUF,)),
            pltpu.SemaphoreType.DMA((2,)),
        ],
        compiler_params=pltpu.CompilerParams(needs_layout_passes=False),
    )(_sc_kernel)
    outT = k(tableP, xT, jnp.asarray(_POS_SPLAT_NP))
    return outT.transpose(2, 0, 1)


def kernel(x, table):
    return _run(x, table)

# --- scband reference (transcript-rebuilt; emitter-appended) ---
"""Pipeline reference for scband-positional-embedding-48301202211221 (READ-ONLY COPY).

The authoritative reference and input builder live on the scoring server;
editing this copy changes nothing except your own understanding.
"""

import jax, jax.numpy as jnp
import numpy as np

VOCAB = 1000000
D_MODEL = 64
POS_LEN = 2048

def positional_encoding(length, depth):
    depth_h = depth / 2
    positions = np.arange(length)[:, np.newaxis]
    depths = np.arange(depth_h)[np.newaxis, :] / depth_h
    angle_rates = 1 / 10000 ** depths
    angle_rads = positions * angle_rates
    pos_encoding = np.concatenate([np.sin(angle_rads), np.cos(angle_rads)], axis=-1)
    return jnp.asarray(pos_encoding, dtype=jnp.float32)

def setup_inputs(seed: int = 0) -> dict:
    key = jax.random.key(seed)
    k1, k2 = jax.random.split(key)
    x = jax.random.randint(k1, (1024, 200), 0, VOCAB, dtype=jnp.int64 if jax.config.jax_enable_x64 else jnp.int32).astype(jnp.int32)
    table = jax.random.normal(k2, (VOCAB, D_MODEL), dtype=jnp.float32) * 0.02
    return {"x": x, "table": table}

def reference(x, table):
    pos_enc = positional_encoding(POS_LEN, D_MODEL)
    length = x.shape[1]
    emb = jnp.take(table, x, axis=0)
    emb = emb * jnp.sqrt(jnp.asarray(D_MODEL, dtype=jnp.float32))
    out = emb + pos_enc[jnp.newaxis, :length, :]
    return out

if __name__ == "__main__":
    import jax
    _d = setup_inputs()
    print(jax.jit(kernel)(*tuple(_d.values())))

</pallas_src>

<mosaic_0001>
#map = affine_map<(d0, d1) -> (0, 0)>
#map1 = affine_map<(d0, d1) -> (0, 0, 0)>
module attributes {stable_mosaic.version = 14 : i64} {
  func.func @_sc_kernel(%arg0: i32, %arg1: i32, %arg2: memref<507904x128xf32, #tpu.memory_space<hbm>>, %arg3: memref<200x1024xi32, #tpu.memory_space<hbm>>, %arg4: memref<208x1024xf32, #tpu.memory_space<hbm>>, %arg5: memref<200x64x1024xf32, #tpu.memory_space<hbm>>, %arg6: memref<32x128xi32, #tpu.memory_space<vmem>>, %arg7: memref<512xi32, #tpu.memory_space<vmem>>, %arg8: memref<512xi32, #tpu.memory_space<vmem>>, %arg9: memref<512x128xf32, #tpu.memory_space<vmem>>, %arg10: memref<16x1024xf32, #tpu.memory_space<vmem>>, %arg11: memref<128x128xf32, #tpu.memory_space<vmem>>, %arg12: memref<4x!tpu.dma_semaphore, #tpu.memory_space<semaphore_mem>>, %arg13: memref<4x!tpu.dma_semaphore, #tpu.memory_space<semaphore_mem>>, %arg14: memref<2x!tpu.dma_semaphore, #tpu.memory_space<semaphore_mem>>) attributes {dimension_semantics = [#tpu.dimension_semantics<core_parallel>, #tpu.dimension_semantics<subcore_parallel>], iteration_bounds = array<i64: 2, 16>, scalar_prefetch = 0 : i64, scratch_operands = 9 : i64, tpu.core_type = #tpu.core_type<sc_vector_subcore>, window_params = [{transform_indices = #map}, {transform_indices = #map}, {transform_indices = #map}, {transform_indices = #map1}]} {
    %mul3A = arith.constant 2 : i32
    %mul3A_0 = arith.muli %arg1, %mul3A : i32
    %add3A = arith.addi %mul3A_0, %arg0 : i32
    %mul3A_1 = arith.constant 50 : i32
    %mul3A_2 = arith.muli %add3A, %mul3A_1 : i32
    %jit3A = arith.constant 8 : i32
    %div3A = arith.divsi %mul3A_2, %jit3A : i32
    %sign3A = arith.constant 0 : i32
    %sign3A_3 = arith.cmpi sgt, %mul3A_2, %sign3A : i32
    %sign3A_4 = arith.extui %sign3A_3 : i1 to i32
    %sign3A_5 = arith.constant 0 : i32
    %sign3A_6 = arith.cmpi slt, %mul3A_2, %sign3A_5 : i32
    %sign3A_7 = arith.extui %sign3A_6 : i1 to i32
    %sign3A_8 = arith.subi %sign3A_4, %sign3A_7 : i32
    %sign3A_9 = arith.constant 0 : i32
    %sign3A_10 = arith.cmpi sgt, %jit3A, %sign3A_9 : i32
    %sign3A_11 = arith.extui %sign3A_10 : i1 to i32
    %sign3A_12 = arith.constant 0 : i32
    %sign3A_13 = arith.cmpi slt, %jit3A, %sign3A_12 : i32
    %sign3A_14 = arith.extui %sign3A_13 : i1 to i32
    %sign3A_15 = arith.subi %sign3A_11, %sign3A_14 : i32
    %ne3A = arith.cmpi ne, %sign3A_8, %sign3A_15 : i32
    %rem3A = arith.remsi %mul3A_2, %jit3A : i32
    %ne3A_16 = arith.constant 0 : i32
    %ne3A_17 = arith.cmpi ne, %rem3A, %ne3A_16 : i32
    %and3A = arith.andi %ne3A, %ne3A_17 : i1
    %sub3A = arith.constant 1 : i32
    %sub3A_18 = arith.subi %div3A, %sub3A : i32
    %select_n3A = arith.select %and3A, %sub3A_18, %div3A : i32
    %jit3A_19 = arith.constant 8 : i32
    %div3A_20 = arith.divsi %select_n3A, %jit3A_19 : i32
    %sign3A_21 = arith.constant 0 : i32
    %sign3A_22 = arith.cmpi sgt, %select_n3A, %sign3A_21 : i32
    %sign3A_23 = arith.extui %sign3A_22 : i1 to i32
    %sign3A_24 = arith.constant 0 : i32
    %sign3A_25 = arith.cmpi slt, %select_n3A, %sign3A_24 : i32
    %sign3A_26 = arith.extui %sign3A_25 : i1 to i32
    %sign3A_27 = arith.subi %sign3A_23, %sign3A_26 : i32
    %sign3A_28 = arith.constant 0 : i32
    %sign3A_29 = arith.cmpi sgt, %jit3A_19, %sign3A_28 : i32
    %sign3A_30 = arith.extui %sign3A_29 : i1 to i32
    %sign3A_31 = arith.constant 0 : i32
    %sign3A_32 = arith.cmpi slt, %jit3A_19, %sign3A_31 : i32
    %sign3A_33 = arith.extui %sign3A_32 : i1 to i32
    %sign3A_34 = arith.subi %sign3A_30, %sign3A_33 : i32
    %ne3A_35 = arith.cmpi ne, %sign3A_27, %sign3A_34 : i32
    %rem3A_36 = arith.remsi %select_n3A, %jit3A_19 : i32
    %ne3A_37 = arith.constant 0 : i32
    %ne3A_38 = arith.cmpi ne, %rem3A_36, %ne3A_37 : i32
    %and3A_39 = arith.andi %ne3A_35, %ne3A_38 : i1
    %sub3A_40 = arith.constant 1 : i32
    %sub3A_41 = arith.subi %div3A_20, %sub3A_40 : i32
    %select_n3A_42 = arith.select %and3A_39, %sub3A_41, %div3A_20 : i32
    %mul3A_43 = arith.constant 8 : i32
    %mul3A_44 = arith.muli %select_n3A_42, %mul3A_43 : i32
    %iota3A = tpu.iota {dimensions = array<i32: 0>} : vector<16xi32>
    "tpu.region"() ({
      %run_scoped3A = tpu.sem_alloc : memref<!tpu.dma_semaphore, #tpu.memory_space<semaphore_mem>>
      %dma_start3A_2740 = arith.constant 0 : i32
      %dma_start3A_2741 = tpu.memref_slice %arg4[%mul3A_44, %dma_start3A_2740] : memref<208x1024xf32, #tpu.memory_space<hbm>> -> memref<16x1024xf32, #tpu.memory_space<hbm>>
      %dma_start3A_2742 = arith.constant 0 : i32
      %dma_start3A_2743 = tpu.memref_slice %arg4[%mul3A_44, %dma_start3A_2742] : memref<208x1024xf32, #tpu.memory_space<hbm>> -> memref<16x1024xf32, #tpu.memory_space<hbm>>
      tpu.enqueue_dma source(%dma_start3A_2743 : memref<16x1024xf32, #tpu.memory_space<hbm>>) target(%arg10 : memref<16x1024xf32, #tpu.memory_space<vmem>>) target_semaphore(%run_scoped3A : memref<!tpu.dma_semaphore, #tpu.memory_space<semaphore_mem>>)
      %dma_wait3A_2744 = arith.constant 0 : i32
      %dma_wait3A_2745 = tpu.memref_slice %arg4[%mul3A_44, %dma_wait3A_2744] : memref<208x1024xf32, #tpu.memory_space<hbm>> -> memref<16x1024xf32, #tpu.memory_space<hbm>>
      %dma_wait3A_2746 = arith.constant 0 : i32
      %dma_wait3A_2747 = tpu.memref_slice %arg4[%mul3A_44, %dma_wait3A_2746] : memref<208x1024xf32, #tpu.memory_space<hbm>> -> memref<16x1024xf32, #tpu.memory_space<hbm>>
      tpu.wait_dma2 semaphore(%run_scoped3A : memref<!tpu.dma_semaphore, #tpu.memory_space<semaphore_mem>>) src(%dma_wait3A_2747 : memref<16x1024xf32, #tpu.memory_space<hbm>>) dst(%arg10 : memref<16x1024xf32, #tpu.memory_space<vmem>>)
      tpu.yield
    }) : () -> ()
    %min3A = arith.constant 0 : i32
    %min3A_45 = arith.constant 49 : i32
    %min3A_46 = arith.minsi %min3A, %min3A_45 : i32
    %add3A_47 = arith.addi %mul3A_2, %min3A_46 : i32
    %jit3A_48 = arith.constant 8 : i32
    %div3A_49 = arith.divsi %add3A_47, %jit3A_48 : i32
    %sign3A_50 = arith.constant 0 : i32
    %sign3A_51 = arith.cmpi sgt, %add3A_47, %sign3A_50 : i32
    %sign3A_52 = arith.extui %sign3A_51 : i1 to i32
    %sign3A_53 = arith.constant 0 : i32
    %sign3A_54 = arith.cmpi slt, %add3A_47, %sign3A_53 : i32
    %sign3A_55 = arith.extui %sign3A_54 : i1 to i32
    %sign3A_56 = arith.subi %sign3A_52, %sign3A_55 : i32
    %sign3A_57 = arith.constant 0 : i32
    %sign3A_58 = arith.cmpi sgt, %jit3A_48, %sign3A_57 : i32
    %sign3A_59 = arith.extui %sign3A_58 : i1 to i32
    %sign3A_60 = arith.constant 0 : i32
    %sign3A_61 = arith.cmpi slt, %jit3A_48, %sign3A_60 : i32
    %sign3A_62 = arith.extui %sign3A_61 : i1 to i32
    %sign3A_63 = arith.subi %sign3A_59, %sign3A_62 : i32
    %ne3A_64 = arith.cmpi ne, %sign3A_56, %sign3A_63 : i32
    %rem3A_65 = arith.remsi %add3A_47, %jit3A_48 : i32
    %ne3A_66 = arith.constant 0 : i32
    %ne3A_67 = arith.cmpi ne, %rem3A_65, %ne3A_66 : i32
    %and3A_68 = arith.andi %ne3A_64, %ne3A_67 : i1
    %sub3A_69 = arith.constant 1 : i32
    %sub3A_70 = arith.subi %div3A_49, %sub3A_69 : i32
    %select_n3A_71 = arith.select %and3A_68, %sub3A_70, %div3A_49 : i32
    %jit3A_72 = arith.constant 8 : i32
    %eq3A = arith.constant 0 : i32
    %eq3A_73 = arith.cmpi eq, %jit3A_72, %eq3A : i32
    %jit3A_74 = arith.constant 1 : i32
    %select_n3A_75 = arith.select %eq3A_73, %jit3A_74, %jit3A_72 : i32
    %rem3A_76 = arith.remsi %add3A_47, %select_n3A_75 : i32
    %ne3A_77 = arith.constant 0 : i32
    %ne3A_78 = arith.cmpi ne, %rem3A_76, %ne3A_77 : i32
    %lt3A = arith.constant 0 : i32
    %lt3A_79 = arith.cmpi slt, %rem3A_76, %lt3A : i32
    %lt3A_80 = arith.constant 0 : i32
    %lt3A_81 = arith.cmpi slt, %select_n3A_75, %lt3A_80 : i32
    %ne3A_82 = arith.xori %lt3A_79, %lt3A_81 : i1
    %and3A_83 = arith.andi %ne3A_82, %ne3A_78 : i1
    %add3A_84 = arith.addi %rem3A_76, %select_n3A_75 : i32
    %select_n3A_85 = arith.select %and3A_83, %add3A_84, %rem3A_76 : i32
    %jit3A_86 = arith.constant 8 : i32
    %div3A_87 = arith.divsi %select_n3A_71, %jit3A_86 : i32
    %sign3A_88 = arith.constant 0 : i32
    %sign3A_89 = arith.cmpi sgt, %select_n3A_71, %sign3A_88 : i32
    %sign3A_90 = arith.extui %sign3A_89 : i1 to i32
    %sign3A_91 = arith.constant 0 : i32
    %sign3A_92 = arith.cmpi slt, %select_n3A_71, %sign3A_91 : i32
    %sign3A_93 = arith.extui %sign3A_92 : i1 to i32
    %sign3A_94 = arith.subi %sign3A_90, %sign3A_93 : i32
    %sign3A_95 = arith.constant 0 : i32
    %sign3A_96 = arith.cmpi sgt, %jit3A_86, %sign3A_95 : i32
    %sign3A_97 = arith.extui %sign3A_96 : i1 to i32
    %sign3A_98 = arith.constant 0 : i32
    %sign3A_99 = arith.cmpi slt, %jit3A_86, %sign3A_98 : i32
    %sign3A_100 = arith.extui %sign3A_99 : i1 to i32
    %sign3A_101 = arith.subi %sign3A_97, %sign3A_100 : i32
    %ne3A_102 = arith.cmpi ne, %sign3A_94, %sign3A_101 : i32
    %rem3A_103 = arith.remsi %select_n3A_71, %jit3A_86 : i32
    %ne3A_104 = arith.constant 0 : i32
    %ne3A_105 = arith.cmpi ne, %rem3A_103, %ne3A_104 : i32
    %and3A_106 = arith.andi %ne3A_102, %ne3A_105 : i1
    %sub3A_107 = arith.constant 1 : i32
    %sub3A_108 = arith.subi %div3A_87, %sub3A_107 : i32
    %select_n3A_109 = arith.select %and3A_106, %sub3A_108, %div3A_87 : i32
    %mul3A_110 = arith.constant 8 : i32
    %mul3A_111 = arith.muli %select_n3A_109, %mul3A_110 : i32
    %rem3A_112 = arith.constant 0 : i32
    %rem3A_113 = arith.constant 4 : i32
    %rem3A_114 = arith.remsi %rem3A_112, %rem3A_113 : i32
    %mul3A_115 = arith.constant 128 : i32
    %mul3A_116 = arith.muli %select_n3A_85, %mul3A_115 : i32
    %mul3A_117 = arith.constant 8 : i32
    %mul3A_118 = arith.muli %rem3A_114, %mul3A_117 : i32
    %dma_start3A = arith.constant 0 : i32
    %dma_start3A_119 = tpu.memref_slice %arg6[%mul3A_118, %dma_start3A] : memref<32x128xi32, #tpu.memory_space<vmem>> -> memref<8x128xi32, #tpu.memory_space<vmem>>
    %dma_start3A_120 = tpu.memref_slice %arg3[%mul3A_111, %mul3A_116] : memref<200x1024xi32, #tpu.memory_space<hbm>> -> memref<8x128xi32, #tpu.memory_space<hbm>>
    %dma_start3A_121 = tpu.memref_slice %arg12[%rem3A_114] : memref<4x!tpu.dma_semaphore, #tpu.memory_space<semaphore_mem>> -> memref<1x!tpu.dma_semaphore, #tpu.memory_space<semaphore_mem>>
    %dma_start3A_122 = tpu.memref_squeeze %dma_start3A_121 : memref<1x!tpu.dma_semaphore, #tpu.memory_space<semaphore_mem>> -> memref<!tpu.dma_semaphore, #tpu.memory_space<semaphore_mem>>
    %dma_start3A_123 = arith.constant 0 : i32
    %dma_start3A_124 = tpu.memref_slice %arg6[%mul3A_118, %dma_start3A_123] : memref<32x128xi32, #tpu.memory_space<vmem>> -> memref<8x128xi32, #tpu.memory_space<vmem>>
    %dma_start3A_125 = tpu.memref_slice %arg3[%mul3A_111, %mul3A_116] : memref<200x1024xi32, #tpu.memory_space<hbm>> -> memref<8x128xi32, #tpu.memory_space<hbm>>
    tpu.enqueue_dma source(%dma_start3A_125 : memref<8x128xi32, #tpu.memory_space<hbm>>) target(%dma_start3A_124 : memref<8x128xi32, #tpu.memory_space<vmem>>) target_semaphore(%dma_start3A_122 : memref<!tpu.dma_semaphore, #tpu.memory_space<semaphore_mem>>)
    %min3A_126 = arith.constant 1 : i32
    %min3A_127 = arith.constant 49 : i32
    %min3A_128 = arith.minsi %min3A_126, %min3A_127 : i32
    %add3A_129 = arith.addi %mul3A_2, %min3A_128 : i32
    %jit3A_130 = arith.constant 8 : i32
    %div3A_131 = arith.divsi %add3A_129, %jit3A_130 : i32
    %sign3A_132 = arith.constant 0 : i32
    %sign3A_133 = arith.cmpi sgt, %add3A_129, %sign3A_132 : i32
    %sign3A_134 = arith.extui %sign3A_133 : i1 to i32
    %sign3A_135 = arith.constant 0 : i32
    %sign3A_136 = arith.cmpi slt, %add3A_129, %sign3A_135 : i32
    %sign3A_137 = arith.extui %sign3A_136 : i1 to i32
    %sign3A_138 = arith.subi %sign3A_134, %sign3A_137 : i32
    %sign3A_139 = arith.constant 0 : i32
    %sign3A_140 = arith.cmpi sgt, %jit3A_130, %sign3A_139 : i32
    %sign3A_141 = arith.extui %sign3A_140 : i1 to i32
    %sign3A_142 = arith.constant 0 : i32
    %sign3A_143 = arith.cmpi slt, %jit3A_130, %sign3A_142 : i32
    %sign3A_144 = arith.extui %sign3A_143 : i1 to i32
    %sign3A_145 = arith.subi %sign3A_141, %sign3A_144 : i32
    %ne3A_146 = arith.cmpi ne, %sign3A_138, %sign3A_145 : i32
    %rem3A_147 = arith.remsi %add3A_129, %jit3A_130 : i32
    %ne3A_148 = arith.constant 0 : i32
    %ne3A_149 = arith.cmpi ne, %rem3A_147, %ne3A_148 : i32
    %and3A_150 = arith.andi %ne3A_146, %ne3A_149 : i1
    %sub3A_151 = arith.constant 1 : i32
    %sub3A_152 = arith.subi %div3A_131, %sub3A_151 : i32
    %select_n3A_153 = arith.select %and3A_150, %sub3A_152, %div3A_131 : i32
    %jit3A_154 = arith.constant 8 : i32
    %eq3A_155 = arith.constant 0 : i32
    %eq3A_156 = arith.cmpi eq, %jit3A_154, %eq3A_155 : i32
    %jit3A_157 = arith.constant 1 : i32
    %select_n3A_158 = arith.select %eq3A_156, %jit3A_157, %jit3A_154 : i32
    %rem3A_159 = arith.remsi %add3A_129, %select_n3A_158 : i32
    %ne3A_160 = arith.constant 0 : i32
    %ne3A_161 = arith.cmpi ne, %rem3A_159, %ne3A_160 : i32
    %lt3A_162 = arith.constant 0 : i32
    %lt3A_163 = arith.cmpi slt, %rem3A_159, %lt3A_162 : i32
    %lt3A_164 = arith.constant 0 : i32
    %lt3A_165 = arith.cmpi slt, %select_n3A_158, %lt3A_164 : i32
    %ne3A_166 = arith.xori %lt3A_163, %lt3A_165 : i1
    %and3A_167 = arith.andi %ne3A_166, %ne3A_161 : i1
    %add3A_168 = arith.addi %rem3A_159, %select_n3A_158 : i32
    %select_n3A_169 = arith.select %and3A_167, %add3A_168, %rem3A_159 : i32
    %jit3A_170 = arith.constant 8 : i32
    %div3A_171 = arith.divsi %select_n3A_153, %jit3A_170 : i32
    %sign3A_172 = arith.constant 0 : i32
    %sign3A_173 = arith.cmpi sgt, %select_n3A_153, %sign3A_172 : i32
    %sign3A_174 = arith.extui %sign3A_173 : i1 to i32
    %sign3A_175 = arith.constant 0 : i32
    %sign3A_176 = arith.cmpi slt, %select_n3A_153, %sign3A_175 : i32
    %sign3A_177 = arith.extui %sign3A_176 : i1 to i32
    %sign3A_178 = arith.subi %sign3A_174, %sign3A_177 : i32
    %sign3A_179 = arith.constant 0 : i32
    %sign3A_180 = arith.cmpi sgt, %jit3A_170, %sign3A_179 : i32
    %sign3A_181 = arith.extui %sign3A_180 : i1 to i32
    %sign3A_182 = arith.constant 0 : i32
    %sign3A_183 = arith.cmpi slt, %jit3A_170, %sign3A_182 : i32
    %sign3A_184 = arith.extui %sign3A_183 : i1 to i32
    %sign3A_185 = arith.subi %sign3A_181, %sign3A_184 : i32
    %ne3A_186 = arith.cmpi ne, %sign3A_178, %sign3A_185 : i32
    %rem3A_187 = arith.remsi %select_n3A_153, %jit3A_170 : i32
    %ne3A_188 = arith.constant 0 : i32
    %ne3A_189 = arith.cmpi ne, %rem3A_187, %ne3A_188 : i32
    %and3A_190 = arith.andi %ne3A_186, %ne3A_189 : i1
    %sub3A_191 = arith.constant 1 : i32
    %sub3A_192 = arith.subi %div3A_171, %sub3A_191 : i32
    %select_n3A_193 = arith.select %and3A_190, %sub3A_192, %div3A_171 : i32
    %mul3A_194 = arith.constant 8 : i32
    %mul3A_195 = arith.muli %select_n3A_193, %mul3A_194 : i32
    %rem3A_196 = arith.constant 1 : i32
    %rem3A_197 = arith.constant 4 : i32
    %rem3A_198 = arith.remsi %rem3A_196, %rem3A_197 : i32
    %mul3A_199 = arith.constant 128 : i32
    %mul3A_200 = arith.muli %select_n3A_169, %mul3A_199 : i32
    %mul3A_201 = arith.constant 8 : i32
    %mul3A_202 = arith.muli %rem3A_198, %mul3A_201 : i32
    %dma_start3A_203 = arith.constant 0 : i32
    %dma_start3A_204 = tpu.memref_slice %arg6[%mul3A_202, %dma_start3A_203] : memref<32x128xi32, #tpu.memory_space<vmem>> -> memref<8x128xi32, #tpu.memory_space<vmem>>
    %dma_start3A_205 = tpu.memref_slice %arg3[%mul3A_195, %mul3A_200] : memref<200x1024xi32, #tpu.memory_space<hbm>> -> memref<8x128xi32, #tpu.memory_space<hbm>>
    %dma_start3A_206 = tpu.memref_slice %arg12[%rem3A_198] : memref<4x!tpu.dma_semaphore, #tpu.memory_space<semaphore_mem>> -> memref<1x!tpu.dma_semaphore, #tpu.memory_space<semaphore_mem>>
    %dma_start3A_207 = tpu.memref_squeeze %dma_start3A_206 : memref<1x!tpu.dma_semaphore, #tpu.memory_space<semaphore_mem>> -> memref<!tpu.dma_semaphore, #tpu.memory_space<semaphore_mem>>
    %dma_start3A_208 = arith.constant 0 : i32
    %dma_start3A_209 = tpu.memref_slice %arg6[%mul3A_202, %dma_start3A_208] : memref<32x128xi32, #tpu.memory_space<vmem>> -> memref<8x128xi32, #tpu.memory_space<vmem>>
    %dma_start3A_210 = tpu.memref_slice %arg3[%mul3A_195, %mul3A_200] : memref<200x1024xi32, #tpu.memory_space<hbm>> -> memref<8x128xi32, #tpu.memory_space<hbm>>
    tpu.enqueue_dma source(%dma_start3A_210 : memref<8x128xi32, #tpu.memory_space<hbm>>) target(%dma_start3A_209 : memref<8x128xi32, #tpu.memory_space<vmem>>) target_semaphore(%dma_start3A_207 : memref<!tpu.dma_semaphore, #tpu.memory_space<semaphore_mem>>)
    %min3A_211 = arith.constant 2 : i32
    %min3A_212 = arith.constant 49 : i32
    %min3A_213 = arith.minsi %min3A_211, %min3A_212 : i32
    %add3A_214 = arith.addi %mul3A_2, %min3A_213 : i32
    %jit3A_215 = arith.constant 8 : i32
    %div3A_216 = arith.divsi %add3A_214, %jit3A_215 : i32
    %sign3A_217 = arith.constant 0 : i32
    %sign3A_218 = arith.cmpi sgt, %add3A_214, %sign3A_217 : i32
    %sign3A_219 = arith.extui %sign3A_218 : i1 to i32
    %sign3A_220 = arith.constant 0 : i32
    %sign3A_221 = arith.cmpi slt, %add3A_214, %sign3A_220 : i32
    %sign3A_222 = arith.extui %sign3A_221 : i1 to i32
    %sign3A_223 = arith.subi %sign3A_219, %sign3A_222 : i32
    %sign3A_224 = arith.constant 0 : i32
    %sign3A_225 = arith.cmpi sgt, %jit3A_215, %sign3A_224 : i32
    %sign3A_226 = arith.extui %sign3A_225 : i1 to i32
    %sign3A_227 = arith.constant 0 : i32
    %sign3A_228 = arith.cmpi slt, %jit3A_215, %sign3A_227 : i32
    %sign3A_229 = arith.extui %sign3A_228 : i1 to i32
    %sign3A_230 = arith.subi %sign3A_226, %sign3A_229 : i32
    %ne3A_231 = arith.cmpi ne, %sign3A_223, %sign3A_230 : i32
    %rem3A_232 = arith.remsi %add3A_214, %jit3A_215 : i32
    %ne3A_233 = arith.constant 0 : i32
    %ne3A_234 = arith.cmpi ne, %rem3A_232, %ne3A_233 : i32
    %and3A_235 = arith.andi %ne3A_231, %ne3A_234 : i1
    %sub3A_236 = arith.constant 1 : i32
    %sub3A_237 = arith.subi %div3A_216, %sub3A_236 : i32
    %select_n3A_238 = arith.select %and3A_235, %sub3A_237, %div3A_216 : i32
    %jit3A_239 = arith.constant 8 : i32
    %eq3A_240 = arith.constant 0 : i32
    %eq3A_241 = arith.cmpi eq, %jit3A_239, %eq3A_240 : i32
    %jit3A_242 = arith.constant 1 : i32
    %select_n3A_243 = arith.select %eq3A_241, %jit3A_242, %jit3A_239 : i32
    %rem3A_244 = arith.remsi %add3A_214, %select_n3A_243 : i32
    %ne3A_245 = arith.constant 0 : i32
    %ne3A_246 = arith.cmpi ne, %rem3A_244, %ne3A_245 : i32
    %lt3A_247 = arith.constant 0 : i32
    %lt3A_248 = arith.cmpi slt, %rem3A_244, %lt3A_247 : i32
    %lt3A_249 = arith.constant 0 : i32
    %lt3A_250 = arith.cmpi slt, %select_n3A_243, %lt3A_249 : i32
    %ne3A_251 = arith.xori %lt3A_248, %lt3A_250 : i1
    %and3A_252 = arith.andi %ne3A_251, %ne3A_246 : i1
    %add3A_253 = arith.addi %rem3A_244, %select_n3A_243 : i32
    %select_n3A_254 = arith.select %and3A_252, %add3A_253, %rem3A_244 : i32
    %jit3A_255 = arith.constant 8 : i32
    %div3A_256 = arith.divsi %select_n3A_238, %jit3A_255 : i32
    %sign3A_257 = arith.constant 0 : i32
    %sign3A_258 = arith.cmpi sgt, %select_n3A_238, %sign3A_257 : i32
    %sign3A_259 = arith.extui %sign3A_258 : i1 to i32
    %sign3A_260 = arith.constant 0 : i32
    %sign3A_261 = arith.cmpi slt, %select_n3A_238, %sign3A_260 : i32
    %sign3A_262 = arith.extui %sign3A_261 : i1 to i32
    %sign3A_263 = arith.subi %sign3A_259, %sign3A_262 : i32
    %sign3A_264 = arith.constant 0 : i32
    %sign3A_265 = arith.cmpi sgt, %jit3A_255, %sign3A_264 : i32
    %sign3A_266 = arith.extui %sign3A_265 : i1 to i32
    %sign3A_267 = arith.constant 0 : i32
    %sign3A_268 = arith.cmpi slt, %jit3A_255, %sign3A_267 : i32
    %sign3A_269 = arith.extui %sign3A_268 : i1 to i32
    %sign3A_270 = arith.subi %sign3A_266, %sign3A_269 : i32
    %ne3A_271 = arith.cmpi ne, %sign3A_263, %sign3A_270 : i32
    %rem3A_272 = arith.remsi %select_n3A_238, %jit3A_255 : i32
    %ne3A_273 = arith.constant 0 : i32
    %ne3A_274 = arith.cmpi ne, %rem3A_272, %ne3A_273 : i32
    %and3A_275 = arith.andi %ne3A_271, %ne3A_274 : i1
    %sub3A_276 = arith.constant 1 : i32
    %sub3A_277 = arith.subi %div3A_256, %sub3A_276 : i32
    %select_n3A_278 = arith.select %and3A_275, %sub3A_277, %div3A_256 : i32
    %mul3A_279 = arith.constant 8 : i32
    %mul3A_280 = arith.muli %select_n3A_278, %mul3A_279 : i32
    %rem3A_281 = arith.constant 2 : i32
    %rem3A_282 = arith.constant 4 : i32
    %rem3A_283 = arith.remsi %rem3A_281, %rem3A_282 : i32
    %mul3A_284 = arith.constant 128 : i32
    %mul3A_285 = arith.muli %select_n3A_254, %mul3A_284 : i32
    %mul3A_286 = arith.constant 8 : i32
    %mul3A_287 = arith.muli %rem3A_283, %mul3A_286 : i32
    %dma_start3A_288 = arith.constant 0 : i32
    %dma_start3A_289 = tpu.memref_slice %arg6[%mul3A_287, %dma_start3A_288] : memref<32x128xi32, #tpu.memory_space<vmem>> -> memref<8x128xi32, #tpu.memory_space<vmem>>
    %dma_start3A_290 = tpu.memref_slice %arg3[%mul3A_280, %mul3A_285] : memref<200x1024xi32, #tpu.memory_space<hbm>> -> memref<8x128xi32, #tpu.memory_space<hbm>>
    %dma_start3A_291 = tpu.memref_slice %arg12[%rem3A_283] : memref<4x!tpu.dma_semaphore, #tpu.memory_space<semaphore_mem>> -> memref<1x!tpu.dma_semaphore, #tpu.memory_space<semaphore_mem>>
    %dma_start3A_292 = tpu.memref_squeeze %dma_start3A_291 : memref<1x!tpu.dma_semaphore, #tpu.memory_space<semaphore_mem>> -> memref<!tpu.dma_semaphore, #tpu.memory_space<semaphore_mem>>
    %dma_start3A_293 = arith.constant 0 : i32
    %dma_start3A_294 = tpu.memref_slice %arg6[%mul3A_287, %dma_start3A_293] : memref<32x128xi32, #tpu.memory_space<vmem>> -> memref<8x128xi32, #tpu.memory_space<vmem>>
    %dma_start3A_295 = tpu.memref_slice %arg3[%mul3A_280, %mul3A_285] : memref<200x1024xi32, #tpu.memory_space<hbm>> -> memref<8x128xi32, #tpu.memory_space<hbm>>
    tpu.enqueue_dma source(%dma_start3A_295 : memref<8x128xi32, #tpu.memory_space<hbm>>) target(%dma_start3A_294 : memref<8x128xi32, #tpu.memory_space<vmem>>) target_semaphore(%dma_start3A_292 : memref<!tpu.dma_semaphore, #tpu.memory_space<semaphore_mem>>)
    %min3A_296 = arith.constant 3 : i32
    %min3A_297 = arith.constant 49 : i32
    %min3A_298 = arith.minsi %min3A_296, %min3A_297 : i32
    %add3A_299 = arith.addi %mul3A_2, %min3A_298 : i32
    %jit3A_300 = arith.constant 8 : i32
    %div3A_301 = arith.divsi %add3A_299, %jit3A_300 : i32
    %sign3A_302 = arith.constant 0 : i32
    %sign3A_303 = arith.cmpi sgt, %add3A_299, %sign3A_302 : i32
    %sign3A_304 = arith.extui %sign3A_303 : i1 to i32
    %sign3A_305 = arith.constant 0 : i32
    %sign3A_306 = arith.cmpi slt, %add3A_299, %sign3A_305 : i32
    %sign3A_307 = arith.extui %sign3A_306 : i1 to i32
    %sign3A_308 = arith.subi %sign3A_304, %sign3A_307 : i32
    %sign3A_309 = arith.constant 0 : i32
    %sign3A_310 = arith.cmpi sgt, %jit3A_300, %sign3A_309 : i32
    %sign3A_311 = arith.extui %sign3A_310 : i1 to i32
    %sign3A_312 = arith.constant 0 : i32
    %sign3A_313 = arith.cmpi slt, %jit3A_300, %sign3A_312 : i32
    %sign3A_314 = arith.extui %sign3A_313 : i1 to i32
    %sign3A_315 = arith.subi %sign3A_311, %sign3A_314 : i32
    %ne3A_316 = arith.cmpi ne, %sign3A_308, %sign3A_315 : i32
    %rem3A_317 = arith.remsi %add3A_299, %jit3A_300 : i32
    %ne3A_318 = arith.constant 0 : i32
    %ne3A_319 = arith.cmpi ne, %rem3A_317, %ne3A_318 : i32
    %and3A_320 = arith.andi %ne3A_316, %ne3A_319 : i1
    %sub3A_321 = arith.constant 1 : i32
    %sub3A_322 = arith.subi %div3A_301, %sub3A_321 : i32
    %select_n3A_323 = arith.select %and3A_320, %sub3A_322, %div3A_301 : i32
    %jit3A_324 = arith.constant 8 : i32
    %eq3A_325 = arith.constant 0 : i32
    %eq3A_326 = arith.cmpi eq, %jit3A_324, %eq3A_325 : i32
    %jit3A_327 = arith.constant 1 : i32
    %select_n3A_328 = arith.select %eq3A_326, %jit3A_327, %jit3A_324 : i32
    %rem3A_329 = arith.remsi %add3A_299, %select_n3A_328 : i32
    %ne3A_330 = arith.constant 0 : i32
    %ne3A_331 = arith.cmpi ne, %rem3A_329, %ne3A_330 : i32
    %lt3A_332 = arith.constant 0 : i32
    %lt3A_333 = arith.cmpi slt, %rem3A_329, %lt3A_332 : i32
    %lt3A_334 = arith.constant 0 : i32
    %lt3A_335 = arith.cmpi slt, %select_n3A_328, %lt3A_334 : i32
    %ne3A_336 = arith.xori %lt3A_333, %lt3A_335 : i1
    %and3A_337 = arith.andi %ne3A_336, %ne3A_331 : i1
    %add3A_338 = arith.addi %rem3A_329, %select_n3A_328 : i32
    %select_n3A_339 = arith.select %and3A_337, %add3A_338, %rem3A_329 : i32
    %jit3A_340 = arith.constant 8 : i32
    %div3A_341 = arith.divsi %select_n3A_323, %jit3A_340 : i32
    %sign3A_342 = arith.constant 0 : i32
    %sign3A_343 = arith.cmpi sgt, %select_n3A_323, %sign3A_342 : i32
    %sign3A_344 = arith.extui %sign3A_343 : i1 to i32
    %sign3A_345 = arith.constant 0 : i32
    %sign3A_346 = arith.cmpi slt, %select_n3A_323, %sign3A_345 : i32
    %sign3A_347 = arith.extui %sign3A_346 : i1 to i32
    %sign3A_348 = arith.subi %sign3A_344, %sign3A_347 : i32
    %sign3A_349 = arith.constant 0 : i32
    %sign3A_350 = arith.cmpi sgt, %jit3A_340, %sign3A_349 : i32
    %sign3A_351 = arith.extui %sign3A_350 : i1 to i32
    %sign3A_352 = arith.constant 0 : i32
    %sign3A_353 = arith.cmpi slt, %jit3A_340, %sign3A_352 : i32
    %sign3A_354 = arith.extui %sign3A_353 : i1 to i32
    %sign3A_355 = arith.subi %sign3A_351, %sign3A_354 : i32
    %ne3A_356 = arith.cmpi ne, %sign3A_348, %sign3A_355 : i32
    %rem3A_357 = arith.remsi %select_n3A_323, %jit3A_340 : i32
    %ne3A_358 = arith.constant 0 : i32
    %ne3A_359 = arith.cmpi ne, %rem3A_357, %ne3A_358 : i32
    %and3A_360 = arith.andi %ne3A_356, %ne3A_359 : i1
    %sub3A_361 = arith.constant 1 : i32
    %sub3A_362 = arith.subi %div3A_341, %sub3A_361 : i32
    %select_n3A_363 = arith.select %and3A_360, %sub3A_362, %div3A_341 : i32
    %mul3A_364 = arith.constant 8 : i32
    %mul3A_365 = arith.muli %select_n3A_363, %mul3A_364 : i32
    %rem3A_366 = arith.constant 3 : i32
    %rem3A_367 = arith.constant 4 : i32
    %rem3A_368 = arith.remsi %rem3A_366, %rem3A_367 : i32
    %mul3A_369 = arith.constant 128 : i32
    %mul3A_370 = arith.muli %select_n3A_339, %mul3A_369 : i32
    %mul3A_371 = arith.constant 8 : i32
    %mul3A_372 = arith.muli %rem3A_368, %mul3A_371 : i32
    %dma_start3A_373 = arith.constant 0 : i32
    %dma_start3A_374 = tpu.memref_slice %arg6[%mul3A_372, %dma_start3A_373] : memref<32x128xi32, #tpu.memory_space<vmem>> -> memref<8x128xi32, #tpu.memory_space<vmem>>
    %dma_start3A_375 = tpu.memref_slice %arg3[%mul3A_365, %mul3A_370] : memref<200x1024xi32, #tpu.memory_space<hbm>> -> memref<8x128xi32, #tpu.memory_space<hbm>>
    %dma_start3A_376 = tpu.memref_slice %arg12[%rem3A_368] : memref<4x!tpu.dma_semaphore, #tpu.memory_space<semaphore_mem>> -> memref<1x!tpu.dma_semaphore, #tpu.memory_space<semaphore_mem>>
    %dma_start3A_377 = tpu.memref_squeeze %dma_start3A_376 : memref<1x!tpu.dma_semaphore, #tpu.memory_space<semaphore_mem>> -> memref<!tpu.dma_semaphore, #tpu.memory_space<semaphore_mem>>
    %dma_start3A_378 = arith.constant 0 : i32
    %dma_start3A_379 = tpu.memref_slice %arg6[%mul3A_372, %dma_start3A_378] : memref<32x128xi32, #tpu.memory_space<vmem>> -> memref<8x128xi32, #tpu.memory_space<vmem>>
    %dma_start3A_380 = tpu.memref_slice %arg3[%mul3A_365, %mul3A_370] : memref<200x1024xi32, #tpu.memory_space<hbm>> -> memref<8x128xi32, #tpu.memory_space<hbm>>
    tpu.enqueue_dma source(%dma_start3A_380 : memref<8x128xi32, #tpu.memory_space<hbm>>) target(%dma_start3A_379 : memref<8x128xi32, #tpu.memory_space<vmem>>) target_semaphore(%dma_start3A_377 : memref<!tpu.dma_semaphore, #tpu.memory_space<semaphore_mem>>)
    %dma_wait3A = arith.constant 0 : i32
    %dma_wait3A_381 = arith.constant 0 : i32
    %dma_wait3A_382 = arith.constant 0 : i32
    %dma_wait3A_383 = tpu.memref_slice %arg6[%dma_wait3A_381, %dma_wait3A_382] : memref<32x128xi32, #tpu.memory_space<vmem>> -> memref<8x128xi32, #tpu.memory_space<vmem>>
    %dma_wait3A_384 = arith.constant 0 : i32
    %dma_wait3A_385 = arith.constant 0 : i32
    %dma_wait3A_386 = tpu.memref_slice %arg3[%dma_wait3A_384, %dma_wait3A_385] : memref<200x1024xi32, #tpu.memory_space<hbm>> -> memref<8x128xi32, #tpu.memory_space<hbm>>
    %dma_wait3A_387 = tpu.memref_slice %arg12[%dma_wait3A] : memref<4x!tpu.dma_semaphore, #tpu.memory_space<semaphore_mem>> -> memref<1x!tpu.dma_semaphore, #tpu.memory_space<semaphore_mem>>
    %dma_wait3A_388 = tpu.memref_squeeze %dma_wait3A_387 : memref<1x!tpu.dma_semaphore, #tpu.memory_space<semaphore_mem>> -> memref<!tpu.dma_semaphore, #tpu.memory_space<semaphore_mem>>
    %dma_wait3A_389 = arith.constant 0 : i32
    %dma_wait3A_390 = arith.constant 0 : i32
    %dma_wait3A_391 = tpu.memref_slice %arg6[%dma_wait3A_389, %dma_wait3A_390] : memref<32x128xi32, #tpu.memory_space<vmem>> -> memref<8x128xi32, #tpu.memory_space<vmem>>
    %dma_wait3A_392 = arith.constant 0 : i32
    %dma_wait3A_393 = arith.constant 0 : i32
    %dma_wait3A_394 = tpu.memref_slice %arg3[%dma_wait3A_392, %dma_wait3A_393] : memref<200x1024xi32, #tpu.memory_space<hbm>> -> memref<8x128xi32, #tpu.memory_space<hbm>>
    tpu.wait_dma2 semaphore(%dma_wait3A_388 : memref<!tpu.dma_semaphore, #tpu.memory_space<semaphore_mem>>) src(%dma_wait3A_394 : memref<8x128xi32, #tpu.memory_space<hbm>>) dst(%dma_wait3A_391 : memref<8x128xi32, #tpu.memory_space<vmem>>)
    %rem3A_395 = arith.constant 0 : i32
    %rem3A_396 = arith.constant 4 : i32
    %rem3A_397 = arith.remsi %rem3A_395, %rem3A_396 : i32
    %add3A_398 = arith.constant 0 : i32
    %add3A_399 = arith.addi %mul3A_2, %add3A_398 : i32
    %jit3A_400 = arith.constant 8 : i32
    %div3A_401 = arith.divsi %add3A_399, %jit3A_400 : i32
    %sign3A_402 = arith.constant 0 : i32
    %sign3A_403 = arith.cmpi sgt, %add3A_399, %sign3A_402 : i32
    %sign3A_404 = arith.extui %sign3A_403 : i1 to i32
    %sign3A_405 = arith.constant 0 : i32
    %sign3A_406 = arith.cmpi slt, %add3A_399, %sign3A_405 : i32
    %sign3A_407 = arith.extui %sign3A_406 : i1 to i32
    %sign3A_408 = arith.subi %sign3A_404, %sign3A_407 : i32
    %sign3A_409 = arith.constant 0 : i32
    %sign3A_410 = arith.cmpi sgt, %jit3A_400, %sign3A_409 : i32
    %sign3A_411 = arith.extui %sign3A_410 : i1 to i32
    %sign3A_412 = arith.constant 0 : i32
    %sign3A_413 = arith.cmpi slt, %jit3A_400, %sign3A_412 : i32
    %sign3A_414 = arith.extui %sign3A_413 : i1 to i32
    %sign3A_415 = arith.subi %sign3A_411, %sign3A_414 : i32
    %ne3A_416 = arith.cmpi ne, %sign3A_408, %sign3A_415 : i32
    %rem3A_417 = arith.remsi %add3A_399, %jit3A_400 : i32
    %ne3A_418 = arith.constant 0 : i32
    %ne3A_419 = arith.cmpi ne, %rem3A_417, %ne3A_418 : i32
    %and3A_420 = arith.andi %ne3A_416, %ne3A_419 : i1
    %sub3A_421 = arith.constant 1 : i32
    %sub3A_422 = arith.subi %div3A_401, %sub3A_421 : i32
    %select_n3A_423 = arith.select %and3A_420, %sub3A_422, %div3A_401 : i32
    %jit3A_424 = arith.constant 8 : i32
    %eq3A_425 = arith.constant 0 : i32
    %eq3A_426 = arith.cmpi eq, %jit3A_424, %eq3A_425 : i32
    %jit3A_427 = arith.constant 1 : i32
    %select_n3A_428 = arith.select %eq3A_426, %jit3A_427, %jit3A_424 : i32
    %rem3A_429 = arith.remsi %add3A_399, %select_n3A_428 : i32
    %ne3A_430 = arith.constant 0 : i32
    %ne3A_431 = arith.cmpi ne, %rem3A_429, %ne3A_430 : i32
    %lt3A_432 = arith.constant 0 : i32
    %lt3A_433 = arith.cmpi slt, %rem3A_429, %lt3A_432 : i32
    %lt3A_434 = arith.constant 0 : i32
    %lt3A_435 = arith.cmpi slt, %select_n3A_428, %lt3A_434 : i32
    %ne3A_436 = arith.xori %lt3A_433, %lt3A_435 : i1
    %and3A_437 = arith.andi %ne3A_436, %ne3A_431 : i1
    %add3A_438 = arith.addi %rem3A_429, %select_n3A_428 : i32
    %select_n3A_439 = arith.select %and3A_437, %add3A_438, %rem3A_429 : i32
    %mul3A_440 = arith.constant 8 : i32
    %mul3A_441 = arith.muli %rem3A_397, %mul3A_440 : i32
    %rem3A_442 = arith.constant 8 : i32
    %rem3A_443 = arith.remsi %select_n3A_423, %rem3A_442 : i32
    %add3A_444 = arith.addi %mul3A_441, %rem3A_443 : i32
    %scan3A = arith.constant 0 : i32
    %scan3A_445 = arith.constant 0 : i32
    %scan3A_446 = arith.constant 8 : i32
    %scan3A_447 = arith.addi %scan3A_445, %scan3A_446 : i32
    %scan3A_448 = arith.constant 1 : i32
    %scan3A_449 = scf.for %scan3A_2740 = %scan3A_445 to %scan3A_447 step %scan3A_448 iter_args(%scan3A_2741 = %scan3A) -> (i32)  : i32 {
      %mul3A_2742 = arith.constant 16 : i32
      %mul3A_2743 = arith.muli %scan3A_2740, %mul3A_2742 : i32
      %mul3A_2744 = arith.constant 128 : i32
      %mul3A_2745 = arith.muli %rem3A_397, %mul3A_2744 : i32
      %mul3A_2746 = arith.constant 16 : i32
      %mul3A_2747 = arith.muli %scan3A_2740, %mul3A_2746 : i32
      %add3A_2748 = arith.addi %mul3A_2745, %mul3A_2747 : i32
      %get3A_2749 = arith.index_cast %add3A_444 : i32 to index
      %get3A_2750 = arith.index_cast %mul3A_2743 : i32 to index
      %get3A_2751 = tpu.vector_load %arg6[%get3A_2749, %get3A_2750] {strides = array<i32>} : memref<32x128xi32, #tpu.memory_space<vmem>>, vector<16xi32>,
      %shift_right_logical3A = arith.constant 14 : i32
      %shift_right_logical3A_2752 = vector.broadcast %shift_right_logical3A : i32 to vector<16xi32>
      %shift_right_logical3A_2753 = arith.shrui %get3A_2751, %shift_right_logical3A_2752 : vector<16xi32>
      %shift_left3A = arith.constant 13 : i32
      %shift_left3A_2754 = vector.broadcast %shift_left3A : i32 to vector<16xi32>
      %shift_left3A_2755 = arith.shli %shift_right_logical3A_2753, %shift_left3A_2754 : vector<16xi32>
      %and3A_2756 = arith.constant 8191 : i32
      %and3A_2757 = vector.broadcast %and3A_2756 : i32 to vector<16xi32>
      %and3A_2758 = arith.andi %get3A_2751, %and3A_2757 : vector<16xi32>
      %or3A = arith.ori %shift_left3A_2755, %and3A_2758 : vector<16xi32>
      %swap3A = arith.index_cast %add3A_2748 : i32 to index
      %swap3A_2759 = tpu.vector_load %arg7[%swap3A] {strides = array<i32>} : memref<512xi32, #tpu.memory_space<vmem>>, vector<16xi32>,
      tpu.vector_store %arg7[%swap3A], %or3A {strides = array<i32>} : memref<512xi32, #tpu.memory_space<vmem>>, vector<16xi32>,
      %and3A_2760 = arith.constant 8192 : i32
      %and3A_2761 = vector.broadcast %and3A_2760 : i32 to vector<16xi32>
      %and3A_2762 = arith.andi %get3A_2751, %and3A_2761 : vector<16xi32>
      %shift_right_logical3A_2763 = arith.constant 7 : i32
      %shift_right_logical3A_2764 = vector.broadcast %shift_right_logical3A_2763 : i32 to vector<16xi32>
      %shift_right_logical3A_2765 = arith.shrui %and3A_2762, %shift_right_logical3A_2764 : vector<16xi32>
      %swap3A_2766 = arith.index_cast %add3A_2748 : i32 to index
      %swap3A_2767 = tpu.vector_load %arg8[%swap3A_2766] {strides = array<i32>} : memref<512xi32, #tpu.memory_space<vmem>>, vector<16xi32>,
      tpu.vector_store %arg8[%swap3A_2766], %shift_right_logical3A_2765 {strides = array<i32>} : memref<512xi32, #tpu.memory_space<vmem>>, vector<16xi32>,
      %scan3A_2768 = arith.constant 0 : i32
      scf.yield %scan3A_2768 : i32
    }
    %scan3A_450 = arith.constant 8 : i32
    %mul3A_451 = arith.constant 128 : i32
    %mul3A_452 = arith.muli %rem3A_397, %mul3A_451 : i32
    %add3A_453 = arith.constant 0 : i32
    %add3A_454 = arith.addi %mul3A_452, %add3A_453 : i32
    %mul3A_455 = arith.constant 128 : i32
    %mul3A_456 = arith.muli %rem3A_397, %mul3A_455 : i32
    %add3A_457 = arith.constant 0 : i32
    %add3A_458 = arith.addi %mul3A_456, %add3A_457 : i32
    %dma_start3A_459 = arith.constant 0 : i32
    %dma_start3A_460 = tpu.memref_slice %arg9[%add3A_458, %dma_start3A_459] : memref<512x128xf32, #tpu.memory_space<vmem>> -> memref<32x128xf32, #tpu.memory_space<vmem>>
    %dma_start3A_461 = tpu.memref_slice %arg7[%add3A_454] : memref<512xi32, #tpu.memory_space<vmem>> -> memref<32xi32, #tpu.memory_space<vmem>>
    %dma_start3A_462 = arith.constant 0 : i32
    %dma_start3A_463 = arith.constant 0 : i32
    %dma_start3A_464 = tpu.memref_slice %arg2[%dma_start3A_462, %dma_start3A_463] : memref<507904x128xf32, #tpu.memory_space<hbm>> -> memref<507904x128xf32, #tpu.memory_space<hbm>>
    %dma_start3A_465 = tpu.memref_slice %arg13[%rem3A_397] : memref<4x!tpu.dma_semaphore, #tpu.memory_space<semaphore_mem>> -> memref<1x!tpu.dma_semaphore, #tpu.memory_space<semaphore_mem>>
    %dma_start3A_466 = tpu.memref_squeeze %dma_start3A_465 : memref<1x!tpu.dma_semaphore, #tpu.memory_space<semaphore_mem>> -> memref<!tpu.dma_semaphore, #tpu.memory_space<semaphore_mem>>
    tpu.enqueue_indirect_dma source(%dma_start3A_464 : memref<507904x128xf32, #tpu.memory_space<hbm>>) target(%dma_start3A_460 : memref<32x128xf32, #tpu.memory_space<vmem>>) offsets(%dma_start3A_461 : memref<32xi32, #tpu.memory_space<vmem>>) semaphore(%dma_start3A_466 : memref<!tpu.dma_semaphore, #tpu.memory_space<semaphore_mem>>)
    %mul3A_467 = arith.constant 128 : i32
    %mul3A_468 = arith.muli %rem3A_397, %mul3A_467 : i32
    %add3A_469 = arith.constant 32 : i32
    %add3A_470 = arith.addi %mul3A_468, %add3A_469 : i32
    %mul3A_471 = arith.constant 128 : i32
    %mul3A_472 = arith.muli %rem3A_397, %mul3A_471 : i32
    %add3A_473 = arith.constant 32 : i32
    %add3A_474 = arith.addi %mul3A_472, %add3A_473 : i32
    %dma_start3A_475 = arith.constant 0 : i32
    %dma_start3A_476 = tpu.memref_slice %arg9[%add3A_474, %dma_start3A_475] : memref<512x128xf32, #tpu.memory_space<vmem>> -> memref<32x128xf32, #tpu.memory_space<vmem>>
    %dma_start3A_477 = tpu.memref_slice %arg7[%add3A_470] : memref<512xi32, #tpu.memory_space<vmem>> -> memref<32xi32, #tpu.memory_space<vmem>>
    %dma_start3A_478 = arith.constant 0 : i32
    %dma_start3A_479 = arith.constant 0 : i32
    %dma_start3A_480 = tpu.memref_slice %arg2[%dma_start3A_478, %dma_start3A_479] : memref<507904x128xf32, #tpu.memory_space<hbm>> -> memref<507904x128xf32, #tpu.memory_space<hbm>>
    %dma_start3A_481 = tpu.memref_slice %arg13[%rem3A_397] : memref<4x!tpu.dma_semaphore, #tpu.memory_space<semaphore_mem>> -> memref<1x!tpu.dma_semaphore, #tpu.memory_space<semaphore_mem>>
    %dma_start3A_482 = tpu.memref_squeeze %dma_start3A_481 : memref<1x!tpu.dma_semaphore, #tpu.memory_space<semaphore_mem>> -> memref<!tpu.dma_semaphore, #tpu.memory_space<semaphore_mem>>
    tpu.enqueue_indirect_dma source(%dma_start3A_480 : memref<507904x128xf32, #tpu.memory_space<hbm>>) target(%dma_start3A_476 : memref<32x128xf32, #tpu.memory_space<vmem>>) offsets(%dma_start3A_477 : memref<32xi32, #tpu.memory_space<vmem>>) semaphore(%dma_start3A_482 : memref<!tpu.dma_semaphore, #tpu.memory_space<semaphore_mem>>)
    %mul3A_483 = arith.constant 128 : i32
    %mul3A_484 = arith.muli %rem3A_397, %mul3A_483 : i32
    %add3A_485 = arith.constant 64 : i32
    %add3A_486 = arith.addi %mul3A_484, %add3A_485 : i32
    %mul3A_487 = arith.constant 128 : i32
    %mul3A_488 = arith.muli %rem3A_397, %mul3A_487 : i32
    %add3A_489 = arith.constant 64 : i32
    %add3A_490 = arith.addi %mul3A_488, %add3A_489 : i32
    %dma_start3A_491 = arith.constant 0 : i32
    %dma_start3A_492 = tpu.memref_slice %arg9[%add3A_490, %dma_start3A_491] : memref<512x128xf32, #tpu.memory_space<vmem>> -> memref<32x128xf32, #tpu.memory_space<vmem>>
    %dma_start3A_493 = tpu.memref_slice %arg7[%add3A_486] : memref<512xi32, #tpu.memory_space<vmem>> -> memref<32xi32, #tpu.memory_space<vmem>>
    %dma_start3A_494 = arith.constant 0 : i32
    %dma_start3A_495 = arith.constant 0 : i32
    %dma_start3A_496 = tpu.memref_slice %arg2[%dma_start3A_494, %dma_start3A_495] : memref<507904x128xf32, #tpu.memory_space<hbm>> -> memref<507904x128xf32, #tpu.memory_space<hbm>>
    %dma_start3A_497 = tpu.memref_slice %arg13[%rem3A_397] : memref<4x!tpu.dma_semaphore, #tpu.memory_space<semaphore_mem>> -> memref<1x!tpu.dma_semaphore, #tpu.memory_space<semaphore_mem>>
    %dma_start3A_498 = tpu.memref_squeeze %dma_start3A_497 : memref<1x!tpu.dma_semaphore, #tpu.memory_space<semaphore_mem>> -> memref<!tpu.dma_semaphore, #tpu.memory_space<semaphore_mem>>
    tpu.enqueue_indirect_dma source(%dma_start3A_496 : memref<507904x128xf32, #tpu.memory_space<hbm>>) target(%dma_start3A_492 : memref<32x128xf32, #tpu.memory_space<vmem>>) offsets(%dma_start3A_493 : memref<32xi32, #tpu.memory_space<vmem>>) semaphore(%dma_start3A_498 : memref<!tpu.dma_semaphore, #tpu.memory_space<semaphore_mem>>)
    %mul3A_499 = arith.constant 128 : i32
    %mul3A_500 = arith.muli %rem3A_397, %mul3A_499 : i32
    %add3A_501 = arith.constant 96 : i32
    %add3A_502 = arith.addi %mul3A_500, %add3A_501 : i32
    %mul3A_503 = arith.constant 128 : i32
    %mul3A_504 = arith.muli %rem3A_397, %mul3A_503 : i32
    %add3A_505 = arith.constant 96 : i32
    %add3A_506 = arith.addi %mul3A_504, %add3A_505 : i32
    %dma_start3A_507 = arith.constant 0 : i32
    %dma_start3A_508 = tpu.memref_slice %arg9[%add3A_506, %dma_start3A_507] : memref<512x128xf32, #tpu.memory_space<vmem>> -> memref<32x128xf32, #tpu.memory_space<vmem>>
    %dma_start3A_509 = tpu.memref_slice %arg7[%add3A_502] : memref<512xi32, #tpu.memory_space<vmem>> -> memref<32xi32, #tpu.memory_space<vmem>>
    %dma_start3A_510 = arith.constant 0 : i32
    %dma_start3A_511 = arith.constant 0 : i32
    %dma_start3A_512 = tpu.memref_slice %arg2[%dma_start3A_510, %dma_start3A_511] : memref<507904x128xf32, #tpu.memory_space<hbm>> -> memref<507904x128xf32, #tpu.memory_space<hbm>>
    %dma_start3A_513 = tpu.memref_slice %arg13[%rem3A_397] : memref<4x!tpu.dma_semaphore, #tpu.memory_space<semaphore_mem>> -> memref<1x!tpu.dma_semaphore, #tpu.memory_space<semaphore_mem>>
    %dma_start3A_514 = tpu.memref_squeeze %dma_start3A_513 : memref<1x!tpu.dma_semaphore, #tpu.memory_space<semaphore_mem>> -> memref<!tpu.dma_semaphore, #tpu.memory_space<semaphore_mem>>
    tpu.enqueue_indirect_dma source(%dma_start3A_512 : memref<507904x128xf32, #tpu.memory_space<hbm>>) target(%dma_start3A_508 : memref<32x128xf32, #tpu.memory_space<vmem>>) offsets(%dma_start3A_509 : memref<32xi32, #tpu.memory_space<vmem>>) semaphore(%dma_start3A_514 : memref<!tpu.dma_semaphore, #tpu.memory_space<semaphore_mem>>)
    %dma_wait3A_515 = arith.constant 1 : i32
    %dma_wait3A_516 = arith.constant 0 : i32
    %dma_wait3A_517 = arith.constant 0 : i32
    %dma_wait3A_518 = tpu.memref_slice %arg6[%dma_wait3A_516, %dma_wait3A_517] : memref<32x128xi32, #tpu.memory_space<vmem>> -> memref<8x128xi32, #tpu.memory_space<vmem>>
    %dma_wait3A_519 = arith.constant 0 : i32
    %dma_wait3A_520 = arith.constant 0 : i32
    %dma_wait3A_521 = tpu.memref_slice %arg3[%dma_wait3A_519, %dma_wait3A_520] : memref<200x1024xi32, #tpu.memory_space<hbm>> -> memref<8x128xi32, #tpu.memory_space<hbm>>
    %dma_wait3A_522 = tpu.memref_slice %arg12[%dma_wait3A_515] : memref<4x!tpu.dma_semaphore, #tpu.memory_space<semaphore_mem>> -> memref<1x!tpu.dma_semaphore, #tpu.memory_space<semaphore_mem>>
    %dma_wait3A_523 = tpu.memref_squeeze %dma_wait3A_522 : memref<1x!tpu.dma_semaphore, #tpu.memory_space<semaphore_mem>> -> memref<!tpu.dma_semaphore, #tpu.memory_space<semaphore_mem>>
    %dma_wait3A_524 = arith.constant 0 : i32
    %dma_wait3A_525 = arith.constant 0 : i32
    %dma_wait3A_526 = tpu.memref_slice %arg6[%dma_wait3A_524, %dma_wait3A_525] : memref<32x128xi32, #tpu.memory_space<vmem>> -> memref<8x128xi32, #tpu.memory_space<vmem>>
    %dma_wait3A_527 = arith.constant 0 : i32
    %dma_wait3A_528 = arith.constant 0 : i32
    %dma_wait3A_529 = tpu.memref_slice %arg3[%dma_wait3A_527, %dma_wait3A_528] : memref<200x1024xi32, #tpu.memory_space<hbm>> -> memref<8x128xi32, #tpu.memory_space<hbm>>
    tpu.wait_dma2 semaphore(%dma_wait3A_523 : memref<!tpu.dma_semaphore, #tpu.memory_space<semaphore_mem>>) src(%dma_wait3A_529 : memref<8x128xi32, #tpu.memory_space<hbm>>) dst(%dma_wait3A_526 : memref<8x128xi32, #tpu.memory_space<vmem>>)
    %rem3A_530 = arith.constant 1 : i32
    %rem3A_531 = arith.constant 4 : i32
    %rem3A_532 = arith.remsi %rem3A_530, %rem3A_531 : i32
    %add3A_533 = arith.constant 1 : i32
    %add3A_534 = arith.addi %mul3A_2, %add3A_533 : i32
    %jit3A_535 = arith.constant 8 : i32
    %div3A_536 = arith.divsi %add3A_534, %jit3A_535 : i32
    %sign3A_537 = arith.constant 0 : i32
    %sign3A_538 = arith.cmpi sgt, %add3A_534, %sign3A_537 : i32
    %sign3A_539 = arith.extui %sign3A_538 : i1 to i32
    %sign3A_540 = arith.constant 0 : i32
    %sign3A_541 = arith.cmpi slt, %add3A_534, %sign3A_540 : i32
    %sign3A_542 = arith.extui %sign3A_541 : i1 to i32
    %sign3A_543 = arith.subi %sign3A_539, %sign3A_542 : i32
    %sign3A_544 = arith.constant 0 : i32
    %sign3A_545 = arith.cmpi sgt, %jit3A_535, %sign3A_544 : i32
    %sign3A_546 = arith.extui %sign3A_545 : i1 to i32
    %sign3A_547 = arith.constant 0 : i32
    %sign3A_548 = arith.cmpi slt, %jit3A_535, %sign3A_547 : i32
    %sign3A_549 = arith.extui %sign3A_548 : i1 to i32
    %sign3A_550 = arith.subi %sign3A_546, %sign3A_549 : i32
    %ne3A_551 = arith.cmpi ne, %sign3A_543, %sign3A_550 : i32
    %rem3A_552 = arith.remsi %add3A_534, %jit3A_535 : i32
    %ne3A_553 = arith.constant 0 : i32
    %ne3A_554 = arith.cmpi ne, %rem3A_552, %ne3A_553 : i32
    %and3A_555 = arith.andi %ne3A_551, %ne3A_554 : i1
    %sub3A_556 = arith.constant 1 : i32
    %sub3A_557 = arith.subi %div3A_536, %sub3A_556 : i32
    %select_n3A_558 = arith.select %and3A_555, %sub3A_557, %div3A_536 : i32
    %jit3A_559 = arith.constant 8 : i32
    %eq3A_560 = arith.constant 0 : i32
    %eq3A_561 = arith.cmpi eq, %jit3A_559, %eq3A_560 : i32
    %jit3A_562 = arith.constant 1 : i32
    %select_n3A_563 = arith.select %eq3A_561, %jit3A_562, %jit3A_559 : i32
    %rem3A_564 = arith.remsi %add3A_534, %select_n3A_563 : i32
    %ne3A_565 = arith.constant 0 : i32
    %ne3A_566 = arith.cmpi ne, %rem3A_564, %ne3A_565 : i32
    %lt3A_567 = arith.constant 0 : i32
    %lt3A_568 = arith.cmpi slt, %rem3A_564, %lt3A_567 : i32
    %lt3A_569 = arith.constant 0 : i32
    %lt3A_570 = arith.cmpi slt, %select_n3A_563, %lt3A_569 : i32
    %ne3A_571 = arith.xori %lt3A_568, %lt3A_570 : i1
    %and3A_572 = arith.andi %ne3A_571, %ne3A_566 : i1
    %add3A_573 = arith.addi %rem3A_564, %select_n3A_563 : i32
    %select_n3A_574 = arith.select %and3A_572, %add3A_573, %rem3A_564 : i32
    %mul3A_575 = arith.constant 8 : i32
    %mul3A_576 = arith.muli %rem3A_532, %mul3A_575 : i32
    %rem3A_577 = arith.constant 8 : i32
    %rem3A_578 = arith.remsi %select_n3A_558, %rem3A_577 : i32
    %add3A_579 = arith.addi %mul3A_576, %rem3A_578 : i32
    %scan3A_580 = arith.constant 0 : i32
    %scan3A_581 = arith.constant 0 : i32
    %scan3A_582 = arith.constant 8 : i32
    %scan3A_583 = arith.addi %scan3A_581, %scan3A_582 : i32
    %scan3A_584 = arith.constant 1 : i32
    %scan3A_585 = scf.for %scan3A_2740 = %scan3A_581 to %scan3A_583 step %scan3A_584 iter_args(%scan3A_2741 = %scan3A_580) -> (i32)  : i32 {
      %mul3A_2742 = arith.constant 16 : i32
      %mul3A_2743 = arith.muli %scan3A_2740, %mul3A_2742 : i32
      %mul3A_2744 = arith.constant 128 : i32
      %mul3A_2745 = arith.muli %rem3A_532, %mul3A_2744 : i32
      %mul3A_2746 = arith.constant 16 : i32
      %mul3A_2747 = arith.muli %scan3A_2740, %mul3A_2746 : i32
      %add3A_2748 = arith.addi %mul3A_2745, %mul3A_2747 : i32
      %get3A_2749 = arith.index_cast %add3A_579 : i32 to index
      %get3A_2750 = arith.index_cast %mul3A_2743 : i32 to index
      %get3A_2751 = tpu.vector_load %arg6[%get3A_2749, %get3A_2750] {strides = array<i32>} : memref<32x128xi32, #tpu.memory_space<vmem>>, vector<16xi32>,
      %shift_right_logical3A = arith.constant 14 : i32
      %shift_right_logical3A_2752 = vector.broadcast %shift_right_logical3A : i32 to vector<16xi32>
      %shift_right_logical3A_2753 = arith.shrui %get3A_2751, %shift_right_logical3A_2752 : vector<16xi32>
      %shift_left3A = arith.constant 13 : i32
      %shift_left3A_2754 = vector.broadcast %shift_left3A : i32 to vector<16xi32>
      %shift_left3A_2755 = arith.shli %shift_right_logical3A_2753, %shift_left3A_2754 : vector<16xi32>
      %and3A_2756 = arith.constant 8191 : i32
      %and3A_2757 = vector.broadcast %and3A_2756 : i32 to vector<16xi32>
      %and3A_2758 = arith.andi %get3A_2751, %and3A_2757 : vector<16xi32>
      %or3A = arith.ori %shift_left3A_2755, %and3A_2758 : vector<16xi32>
      %swap3A = arith.index_cast %add3A_2748 : i32 to index
      %swap3A_2759 = tpu.vector_load %arg7[%swap3A] {strides = array<i32>} : memref<512xi32, #tpu.memory_space<vmem>>, vector<16xi32>,
      tpu.vector_store %arg7[%swap3A], %or3A {strides = array<i32>} : memref<512xi32, #tpu.memory_space<vmem>>, vector<16xi32>,
      %and3A_2760 = arith.constant 8192 : i32
      %and3A_2761 = vector.broadcast %and3A_2760 : i32 to vector<16xi32>
      %and3A_2762 = arith.andi %get3A_2751, %and3A_2761 : vector<16xi32>
      %shift_right_logical3A_2763 = arith.constant 7 : i32
      %shift_right_logical3A_2764 = vector.broadcast %shift_right_logical3A_2763 : i32 to vector<16xi32>
      %shift_right_logical3A_2765 = arith.shrui %and3A_2762, %shift_right_logical3A_2764 : vector<16xi32>
      %swap3A_2766 = arith.index_cast %add3A_2748 : i32 to index
      %swap3A_2767 = tpu.vector_load %arg8[%swap3A_2766] {strides = array<i32>} : memref<512xi32, #tpu.memory_space<vmem>>, vector<16xi32>,
      tpu.vector_store %arg8[%swap3A_2766], %shift_right_logical3A_2765 {strides = array<i32>} : memref<512xi32, #tpu.memory_space<vmem>>, vector<16xi32>,
      %scan3A_2768 = arith.constant 0 : i32
      scf.yield %scan3A_2768 : i32
    }
    %scan3A_586 = arith.constant 8 : i32
    %mul3A_587 = arith.constant 128 : i32
    %mul3A_588 = arith.muli %rem3A_532, %mul3A_587 : i32
    %add3A_589 = arith.constant 0 : i32
    %add3A_590 = arith.addi %mul3A_588, %add3A_589 : i32
    %mul3A_591 = arith.constant 128 : i32
    %mul3A_592 = arith.muli %rem3A_532, %mul3A_591 : i32
    %add3A_593 = arith.constant 0 : i32
    %add3A_594 = arith.addi %mul3A_592, %add3A_593 : i32
    %dma_start3A_595 = arith.constant 0 : i32
    %dma_start3A_596 = tpu.memref_slice %arg9[%add3A_594, %dma_start3A_595] : memref<512x128xf32, #tpu.memory_space<vmem>> -> memref<32x128xf32, #tpu.memory_space<vmem>>
    %dma_start3A_597 = tpu.memref_slice %arg7[%add3A_590] : memref<512xi32, #tpu.memory_space<vmem>> -> memref<32xi32, #tpu.memory_space<vmem>>
    %dma_start3A_598 = arith.constant 0 : i32
    %dma_start3A_599 = arith.constant 0 : i32
    %dma_start3A_600 = tpu.memref_slice %arg2[%dma_start3A_598, %dma_start3A_599] : memref<507904x128xf32, #tpu.memory_space<hbm>> -> memref<507904x128xf32, #tpu.memory_space<hbm>>
    %dma_start3A_601 = tpu.memref_slice %arg13[%rem3A_532] : memref<4x!tpu.dma_semaphore, #tpu.memory_space<semaphore_mem>> -> memref<1x!tpu.dma_semaphore, #tpu.memory_space<semaphore_mem>>
    %dma_start3A_602 = tpu.memref_squeeze %dma_start3A_601 : memref<1x!tpu.dma_semaphore, #tpu.memory_space<semaphore_mem>> -> memref<!tpu.dma_semaphore, #tpu.memory_space<semaphore_mem>>
    tpu.enqueue_indirect_dma source(%dma_start3A_600 : memref<507904x128xf32, #tpu.memory_space<hbm>>) target(%dma_start3A_596 : memref<32x128xf32, #tpu.memory_space<vmem>>) offsets(%dma_start3A_597 : memref<32xi32, #tpu.memory_space<vmem>>) semaphore(%dma_start3A_602 : memref<!tpu.dma_semaphore, #tpu.memory_space<semaphore_mem>>)
    %mul3A_603 = arith.constant 128 : i32
    %mul3A_604 = arith.muli %rem3A_532, %mul3A_603 : i32
    %add3A_605 = arith.constant 32 : i32
    %add3A_606 = arith.addi %mul3A_604, %add3A_605 : i32
    %mul3A_607 = arith.constant 128 : i32
    %mul3A_608 = arith.muli %rem3A_532, %mul3A_607 : i32
    %add3A_609 = arith.constant 32 : i32
    %add3A_610 = arith.addi %mul3A_608, %add3A_609 : i32
    %dma_start3A_611 = arith.constant 0 : i32
    %dma_start3A_612 = tpu.memref_slice %arg9[%add3A_610, %dma_start3A_611] : memref<512x128xf32, #tpu.memory_space<vmem>> -> memref<32x128xf32, #tpu.memory_space<vmem>>
    %dma_start3A_613 = tpu.memref_slice %arg7[%add3A_606] : memref<512xi32, #tpu.memory_space<vmem>> -> memref<32xi32, #tpu.memory_space<vmem>>
    %dma_start3A_614 = arith.constant 0 : i32
    %dma_start3A_615 = arith.constant 0 : i32
    %dma_start3A_616 = tpu.memref_slice %arg2[%dma_start3A_614, %dma_start3A_615] : memref<507904x128xf32, #tpu.memory_space<hbm>> -> memref<507904x128xf32, #tpu.memory_space<hbm>>
    %dma_start3A_617 = tpu.memref_slice %arg13[%rem3A_532] : memref<4x!tpu.dma_semaphore, #tpu.memory_space<semaphore_mem>> -> memref<1x!tpu.dma_semaphore, #tpu.memory_space<semaphore_mem>>
    %dma_start3A_618 = tpu.memref_squeeze %dma_start3A_617 : memref<1x!tpu.dma_semaphore, #tpu.memory_space<semaphore_mem>> -> memref<!tpu.dma_semaphore, #tpu.memory_space<semaphore_mem>>
    tpu.enqueue_indirect_dma source(%dma_start3A_616 : memref<507904x128xf32, #tpu.memory_space<hbm>>) target(%dma_start3A_612 : memref<32x128xf32, #tpu.memory_space<vmem>>) offsets(%dma_start3A_613 : memref<32xi32, #tpu.memory_space<vmem>>) semaphore(%dma_start3A_618 : memref<!tpu.dma_semaphore, #tpu.memory_space<semaphore_mem>>)
    %mul3A_619 = arith.constant 128 : i32
    %mul3A_620 = arith.muli %rem3A_532, %mul3A_619 : i32
    %add3A_621 = arith.constant 64 : i32
    %add3A_622 = arith.addi %mul3A_620, %add3A_621 : i32
    %mul3A_623 = arith.constant 128 : i32
    %mul3A_624 = arith.muli %rem3A_532, %mul3A_623 : i32
    %add3A_625 = arith.constant 64 : i32
    %add3A_626 = arith.addi %mul3A_624, %add3A_625 : i32
    %dma_start3A_627 = arith.constant 0 : i32
    %dma_start3A_628 = tpu.memref_slice %arg9[%add3A_626, %dma_start3A_627] : memref<512x128xf32, #tpu.memory_space<vmem>> -> memref<32x128xf32, #tpu.memory_space<vmem>>
    %dma_start3A_629 = tpu.memref_slice %arg7[%add3A_622] : memref<512xi32, #tpu.memory_space<vmem>> -> memref<32xi32, #tpu.memory_space<vmem>>
    %dma_start3A_630 = arith.constant 0 : i32
    %dma_start3A_631 = arith.constant 0 : i32
    %dma_start3A_632 = tpu.memref_slice %arg2[%dma_start3A_630, %dma_start3A_631] : memref<507904x128xf32, #tpu.memory_space<hbm>> -> memref<507904x128xf32, #tpu.memory_space<hbm>>
    %dma_start3A_633 = tpu.memref_slice %arg13[%rem3A_532] : memref<4x!tpu.dma_semaphore, #tpu.memory_space<semaphore_mem>> -> memref<1x!tpu.dma_semaphore, #tpu.memory_space<semaphore_mem>>
    %dma_start3A_634 = tpu.memref_squeeze %dma_start3A_633 : memref<1x!tpu.dma_semaphore, #tpu.memory_space<semaphore_mem>> -> memref<!tpu.dma_semaphore, #tpu.memory_space<semaphore_mem>>
    tpu.enqueue_indirect_dma source(%dma_start3A_632 : memref<507904x128xf32, #tpu.memory_space<hbm>>) target(%dma_start3A_628 : memref<32x128xf32, #tpu.memory_space<vmem>>) offsets(%dma_start3A_629 : memref<32xi32, #tpu.memory_space<vmem>>) semaphore(%dma_start3A_634 : memref<!tpu.dma_semaphore, #tpu.memory_space<semaphore_mem>>)
    %mul3A_635 = arith.constant 128 : i32
    %mul3A_636 = arith.muli %rem3A_532, %mul3A_635 : i32
    %add3A_637 = arith.constant 96 : i32
    %add3A_638 = arith.addi %mul3A_636, %add3A_637 : i32
    %mul3A_639 = arith.constant 128 : i32
    %mul3A_640 = arith.muli %rem3A_532, %mul3A_639 : i32
    %add3A_641 = arith.constant 96 : i32
    %add3A_642 = arith.addi %mul3A_640, %add3A_641 : i32
    %dma_start3A_643 = arith.constant 0 : i32
    %dma_start3A_644 = tpu.memref_slice %arg9[%add3A_642, %dma_start3A_643] : memref<512x128xf32, #tpu.memory_space<vmem>> -> memref<32x128xf32, #tpu.memory_space<vmem>>
    %dma_start3A_645 = tpu.memref_slice %arg7[%add3A_638] : memref<512xi32, #tpu.memory_space<vmem>> -> memref<32xi32, #tpu.memory_space<vmem>>
    %dma_start3A_646 = arith.constant 0 : i32
    %dma_start3A_647 = arith.constant 0 : i32
    %dma_start3A_648 = tpu.memref_slice %arg2[%dma_start3A_646, %dma_start3A_647] : memref<507904x128xf32, #tpu.memory_space<hbm>> -> memref<507904x128xf32, #tpu.memory_space<hbm>>
    %dma_start3A_649 = tpu.memref_slice %arg13[%rem3A_532] : memref<4x!tpu.dma_semaphore, #tpu.memory_space<semaphore_mem>> -> memref<1x!tpu.dma_semaphore, #tpu.memory_space<semaphore_mem>>
    %dma_start3A_650 = tpu.memref_squeeze %dma_start3A_649 : memref<1x!tpu.dma_semaphore, #tpu.memory_space<semaphore_mem>> -> memref<!tpu.dma_semaphore, #tpu.memory_space<semaphore_mem>>
    tpu.enqueue_indirect_dma source(%dma_start3A_648 : memref<507904x128xf32, #tpu.memory_space<hbm>>) target(%dma_start3A_644 : memref<32x128xf32, #tpu.memory_space<vmem>>) offsets(%dma_start3A_645 : memref<32xi32, #tpu.memory_space<vmem>>) semaphore(%dma_start3A_650 : memref<!tpu.dma_semaphore, #tpu.memory_space<semaphore_mem>>)
    %dma_wait3A_651 = arith.constant 2 : i32
    %dma_wait3A_652 = arith.constant 0 : i32
    %dma_wait3A_653 = arith.constant 0 : i32
    %dma_wait3A_654 = tpu.memref_slice %arg6[%dma_wait3A_652, %dma_wait3A_653] : memref<32x128xi32, #tpu.memory_space<vmem>> -> memref<8x128xi32, #tpu.memory_space<vmem>>
    %dma_wait3A_655 = arith.constant 0 : i32
    %dma_wait3A_656 = arith.constant 0 : i32
    %dma_wait3A_657 = tpu.memref_slice %arg3[%dma_wait3A_655, %dma_wait3A_656] : memref<200x1024xi32, #tpu.memory_space<hbm>> -> memref<8x128xi32, #tpu.memory_space<hbm>>
    %dma_wait3A_658 = tpu.memref_slice %arg12[%dma_wait3A_651] : memref<4x!tpu.dma_semaphore, #tpu.memory_space<semaphore_mem>> -> memref<1x!tpu.dma_semaphore, #tpu.memory_space<semaphore_mem>>
    %dma_wait3A_659 = tpu.memref_squeeze %dma_wait3A_658 : memref<1x!tpu.dma_semaphore, #tpu.memory_space<semaphore_mem>> -> memref<!tpu.dma_semaphore, #tpu.memory_space<semaphore_mem>>
    %dma_wait3A_660 = arith.constant 0 : i32
    %dma_wait3A_661 = arith.constant 0 : i32
    %dma_wait3A_662 = tpu.memref_slice %arg6[%dma_wait3A_660, %dma_wait3A_661] : memref<32x128xi32, #tpu.memory_space<vmem>> -> memref<8x128xi32, #tpu.memory_space<vmem>>
    %dma_wait3A_663 = arith.constant 0 : i32
    %dma_wait3A_664 = arith.constant 0 : i32
    %dma_wait3A_665 = tpu.memref_slice %arg3[%dma_wait3A_663, %dma_wait3A_664] : memref<200x1024xi32, #tpu.memory_space<hbm>> -> memref<8x128xi32, #tpu.memory_space<hbm>>
    tpu.wait_dma2 semaphore(%dma_wait3A_659 : memref<!tpu.dma_semaphore, #tpu.memory_space<semaphore_mem>>) src(%dma_wait3A_665 : memref<8x128xi32, #tpu.memory_space<hbm>>) dst(%dma_wait3A_662 : memref<8x128xi32, #tpu.memory_space<vmem>>)
    %rem3A_666 = arith.constant 2 : i32
    %rem3A_667 = arith.constant 4 : i32
    %rem3A_668 = arith.remsi %rem3A_666, %rem3A_667 : i32
    %add3A_669 = arith.constant 2 : i32
    %add3A_670 = arith.addi %mul3A_2, %add3A_669 : i32
    %jit3A_671 = arith.constant 8 : i32
    %div3A_672 = arith.divsi %add3A_670, %jit3A_671 : i32
    %sign3A_673 = arith.constant 0 : i32
    %sign3A_674 = arith.cmpi sgt, %add3A_670, %sign3A_673 : i32
    %sign3A_675 = arith.extui %sign3A_674 : i1 to i32
    %sign3A_676 = arith.constant 0 : i32
    %sign3A_677 = arith.cmpi slt, %add3A_670, %sign3A_676 : i32
    %sign3A_678 = arith.extui %sign3A_677 : i1 to i32
    %sign3A_679 = arith.subi %sign3A_675, %sign3A_678 : i32
    %sign3A_680 = arith.constant 0 : i32
    %sign3A_681 = arith.cmpi sgt, %jit3A_671, %sign3A_680 : i32
    %sign3A_682 = arith.extui %sign3A_681 : i1 to i32
    %sign3A_683 = arith.constant 0 : i32
    %sign3A_684 = arith.cmpi slt, %jit3A_671, %sign3A_683 : i32
    %sign3A_685 = arith.extui %sign3A_684 : i1 to i32
    %sign3A_686 = arith.subi %sign3A_682, %sign3A_685 : i32
    %ne3A_687 = arith.cmpi ne, %sign3A_679, %sign3A_686 : i32
    %rem3A_688 = arith.remsi %add3A_670, %jit3A_671 : i32
    %ne3A_689 = arith.constant 0 : i32
    %ne3A_690 = arith.cmpi ne, %rem3A_688, %ne3A_689 : i32
    %and3A_691 = arith.andi %ne3A_687, %ne3A_690 : i1
    %sub3A_692 = arith.constant 1 : i32
    %sub3A_693 = arith.subi %div3A_672, %sub3A_692 : i32
    %select_n3A_694 = arith.select %and3A_691, %sub3A_693, %div3A_672 : i32
    %jit3A_695 = arith.constant 8 : i32
    %eq3A_696 = arith.constant 0 : i32
    %eq3A_697 = arith.cmpi eq, %jit3A_695, %eq3A_696 : i32
    %jit3A_698 = arith.constant 1 : i32
    %select_n3A_699 = arith.select %eq3A_697, %jit3A_698, %jit3A_695 : i32
    %rem3A_700 = arith.remsi %add3A_670, %select_n3A_699 : i32
    %ne3A_701 = arith.constant 0 : i32
    %ne3A_702 = arith.cmpi ne, %rem3A_700, %ne3A_701 : i32
    %lt3A_703 = arith.constant 0 : i32
    %lt3A_704 = arith.cmpi slt, %rem3A_700, %lt3A_703 : i32
    %lt3A_705 = arith.constant 0 : i32
    %lt3A_706 = arith.cmpi slt, %select_n3A_699, %lt3A_705 : i32
    %ne3A_707 = arith.xori %lt3A_704, %lt3A_706 : i1
    %and3A_708 = arith.andi %ne3A_707, %ne3A_702 : i1
    %add3A_709 = arith.addi %rem3A_700, %select_n3A_699 : i32
    %select_n3A_710 = arith.select %and3A_708, %add3A_709, %rem3A_700 : i32
    %mul3A_711 = arith.constant 8 : i32
    %mul3A_712 = arith.muli %rem3A_668, %mul3A_711 : i32
    %rem3A_713 = arith.constant 8 : i32
    %rem3A_714 = arith.remsi %select_n3A_694, %rem3A_713 : i32
    %add3A_715 = arith.addi %mul3A_712, %rem3A_714 : i32
    %scan3A_716 = arith.constant 0 : i32
    %scan3A_717 = arith.constant 0 : i32
    %scan3A_718 = arith.constant 8 : i32
    %scan3A_719 = arith.addi %scan3A_717, %scan3A_718 : i32
    %scan3A_720 = arith.constant 1 : i32
    %scan3A_721 = scf.for %scan3A_2740 = %scan3A_717 to %scan3A_719 step %scan3A_720 iter_args(%scan3A_2741 = %scan3A_716) -> (i32)  : i32 {
      %mul3A_2742 = arith.constant 16 : i32
      %mul3A_2743 = arith.muli %scan3A_2740, %mul3A_2742 : i32
      %mul3A_2744 = arith.constant 128 : i32
      %mul3A_2745 = arith.muli %rem3A_668, %mul3A_2744 : i32
      %mul3A_2746 = arith.constant 16 : i32
      %mul3A_2747 = arith.muli %scan3A_2740, %mul3A_2746 : i32
      %add3A_2748 = arith.addi %mul3A_2745, %mul3A_2747 : i32
      %get3A_2749 = arith.index_cast %add3A_715 : i32 to index
      %get3A_2750 = arith.index_cast %mul3A_2743 : i32 to index
      %get3A_2751 = tpu.vector_load %arg6[%get3A_2749, %get3A_2750] {strides = array<i32>} : memref<32x128xi32, #tpu.memory_space<vmem>>, vector<16xi32>,
      %shift_right_logical3A = arith.constant 14 : i32
      %shift_right_logical3A_2752 = vector.broadcast %shift_right_logical3A : i32 to vector<16xi32>
      %shift_right_logical3A_2753 = arith.shrui %get3A_2751, %shift_right_logical3A_2752 : vector<16xi32>
      %shift_left3A = arith.constant 13 : i32
      %shift_left3A_2754 = vector.broadcast %shift_left3A : i32 to vector<16xi32>
      %shift_left3A_2755 = arith.shli %shift_right_logical3A_2753, %shift_left3A_2754 : vector<16xi32>
      %and3A_2756 = arith.constant 8191 : i32
      %and3A_2757 = vector.broadcast %and3A_2756 : i32 to vector<16xi32>
      %and3A_2758 = arith.andi %get3A_2751, %and3A_2757 : vector<16xi32>
      %or3A = arith.ori %shift_left3A_2755, %and3A_2758 : vector<16xi32>
      %swap3A = arith.index_cast %add3A_2748 : i32 to index
      %swap3A_2759 = tpu.vector_load %arg7[%swap3A] {strides = array<i32>} : memref<512xi32, #tpu.memory_space<vmem>>, vector<16xi32>,
      tpu.vector_store %arg7[%swap3A], %or3A {strides = array<i32>} : memref<512xi32, #tpu.memory_space<vmem>>, vector<16xi32>,
      %and3A_2760 = arith.constant 8192 : i32
      %and3A_2761 = vector.broadcast %and3A_2760 : i32 to vector<16xi32>
      %and3A_2762 = arith.andi %get3A_2751, %and3A_2761 : vector<16xi32>
      %shift_right_logical3A_2763 = arith.constant 7 : i32
      %shift_right_logical3A_2764 = vector.broadcast %shift_right_logical3A_2763 : i32 to vector<16xi32>
      %shift_right_logical3A_2765 = arith.shrui %and3A_2762, %shift_right_logical3A_2764 : vector<16xi32>
      %swap3A_2766 = arith.index_cast %add3A_2748 : i32 to index
      %swap3A_2767 = tpu.vector_load %arg8[%swap3A_2766] {strides = array<i32>} : memref<512xi32, #tpu.memory_space<vmem>>, vector<16xi32>,
      tpu.vector_store %arg8[%swap3A_2766], %shift_right_logical3A_2765 {strides = array<i32>} : memref<512xi32, #tpu.memory_space<vmem>>, vector<16xi32>,
      %scan3A_2768 = arith.constant 0 : i32
      scf.yield %scan3A_2768 : i32
    }
    %scan3A_722 = arith.constant 8 : i32
    %mul3A_723 = arith.constant 128 : i32
    %mul3A_724 = arith.muli %rem3A_668, %mul3A_723 : i32
    %add3A_725 = arith.constant 0 : i32
    %add3A_726 = arith.addi %mul3A_724, %add3A_725 : i32
    %mul3A_727 = arith.constant 128 : i32
    %mul3A_728 = arith.muli %rem3A_668, %mul3A_727 : i32
    %add3A_729 = arith.constant 0 : i32
    %add3A_730 = arith.addi %mul3A_728, %add3A_729 : i32
    %dma_start3A_731 = arith.constant 0 : i32
    %dma_start3A_732 = tpu.memref_slice %arg9[%add3A_730, %dma_start3A_731] : memref<512x128xf32, #tpu.memory_space<vmem>> -> memref<32x128xf32, #tpu.memory_space<vmem>>
    %dma_start3A_733 = tpu.memref_slice %arg7[%add3A_726] : memref<512xi32, #tpu.memory_space<vmem>> -> memref<32xi32, #tpu.memory_space<vmem>>
    %dma_start3A_734 = arith.constant 0 : i32
    %dma_start3A_735 = arith.constant 0 : i32
    %dma_start3A_736 = tpu.memref_slice %arg2[%dma_start3A_734, %dma_start3A_735] : memref<507904x128xf32, #tpu.memory_space<hbm>> -> memref<507904x128xf32, #tpu.memory_space<hbm>>
    %dma_start3A_737 = tpu.memref_slice %arg13[%rem3A_668] : memref<4x!tpu.dma_semaphore, #tpu.memory_space<semaphore_mem>> -> memref<1x!tpu.dma_semaphore, #tpu.memory_space<semaphore_mem>>
    %dma_start3A_738 = tpu.memref_squeeze %dma_start3A_737 : memref<1x!tpu.dma_semaphore, #tpu.memory_space<semaphore_mem>> -> memref<!tpu.dma_semaphore, #tpu.memory_space<semaphore_mem>>
    tpu.enqueue_indirect_dma source(%dma_start3A_736 : memref<507904x128xf32, #tpu.memory_space<hbm>>) target(%dma_start3A_732 : memref<32x128xf32, #tpu.memory_space<vmem>>) offsets(%dma_start3A_733 : memref<32xi32, #tpu.memory_space<vmem>>) semaphore(%dma_start3A_738 : memref<!tpu.dma_semaphore, #tpu.memory_space<semaphore_mem>>)
    %mul3A_739 = arith.constant 128 : i32
    %mul3A_740 = arith.muli %rem3A_668, %mul3A_739 : i32
    %add3A_741 = arith.constant 32 : i32
    %add3A_742 = arith.addi %mul3A_740, %add3A_741 : i32
    %mul3A_743 = arith.constant 128 : i32
    %mul3A_744 = arith.muli %rem3A_668, %mul3A_743 : i32
    %add3A_745 = arith.constant 32 : i32
    %add3A_746 = arith.addi %mul3A_744, %add3A_745 : i32
    %dma_start3A_747 = arith.constant 0 : i32
    %dma_start3A_748 = tpu.memref_slice %arg9[%add3A_746, %dma_start3A_747] : memref<512x128xf32, #tpu.memory_space<vmem>> -> memref<32x128xf32, #tpu.memory_space<vmem>>
    %dma_start3A_749 = tpu.memref_slice %arg7[%add3A_742] : memref<512xi32, #tpu.memory_space<vmem>> -> memref<32xi32, #tpu.memory_space<vmem>>
    %dma_start3A_750 = arith.constant 0 : i32
    %dma_start3A_751 = arith.constant 0 : i32
    %dma_start3A_752 = tpu.memref_slice %arg2[%dma_start3A_750, %dma_start3A_751] : memref<507904x128xf32, #tpu.memory_space<hbm>> -> memref<507904x128xf32, #tpu.memory_space<hbm>>
    %dma_start3A_753 = tpu.memref_slice %arg13[%rem3A_668] : memref<4x!tpu.dma_semaphore, #tpu.memory_space<semaphore_mem>> -> memref<1x!tpu.dma_semaphore, #tpu.memory_space<semaphore_mem>>
    %dma_start3A_754 = tpu.memref_squeeze %dma_start3A_753 : memref<1x!tpu.dma_semaphore, #tpu.memory_space<semaphore_mem>> -> memref<!tpu.dma_semaphore, #tpu.memory_space<semaphore_mem>>
    tpu.enqueue_indirect_dma source(%dma_start3A_752 : memref<507904x128xf32, #tpu.memory_space<hbm>>) target(%dma_start3A_748 : memref<32x128xf32, #tpu.memory_space<vmem>>) offsets(%dma_start3A_749 : memref<32xi32, #tpu.memory_space<vmem>>) semaphore(%dma_start3A_754 : memref<!tpu.dma_semaphore, #tpu.memory_space<semaphore_mem>>)
    %mul3A_755 = arith.constant 128 : i32
    %mul3A_756 = arith.muli %rem3A_668, %mul3A_755 : i32
    %add3A_757 = arith.constant 64 : i32
    %add3A_758 = arith.addi %mul3A_756, %add3A_757 : i32
    %mul3A_759 = arith.constant 128 : i32
    %mul3A_760 = arith.muli %rem3A_668, %mul3A_759 : i32
    %add3A_761 = arith.constant 64 : i32
    %add3A_762 = arith.addi %mul3A_760, %add3A_761 : i32
    %dma_start3A_763 = arith.constant 0 : i32
    %dma_start3A_764 = tpu.memref_slice %arg9[%add3A_762, %dma_start3A_763] : memref<512x128xf32, #tpu.memory_space<vmem>> -> memref<32x128xf32, #tpu.memory_space<vmem>>
    %dma_start3A_765 = tpu.memref_slice %arg7[%add3A_758] : memref<512xi32, #tpu.memory_space<vmem>> -> memref<32xi32, #tpu.memory_space<vmem>>
    %dma_start3A_766 = arith.constant 0 : i32
    %dma_start3A_767 = arith.constant 0 : i32
    %dma_start3A_768 = tpu.memref_slice %arg2[%dma_start3A_766, %dma_start3A_767] : memref<507904x128xf32, #tpu.memory_space<hbm>> -> memref<507904x128xf32, #tpu.memory_space<hbm>>
    %dma_start3A_769 = tpu.memref_slice %arg13[%rem3A_668] : memref<4x!tpu.dma_semaphore, #tpu.memory_space<semaphore_mem>> -> memref<1x!tpu.dma_semaphore, #tpu.memory_space<semaphore_mem>>
    %dma_start3A_770 = tpu.memref_squeeze %dma_start3A_769 : memref<1x!tpu.dma_semaphore, #tpu.memory_space<semaphore_mem>> -> memref<!tpu.dma_semaphore, #tpu.memory_space<semaphore_mem>>
    tpu.enqueue_indirect_dma source(%dma_start3A_768 : memref<507904x128xf32, #tpu.memory_space<hbm>>) target(%dma_start3A_764 : memref<32x128xf32, #tpu.memory_space<vmem>>) offsets(%dma_start3A_765 : memref<32xi32, #tpu.memory_space<vmem>>) semaphore(%dma_start3A_770 : memref<!tpu.dma_semaphore, #tpu.memory_space<semaphore_mem>>)
    %mul3A_771 = arith.constant 128 : i32
    %mul3A_772 = arith.muli %rem3A_668, %mul3A_771 : i32
    %add3A_773 = arith.constant 96 : i32
    %add3A_774 = arith.addi %mul3A_772, %add3A_773 : i32
    %mul3A_775 = arith.constant 128 : i32
    %mul3A_776 = arith.muli %rem3A_668, %mul3A_775 : i32
    %add3A_777 = arith.constant 96 : i32
    %add3A_778 = arith.addi %mul3A_776, %add3A_777 : i32
    %dma_start3A_779 = arith.constant 0 : i32
    %dma_start3A_780 = tpu.memref_slice %arg9[%add3A_778, %dma_start3A_779] : memref<512x128xf32, #tpu.memory_space<vmem>> -> memref<32x128xf32, #tpu.memory_space<vmem>>
    %dma_start3A_781 = tpu.memref_slice %arg7[%add3A_774] : memref<512xi32, #tpu.memory_space<vmem>> -> memref<32xi32, #tpu.memory_space<vmem>>
    %dma_start3A_782 = arith.constant 0 : i32
    %dma_start3A_783 = arith.constant 0 : i32
    %dma_start3A_784 = tpu.memref_slice %arg2[%dma_start3A_782, %dma_start3A_783] : memref<507904x128xf32, #tpu.memory_space<hbm>> -> memref<507904x128xf32, #tpu.memory_space<hbm>>
    %dma_start3A_785 = tpu.memref_slice %arg13[%rem3A_668] : memref<4x!tpu.dma_semaphore, #tpu.memory_space<semaphore_mem>> -> memref<1x!tpu.dma_semaphore, #tpu.memory_space<semaphore_mem>>
    %dma_start3A_786 = tpu.memref_squeeze %dma_start3A_785 : memref<1x!tpu.dma_semaphore, #tpu.memory_space<semaphore_mem>> -> memref<!tpu.dma_semaphore, #tpu.memory_space<semaphore_mem>>
    tpu.enqueue_indirect_dma source(%dma_start3A_784 : memref<507904x128xf32, #tpu.memory_space<hbm>>) target(%dma_start3A_780 : memref<32x128xf32, #tpu.memory_space<vmem>>) offsets(%dma_start3A_781 : memref<32xi32, #tpu.memory_space<vmem>>) semaphore(%dma_start3A_786 : memref<!tpu.dma_semaphore, #tpu.memory_space<semaphore_mem>>)
    %add3A_787 = arith.constant 0 : i32
    %add3A_788 = arith.constant 3 : i32
    %add3A_789 = arith.addi %add3A_787, %add3A_788 : i32
    %rem3A_790 = arith.constant 4 : i32
    %rem3A_791 = arith.remsi %add3A_789, %rem3A_790 : i32
    %dma_wait3A_792 = arith.constant 0 : i32
    %dma_wait3A_793 = arith.constant 0 : i32
    %dma_wait3A_794 = tpu.memref_slice %arg6[%dma_wait3A_792, %dma_wait3A_793] : memref<32x128xi32, #tpu.memory_space<vmem>> -> memref<8x128xi32, #tpu.memory_space<vmem>>
    %dma_wait3A_795 = arith.constant 0 : i32
    %dma_wait3A_796 = arith.constant 0 : i32
    %dma_wait3A_797 = tpu.memref_slice %arg3[%dma_wait3A_795, %dma_wait3A_796] : memref<200x1024xi32, #tpu.memory_space<hbm>> -> memref<8x128xi32, #tpu.memory_space<hbm>>
    %dma_wait3A_798 = tpu.memref_slice %arg12[%rem3A_791] : memref<4x!tpu.dma_semaphore, #tpu.memory_space<semaphore_mem>> -> memref<1x!tpu.dma_semaphore, #tpu.memory_space<semaphore_mem>>
    %dma_wait3A_799 = tpu.memref_squeeze %dma_wait3A_798 : memref<1x!tpu.dma_semaphore, #tpu.memory_space<semaphore_mem>> -> memref<!tpu.dma_semaphore, #tpu.memory_space<semaphore_mem>>
    %dma_wait3A_800 = arith.constant 0 : i32
    %dma_wait3A_801 = arith.constant 0 : i32
    %dma_wait3A_802 = tpu.memref_slice %arg6[%dma_wait3A_800, %dma_wait3A_801] : memref<32x128xi32, #tpu.memory_space<vmem>> -> memref<8x128xi32, #tpu.memory_space<vmem>>
    %dma_wait3A_803 = arith.constant 0 : i32
    %dma_wait3A_804 = arith.constant 0 : i32
    %dma_wait3A_805 = tpu.memref_slice %arg3[%dma_wait3A_803, %dma_wait3A_804] : memref<200x1024xi32, #tpu.memory_space<hbm>> -> memref<8x128xi32, #tpu.memory_space<hbm>>
    tpu.wait_dma2 semaphore(%dma_wait3A_799 : memref<!tpu.dma_semaphore, #tpu.memory_space<semaphore_mem>>) src(%dma_wait3A_805 : memref<8x128xi32, #tpu.memory_space<hbm>>) dst(%dma_wait3A_802 : memref<8x128xi32, #tpu.memory_space<vmem>>)
    %add3A_806 = arith.constant 0 : i32
    %add3A_807 = arith.constant 3 : i32
    %add3A_808 = arith.addi %add3A_806, %add3A_807 : i32
    %rem3A_809 = arith.constant 4 : i32
    %rem3A_810 = arith.remsi %add3A_808, %rem3A_809 : i32
    %add3A_811 = arith.addi %mul3A_2, %add3A_808 : i32
    %jit3A_812 = arith.constant 8 : i32
    %div3A_813 = arith.divsi %add3A_811, %jit3A_812 : i32
    %sign3A_814 = arith.constant 0 : i32
    %sign3A_815 = arith.cmpi sgt, %add3A_811, %sign3A_814 : i32
    %sign3A_816 = arith.extui %sign3A_815 : i1 to i32
    %sign3A_817 = arith.constant 0 : i32
    %sign3A_818 = arith.cmpi slt, %add3A_811, %sign3A_817 : i32
    %sign3A_819 = arith.extui %sign3A_818 : i1 to i32
    %sign3A_820 = arith.subi %sign3A_816, %sign3A_819 : i32
    %sign3A_821 = arith.constant 0 : i32
    %sign3A_822 = arith.cmpi sgt, %jit3A_812, %sign3A_821 : i32
    %sign3A_823 = arith.extui %sign3A_822 : i1 to i32
    %sign3A_824 = arith.constant 0 : i32
    %sign3A_825 = arith.cmpi slt, %jit3A_812, %sign3A_824 : i32
    %sign3A_826 = arith.extui %sign3A_825 : i1 to i32
    %sign3A_827 = arith.subi %sign3A_823, %sign3A_826 : i32
    %ne3A_828 = arith.cmpi ne, %sign3A_820, %sign3A_827 : i32
    %rem3A_829 = arith.remsi %add3A_811, %jit3A_812 : i32
    %ne3A_830 = arith.constant 0 : i32
    %ne3A_831 = arith.cmpi ne, %rem3A_829, %ne3A_830 : i32
    %and3A_832 = arith.andi %ne3A_828, %ne3A_831 : i1
    %sub3A_833 = arith.constant 1 : i32
    %sub3A_834 = arith.subi %div3A_813, %sub3A_833 : i32
    %select_n3A_835 = arith.select %and3A_832, %sub3A_834, %div3A_813 : i32
    %jit3A_836 = arith.constant 8 : i32
    %eq3A_837 = arith.constant 0 : i32
    %eq3A_838 = arith.cmpi eq, %jit3A_836, %eq3A_837 : i32
    %jit3A_839 = arith.constant 1 : i32
    %select_n3A_840 = arith.select %eq3A_838, %jit3A_839, %jit3A_836 : i32
    %rem3A_841 = arith.remsi %add3A_811, %select_n3A_840 : i32
    %ne3A_842 = arith.constant 0 : i32
    %ne3A_843 = arith.cmpi ne, %rem3A_841, %ne3A_842 : i32
    %lt3A_844 = arith.constant 0 : i32
    %lt3A_845 = arith.cmpi slt, %rem3A_841, %lt3A_844 : i32
    %lt3A_846 = arith.constant 0 : i32
    %lt3A_847 = arith.cmpi slt, %select_n3A_840, %lt3A_846 : i32
    %ne3A_848 = arith.xori %lt3A_845, %lt3A_847 : i1
    %and3A_849 = arith.andi %ne3A_848, %ne3A_843 : i1
    %add3A_850 = arith.addi %rem3A_841, %select_n3A_840 : i32
    %select_n3A_851 = arith.select %and3A_849, %add3A_850, %rem3A_841 : i32
    %mul3A_852 = arith.constant 8 : i32
    %mul3A_853 = arith.muli %rem3A_810, %mul3A_852 : i32
    %rem3A_854 = arith.constant 8 : i32
    %rem3A_855 = arith.remsi %select_n3A_835, %rem3A_854 : i32
    %add3A_856 = arith.addi %mul3A_853, %rem3A_855 : i32
    %scan3A_857 = arith.constant 0 : i32
    %scan3A_858 = arith.constant 0 : i32
    %scan3A_859 = arith.constant 8 : i32
    %scan3A_860 = arith.addi %scan3A_858, %scan3A_859 : i32
    %scan3A_861 = arith.constant 1 : i32
    %scan3A_862 = scf.for %scan3A_2740 = %scan3A_858 to %scan3A_860 step %scan3A_861 iter_args(%scan3A_2741 = %scan3A_857) -> (i32)  : i32 {
      %mul3A_2742 = arith.constant 16 : i32
      %mul3A_2743 = arith.muli %scan3A_2740, %mul3A_2742 : i32
      %mul3A_2744 = arith.constant 128 : i32
      %mul3A_2745 = arith.muli %rem3A_810, %mul3A_2744 : i32
      %mul3A_2746 = arith.constant 16 : i32
      %mul3A_2747 = arith.muli %scan3A_2740, %mul3A_2746 : i32
      %add3A_2748 = arith.addi %mul3A_2745, %mul3A_2747 : i32
      %get3A_2749 = arith.index_cast %add3A_856 : i32 to index
      %get3A_2750 = arith.index_cast %mul3A_2743 : i32 to index
      %get3A_2751 = tpu.vector_load %arg6[%get3A_2749, %get3A_2750] {strides = array<i32>} : memref<32x128xi32, #tpu.memory_space<vmem>>, vector<16xi32>,
      %shift_right_logical3A = arith.constant 14 : i32
      %shift_right_logical3A_2752 = vector.broadcast %shift_right_logical3A : i32 to vector<16xi32>
      %shift_right_logical3A_2753 = arith.shrui %get3A_2751, %shift_right_logical3A_2752 : vector<16xi32>
      %shift_left3A = arith.constant 13 : i32
      %shift_left3A_2754 = vector.broadcast %shift_left3A : i32 to vector<16xi32>
      %shift_left3A_2755 = arith.shli %shift_right_logical3A_2753, %shift_left3A_2754 : vector<16xi32>
      %and3A_2756 = arith.constant 8191 : i32
      %and3A_2757 = vector.broadcast %and3A_2756 : i32 to vector<16xi32>
      %and3A_2758 = arith.andi %get3A_2751, %and3A_2757 : vector<16xi32>
      %or3A = arith.ori %shift_left3A_2755, %and3A_2758 : vector<16xi32>
      %swap3A = arith.index_cast %add3A_2748 : i32 to index
      %swap3A_2759 = tpu.vector_load %arg7[%swap3A] {strides = array<i32>} : memref<512xi32, #tpu.memory_space<vmem>>, vector<16xi32>,
      tpu.vector_store %arg7[%swap3A], %or3A {strides = array<i32>} : memref<512xi32, #tpu.memory_space<vmem>>, vector<16xi32>,
      %and3A_2760 = arith.constant 8192 : i32
      %and3A_2761 = vector.broadcast %and3A_2760 : i32 to vector<16xi32>
      %and3A_2762 = arith.andi %get3A_2751, %and3A_2761 : vector<16xi32>
      %shift_right_logical3A_2763 = arith.constant 7 : i32
      %shift_right_logical3A_2764 = vector.broadcast %shift_right_logical3A_2763 : i32 to vector<16xi32>
      %shift_right_logical3A_2765 = arith.shrui %and3A_2762, %shift_right_logical3A_2764 : vector<16xi32>
      %swap3A_2766 = arith.index_cast %add3A_2748 : i32 to index
      %swap3A_2767 = tpu.vector_load %arg8[%swap3A_2766] {strides = array<i32>} : memref<512xi32, #tpu.memory_space<vmem>>, vector<16xi32>,
      tpu.vector_store %arg8[%swap3A_2766], %shift_right_logical3A_2765 {strides = array<i32>} : memref<512xi32, #tpu.memory_space<vmem>>, vector<16xi32>,
      %scan3A_2768 = arith.constant 0 : i32
      scf.yield %scan3A_2768 : i32
    }
    %scan3A_863 = arith.constant 8 : i32
    %mul3A_864 = arith.constant 128 : i32
    %mul3A_865 = arith.muli %rem3A_810, %mul3A_864 : i32
    %add3A_866 = arith.constant 0 : i32
    %add3A_867 = arith.addi %mul3A_865, %add3A_866 : i32
    %mul3A_868 = arith.constant 128 : i32
    %mul3A_869 = arith.muli %rem3A_810, %mul3A_868 : i32
    %add3A_870 = arith.constant 0 : i32
    %add3A_871 = arith.addi %mul3A_869, %add3A_870 : i32
    %dma_start3A_872 = arith.constant 0 : i32
    %dma_start3A_873 = tpu.memref_slice %arg9[%add3A_871, %dma_start3A_872] : memref<512x128xf32, #tpu.memory_space<vmem>> -> memref<32x128xf32, #tpu.memory_space<vmem>>
    %dma_start3A_874 = tpu.memref_slice %arg7[%add3A_867] : memref<512xi32, #tpu.memory_space<vmem>> -> memref<32xi32, #tpu.memory_space<vmem>>
    %dma_start3A_875 = arith.constant 0 : i32
    %dma_start3A_876 = arith.constant 0 : i32
    %dma_start3A_877 = tpu.memref_slice %arg2[%dma_start3A_875, %dma_start3A_876] : memref<507904x128xf32, #tpu.memory_space<hbm>> -> memref<507904x128xf32, #tpu.memory_space<hbm>>
    %dma_start3A_878 = tpu.memref_slice %arg13[%rem3A_810] : memref<4x!tpu.dma_semaphore, #tpu.memory_space<semaphore_mem>> -> memref<1x!tpu.dma_semaphore, #tpu.memory_space<semaphore_mem>>
    %dma_start3A_879 = tpu.memref_squeeze %dma_start3A_878 : memref<1x!tpu.dma_semaphore, #tpu.memory_space<semaphore_mem>> -> memref<!tpu.dma_semaphore, #tpu.memory_space<semaphore_mem>>
    tpu.enqueue_indirect_dma source(%dma_start3A_877 : memref<507904x128xf32, #tpu.memory_space<hbm>>) target(%dma_start3A_873 : memref<32x128xf32, #tpu.memory_space<vmem>>) offsets(%dma_start3A_874 : memref<32xi32, #tpu.memory_space<vmem>>) semaphore(%dma_start3A_879 : memref<!tpu.dma_semaphore, #tpu.memory_space<semaphore_mem>>)
    %mul3A_880 = arith.constant 128 : i32
    %mul3A_881 = arith.muli %rem3A_810, %mul3A_880 : i32
    %add3A_882 = arith.constant 32 : i32
    %add3A_883 = arith.addi %mul3A_881, %add3A_882 : i32
    %mul3A_884 = arith.constant 128 : i32
    %mul3A_885 = arith.muli %rem3A_810, %mul3A_884 : i32
    %add3A_886 = arith.constant 32 : i32
    %add3A_887 = arith.addi %mul3A_885, %add3A_886 : i32
    %dma_start3A_888 = arith.constant 0 : i32
    %dma_start3A_889 = tpu.memref_slice %arg9[%add3A_887, %dma_start3A_888] : memref<512x128xf32, #tpu.memory_space<vmem>> -> memref<32x128xf32, #tpu.memory_space<vmem>>
    %dma_start3A_890 = tpu.memref_slice %arg7[%add3A_883] : memref<512xi32, #tpu.memory_space<vmem>> -> memref<32xi32, #tpu.memory_space<vmem>>
    %dma_start3A_891 = arith.constant 0 : i32
    %dma_start3A_892 = arith.constant 0 : i32
    %dma_start3A_893 = tpu.memref_slice %arg2[%dma_start3A_891, %dma_start3A_892] : memref<507904x128xf32, #tpu.memory_space<hbm>> -> memref<507904x128xf32, #tpu.memory_space<hbm>>
    %dma_start3A_894 = tpu.memref_slice %arg13[%rem3A_810] : memref<4x!tpu.dma_semaphore, #tpu.memory_space<semaphore_mem>> -> memref<1x!tpu.dma_semaphore, #tpu.memory_space<semaphore_mem>>
    %dma_start3A_895 = tpu.memref_squeeze %dma_start3A_894 : memref<1x!tpu.dma_semaphore, #tpu.memory_space<semaphore_mem>> -> memref<!tpu.dma_semaphore, #tpu.memory_space<semaphore_mem>>
    tpu.enqueue_indirect_dma source(%dma_start3A_893 : memref<507904x128xf32, #tpu.memory_space<hbm>>) target(%dma_start3A_889 : memref<32x128xf32, #tpu.memory_space<vmem>>) offsets(%dma_start3A_890 : memref<32xi32, #tpu.memory_space<vmem>>) semaphore(%dma_start3A_895 : memref<!tpu.dma_semaphore, #tpu.memory_space<semaphore_mem>>)
    %mul3A_896 = arith.constant 128 : i32
    %mul3A_897 = arith.muli %rem3A_810, %mul3A_896 : i32
    %add3A_898 = arith.constant 64 : i32
    %add3A_899 = arith.addi %mul3A_897, %add3A_898 : i32
    %mul3A_900 = arith.constant 128 : i32
    %mul3A_901 = arith.muli %rem3A_810, %mul3A_900 : i32
    %add3A_902 = arith.constant 64 : i32
    %add3A_903 = arith.addi %mul3A_901, %add3A_902 : i32
    %dma_start3A_904 = arith.constant 0 : i32
    %dma_start3A_905 = tpu.memref_slice %arg9[%add3A_903, %dma_start3A_904] : memref<512x128xf32, #tpu.memory_space<vmem>> -> memref<32x128xf32, #tpu.memory_space<vmem>>
    %dma_start3A_906 = tpu.memref_slice %arg7[%add3A_899] : memref<512xi32, #tpu.memory_space<vmem>> -> memref<32xi32, #tpu.memory_space<vmem>>
    %dma_start3A_907 = arith.constant 0 : i32
    %dma_start3A_908 = arith.constant 0 : i32
    %dma_start3A_909 = tpu.memref_slice %arg2[%dma_start3A_907, %dma_start3A_908] : memref<507904x128xf32, #tpu.memory_space<hbm>> -> memref<507904x128xf32, #tpu.memory_space<hbm>>
    %dma_start3A_910 = tpu.memref_slice %arg13[%rem3A_810] : memref<4x!tpu.dma_semaphore, #tpu.memory_space<semaphore_mem>> -> memref<1x!tpu.dma_semaphore, #tpu.memory_space<semaphore_mem>>
    %dma_start3A_911 = tpu.memref_squeeze %dma_start3A_910 : memref<1x!tpu.dma_semaphore, #tpu.memory_space<semaphore_mem>> -> memref<!tpu.dma_semaphore, #tpu.memory_space<semaphore_mem>>
    tpu.enqueue_indirect_dma source(%dma_start3A_909 : memref<507904x128xf32, #tpu.memory_space<hbm>>) target(%dma_start3A_905 : memref<32x128xf32, #tpu.memory_space<vmem>>) offsets(%dma_start3A_906 : memref<32xi32, #tpu.memory_space<vmem>>) semaphore(%dma_start3A_911 : memref<!tpu.dma_semaphore, #tpu.memory_space<semaphore_mem>>)
    %mul3A_912 = arith.constant 128 : i32
    %mul3A_913 = arith.muli %rem3A_810, %mul3A_912 : i32
    %add3A_914 = arith.constant 96 : i32
    %add3A_915 = arith.addi %mul3A_913, %add3A_914 : i32
    %mul3A_916 = arith.constant 128 : i32
    %mul3A_917 = arith.muli %rem3A_810, %mul3A_916 : i32
    %add3A_918 = arith.constant 96 : i32
    %add3A_919 = arith.addi %mul3A_917, %add3A_918 : i32
    %dma_start3A_920 = arith.constant 0 : i32
    %dma_start3A_921 = tpu.memref_slice %arg9[%add3A_919, %dma_start3A_920] : memref<512x128xf32, #tpu.memory_space<vmem>> -> memref<32x128xf32, #tpu.memory_space<vmem>>
    %dma_start3A_922 = tpu.memref_slice %arg7[%add3A_915] : memref<512xi32, #tpu.memory_space<vmem>> -> memref<32xi32, #tpu.memory_space<vmem>>
    %dma_start3A_923 = arith.constant 0 : i32
    %dma_start3A_924 = arith.constant 0 : i32
    %dma_start3A_925 = tpu.memref_slice %arg2[%dma_start3A_923, %dma_start3A_924] : memref<507904x128xf32, #tpu.memory_space<hbm>> -> memref<507904x128xf32, #tpu.memory_space<hbm>>
    %dma_start3A_926 = tpu.memref_slice %arg13[%rem3A_810] : memref<4x!tpu.dma_semaphore, #tpu.memory_space<semaphore_mem>> -> memref<1x!tpu.dma_semaphore, #tpu.memory_space<semaphore_mem>>
    %dma_start3A_927 = tpu.memref_squeeze %dma_start3A_926 : memref<1x!tpu.dma_semaphore, #tpu.memory_space<semaphore_mem>> -> memref<!tpu.dma_semaphore, #tpu.memory_space<semaphore_mem>>
    tpu.enqueue_indirect_dma source(%dma_start3A_925 : memref<507904x128xf32, #tpu.memory_space<hbm>>) target(%dma_start3A_921 : memref<32x128xf32, #tpu.memory_space<vmem>>) offsets(%dma_start3A_922 : memref<32xi32, #tpu.memory_space<vmem>>) semaphore(%dma_start3A_927 : memref<!tpu.dma_semaphore, #tpu.memory_space<semaphore_mem>>)
    %add3A_928 = arith.constant 0 : i32
    %add3A_929 = arith.constant 4 : i32
    %add3A_930 = arith.addi %add3A_928, %add3A_929 : i32
    %min3A_931 = arith.constant 49 : i32
    %min3A_932 = arith.minsi %add3A_930, %min3A_931 : i32
    %add3A_933 = arith.addi %mul3A_2, %min3A_932 : i32
    %jit3A_934 = arith.constant 8 : i32
    %div3A_935 = arith.divsi %add3A_933, %jit3A_934 : i32
    %sign3A_936 = arith.constant 0 : i32
    %sign3A_937 = arith.cmpi sgt, %add3A_933, %sign3A_936 : i32
    %sign3A_938 = arith.extui %sign3A_937 : i1 to i32
    %sign3A_939 = arith.constant 0 : i32
    %sign3A_940 = arith.cmpi slt, %add3A_933, %sign3A_939 : i32
    %sign3A_941 = arith.extui %sign3A_940 : i1 to i32
    %sign3A_942 = arith.subi %sign3A_938, %sign3A_941 : i32
    %sign3A_943 = arith.constant 0 : i32
    %sign3A_944 = arith.cmpi sgt, %jit3A_934, %sign3A_943 : i32
    %sign3A_945 = arith.extui %sign3A_944 : i1 to i32
    %sign3A_946 = arith.constant 0 : i32
    %sign3A_947 = arith.cmpi slt, %jit3A_934, %sign3A_946 : i32
    %sign3A_948 = arith.extui %sign3A_947 : i1 to i32
    %sign3A_949 = arith.subi %sign3A_945, %sign3A_948 : i32
    %ne3A_950 = arith.cmpi ne, %sign3A_942, %sign3A_949 : i32
    %rem3A_951 = arith.remsi %add3A_933, %jit3A_934 : i32
    %ne3A_952 = arith.constant 0 : i32
    %ne3A_953 = arith.cmpi ne, %rem3A_951, %ne3A_952 : i32
    %and3A_954 = arith.andi %ne3A_950, %ne3A_953 : i1
    %sub3A_955 = arith.constant 1 : i32
    %sub3A_956 = arith.subi %div3A_935, %sub3A_955 : i32
    %select_n3A_957 = arith.select %and3A_954, %sub3A_956, %div3A_935 : i32
    %jit3A_958 = arith.constant 8 : i32
    %eq3A_959 = arith.constant 0 : i32
    %eq3A_960 = arith.cmpi eq, %jit3A_958, %eq3A_959 : i32
    %jit3A_961 = arith.constant 1 : i32
    %select_n3A_962 = arith.select %eq3A_960, %jit3A_961, %jit3A_958 : i32
    %rem3A_963 = arith.remsi %add3A_933, %select_n3A_962 : i32
    %ne3A_964 = arith.constant 0 : i32
    %ne3A_965 = arith.cmpi ne, %rem3A_963, %ne3A_964 : i32
    %lt3A_966 = arith.constant 0 : i32
    %lt3A_967 = arith.cmpi slt, %rem3A_963, %lt3A_966 : i32
    %lt3A_968 = arith.constant 0 : i32
    %lt3A_969 = arith.cmpi slt, %select_n3A_962, %lt3A_968 : i32
    %ne3A_970 = arith.xori %lt3A_967, %lt3A_969 : i1
    %and3A_971 = arith.andi %ne3A_970, %ne3A_965 : i1
    %add3A_972 = arith.addi %rem3A_963, %select_n3A_962 : i32
    %select_n3A_973 = arith.select %and3A_971, %add3A_972, %rem3A_963 : i32
    %jit3A_974 = arith.constant 8 : i32
    %div3A_975 = arith.divsi %select_n3A_957, %jit3A_974 : i32
    %sign3A_976 = arith.constant 0 : i32
    %sign3A_977 = arith.cmpi sgt, %select_n3A_957, %sign3A_976 : i32
    %sign3A_978 = arith.extui %sign3A_977 : i1 to i32
    %sign3A_979 = arith.constant 0 : i32
    %sign3A_980 = arith.cmpi slt, %select_n3A_957, %sign3A_979 : i32
    %sign3A_981 = arith.extui %sign3A_980 : i1 to i32
    %sign3A_982 = arith.subi %sign3A_978, %sign3A_981 : i32
    %sign3A_983 = arith.constant 0 : i32
    %sign3A_984 = arith.cmpi sgt, %jit3A_974, %sign3A_983 : i32
    %sign3A_985 = arith.extui %sign3A_984 : i1 to i32
    %sign3A_986 = arith.constant 0 : i32
    %sign3A_987 = arith.cmpi slt, %jit3A_974, %sign3A_986 : i32
    %sign3A_988 = arith.extui %sign3A_987 : i1 to i32
    %sign3A_989 = arith.subi %sign3A_985, %sign3A_988 : i32
    %ne3A_990 = arith.cmpi ne, %sign3A_982, %sign3A_989 : i32
    %rem3A_991 = arith.remsi %select_n3A_957, %jit3A_974 : i32
    %ne3A_992 = arith.constant 0 : i32
    %ne3A_993 = arith.cmpi ne, %rem3A_991, %ne3A_992 : i32
    %and3A_994 = arith.andi %ne3A_990, %ne3A_993 : i1
    %sub3A_995 = arith.constant 1 : i32
    %sub3A_996 = arith.subi %div3A_975, %sub3A_995 : i32
    %select_n3A_997 = arith.select %and3A_994, %sub3A_996, %div3A_975 : i32
    %mul3A_998 = arith.constant 8 : i32
    %mul3A_999 = arith.muli %select_n3A_997, %mul3A_998 : i32
    %rem3A_1000 = arith.constant 4 : i32
    %rem3A_1001 = arith.remsi %add3A_930, %rem3A_1000 : i32
    %mul3A_1002 = arith.constant 128 : i32
    %mul3A_1003 = arith.muli %select_n3A_973, %mul3A_1002 : i32
    %mul3A_1004 = arith.constant 8 : i32
    %mul3A_1005 = arith.muli %rem3A_1001, %mul3A_1004 : i32
    %dma_start3A_1006 = arith.constant 0 : i32
    %dma_start3A_1007 = tpu.memref_slice %arg6[%mul3A_1005, %dma_start3A_1006] : memref<32x128xi32, #tpu.memory_space<vmem>> -> memref<8x128xi32, #tpu.memory_space<vmem>>
    %dma_start3A_1008 = tpu.memref_slice %arg3[%mul3A_999, %mul3A_1003] : memref<200x1024xi32, #tpu.memory_space<hbm>> -> memref<8x128xi32, #tpu.memory_space<hbm>>
    %dma_start3A_1009 = tpu.memref_slice %arg12[%rem3A_1001] : memref<4x!tpu.dma_semaphore, #tpu.memory_space<semaphore_mem>> -> memref<1x!tpu.dma_semaphore, #tpu.memory_space<semaphore_mem>>
    %dma_start3A_1010 = tpu.memref_squeeze %dma_start3A_1009 : memref<1x!tpu.dma_semaphore, #tpu.memory_space<semaphore_mem>> -> memref<!tpu.dma_semaphore, #tpu.memory_space<semaphore_mem>>
    %dma_start3A_1011 = arith.constant 0 : i32
    %dma_start3A_1012 = tpu.memref_slice %arg6[%mul3A_1005, %dma_start3A_1011] : memref<32x128xi32, #tpu.memory_space<vmem>> -> memref<8x128xi32, #tpu.memory_space<vmem>>
    %dma_start3A_1013 = tpu.memref_slice %arg3[%mul3A_999, %mul3A_1003] : memref<200x1024xi32, #tpu.memory_space<hbm>> -> memref<8x128xi32, #tpu.memory_space<hbm>>
    tpu.enqueue_dma source(%dma_start3A_1013 : memref<8x128xi32, #tpu.memory_space<hbm>>) target(%dma_start3A_1012 : memref<8x128xi32, #tpu.memory_space<vmem>>) target_semaphore(%dma_start3A_1010 : memref<!tpu.dma_semaphore, #tpu.memory_space<semaphore_mem>>)
    %rem3A_1014 = arith.constant 0 : i32
    %rem3A_1015 = arith.constant 4 : i32
    %rem3A_1016 = arith.remsi %rem3A_1014, %rem3A_1015 : i32
    %dma_wait3A_1017 = arith.constant 0 : i32
    %dma_wait3A_1018 = arith.constant 0 : i32
    %dma_wait3A_1019 = tpu.memref_slice %arg9[%dma_wait3A_1017, %dma_wait3A_1018] : memref<512x128xf32, #tpu.memory_space<vmem>> -> memref<32x128xf32, #tpu.memory_space<vmem>>
    %dma_wait3A_1020 = arith.constant 0 : i32
    %dma_wait3A_1021 = arith.constant 0 : i32
    %dma_wait3A_1022 = tpu.memref_slice %arg2[%dma_wait3A_1020, %dma_wait3A_1021] : memref<507904x128xf32, #tpu.memory_space<hbm>> -> memref<32x128xf32, #tpu.memory_space<hbm>>
    %dma_wait3A_1023 = tpu.memref_slice %arg13[%rem3A_1016] : memref<4x!tpu.dma_semaphore, #tpu.memory_space<semaphore_mem>> -> memref<1x!tpu.dma_semaphore, #tpu.memory_space<semaphore_mem>>
    %dma_wait3A_1024 = tpu.memref_squeeze %dma_wait3A_1023 : memref<1x!tpu.dma_semaphore, #tpu.memory_space<semaphore_mem>> -> memref<!tpu.dma_semaphore, #tpu.memory_space<semaphore_mem>>
    %dma_wait3A_1025 = arith.constant 0 : i32
    %dma_wait3A_1026 = arith.constant 0 : i32
    %dma_wait3A_1027 = tpu.memref_slice %arg9[%dma_wait3A_1025, %dma_wait3A_1026] : memref<512x128xf32, #tpu.memory_space<vmem>> -> memref<32x128xf32, #tpu.memory_space<vmem>>
    %dma_wait3A_1028 = arith.constant 0 : i32
    %dma_wait3A_1029 = arith.constant 0 : i32
    %dma_wait3A_1030 = tpu.memref_slice %arg2[%dma_wait3A_1028, %dma_wait3A_1029] : memref<507904x128xf32, #tpu.memory_space<hbm>> -> memref<32x128xf32, #tpu.memory_space<hbm>>
    tpu.wait_dma2 semaphore(%dma_wait3A_1024 : memref<!tpu.dma_semaphore, #tpu.memory_space<semaphore_mem>>) src(%dma_wait3A_1030 : memref<32x128xf32, #tpu.memory_space<hbm>>) dst(%dma_wait3A_1027 : memref<32x128xf32, #tpu.memory_space<vmem>>)
    %dma_wait3A_1031 = arith.constant 0 : i32
    %dma_wait3A_1032 = arith.constant 0 : i32
    %dma_wait3A_1033 = tpu.memref_slice %arg9[%dma_wait3A_1031, %dma_wait3A_1032] : memref<512x128xf32, #tpu.memory_space<vmem>> -> memref<32x128xf32, #tpu.memory_space<vmem>>
    %dma_wait3A_1034 = arith.constant 0 : i32
    %dma_wait3A_1035 = arith.constant 0 : i32
    %dma_wait3A_1036 = tpu.memref_slice %arg2[%dma_wait3A_1034, %dma_wait3A_1035] : memref<507904x128xf32, #tpu.memory_space<hbm>> -> memref<32x128xf32, #tpu.memory_space<hbm>>
    %dma_wait3A_1037 = tpu.memref_slice %arg13[%rem3A_1016] : memref<4x!tpu.dma_semaphore, #tpu.memory_space<semaphore_mem>> -> memref<1x!tpu.dma_semaphore, #tpu.memory_space<semaphore_mem>>
    %dma_wait3A_1038 = tpu.memref_squeeze %dma_wait3A_1037 : memref<1x!tpu.dma_semaphore, #tpu.memory_space<semaphore_mem>> -> memref<!tpu.dma_semaphore, #tpu.memory_space<semaphore_mem>>
    %dma_wait3A_1039 = arith.constant 0 : i32
    %dma_wait3A_1040 = arith.constant 0 : i32
    %dma_wait3A_1041 = tpu.memref_slice %arg9[%dma_wait3A_1039, %dma_wait3A_1040] : memref<512x128xf32, #tpu.memory_space<vmem>> -> memref<32x128xf32, #tpu.memory_space<vmem>>
    %dma_wait3A_1042 = arith.constant 0 : i32
    %dma_wait3A_1043 = arith.constant 0 : i32
    %dma_wait3A_1044 = tpu.memref_slice %arg2[%dma_wait3A_1042, %dma_wait3A_1043] : memref<507904x128xf32, #tpu.memory_space<hbm>> -> memref<32x128xf32, #tpu.memory_space<hbm>>
    tpu.wait_dma2 semaphore(%dma_wait3A_1038 : memref<!tpu.dma_semaphore, #tpu.memory_space<semaphore_mem>>) src(%dma_wait3A_1044 : memref<32x128xf32, #tpu.memory_space<hbm>>) dst(%dma_wait3A_1041 : memref<32x128xf32, #tpu.memory_space<vmem>>)
    %dma_wait3A_1045 = arith.constant 0 : i32
    %dma_wait3A_1046 = arith.constant 0 : i32
    %dma_wait3A_1047 = tpu.memref_slice %arg9[%dma_wait3A_1045, %dma_wait3A_1046] : memref<512x128xf32, #tpu.memory_space<vmem>> -> memref<32x128xf32, #tpu.memory_space<vmem>>
    %dma_wait3A_1048 = arith.constant 0 : i32
    %dma_wait3A_1049 = arith.constant 0 : i32
    %dma_wait3A_1050 = tpu.memref_slice %arg2[%dma_wait3A_1048, %dma_wait3A_1049] : memref<507904x128xf32, #tpu.memory_space<hbm>> -> memref<32x128xf32, #tpu.memory_space<hbm>>
    %dma_wait3A_1051 = tpu.memref_slice %arg13[%rem3A_1016] : memref<4x!tpu.dma_semaphore, #tpu.memory_space<semaphore_mem>> -> memref<1x!tpu.dma_semaphore, #tpu.memory_space<semaphore_mem>>
    %dma_wait3A_1052 = tpu.memref_squeeze %dma_wait3A_1051 : memref<1x!tpu.dma_semaphore, #tpu.memory_space<semaphore_mem>> -> memref<!tpu.dma_semaphore, #tpu.memory_space<semaphore_mem>>
    %dma_wait3A_1053 = arith.constant 0 : i32
    %dma_wait3A_1054 = arith.constant 0 : i32
    %dma_wait3A_1055 = tpu.memref_slice %arg9[%dma_wait3A_1053, %dma_wait3A_1054] : memref<512x128xf32, #tpu.memory_space<vmem>> -> memref<32x128xf32, #tpu.memory_space<vmem>>
    %dma_wait3A_1056 = arith.constant 0 : i32
    %dma_wait3A_1057 = arith.constant 0 : i32
    %dma_wait3A_1058 = tpu.memref_slice %arg2[%dma_wait3A_1056, %dma_wait3A_1057] : memref<507904x128xf32, #tpu.memory_space<hbm>> -> memref<32x128xf32, #tpu.memory_space<hbm>>
    tpu.wait_dma2 semaphore(%dma_wait3A_1052 : memref<!tpu.dma_semaphore, #tpu.memory_space<semaphore_mem>>) src(%dma_wait3A_1058 : memref<32x128xf32, #tpu.memory_space<hbm>>) dst(%dma_wait3A_1055 : memref<32x128xf32, #tpu.memory_space<vmem>>)
    %dma_wait3A_1059 = arith.constant 0 : i32
    %dma_wait3A_1060 = arith.constant 0 : i32
    %dma_wait3A_1061 = tpu.memref_slice %arg9[%dma_wait3A_1059, %dma_wait3A_1060] : memref<512x128xf32, #tpu.memory_space<vmem>> -> memref<32x128xf32, #tpu.memory_space<vmem>>
    %dma_wait3A_1062 = arith.constant 0 : i32
    %dma_wait3A_1063 = arith.constant 0 : i32
    %dma_wait3A_1064 = tpu.memref_slice %arg2[%dma_wait3A_1062, %dma_wait3A_1063] : memref<507904x128xf32, #tpu.memory_space<hbm>> -> memref<32x128xf32, #tpu.memory_space<hbm>>
    %dma_wait3A_1065 = tpu.memref_slice %arg13[%rem3A_1016] : memref<4x!tpu.dma_semaphore, #tpu.memory_space<semaphore_mem>> -> memref<1x!tpu.dma_semaphore, #tpu.memory_space<semaphore_mem>>
    %dma_wait3A_1066 = tpu.memref_squeeze %dma_wait3A_1065 : memref<1x!tpu.dma_semaphore, #tpu.memory_space<semaphore_mem>> -> memref<!tpu.dma_semaphore, #tpu.memory_space<semaphore_mem>>
    %dma_wait3A_1067 = arith.constant 0 : i32
    %dma_wait3A_1068 = arith.constant 0 : i32
    %dma_wait3A_1069 = tpu.memref_slice %arg9[%dma_wait3A_1067, %dma_wait3A_1068] : memref<512x128xf32, #tpu.memory_space<vmem>> -> memref<32x128xf32, #tpu.memory_space<vmem>>
    %dma_wait3A_1070 = arith.constant 0 : i32
    %dma_wait3A_1071 = arith.constant 0 : i32
    %dma_wait3A_1072 = tpu.memref_slice %arg2[%dma_wait3A_1070, %dma_wait3A_1071] : memref<507904x128xf32, #tpu.memory_space<hbm>> -> memref<32x128xf32, #tpu.memory_space<hbm>>
    tpu.wait_dma2 semaphore(%dma_wait3A_1066 : memref<!tpu.dma_semaphore, #tpu.memory_space<semaphore_mem>>) src(%dma_wait3A_1072 : memref<32x128xf32, #tpu.memory_space<hbm>>) dst(%dma_wait3A_1069 : memref<32x128xf32, #tpu.memory_space<vmem>>)
    %rem3A_1073 = arith.constant 0 : i32
    %rem3A_1074 = arith.constant 4 : i32
    %rem3A_1075 = arith.remsi %rem3A_1073, %rem3A_1074 : i32
    %rem3A_1076 = arith.constant 0 : i32
    %rem3A_1077 = arith.constant 2 : i32
    %rem3A_1078 = arith.remsi %rem3A_1076, %rem3A_1077 : i32
    %add3A_1079 = arith.constant 0 : i32
    %add3A_1080 = arith.addi %mul3A_2, %add3A_1079 : i32
    %jit3A_1081 = arith.constant 8 : i32
    %div3A_1082 = arith.divsi %add3A_1080, %jit3A_1081 : i32
    %sign3A_1083 = arith.constant 0 : i32
    %sign3A_1084 = arith.cmpi sgt, %add3A_1080, %sign3A_1083 : i32
    %sign3A_1085 = arith.extui %sign3A_1084 : i1 to i32
    %sign3A_1086 = arith.constant 0 : i32
    %sign3A_1087 = arith.cmpi slt, %add3A_1080, %sign3A_1086 : i32
    %sign3A_1088 = arith.extui %sign3A_1087 : i1 to i32
    %sign3A_1089 = arith.subi %sign3A_1085, %sign3A_1088 : i32
    %sign3A_1090 = arith.constant 0 : i32
    %sign3A_1091 = arith.cmpi sgt, %jit3A_1081, %sign3A_1090 : i32
    %sign3A_1092 = arith.extui %sign3A_1091 : i1 to i32
    %sign3A_1093 = arith.constant 0 : i32
    %sign3A_1094 = arith.cmpi slt, %jit3A_1081, %sign3A_1093 : i32
    %sign3A_1095 = arith.extui %sign3A_1094 : i1 to i32
    %sign3A_1096 = arith.subi %sign3A_1092, %sign3A_1095 : i32
    %ne3A_1097 = arith.cmpi ne, %sign3A_1089, %sign3A_1096 : i32
    %rem3A_1098 = arith.remsi %add3A_1080, %jit3A_1081 : i32
    %ne3A_1099 = arith.constant 0 : i32
    %ne3A_1100 = arith.cmpi ne, %rem3A_1098, %ne3A_1099 : i32
    %and3A_1101 = arith.andi %ne3A_1097, %ne3A_1100 : i1
    %sub3A_1102 = arith.constant 1 : i32
    %sub3A_1103 = arith.subi %div3A_1082, %sub3A_1102 : i32
    %select_n3A_1104 = arith.select %and3A_1101, %sub3A_1103, %div3A_1082 : i32
    %jit3A_1105 = arith.constant 8 : i32
    %eq3A_1106 = arith.constant 0 : i32
    %eq3A_1107 = arith.cmpi eq, %jit3A_1105, %eq3A_1106 : i32
    %jit3A_1108 = arith.constant 1 : i32
    %select_n3A_1109 = arith.select %eq3A_1107, %jit3A_1108, %jit3A_1105 : i32
    %rem3A_1110 = arith.remsi %add3A_1080, %select_n3A_1109 : i32
    %ne3A_1111 = arith.constant 0 : i32
    %ne3A_1112 = arith.cmpi ne, %rem3A_1110, %ne3A_1111 : i32
    %lt3A_1113 = arith.constant 0 : i32
    %lt3A_1114 = arith.cmpi slt, %rem3A_1110, %lt3A_1113 : i32
    %lt3A_1115 = arith.constant 0 : i32
    %lt3A_1116 = arith.cmpi slt, %select_n3A_1109, %lt3A_1115 : i32
    %ne3A_1117 = arith.xori %lt3A_1114, %lt3A_1116 : i1
    %and3A_1118 = arith.andi %ne3A_1117, %ne3A_1112 : i1
    %add3A_1119 = arith.addi %rem3A_1110, %select_n3A_1109 : i32
    %select_n3A_1120 = arith.select %and3A_1118, %add3A_1119, %rem3A_1110 : i32
    %sub3A_1121 = arith.subi %select_n3A_1104, %mul3A_44 : i32
    %mul3A_1122 = arith.constant 64 : i32
    %mul3A_1123 = arith.muli %rem3A_1078, %mul3A_1122 : i32
    %mul3A_1124 = arith.constant 128 : i32
    %mul3A_1125 = arith.muli %rem3A_1075, %mul3A_1124 : i32
    %add3A_1126 = arith.constant 0 : i32
    %add3A_1127 = arith.addi %mul3A_1125, %add3A_1126 : i32
    %add3A_1128 = vector.broadcast %add3A_1127 : i32 to vector<16xi32>
    %add3A_1129 = arith.addi %iota3A, %add3A_1128 : vector<16xi32>
    %mul3A_1130 = arith.constant 128 : i32
    %mul3A_1131 = arith.muli %rem3A_1075, %mul3A_1130 : i32
    %add3A_1132 = arith.constant 16 : i32
    %add3A_1133 = arith.addi %mul3A_1131, %add3A_1132 : i32
    %add3A_1134 = vector.broadcast %add3A_1133 : i32 to vector<16xi32>
    %add3A_1135 = arith.addi %iota3A, %add3A_1134 : vector<16xi32>
    %mul3A_1136 = arith.constant 128 : i32
    %mul3A_1137 = arith.muli %rem3A_1075, %mul3A_1136 : i32
    %add3A_1138 = arith.constant 32 : i32
    %add3A_1139 = arith.addi %mul3A_1137, %add3A_1138 : i32
    %add3A_1140 = vector.broadcast %add3A_1139 : i32 to vector<16xi32>
    %add3A_1141 = arith.addi %iota3A, %add3A_1140 : vector<16xi32>
    %mul3A_1142 = arith.constant 128 : i32
    %mul3A_1143 = arith.muli %rem3A_1075, %mul3A_1142 : i32
    %add3A_1144 = arith.constant 48 : i32
    %add3A_1145 = arith.addi %mul3A_1143, %add3A_1144 : i32
    %add3A_1146 = vector.broadcast %add3A_1145 : i32 to vector<16xi32>
    %add3A_1147 = arith.addi %iota3A, %add3A_1146 : vector<16xi32>
    %mul3A_1148 = arith.constant 128 : i32
    %mul3A_1149 = arith.muli %rem3A_1075, %mul3A_1148 : i32
    %add3A_1150 = arith.constant 64 : i32
    %add3A_1151 = arith.addi %mul3A_1149, %add3A_1150 : i32
    %add3A_1152 = vector.broadcast %add3A_1151 : i32 to vector<16xi32>
    %add3A_1153 = arith.addi %iota3A, %add3A_1152 : vector<16xi32>
    %mul3A_1154 = arith.constant 128 : i32
    %mul3A_1155 = arith.muli %rem3A_1075, %mul3A_1154 : i32
    %add3A_1156 = arith.constant 80 : i32
    %add3A_1157 = arith.addi %mul3A_1155, %add3A_1156 : i32
    %add3A_1158 = vector.broadcast %add3A_1157 : i32 to vector<16xi32>
    %add3A_1159 = arith.addi %iota3A, %add3A_1158 : vector<16xi32>
    %mul3A_1160 = arith.constant 128 : i32
    %mul3A_1161 = arith.muli %rem3A_1075, %mul3A_1160 : i32
    %add3A_1162 = arith.constant 96 : i32
    %add3A_1163 = arith.addi %mul3A_1161, %add3A_1162 : i32
    %add3A_1164 = vector.broadcast %add3A_1163 : i32 to vector<16xi32>
    %add3A_1165 = arith.addi %iota3A, %add3A_1164 : vector<16xi32>
    %mul3A_1166 = arith.constant 128 : i32
    %mul3A_1167 = arith.muli %rem3A_1075, %mul3A_1166 : i32
    %add3A_1168 = arith.constant 112 : i32
    %add3A_1169 = arith.addi %mul3A_1167, %add3A_1168 : i32
    %add3A_1170 = vector.broadcast %add3A_1169 : i32 to vector<16xi32>
    %add3A_1171 = arith.addi %iota3A, %add3A_1170 : vector<16xi32>
    %mul3A_1172 = arith.constant 128 : i32
    %mul3A_1173 = arith.muli %rem3A_1075, %mul3A_1172 : i32
    %add3A_1174 = arith.constant 0 : i32
    %add3A_1175 = arith.addi %mul3A_1173, %add3A_1174 : i32
    %get3A = arith.index_cast %add3A_1175 : i32 to index
    %get3A_1176 = tpu.vector_load %arg8[%get3A] {strides = array<i32>} : memref<512xi32, #tpu.memory_space<vmem>>, vector<16xi32>,
    %mul3A_1177 = arith.constant 128 : i32
    %mul3A_1178 = arith.muli %rem3A_1075, %mul3A_1177 : i32
    %add3A_1179 = arith.constant 16 : i32
    %add3A_1180 = arith.addi %mul3A_1178, %add3A_1179 : i32
    %get3A_1181 = arith.index_cast %add3A_1180 : i32 to index
    %get3A_1182 = tpu.vector_load %arg8[%get3A_1181] {strides = array<i32>} : memref<512xi32, #tpu.memory_space<vmem>>, vector<16xi32>,
    %mul3A_1183 = arith.constant 128 : i32
    %mul3A_1184 = arith.muli %rem3A_1075, %mul3A_1183 : i32
    %add3A_1185 = arith.constant 32 : i32
    %add3A_1186 = arith.addi %mul3A_1184, %add3A_1185 : i32
    %get3A_1187 = arith.index_cast %add3A_1186 : i32 to index
    %get3A_1188 = tpu.vector_load %arg8[%get3A_1187] {strides = array<i32>} : memref<512xi32, #tpu.memory_space<vmem>>, vector<16xi32>,
    %mul3A_1189 = arith.constant 128 : i32
    %mul3A_1190 = arith.muli %rem3A_1075, %mul3A_1189 : i32
    %add3A_1191 = arith.constant 48 : i32
    %add3A_1192 = arith.addi %mul3A_1190, %add3A_1191 : i32
    %get3A_1193 = arith.index_cast %add3A_1192 : i32 to index
    %get3A_1194 = tpu.vector_load %arg8[%get3A_1193] {strides = array<i32>} : memref<512xi32, #tpu.memory_space<vmem>>, vector<16xi32>,
    %mul3A_1195 = arith.constant 128 : i32
    %mul3A_1196 = arith.muli %rem3A_1075, %mul3A_1195 : i32
    %add3A_1197 = arith.constant 64 : i32
    %add3A_1198 = arith.addi %mul3A_1196, %add3A_1197 : i32
    %get3A_1199 = arith.index_cast %add3A_1198 : i32 to index
    %get3A_1200 = tpu.vector_load %arg8[%get3A_1199] {strides = array<i32>} : memref<512xi32, #tpu.memory_space<vmem>>, vector<16xi32>,
    %mul3A_1201 = arith.constant 128 : i32
    %mul3A_1202 = arith.muli %rem3A_1075, %mul3A_1201 : i32
    %add3A_1203 = arith.constant 80 : i32
    %add3A_1204 = arith.addi %mul3A_1202, %add3A_1203 : i32
    %get3A_1205 = arith.index_cast %add3A_1204 : i32 to index
    %get3A_1206 = tpu.vector_load %arg8[%get3A_1205] {strides = array<i32>} : memref<512xi32, #tpu.memory_space<vmem>>, vector<16xi32>,
    %mul3A_1207 = arith.constant 128 : i32
    %mul3A_1208 = arith.muli %rem3A_1075, %mul3A_1207 : i32
    %add3A_1209 = arith.constant 96 : i32
    %add3A_1210 = arith.addi %mul3A_1208, %add3A_1209 : i32
    %get3A_1211 = arith.index_cast %add3A_1210 : i32 to index
    %get3A_1212 = tpu.vector_load %arg8[%get3A_1211] {strides = array<i32>} : memref<512xi32, #tpu.memory_space<vmem>>, vector<16xi32>,
    %mul3A_1213 = arith.constant 128 : i32
    %mul3A_1214 = arith.muli %rem3A_1075, %mul3A_1213 : i32
    %add3A_1215 = arith.constant 112 : i32
    %add3A_1216 = arith.addi %mul3A_1214, %add3A_1215 : i32
    %get3A_1217 = arith.index_cast %add3A_1216 : i32 to index
    %get3A_1218 = tpu.vector_load %arg8[%get3A_1217] {strides = array<i32>} : memref<512xi32, #tpu.memory_space<vmem>>, vector<16xi32>,
    %scan3A_1219 = arith.constant 8.000000e+00 : f32
    %scan3A_1220 = arith.constant 0 : i32
    %scan3A_1221 = arith.constant 0 : i32
    %scan3A_1222 = arith.constant 64 : i32
    %scan3A_1223 = arith.addi %scan3A_1221, %scan3A_1222 : i32
    %scan3A_1224 = arith.constant 1 : i32
    %scan3A_1225 = scf.for %scan3A_2740 = %scan3A_1221 to %scan3A_1223 step %scan3A_1224 iter_args(%scan3A_2741 = %scan3A_1220) -> (i32)  : i32 {
      %mul3A_2742 = arith.constant 16 : i32
      %mul3A_2743 = arith.muli %scan3A_2740, %mul3A_2742 : i32
      %get3A_2744 = arith.index_cast %sub3A_1121 : i32 to index
      %get3A_2745 = arith.index_cast %mul3A_2743 : i32 to index
      %get3A_2746 = tpu.vector_load %arg10[%get3A_2744, %get3A_2745] {strides = array<i32>} : memref<16x1024xf32, #tpu.memory_space<vmem>>, vector<16xf32>,
      %add3A_2747 = arith.addi %mul3A_1123, %scan3A_2740 : i32
      %add3A_2748 = vector.broadcast %scan3A_2740 : i32 to vector<16xi32>
      %add3A_2749 = arith.addi %get3A_1176, %add3A_2748 : vector<16xi32>
      %gather3A = tpu.vector_load_idx %arg9[%add3A_1129, %add3A_2749] : memref<512x128xf32, #tpu.memory_space<vmem>>[vector<16xi32>, vector<16xi32>], vector<16xf32>,
      %mul3A_2750 = vector.broadcast %scan3A_1219 : f32 to vector<16xf32>
      %mul3A_2751 = arith.mulf %gather3A, %mul3A_2750 : vector<16xf32>
      %add3A_2752 = arith.addf %mul3A_2751, %get3A_2746 : vector<16xf32>
      %swap3A = arith.index_cast %add3A_2747 : i32 to index
      %swap3A_2753 = arith.constant 0 : index
      %swap3A_2754 = tpu.vector_load %arg11[%swap3A, %swap3A_2753] {strides = array<i32>} : memref<128x128xf32, #tpu.memory_space<vmem>>, vector<16xf32>,
      tpu.vector_store %arg11[%swap3A, %swap3A_2753], %add3A_2752 {strides = array<i32>} : memref<128x128xf32, #tpu.memory_space<vmem>>, vector<16xf32>,
      %add3A_2755 = vector.broadcast %scan3A_2740 : i32 to vector<16xi32>
      %add3A_2756 = arith.addi %get3A_1182, %add3A_2755 : vector<16xi32>
      %gather3A_2757 = tpu.vector_load_idx %arg9[%add3A_1135, %add3A_2756] : memref<512x128xf32, #tpu.memory_space<vmem>>[vector<16xi32>, vector<16xi32>], vector<16xf32>,
      %mul3A_2758 = vector.broadcast %scan3A_1219 : f32 to vector<16xf32>
      %mul3A_2759 = arith.mulf %gather3A_2757, %mul3A_2758 : vector<16xf32>
      %add3A_2760 = arith.addf %mul3A_2759, %get3A_2746 : vector<16xf32>
      %swap3A_2761 = arith.index_cast %add3A_2747 : i32 to index
      %swap3A_2762 = arith.constant 16 : index
      %swap3A_2763 = tpu.vector_load %arg11[%swap3A_2761, %swap3A_2762] {strides = array<i32>} : memref<128x128xf32, #tpu.memory_space<vmem>>, vector<16xf32>,
      tpu.vector_store %arg11[%swap3A_2761, %swap3A_2762], %add3A_2760 {strides = array<i32>} : memref<128x128xf32, #tpu.memory_space<vmem>>, vector<16xf32>,
      %add3A_2764 = vector.broadcast %scan3A_2740 : i32 to vector<16xi32>
      %add3A_2765 = arith.addi %get3A_1188, %add3A_2764 : vector<16xi32>
      %gather3A_2766 = tpu.vector_load_idx %arg9[%add3A_1141, %add3A_2765] : memref<512x128xf32, #tpu.memory_space<vmem>>[vector<16xi32>, vector<16xi32>], vector<16xf32>,
      %mul3A_2767 = vector.broadcast %scan3A_1219 : f32 to vector<16xf32>
      %mul3A_2768 = arith.mulf %gather3A_2766, %mul3A_2767 : vector<16xf32>
      %add3A_2769 = arith.addf %mul3A_2768, %get3A_2746 : vector<16xf32>
      %swap3A_2770 = arith.index_cast %add3A_2747 : i32 to index
      %swap3A_2771 = arith.constant 32 : index
      %swap3A_2772 = tpu.vector_load %arg11[%swap3A_2770, %swap3A_2771] {strides = array<i32>} : memref<128x128xf32, #tpu.memory_space<vmem>>, vector<16xf32>,
      tpu.vector_store %arg11[%swap3A_2770, %swap3A_2771], %add3A_2769 {strides = array<i32>} : memref<128x128xf32, #tpu.memory_space<vmem>>, vector<16xf32>,
      %add3A_2773 = vector.broadcast %scan3A_2740 : i32 to vector<16xi32>
      %add3A_2774 = arith.addi %get3A_1194, %add3A_2773 : vector<16xi32>
      %gather3A_2775 = tpu.vector_load_idx %arg9[%add3A_1147, %add3A_2774] : memref<512x128xf32, #tpu.memory_space<vmem>>[vector<16xi32>, vector<16xi32>], vector<16xf32>,
      %mul3A_2776 = vector.broadcast %scan3A_1219 : f32 to vector<16xf32>
      %mul3A_2777 = arith.mulf %gather3A_2775, %mul3A_2776 : vector<16xf32>
      %add3A_2778 = arith.addf %mul3A_2777, %get3A_2746 : vector<16xf32>
      %swap3A_2779 = arith.index_cast %add3A_2747 : i32 to index
      %swap3A_2780 = arith.constant 48 : index
      %swap3A_2781 = tpu.vector_load %arg11[%swap3A_2779, %swap3A_2780] {strides = array<i32>} : memref<128x128xf32, #tpu.memory_space<vmem>>, vector<16xf32>,
      tpu.vector_store %arg11[%swap3A_2779, %swap3A_2780], %add3A_2778 {strides = array<i32>} : memref<128x128xf32, #tpu.memory_space<vmem>>, vector<16xf32>,
      %add3A_2782 = vector.broadcast %scan3A_2740 : i32 to vector<16xi32>
      %add3A_2783 = arith.addi %get3A_1200, %add3A_2782 : vector<16xi32>
      %gather3A_2784 = tpu.vector_load_idx %arg9[%add3A_1153, %add3A_2783] : memref<512x128xf32, #tpu.memory_space<vmem>>[vector<16xi32>, vector<16xi32>], vector<16xf32>,
      %mul3A_2785 = vector.broadcast %scan3A_1219 : f32 to vector<16xf32>
      %mul3A_2786 = arith.mulf %gather3A_2784, %mul3A_2785 : vector<16xf32>
      %add3A_2787 = arith.addf %mul3A_2786, %get3A_2746 : vector<16xf32>
      %swap3A_2788 = arith.index_cast %add3A_2747 : i32 to index
      %swap3A_2789 = arith.constant 64 : index
      %swap3A_2790 = tpu.vector_load %arg11[%swap3A_2788, %swap3A_2789] {strides = array<i32>} : memref<128x128xf32, #tpu.memory_space<vmem>>, vector<16xf32>,
      tpu.vector_store %arg11[%swap3A_2788, %swap3A_2789], %add3A_2787 {strides = array<i32>} : memref<128x128xf32, #tpu.memory_space<vmem>>, vector<16xf32>,
      %add3A_2791 = vector.broadcast %scan3A_2740 : i32 to vector<16xi32>
      %add3A_2792 = arith.addi %get3A_1206, %add3A_2791 : vector<16xi32>
      %gather3A_2793 = tpu.vector_load_idx %arg9[%add3A_1159, %add3A_2792] : memref<512x128xf32, #tpu.memory_space<vmem>>[vector<16xi32>, vector<16xi32>], vector<16xf32>,
      %mul3A_2794 = vector.broadcast %scan3A_1219 : f32 to vector<16xf32>
      %mul3A_2795 = arith.mulf %gather3A_2793, %mul3A_2794 : vector<16xf32>
      %add3A_2796 = arith.addf %mul3A_2795, %get3A_2746 : vector<16xf32>
      %swap3A_2797 = arith.index_cast %add3A_2747 : i32 to index
      %swap3A_2798 = arith.constant 80 : index
      %swap3A_2799 = tpu.vector_load %arg11[%swap3A_2797, %swap3A_2798] {strides = array<i32>} : memref<128x128xf32, #tpu.memory_space<vmem>>, vector<16xf32>,
      tpu.vector_store %arg11[%swap3A_2797, %swap3A_2798], %add3A_2796 {strides = array<i32>} : memref<128x128xf32, #tpu.memory_space<vmem>>, vector<16xf32>,
      %add3A_2800 = vector.broadcast %scan3A_2740 : i32 to vector<16xi32>
      %add3A_2801 = arith.addi %get3A_1212, %add3A_2800 : vector<16xi32>
      %gather3A_2802 = tpu.vector_load_idx %arg9[%add3A_1165, %add3A_2801] : memref<512x128xf32, #tpu.memory_space<vmem>>[vector<16xi32>, vector<16xi32>], vector<16xf32>,
      %mul3A_2803 = vector.broadcast %scan3A_1219 : f32 to vector<16xf32>
      %mul3A_2804 = arith.mulf %gather3A_2802, %mul3A_2803 : vector<16xf32>
      %add3A_2805 = arith.addf %mul3A_2804, %get3A_2746 : vector<16xf32>
      %swap3A_2806 = arith.index_cast %add3A_2747 : i32 to index
      %swap3A_2807 = arith.constant 96 : index
      %swap3A_2808 = tpu.vector_load %arg11[%swap3A_2806, %swap3A_2807] {strides = array<i32>} : memref<128x128xf32, #tpu.memory_space<vmem>>, vector<16xf32>,
      tpu.vector_store %arg11[%swap3A_2806, %swap3A_2807], %add3A_2805 {strides = array<i32>} : memref<128x128xf32, #tpu.memory_space<vmem>>, vector<16xf32>,
      %add3A_2809 = vector.broadcast %scan3A_2740 : i32 to vector<16xi32>
      %add3A_2810 = arith.addi %get3A_1218, %add3A_2809 : vector<16xi32>
      %gather3A_2811 = tpu.vector_load_idx %arg9[%add3A_1171, %add3A_2810] : memref<512x128xf32, #tpu.memory_space<vmem>>[vector<16xi32>, vector<16xi32>], vector<16xf32>,
      %mul3A_2812 = vector.broadcast %scan3A_1219 : f32 to vector<16xf32>
      %mul3A_2813 = arith.mulf %gather3A_2811, %mul3A_2812 : vector<16xf32>
      %add3A_2814 = arith.addf %mul3A_2813, %get3A_2746 : vector<16xf32>
      %swap3A_2815 = arith.index_cast %add3A_2747 : i32 to index
      %swap3A_2816 = arith.constant 112 : index
      %swap3A_2817 = tpu.vector_load %arg11[%swap3A_2815, %swap3A_2816] {strides = array<i32>} : memref<128x128xf32, #tpu.memory_space<vmem>>, vector<16xf32>,
      tpu.vector_store %arg11[%swap3A_2815, %swap3A_2816], %add3A_2814 {strides = array<i32>} : memref<128x128xf32, #tpu.memory_space<vmem>>, vector<16xf32>,
      %scan3A_2818 = arith.constant 0 : i32
      scf.yield %scan3A_2818 : i32
    }
    %scan3A_1226 = arith.constant 64 : i32
    %rem3A_1227 = arith.constant 0 : i32
    %rem3A_1228 = arith.constant 2 : i32
    %rem3A_1229 = arith.remsi %rem3A_1227, %rem3A_1228 : i32
    %add3A_1230 = arith.constant 0 : i32
    %add3A_1231 = arith.addi %mul3A_2, %add3A_1230 : i32
    %jit3A_1232 = arith.constant 8 : i32
    %div3A_1233 = arith.divsi %add3A_1231, %jit3A_1232 : i32
    %sign3A_1234 = arith.constant 0 : i32
    %sign3A_1235 = arith.cmpi sgt, %add3A_1231, %sign3A_1234 : i32
    %sign3A_1236 = arith.extui %sign3A_1235 : i1 to i32
    %sign3A_1237 = arith.constant 0 : i32
    %sign3A_1238 = arith.cmpi slt, %add3A_1231, %sign3A_1237 : i32
    %sign3A_1239 = arith.extui %sign3A_1238 : i1 to i32
    %sign3A_1240 = arith.subi %sign3A_1236, %sign3A_1239 : i32
    %sign3A_1241 = arith.constant 0 : i32
    %sign3A_1242 = arith.cmpi sgt, %jit3A_1232, %sign3A_1241 : i32
    %sign3A_1243 = arith.extui %sign3A_1242 : i1 to i32
    %sign3A_1244 = arith.constant 0 : i32
    %sign3A_1245 = arith.cmpi slt, %jit3A_1232, %sign3A_1244 : i32
    %sign3A_1246 = arith.extui %sign3A_1245 : i1 to i32
    %sign3A_1247 = arith.subi %sign3A_1243, %sign3A_1246 : i32
    %ne3A_1248 = arith.cmpi ne, %sign3A_1240, %sign3A_1247 : i32
    %rem3A_1249 = arith.remsi %add3A_1231, %jit3A_1232 : i32
    %ne3A_1250 = arith.constant 0 : i32
    %ne3A_1251 = arith.cmpi ne, %rem3A_1249, %ne3A_1250 : i32
    %and3A_1252 = arith.andi %ne3A_1248, %ne3A_1251 : i1
    %sub3A_1253 = arith.constant 1 : i32
    %sub3A_1254 = arith.subi %div3A_1233, %sub3A_1253 : i32
    %select_n3A_1255 = arith.select %and3A_1252, %sub3A_1254, %div3A_1233 : i32
    %jit3A_1256 = arith.constant 8 : i32
    %eq3A_1257 = arith.constant 0 : i32
    %eq3A_1258 = arith.cmpi eq, %jit3A_1256, %eq3A_1257 : i32
    %jit3A_1259 = arith.constant 1 : i32
    %select_n3A_1260 = arith.select %eq3A_1258, %jit3A_1259, %jit3A_1256 : i32
    %rem3A_1261 = arith.remsi %add3A_1231, %select_n3A_1260 : i32
    %ne3A_1262 = arith.constant 0 : i32
    %ne3A_1263 = arith.cmpi ne, %rem3A_1261, %ne3A_1262 : i32
    %lt3A_1264 = arith.constant 0 : i32
    %lt3A_1265 = arith.cmpi slt, %rem3A_1261, %lt3A_1264 : i32
    %lt3A_1266 = arith.constant 0 : i32
    %lt3A_1267 = arith.cmpi slt, %select_n3A_1260, %lt3A_1266 : i32
    %ne3A_1268 = arith.xori %lt3A_1265, %lt3A_1267 : i1
    %and3A_1269 = arith.andi %ne3A_1268, %ne3A_1263 : i1
    %add3A_1270 = arith.addi %rem3A_1261, %select_n3A_1260 : i32
    %select_n3A_1271 = arith.select %and3A_1269, %add3A_1270, %rem3A_1261 : i32
    %mul3A_1272 = arith.constant 64 : i32
    %mul3A_1273 = arith.muli %rem3A_1229, %mul3A_1272 : i32
    %mul3A_1274 = arith.constant 128 : i32
    %mul3A_1275 = arith.muli %select_n3A_1271, %mul3A_1274 : i32
    %dma_start3A_1276 = arith.constant 0 : i32
    %dma_start3A_1277 = tpu.memref_slice %arg11[%mul3A_1273, %dma_start3A_1276] : memref<128x128xf32, #tpu.memory_space<vmem>> -> memref<64x128xf32, #tpu.memory_space<vmem>>
    %dma_start3A_1278 = arith.constant 0 : i32
    %dma_start3A_1279 = tpu.memref_slice %arg5[%select_n3A_1255, %dma_start3A_1278, %mul3A_1275] : memref<200x64x1024xf32, #tpu.memory_space<hbm>> -> memref<1x64x128xf32, #tpu.memory_space<hbm>>
    %dma_start3A_1280 = tpu.memref_squeeze %dma_start3A_1279 : memref<1x64x128xf32, #tpu.memory_space<hbm>> -> memref<64x128xf32, #tpu.memory_space<hbm>>
    %dma_start3A_1281 = tpu.memref_slice %arg14[%rem3A_1229] : memref<2x!tpu.dma_semaphore, #tpu.memory_space<semaphore_mem>> -> memref<1x!tpu.dma_semaphore, #tpu.memory_space<semaphore_mem>>
    %dma_start3A_1282 = tpu.memref_squeeze %dma_start3A_1281 : memref<1x!tpu.dma_semaphore, #tpu.memory_space<semaphore_mem>> -> memref<!tpu.dma_semaphore, #tpu.memory_space<semaphore_mem>>
    %dma_start3A_1283 = arith.constant 0 : i32
    %dma_start3A_1284 = tpu.memref_slice %arg5[%select_n3A_1255, %dma_start3A_1283, %mul3A_1275] : memref<200x64x1024xf32, #tpu.memory_space<hbm>> -> memref<1x64x128xf32, #tpu.memory_space<hbm>>
    %dma_start3A_1285 = tpu.memref_squeeze %dma_start3A_1284 : memref<1x64x128xf32, #tpu.memory_space<hbm>> -> memref<64x128xf32, #tpu.memory_space<hbm>>
    %dma_start3A_1286 = arith.constant 0 : i32
    %dma_start3A_1287 = tpu.memref_slice %arg11[%mul3A_1273, %dma_start3A_1286] : memref<128x128xf32, #tpu.memory_space<vmem>> -> memref<64x128xf32, #tpu.memory_space<vmem>>
    tpu.enqueue_dma source(%dma_start3A_1287 : memref<64x128xf32, #tpu.memory_space<vmem>>) target(%dma_start3A_1285 : memref<64x128xf32, #tpu.memory_space<hbm>>) target_semaphore(%dma_start3A_1282 : memref<!tpu.dma_semaphore, #tpu.memory_space<semaphore_mem>>)
    %add3A_1288 = arith.constant 1 : i32
    %add3A_1289 = arith.constant 3 : i32
    %add3A_1290 = arith.addi %add3A_1288, %add3A_1289 : i32
    %rem3A_1291 = arith.constant 4 : i32
    %rem3A_1292 = arith.remsi %add3A_1290, %rem3A_1291 : i32
    %dma_wait3A_1293 = arith.constant 0 : i32
    %dma_wait3A_1294 = arith.constant 0 : i32
    %dma_wait3A_1295 = tpu.memref_slice %arg6[%dma_wait3A_1293, %dma_wait3A_1294] : memref<32x128xi32, #tpu.memory_space<vmem>> -> memref<8x128xi32, #tpu.memory_space<vmem>>
    %dma_wait3A_1296 = arith.constant 0 : i32
    %dma_wait3A_1297 = arith.constant 0 : i32
    %dma_wait3A_1298 = tpu.memref_slice %arg3[%dma_wait3A_1296, %dma_wait3A_1297] : memref<200x1024xi32, #tpu.memory_space<hbm>> -> memref<8x128xi32, #tpu.memory_space<hbm>>
    %dma_wait3A_1299 = tpu.memref_slice %arg12[%rem3A_1292] : memref<4x!tpu.dma_semaphore, #tpu.memory_space<semaphore_mem>> -> memref<1x!tpu.dma_semaphore, #tpu.memory_space<semaphore_mem>>
    %dma_wait3A_1300 = tpu.memref_squeeze %dma_wait3A_1299 : memref<1x!tpu.dma_semaphore, #tpu.memory_space<semaphore_mem>> -> memref<!tpu.dma_semaphore, #tpu.memory_space<semaphore_mem>>
    %dma_wait3A_1301 = arith.constant 0 : i32
    %dma_wait3A_1302 = arith.constant 0 : i32
    %dma_wait3A_1303 = tpu.memref_slice %arg6[%dma_wait3A_1301, %dma_wait3A_1302] : memref<32x128xi32, #tpu.memory_space<vmem>> -> memref<8x128xi32, #tpu.memory_space<vmem>>
    %dma_wait3A_1304 = arith.constant 0 : i32
    %dma_wait3A_1305 = arith.constant 0 : i32
    %dma_wait3A_1306 = tpu.memref_slice %arg3[%dma_wait3A_1304, %dma_wait3A_1305] : memref<200x1024xi32, #tpu.memory_space<hbm>> -> memref<8x128xi32, #tpu.memory_space<hbm>>
    tpu.wait_dma2 semaphore(%dma_wait3A_1300 : memref<!tpu.dma_semaphore, #tpu.memory_space<semaphore_mem>>) src(%dma_wait3A_1306 : memref<8x128xi32, #tpu.memory_space<hbm>>) dst(%dma_wait3A_1303 : memref<8x128xi32, #tpu.memory_space<vmem>>)
    %add3A_1307 = arith.constant 1 : i32
    %add3A_1308 = arith.constant 3 : i32
    %add3A_1309 = arith.addi %add3A_1307, %add3A_1308 : i32
    %rem3A_1310 = arith.constant 4 : i32
    %rem3A_1311 = arith.remsi %add3A_1309, %rem3A_1310 : i32
    %add3A_1312 = arith.addi %mul3A_2, %add3A_1309 : i32
    %jit3A_1313 = arith.constant 8 : i32
    %div3A_1314 = arith.divsi %add3A_1312, %jit3A_1313 : i32
    %sign3A_1315 = arith.constant 0 : i32
    %sign3A_1316 = arith.cmpi sgt, %add3A_1312, %sign3A_1315 : i32
    %sign3A_1317 = arith.extui %sign3A_1316 : i1 to i32
    %sign3A_1318 = arith.constant 0 : i32
    %sign3A_1319 = arith.cmpi slt, %add3A_1312, %sign3A_1318 : i32
    %sign3A_1320 = arith.extui %sign3A_1319 : i1 to i32
    %sign3A_1321 = arith.subi %sign3A_1317, %sign3A_1320 : i32
    %sign3A_1322 = arith.constant 0 : i32
    %sign3A_1323 = arith.cmpi sgt, %jit3A_1313, %sign3A_1322 : i32
    %sign3A_1324 = arith.extui %sign3A_1323 : i1 to i32
    %sign3A_1325 = arith.constant 0 : i32
    %sign3A_1326 = arith.cmpi slt, %jit3A_1313, %sign3A_1325 : i32
    %sign3A_1327 = arith.extui %sign3A_1326 : i1 to i32
    %sign3A_1328 = arith.subi %sign3A_1324, %sign3A_1327 : i32
    %ne3A_1329 = arith.cmpi ne, %sign3A_1321, %sign3A_1328 : i32
    %rem3A_1330 = arith.remsi %add3A_1312, %jit3A_1313 : i32
    %ne3A_1331 = arith.constant 0 : i32
    %ne3A_1332 = arith.cmpi ne, %rem3A_1330, %ne3A_1331 : i32
    %and3A_1333 = arith.andi %ne3A_1329, %ne3A_1332 : i1
    %sub3A_1334 = arith.constant 1 : i32
    %sub3A_1335 = arith.subi %div3A_1314, %sub3A_1334 : i32
    %select_n3A_1336 = arith.select %and3A_1333, %sub3A_1335, %div3A_1314 : i32
    %jit3A_1337 = arith.constant 8 : i32
    %eq3A_1338 = arith.constant 0 : i32
    %eq3A_1339 = arith.cmpi eq, %jit3A_1337, %eq3A_1338 : i32
    %jit3A_1340 = arith.constant 1 : i32
    %select_n3A_1341 = arith.select %eq3A_1339, %jit3A_1340, %jit3A_1337 : i32
    %rem3A_1342 = arith.remsi %add3A_1312, %select_n3A_1341 : i32
    %ne3A_1343 = arith.constant 0 : i32
    %ne3A_1344 = arith.cmpi ne, %rem3A_1342, %ne3A_1343 : i32
    %lt3A_1345 = arith.constant 0 : i32
    %lt3A_1346 = arith.cmpi slt, %rem3A_1342, %lt3A_1345 : i32
    %lt3A_1347 = arith.constant 0 : i32
    %lt3A_1348 = arith.cmpi slt, %select_n3A_1341, %lt3A_1347 : i32
    %ne3A_1349 = arith.xori %lt3A_1346, %lt3A_1348 : i1
    %and3A_1350 = arith.andi %ne3A_1349, %ne3A_1344 : i1
    %add3A_1351 = arith.addi %rem3A_1342, %select_n3A_1341 : i32
    %select_n3A_1352 = arith.select %and3A_1350, %add3A_1351, %rem3A_1342 : i32
    %mul3A_1353 = arith.constant 8 : i32
    %mul3A_1354 = arith.muli %rem3A_1311, %mul3A_1353 : i32
    %rem3A_1355 = arith.constant 8 : i32
    %rem3A_1356 = arith.remsi %select_n3A_1336, %rem3A_1355 : i32
    %add3A_1357 = arith.addi %mul3A_1354, %rem3A_1356 : i32
    %scan3A_1358 = arith.constant 0 : i32
    %scan3A_1359 = arith.constant 0 : i32
    %scan3A_1360 = arith.constant 8 : i32
    %scan3A_1361 = arith.addi %scan3A_1359, %scan3A_1360 : i32
    %scan3A_1362 = arith.constant 1 : i32
    %scan3A_1363 = scf.for %scan3A_2740 = %scan3A_1359 to %scan3A_1361 step %scan3A_1362 iter_args(%scan3A_2741 = %scan3A_1358) -> (i32)  : i32 {
      %mul3A_2742 = arith.constant 16 : i32
      %mul3A_2743 = arith.muli %scan3A_2740, %mul3A_2742 : i32
      %mul3A_2744 = arith.constant 128 : i32
      %mul3A_2745 = arith.muli %rem3A_1311, %mul3A_2744 : i32
      %mul3A_2746 = arith.constant 16 : i32
      %mul3A_2747 = arith.muli %scan3A_2740, %mul3A_2746 : i32
      %add3A_2748 = arith.addi %mul3A_2745, %mul3A_2747 : i32
      %get3A_2749 = arith.index_cast %add3A_1357 : i32 to index
      %get3A_2750 = arith.index_cast %mul3A_2743 : i32 to index
      %get3A_2751 = tpu.vector_load %arg6[%get3A_2749, %get3A_2750] {strides = array<i32>} : memref<32x128xi32, #tpu.memory_space<vmem>>, vector<16xi32>,
      %shift_right_logical3A = arith.constant 14 : i32
      %shift_right_logical3A_2752 = vector.broadcast %shift_right_logical3A : i32 to vector<16xi32>
      %shift_right_logical3A_2753 = arith.shrui %get3A_2751, %shift_right_logical3A_2752 : vector<16xi32>
      %shift_left3A = arith.constant 13 : i32
      %shift_left3A_2754 = vector.broadcast %shift_left3A : i32 to vector<16xi32>
      %shift_left3A_2755 = arith.shli %shift_right_logical3A_2753, %shift_left3A_2754 : vector<16xi32>
      %and3A_2756 = arith.constant 8191 : i32
      %and3A_2757 = vector.broadcast %and3A_2756 : i32 to vector<16xi32>
      %and3A_2758 = arith.andi %get3A_2751, %and3A_2757 : vector<16xi32>
      %or3A = arith.ori %shift_left3A_2755, %and3A_2758 : vector<16xi32>
      %swap3A = arith.index_cast %add3A_2748 : i32 to index
      %swap3A_2759 = tpu.vector_load %arg7[%swap3A] {strides = array<i32>} : memref<512xi32, #tpu.memory_space<vmem>>, vector<16xi32>,
      tpu.vector_store %arg7[%swap3A], %or3A {strides = array<i32>} : memref<512xi32, #tpu.memory_space<vmem>>, vector<16xi32>,
      %and3A_2760 = arith.constant 8192 : i32
      %and3A_2761 = vector.broadcast %and3A_2760 : i32 to vector<16xi32>
      %and3A_2762 = arith.andi %get3A_2751, %and3A_2761 : vector<16xi32>
      %shift_right_logical3A_2763 = arith.constant 7 : i32
      %shift_right_logical3A_2764 = vector.broadcast %shift_right_logical3A_2763 : i32 to vector<16xi32>
      %shift_right_logical3A_2765 = arith.shrui %and3A_2762, %shift_right_logical3A_2764 : vector<16xi32>
      %swap3A_2766 = arith.index_cast %add3A_2748 : i32 to index
      %swap3A_2767 = tpu.vector_load %arg8[%swap3A_2766] {strides = array<i32>} : memref<512xi32, #tpu.memory_space<vmem>>, vector<16xi32>,
      tpu.vector_store %arg8[%swap3A_2766], %shift_right_logical3A_2765 {strides = array<i32>} : memref<512xi32, #tpu.memory_space<vmem>>, vector<16xi32>,
      %scan3A_2768 = arith.constant 0 : i32
      scf.yield %scan3A_2768 : i32
    }
    %scan3A_1364 = arith.constant 8 : i32
    %mul3A_1365 = arith.constant 128 : i32
    %mul3A_1366 = arith.muli %rem3A_1311, %mul3A_1365 : i32
    %add3A_1367 = arith.constant 0 : i32
    %add3A_1368 = arith.addi %mul3A_1366, %add3A_1367 : i32
    %mul3A_1369 = arith.constant 128 : i32
    %mul3A_1370 = arith.muli %rem3A_1311, %mul3A_1369 : i32
    %add3A_1371 = arith.constant 0 : i32
    %add3A_1372 = arith.addi %mul3A_1370, %add3A_1371 : i32
    %dma_start3A_1373 = arith.constant 0 : i32
    %dma_start3A_1374 = tpu.memref_slice %arg9[%add3A_1372, %dma_start3A_1373] : memref<512x128xf32, #tpu.memory_space<vmem>> -> memref<32x128xf32, #tpu.memory_space<vmem>>
    %dma_start3A_1375 = tpu.memref_slice %arg7[%add3A_1368] : memref<512xi32, #tpu.memory_space<vmem>> -> memref<32xi32, #tpu.memory_space<vmem>>
    %dma_start3A_1376 = arith.constant 0 : i32
    %dma_start3A_1377 = arith.constant 0 : i32
    %dma_start3A_1378 = tpu.memref_slice %arg2[%dma_start3A_1376, %dma_start3A_1377] : memref<507904x128xf32, #tpu.memory_space<hbm>> -> memref<507904x128xf32, #tpu.memory_space<hbm>>
    %dma_start3A_1379 = tpu.memref_slice %arg13[%rem3A_1311] : memref<4x!tpu.dma_semaphore, #tpu.memory_space<semaphore_mem>> -> memref<1x!tpu.dma_semaphore, #tpu.memory_space<semaphore_mem>>
    %dma_start3A_1380 = tpu.memref_squeeze %dma_start3A_1379 : memref<1x!tpu.dma_semaphore, #tpu.memory_space<semaphore_mem>> -> memref<!tpu.dma_semaphore, #tpu.memory_space<semaphore_mem>>
    tpu.enqueue_indirect_dma source(%dma_start3A_1378 : memref<507904x128xf32, #tpu.memory_space<hbm>>) target(%dma_start3A_1374 : memref<32x128xf32, #tpu.memory_space<vmem>>) offsets(%dma_start3A_1375 : memref<32xi32, #tpu.memory_space<vmem>>) semaphore(%dma_start3A_1380 : memref<!tpu.dma_semaphore, #tpu.memory_space<semaphore_mem>>)
    %mul3A_1381 = arith.constant 128 : i32
    %mul3A_1382 = arith.muli %rem3A_1311, %mul3A_1381 : i32
    %add3A_1383 = arith.constant 32 : i32
    %add3A_1384 = arith.addi %mul3A_1382, %add3A_1383 : i32
    %mul3A_1385 = arith.constant 128 : i32
    %mul3A_1386 = arith.muli %rem3A_1311, %mul3A_1385 : i32
    %add3A_1387 = arith.constant 32 : i32
    %add3A_1388 = arith.addi %mul3A_1386, %add3A_1387 : i32
    %dma_start3A_1389 = arith.constant 0 : i32
    %dma_start3A_1390 = tpu.memref_slice %arg9[%add3A_1388, %dma_start3A_1389] : memref<512x128xf32, #tpu.memory_space<vmem>> -> memref<32x128xf32, #tpu.memory_space<vmem>>
    %dma_start3A_1391 = tpu.memref_slice %arg7[%add3A_1384] : memref<512xi32, #tpu.memory_space<vmem>> -> memref<32xi32, #tpu.memory_space<vmem>>
    %dma_start3A_1392 = arith.constant 0 : i32
    %dma_start3A_1393 = arith.constant 0 : i32
    %dma_start3A_1394 = tpu.memref_slice %arg2[%dma_start3A_1392, %dma_start3A_1393] : memref<507904x128xf32, #tpu.memory_space<hbm>> -> memref<507904x128xf32, #tpu.memory_space<hbm>>
    %dma_start3A_1395 = tpu.memref_slice %arg13[%rem3A_1311] : memref<4x!tpu.dma_semaphore, #tpu.memory_space<semaphore_mem>> -> memref<1x!tpu.dma_semaphore, #tpu.memory_space<semaphore_mem>>
    %dma_start3A_1396 = tpu.memref_squeeze %dma_start3A_1395 : memref<1x!tpu.dma_semaphore, #tpu.memory_space<semaphore_mem>> -> memref<!tpu.dma_semaphore, #tpu.memory_space<semaphore_mem>>
    tpu.enqueue_indirect_dma source(%dma_start3A_1394 : memref<507904x128xf32, #tpu.memory_space<hbm>>) target(%dma_start3A_1390 : memref<32x128xf32, #tpu.memory_space<vmem>>) offsets(%dma_start3A_1391 : memref<32xi32, #tpu.memory_space<vmem>>) semaphore(%dma_start3A_1396 : memref<!tpu.dma_semaphore, #tpu.memory_space<semaphore_mem>>)
    %mul3A_1397 = arith.constant 128 : i32
    %mul3A_1398 = arith.muli %rem3A_1311, %mul3A_1397 : i32
    %add3A_1399 = arith.constant 64 : i32
    %add3A_1400 = arith.addi %mul3A_1398, %add3A_1399 : i32
    %mul3A_1401 = arith.constant 128 : i32
    %mul3A_1402 = arith.muli %rem3A_1311, %mul3A_1401 : i32
    %add3A_1403 = arith.constant 64 : i32
    %add3A_1404 = arith.addi %mul3A_1402, %add3A_1403 : i32
    %dma_start3A_1405 = arith.constant 0 : i32
    %dma_start3A_1406 = tpu.memref_slice %arg9[%add3A_1404, %dma_start3A_1405] : memref<512x128xf32, #tpu.memory_space<vmem>> -> memref<32x128xf32, #tpu.memory_space<vmem>>
    %dma_start3A_1407 = tpu.memref_slice %arg7[%add3A_1400] : memref<512xi32, #tpu.memory_space<vmem>> -> memref<32xi32, #tpu.memory_space<vmem>>
    %dma_start3A_1408 = arith.constant 0 : i32
    %dma_start3A_1409 = arith.constant 0 : i32
    %dma_start3A_1410 = tpu.memref_slice %arg2[%dma_start3A_1408, %dma_start3A_1409] : memref<507904x128xf32, #tpu.memory_space<hbm>> -> memref<507904x128xf32, #tpu.memory_space<hbm>>
    %dma_start3A_1411 = tpu.memref_slice %arg13[%rem3A_1311] : memref<4x!tpu.dma_semaphore, #tpu.memory_space<semaphore_mem>> -> memref<1x!tpu.dma_semaphore, #tpu.memory_space<semaphore_mem>>
    %dma_start3A_1412 = tpu.memref_squeeze %dma_start3A_1411 : memref<1x!tpu.dma_semaphore, #tpu.memory_space<semaphore_mem>> -> memref<!tpu.dma_semaphore, #tpu.memory_space<semaphore_mem>>
    tpu.enqueue_indirect_dma source(%dma_start3A_1410 : memref<507904x128xf32, #tpu.memory_space<hbm>>) target(%dma_start3A_1406 : memref<32x128xf32, #tpu.memory_space<vmem>>) offsets(%dma_start3A_1407 : memref<32xi32, #tpu.memory_space<vmem>>) semaphore(%dma_start3A_1412 : memref<!tpu.dma_semaphore, #tpu.memory_space<semaphore_mem>>)
    %mul3A_1413 = arith.constant 128 : i32
    %mul3A_1414 = arith.muli %rem3A_1311, %mul3A_1413 : i32
    %add3A_1415 = arith.constant 96 : i32
    %add3A_1416 = arith.addi %mul3A_1414, %add3A_1415 : i32
    %mul3A_1417 = arith.constant 128 : i32
    %mul3A_1418 = arith.muli %rem3A_1311, %mul3A_1417 : i32
    %add3A_1419 = arith.constant 96 : i32
    %add3A_1420 = arith.addi %mul3A_1418, %add3A_1419 : i32
    %dma_start3A_1421 = arith.constant 0 : i32
    %dma_start3A_1422 = tpu.memref_slice %arg9[%add3A_1420, %dma_start3A_1421] : memref<512x128xf32, #tpu.memory_space<vmem>> -> memref<32x128xf32, #tpu.memory_space<vmem>>
    %dma_start3A_1423 = tpu.memref_slice %arg7[%add3A_1416] : memref<512xi32, #tpu.memory_space<vmem>> -> memref<32xi32, #tpu.memory_space<vmem>>
    %dma_start3A_1424 = arith.constant 0 : i32
    %dma_start3A_1425 = arith.constant 0 : i32
    %dma_start3A_1426 = tpu.memref_slice %arg2[%dma_start3A_1424, %dma_start3A_1425] : memref<507904x128xf32, #tpu.memory_space<hbm>> -> memref<507904x128xf32, #tpu.memory_space<hbm>>
    %dma_start3A_1427 = tpu.memref_slice %arg13[%rem3A_1311] : memref<4x!tpu.dma_semaphore, #tpu.memory_space<semaphore_mem>> -> memref<1x!tpu.dma_semaphore, #tpu.memory_space<semaphore_mem>>
    %dma_start3A_1428 = tpu.memref_squeeze %dma_start3A_1427 : memref<1x!tpu.dma_semaphore, #tpu.memory_space<semaphore_mem>> -> memref<!tpu.dma_semaphore, #tpu.memory_space<semaphore_mem>>
    tpu.enqueue_indirect_dma source(%dma_start3A_1426 : memref<507904x128xf32, #tpu.memory_space<hbm>>) target(%dma_start3A_1422 : memref<32x128xf32, #tpu.memory_space<vmem>>) offsets(%dma_start3A_1423 : memref<32xi32, #tpu.memory_space<vmem>>) semaphore(%dma_start3A_1428 : memref<!tpu.dma_semaphore, #tpu.memory_space<semaphore_mem>>)
    %add3A_1429 = arith.constant 1 : i32
    %add3A_1430 = arith.constant 4 : i32
    %add3A_1431 = arith.addi %add3A_1429, %add3A_1430 : i32
    %min3A_1432 = arith.constant 49 : i32
    %min3A_1433 = arith.minsi %add3A_1431, %min3A_1432 : i32
    %add3A_1434 = arith.addi %mul3A_2, %min3A_1433 : i32
    %jit3A_1435 = arith.constant 8 : i32
    %div3A_1436 = arith.divsi %add3A_1434, %jit3A_1435 : i32
    %sign3A_1437 = arith.constant 0 : i32
    %sign3A_1438 = arith.cmpi sgt, %add3A_1434, %sign3A_1437 : i32
    %sign3A_1439 = arith.extui %sign3A_1438 : i1 to i32
    %sign3A_1440 = arith.constant 0 : i32
    %sign3A_1441 = arith.cmpi slt, %add3A_1434, %sign3A_1440 : i32
    %sign3A_1442 = arith.extui %sign3A_1441 : i1 to i32
    %sign3A_1443 = arith.subi %sign3A_1439, %sign3A_1442 : i32
    %sign3A_1444 = arith.constant 0 : i32
    %sign3A_1445 = arith.cmpi sgt, %jit3A_1435, %sign3A_1444 : i32
    %sign3A_1446 = arith.extui %sign3A_1445 : i1 to i32
    %sign3A_1447 = arith.constant 0 : i32
    %sign3A_1448 = arith.cmpi slt, %jit3A_1435, %sign3A_1447 : i32
    %sign3A_1449 = arith.extui %sign3A_1448 : i1 to i32
    %sign3A_1450 = arith.subi %sign3A_1446, %sign3A_1449 : i32
    %ne3A_1451 = arith.cmpi ne, %sign3A_1443, %sign3A_1450 : i32
    %rem3A_1452 = arith.remsi %add3A_1434, %jit3A_1435 : i32
    %ne3A_1453 = arith.constant 0 : i32
    %ne3A_1454 = arith.cmpi ne, %rem3A_1452, %ne3A_1453 : i32
    %and3A_1455 = arith.andi %ne3A_1451, %ne3A_1454 : i1
    %sub3A_1456 = arith.constant 1 : i32
    %sub3A_1457 = arith.subi %div3A_1436, %sub3A_1456 : i32
    %select_n3A_1458 = arith.select %and3A_1455, %sub3A_1457, %div3A_1436 : i32
    %jit3A_1459 = arith.constant 8 : i32
    %eq3A_1460 = arith.constant 0 : i32
    %eq3A_1461 = arith.cmpi eq, %jit3A_1459, %eq3A_1460 : i32
    %jit3A_1462 = arith.constant 1 : i32
    %select_n3A_1463 = arith.select %eq3A_1461, %jit3A_1462, %jit3A_1459 : i32
    %rem3A_1464 = arith.remsi %add3A_1434, %select_n3A_1463 : i32
    %ne3A_1465 = arith.constant 0 : i32
    %ne3A_1466 = arith.cmpi ne, %rem3A_1464, %ne3A_1465 : i32
    %lt3A_1467 = arith.constant 0 : i32
    %lt3A_1468 = arith.cmpi slt, %rem3A_1464, %lt3A_1467 : i32
    %lt3A_1469 = arith.constant 0 : i32
    %lt3A_1470 = arith.cmpi slt, %select_n3A_1463, %lt3A_1469 : i32
    %ne3A_1471 = arith.xori %lt3A_1468, %lt3A_1470 : i1
    %and3A_1472 = arith.andi %ne3A_1471, %ne3A_1466 : i1
    %add3A_1473 = arith.addi %rem3A_1464, %select_n3A_1463 : i32
    %select_n3A_1474 = arith.select %and3A_1472, %add3A_1473, %rem3A_1464 : i32
    %jit3A_1475 = arith.constant 8 : i32
    %div3A_1476 = arith.divsi %select_n3A_1458, %jit3A_1475 : i32
    %sign3A_1477 = arith.constant 0 : i32
    %sign3A_1478 = arith.cmpi sgt, %select_n3A_1458, %sign3A_1477 : i32
    %sign3A_1479 = arith.extui %sign3A_1478 : i1 to i32
    %sign3A_1480 = arith.constant 0 : i32
    %sign3A_1481 = arith.cmpi slt, %select_n3A_1458, %sign3A_1480 : i32
    %sign3A_1482 = arith.extui %sign3A_1481 : i1 to i32
    %sign3A_1483 = arith.subi %sign3A_1479, %sign3A_1482 : i32
    %sign3A_1484 = arith.constant 0 : i32
    %sign3A_1485 = arith.cmpi sgt, %jit3A_1475, %sign3A_1484 : i32
    %sign3A_1486 = arith.extui %sign3A_1485 : i1 to i32
    %sign3A_1487 = arith.constant 0 : i32
    %sign3A_1488 = arith.cmpi slt, %jit3A_1475, %sign3A_1487 : i32
    %sign3A_1489 = arith.extui %sign3A_1488 : i1 to i32
    %sign3A_1490 = arith.subi %sign3A_1486, %sign3A_1489 : i32
    %ne3A_1491 = arith.cmpi ne, %sign3A_1483, %sign3A_1490 : i32
    %rem3A_1492 = arith.remsi %select_n3A_1458, %jit3A_1475 : i32
    %ne3A_1493 = arith.constant 0 : i32
    %ne3A_1494 = arith.cmpi ne, %rem3A_1492, %ne3A_1493 : i32
    %and3A_1495 = arith.andi %ne3A_1491, %ne3A_1494 : i1
    %sub3A_1496 = arith.constant 1 : i32
    %sub3A_1497 = arith.subi %div3A_1476, %sub3A_1496 : i32
    %select_n3A_1498 = arith.select %and3A_1495, %sub3A_1497, %div3A_1476 : i32
    %mul3A_1499 = arith.constant 8 : i32
    %mul3A_1500 = arith.muli %select_n3A_1498, %mul3A_1499 : i32
    %rem3A_1501 = arith.constant 4 : i32
    %rem3A_1502 = arith.remsi %add3A_1431, %rem3A_1501 : i32
    %mul3A_1503 = arith.constant 128 : i32
    %mul3A_1504 = arith.muli %select_n3A_1474, %mul3A_1503 : i32
    %mul3A_1505 = arith.constant 8 : i32
    %mul3A_1506 = arith.muli %rem3A_1502, %mul3A_1505 : i32
    %dma_start3A_1507 = arith.constant 0 : i32
    %dma_start3A_1508 = tpu.memref_slice %arg6[%mul3A_1506, %dma_start3A_1507] : memref<32x128xi32, #tpu.memory_space<vmem>> -> memref<8x128xi32, #tpu.memory_space<vmem>>
    %dma_start3A_1509 = tpu.memref_slice %arg3[%mul3A_1500, %mul3A_1504] : memref<200x1024xi32, #tpu.memory_space<hbm>> -> memref<8x128xi32, #tpu.memory_space<hbm>>
    %dma_start3A_1510 = tpu.memref_slice %arg12[%rem3A_1502] : memref<4x!tpu.dma_semaphore, #tpu.memory_space<semaphore_mem>> -> memref<1x!tpu.dma_semaphore, #tpu.memory_space<semaphore_mem>>
    %dma_start3A_1511 = tpu.memref_squeeze %dma_start3A_1510 : memref<1x!tpu.dma_semaphore, #tpu.memory_space<semaphore_mem>> -> memref<!tpu.dma_semaphore, #tpu.memory_space<semaphore_mem>>
    %dma_start3A_1512 = arith.constant 0 : i32
    %dma_start3A_1513 = tpu.memref_slice %arg6[%mul3A_1506, %dma_start3A_1512] : memref<32x128xi32, #tpu.memory_space<vmem>> -> memref<8x128xi32, #tpu.memory_space<vmem>>
    %dma_start3A_1514 = tpu.memref_slice %arg3[%mul3A_1500, %mul3A_1504] : memref<200x1024xi32, #tpu.memory_space<hbm>> -> memref<8x128xi32, #tpu.memory_space<hbm>>
    tpu.enqueue_dma source(%dma_start3A_1514 : memref<8x128xi32, #tpu.memory_space<hbm>>) target(%dma_start3A_1513 : memref<8x128xi32, #tpu.memory_space<vmem>>) target_semaphore(%dma_start3A_1511 : memref<!tpu.dma_semaphore, #tpu.memory_space<semaphore_mem>>)
    %rem3A_1515 = arith.constant 1 : i32
    %rem3A_1516 = arith.constant 4 : i32
    %rem3A_1517 = arith.remsi %rem3A_1515, %rem3A_1516 : i32
    %dma_wait3A_1518 = arith.constant 0 : i32
    %dma_wait3A_1519 = arith.constant 0 : i32
    %dma_wait3A_1520 = tpu.memref_slice %arg9[%dma_wait3A_1518, %dma_wait3A_1519] : memref<512x128xf32, #tpu.memory_space<vmem>> -> memref<32x128xf32, #tpu.memory_space<vmem>>
    %dma_wait3A_1521 = arith.constant 0 : i32
    %dma_wait3A_1522 = arith.constant 0 : i32
    %dma_wait3A_1523 = tpu.memref_slice %arg2[%dma_wait3A_1521, %dma_wait3A_1522] : memref<507904x128xf32, #tpu.memory_space<hbm>> -> memref<32x128xf32, #tpu.memory_space<hbm>>
    %dma_wait3A_1524 = tpu.memref_slice %arg13[%rem3A_1517] : memref<4x!tpu.dma_semaphore, #tpu.memory_space<semaphore_mem>> -> memref<1x!tpu.dma_semaphore, #tpu.memory_space<semaphore_mem>>
    %dma_wait3A_1525 = tpu.memref_squeeze %dma_wait3A_1524 : memref<1x!tpu.dma_semaphore, #tpu.memory_space<semaphore_mem>> -> memref<!tpu.dma_semaphore, #tpu.memory_space<semaphore_mem>>
    %dma_wait3A_1526 = arith.constant 0 : i32
    %dma_wait3A_1527 = arith.constant 0 : i32
    %dma_wait3A_1528 = tpu.memref_slice %arg9[%dma_wait3A_1526, %dma_wait3A_1527] : memref<512x128xf32, #tpu.memory_space<vmem>> -> memref<32x128xf32, #tpu.memory_space<vmem>>
    %dma_wait3A_1529 = arith.constant 0 : i32
    %dma_wait3A_1530 = arith.constant 0 : i32
    %dma_wait3A_1531 = tpu.memref_slice %arg2[%dma_wait3A_1529, %dma_wait3A_1530] : memref<507904x128xf32, #tpu.memory_space<hbm>> -> memref<32x128xf32, #tpu.memory_space<hbm>>
    tpu.wait_dma2 semaphore(%dma_wait3A_1525 : memref<!tpu.dma_semaphore, #tpu.memory_space<semaphore_mem>>) src(%dma_wait3A_1531 : memref<32x128xf32, #tpu.memory_space<hbm>>) dst(%dma_wait3A_1528 : memref<32x128xf32, #tpu.memory_space<vmem>>)
    %dma_wait3A_1532 = arith.constant 0 : i32
    %dma_wait3A_1533 = arith.constant 0 : i32
    %dma_wait3A_1534 = tpu.memref_slice %arg9[%dma_wait3A_1532, %dma_wait3A_1533] : memref<512x128xf32, #tpu.memory_space<vmem>> -> memref<32x128xf32, #tpu.memory_space<vmem>>
    %dma_wait3A_1535 = arith.constant 0 : i32
    %dma_wait3A_1536 = arith.constant 0 : i32
    %dma_wait3A_1537 = tpu.memref_slice %arg2[%dma_wait3A_1535, %dma_wait3A_1536] : memref<507904x128xf32, #tpu.memory_space<hbm>> -> memref<32x128xf32, #tpu.memory_space<hbm>>
    %dma_wait3A_1538 = tpu.memref_slice %arg13[%rem3A_1517] : memref<4x!tpu.dma_semaphore, #tpu.memory_space<semaphore_mem>> -> memref<1x!tpu.dma_semaphore, #tpu.memory_space<semaphore_mem>>
    %dma_wait3A_1539 = tpu.memref_squeeze %dma_wait3A_1538 : memref<1x!tpu.dma_semaphore, #tpu.memory_space<semaphore_mem>> -> memref<!tpu.dma_semaphore, #tpu.memory_space<semaphore_mem>>
    %dma_wait3A_1540 = arith.constant 0 : i32
    %dma_wait3A_1541 = arith.constant 0 : i32
    %dma_wait3A_1542 = tpu.memref_slice %arg9[%dma_wait3A_1540, %dma_wait3A_1541] : memref<512x128xf32, #tpu.memory_space<vmem>> -> memref<32x128xf32, #tpu.memory_space<vmem>>
    %dma_wait3A_1543 = arith.constant 0 : i32
    %dma_wait3A_1544 = arith.constant 0 : i32
    %dma_wait3A_1545 = tpu.memref_slice %arg2[%dma_wait3A_1543, %dma_wait3A_1544] : memref<507904x128xf32, #tpu.memory_space<hbm>> -> memref<32x128xf32, #tpu.memory_space<hbm>>
    tpu.wait_dma2 semaphore(%dma_wait3A_1539 : memref<!tpu.dma_semaphore, #tpu.memory_space<semaphore_mem>>) src(%dma_wait3A_1545 : memref<32x128xf32, #tpu.memory_space<hbm>>) dst(%dma_wait3A_1542 : memref<32x128xf32, #tpu.memory_space<vmem>>)
    %dma_wait3A_1546 = arith.constant 0 : i32
    %dma_wait3A_1547 = arith.constant 0 : i32
    %dma_wait3A_1548 = tpu.memref_slice %arg9[%dma_wait3A_1546, %dma_wait3A_1547] : memref<512x128xf32, #tpu.memory_space<vmem>> -> memref<32x128xf32, #tpu.memory_space<vmem>>
    %dma_wait3A_1549 = arith.constant 0 : i32
    %dma_wait3A_1550 = arith.constant 0 : i32
    %dma_wait3A_1551 = tpu.memref_slice %arg2[%dma_wait3A_1549, %dma_wait3A_1550] : memref<507904x128xf32, #tpu.memory_space<hbm>> -> memref<32x128xf32, #tpu.memory_space<hbm>>
    %dma_wait3A_1552 = tpu.memref_slice %arg13[%rem3A_1517] : memref<4x!tpu.dma_semaphore, #tpu.memory_space<semaphore_mem>> -> memref<1x!tpu.dma_semaphore, #tpu.memory_space<semaphore_mem>>
    %dma_wait3A_1553 = tpu.memref_squeeze %dma_wait3A_1552 : memref<1x!tpu.dma_semaphore, #tpu.memory_space<semaphore_mem>> -> memref<!tpu.dma_semaphore, #tpu.memory_space<semaphore_mem>>
    %dma_wait3A_1554 = arith.constant 0 : i32
    %dma_wait3A_1555 = arith.constant 0 : i32
    %dma_wait3A_1556 = tpu.memref_slice %arg9[%dma_wait3A_1554, %dma_wait3A_1555] : memref<512x128xf32, #tpu.memory_space<vmem>> -> memref<32x128xf32, #tpu.memory_space<vmem>>
    %dma_wait3A_1557 = arith.constant 0 : i32
    %dma_wait3A_1558 = arith.constant 0 : i32
    %dma_wait3A_1559 = tpu.memref_slice %arg2[%dma_wait3A_1557, %dma_wait3A_1558] : memref<507904x128xf32, #tpu.memory_space<hbm>> -> memref<32x128xf32, #tpu.memory_space<hbm>>
    tpu.wait_dma2 semaphore(%dma_wait3A_1553 : memref<!tpu.dma_semaphore, #tpu.memory_space<semaphore_mem>>) src(%dma_wait3A_1559 : memref<32x128xf32, #tpu.memory_space<hbm>>) dst(%dma_wait3A_1556 : memref<32x128xf32, #tpu.memory_space<vmem>>)
    %dma_wait3A_1560 = arith.constant 0 : i32
    %dma_wait3A_1561 = arith.constant 0 : i32
    %dma_wait3A_1562 = tpu.memref_slice %arg9[%dma_wait3A_1560, %dma_wait3A_1561] : memref<512x128xf32, #tpu.memory_space<vmem>> -> memref<32x128xf32, #tpu.memory_space<vmem>>
    %dma_wait3A_1563 = arith.constant 0 : i32
    %dma_wait3A_1564 = arith.constant 0 : i32
    %dma_wait3A_1565 = tpu.memref_slice %arg2[%dma_wait3A_1563, %dma_wait3A_1564] : memref<507904x128xf32, #tpu.memory_space<hbm>> -> memref<32x128xf32, #tpu.memory_space<hbm>>
    %dma_wait3A_1566 = tpu.memref_slice %arg13[%rem3A_1517] : memref<4x!tpu.dma_semaphore, #tpu.memory_space<semaphore_mem>> -> memref<1x!tpu.dma_semaphore, #tpu.memory_space<semaphore_mem>>
    %dma_wait3A_1567 = tpu.memref_squeeze %dma_wait3A_1566 : memref<1x!tpu.dma_semaphore, #tpu.memory_space<semaphore_mem>> -> memref<!tpu.dma_semaphore, #tpu.memory_space<semaphore_mem>>
    %dma_wait3A_1568 = arith.constant 0 : i32
    %dma_wait3A_1569 = arith.constant 0 : i32
    %dma_wait3A_1570 = tpu.memref_slice %arg9[%dma_wait3A_1568, %dma_wait3A_1569] : memref<512x128xf32, #tpu.memory_space<vmem>> -> memref<32x128xf32, #tpu.memory_space<vmem>>
    %dma_wait3A_1571 = arith.constant 0 : i32
    %dma_wait3A_1572 = arith.constant 0 : i32
    %dma_wait3A_1573 = tpu.memref_slice %arg2[%dma_wait3A_1571, %dma_wait3A_1572] : memref<507904x128xf32, #tpu.memory_space<hbm>> -> memref<32x128xf32, #tpu.memory_space<hbm>>
    tpu.wait_dma2 semaphore(%dma_wait3A_1567 : memref<!tpu.dma_semaphore, #tpu.memory_space<semaphore_mem>>) src(%dma_wait3A_1573 : memref<32x128xf32, #tpu.memory_space<hbm>>) dst(%dma_wait3A_1570 : memref<32x128xf32, #tpu.memory_space<vmem>>)
    %rem3A_1574 = arith.constant 1 : i32
    %rem3A_1575 = arith.constant 4 : i32
    %rem3A_1576 = arith.remsi %rem3A_1574, %rem3A_1575 : i32
    %rem3A_1577 = arith.constant 1 : i32
    %rem3A_1578 = arith.constant 2 : i32
    %rem3A_1579 = arith.remsi %rem3A_1577, %rem3A_1578 : i32
    %add3A_1580 = arith.constant 1 : i32
    %add3A_1581 = arith.addi %mul3A_2, %add3A_1580 : i32
    %jit3A_1582 = arith.constant 8 : i32
    %div3A_1583 = arith.divsi %add3A_1581, %jit3A_1582 : i32
    %sign3A_1584 = arith.constant 0 : i32
    %sign3A_1585 = arith.cmpi sgt, %add3A_1581, %sign3A_1584 : i32
    %sign3A_1586 = arith.extui %sign3A_1585 : i1 to i32
    %sign3A_1587 = arith.constant 0 : i32
    %sign3A_1588 = arith.cmpi slt, %add3A_1581, %sign3A_1587 : i32
    %sign3A_1589 = arith.extui %sign3A_1588 : i1 to i32
    %sign3A_1590 = arith.subi %sign3A_1586, %sign3A_1589 : i32
    %sign3A_1591 = arith.constant 0 : i32
    %sign3A_1592 = arith.cmpi sgt, %jit3A_1582, %sign3A_1591 : i32
    %sign3A_1593 = arith.extui %sign3A_1592 : i1 to i32
    %sign3A_1594 = arith.constant 0 : i32
    %sign3A_1595 = arith.cmpi slt, %jit3A_1582, %sign3A_1594 : i32
    %sign3A_1596 = arith.extui %sign3A_1595 : i1 to i32
    %sign3A_1597 = arith.subi %sign3A_1593, %sign3A_1596 : i32
    %ne3A_1598 = arith.cmpi ne, %sign3A_1590, %sign3A_1597 : i32
    %rem3A_1599 = arith.remsi %add3A_1581, %jit3A_1582 : i32
    %ne3A_1600 = arith.constant 0 : i32
    %ne3A_1601 = arith.cmpi ne, %rem3A_1599, %ne3A_1600 : i32
    %and3A_1602 = arith.andi %ne3A_1598, %ne3A_1601 : i1
    %sub3A_1603 = arith.constant 1 : i32
    %sub3A_1604 = arith.subi %div3A_1583, %sub3A_1603 : i32
    %select_n3A_1605 = arith.select %and3A_1602, %sub3A_1604, %div3A_1583 : i32
    %jit3A_1606 = arith.constant 8 : i32
    %eq3A_1607 = arith.constant 0 : i32
    %eq3A_1608 = arith.cmpi eq, %jit3A_1606, %eq3A_1607 : i32
    %jit3A_1609 = arith.constant 1 : i32
    %select_n3A_1610 = arith.select %eq3A_1608, %jit3A_1609, %jit3A_1606 : i32
    %rem3A_1611 = arith.remsi %add3A_1581, %select_n3A_1610 : i32
    %ne3A_1612 = arith.constant 0 : i32
    %ne3A_1613 = arith.cmpi ne, %rem3A_1611, %ne3A_1612 : i32
    %lt3A_1614 = arith.constant 0 : i32
    %lt3A_1615 = arith.cmpi slt, %rem3A_1611, %lt3A_1614 : i32
    %lt3A_1616 = arith.constant 0 : i32
    %lt3A_1617 = arith.cmpi slt, %select_n3A_1610, %lt3A_1616 : i32
    %ne3A_1618 = arith.xori %lt3A_1615, %lt3A_1617 : i1
    %and3A_1619 = arith.andi %ne3A_1618, %ne3A_1613 : i1
    %add3A_1620 = arith.addi %rem3A_1611, %select_n3A_1610 : i32
    %select_n3A_1621 = arith.select %and3A_1619, %add3A_1620, %rem3A_1611 : i32
    %sub3A_1622 = arith.subi %select_n3A_1605, %mul3A_44 : i32
    %mul3A_1623 = arith.constant 64 : i32
    %mul3A_1624 = arith.muli %rem3A_1579, %mul3A_1623 : i32
    %mul3A_1625 = arith.constant 128 : i32
    %mul3A_1626 = arith.muli %rem3A_1576, %mul3A_1625 : i32
    %add3A_1627 = arith.constant 0 : i32
    %add3A_1628 = arith.addi %mul3A_1626, %add3A_1627 : i32
    %add3A_1629 = vector.broadcast %add3A_1628 : i32 to vector<16xi32>
    %add3A_1630 = arith.addi %iota3A, %add3A_1629 : vector<16xi32>
    %mul3A_1631 = arith.constant 128 : i32
    %mul3A_1632 = arith.muli %rem3A_1576, %mul3A_1631 : i32
    %add3A_1633 = arith.constant 16 : i32
    %add3A_1634 = arith.addi %mul3A_1632, %add3A_1633 : i32
    %add3A_1635 = vector.broadcast %add3A_1634 : i32 to vector<16xi32>
    %add3A_1636 = arith.addi %iota3A, %add3A_1635 : vector<16xi32>
    %mul3A_1637 = arith.constant 128 : i32
    %mul3A_1638 = arith.muli %rem3A_1576, %mul3A_1637 : i32
    %add3A_1639 = arith.constant 32 : i32
    %add3A_1640 = arith.addi %mul3A_1638, %add3A_1639 : i32
    %add3A_1641 = vector.broadcast %add3A_1640 : i32 to vector<16xi32>
    %add3A_1642 = arith.addi %iota3A, %add3A_1641 : vector<16xi32>
    %mul3A_1643 = arith.constant 128 : i32
    %mul3A_1644 = arith.muli %rem3A_1576, %mul3A_1643 : i32
    %add3A_1645 = arith.constant 48 : i32
    %add3A_1646 = arith.addi %mul3A_1644, %add3A_1645 : i32
    %add3A_1647 = vector.broadcast %add3A_1646 : i32 to vector<16xi32>
    %add3A_1648 = arith.addi %iota3A, %add3A_1647 : vector<16xi32>
    %mul3A_1649 = arith.constant 128 : i32
    %mul3A_1650 = arith.muli %rem3A_1576, %mul3A_1649 : i32
    %add3A_1651 = arith.constant 64 : i32
    %add3A_1652 = arith.addi %mul3A_1650, %add3A_1651 : i32
    %add3A_1653 = vector.broadcast %add3A_1652 : i32 to vector<16xi32>
    %add3A_1654 = arith.addi %iota3A, %add3A_1653 : vector<16xi32>
    %mul3A_1655 = arith.constant 128 : i32
    %mul3A_1656 = arith.muli %rem3A_1576, %mul3A_1655 : i32
    %add3A_1657 = arith.constant 80 : i32
    %add3A_1658 = arith.addi %mul3A_1656, %add3A_1657 : i32
    %add3A_1659 = vector.broadcast %add3A_1658 : i32 to vector<16xi32>
    %add3A_1660 = arith.addi %iota3A, %add3A_1659 : vector<16xi32>
    %mul3A_1661 = arith.constant 128 : i32
    %mul3A_1662 = arith.muli %rem3A_1576, %mul3A_1661 : i32
    %add3A_1663 = arith.constant 96 : i32
    %add3A_1664 = arith.addi %mul3A_1662, %add3A_1663 : i32
    %add3A_1665 = vector.broadcast %add3A_1664 : i32 to vector<16xi32>
    %add3A_1666 = arith.addi %iota3A, %add3A_1665 : vector<16xi32>
    %mul3A_1667 = arith.constant 128 : i32
    %mul3A_1668 = arith.muli %rem3A_1576, %mul3A_1667 : i32
    %add3A_1669 = arith.constant 112 : i32
    %add3A_1670 = arith.addi %mul3A_1668, %add3A_1669 : i32
    %add3A_1671 = vector.broadcast %add3A_1670 : i32 to vector<16xi32>
    %add3A_1672 = arith.addi %iota3A, %add3A_1671 : vector<16xi32>
    %mul3A_1673 = arith.constant 128 : i32
    %mul3A_1674 = arith.muli %rem3A_1576, %mul3A_1673 : i32
    %add3A_1675 = arith.constant 0 : i32
    %add3A_1676 = arith.addi %mul3A_1674, %add3A_1675 : i32
    %get3A_1677 = arith.index_cast %add3A_1676 : i32 to index
    %get3A_1678 = tpu.vector_load %arg8[%get3A_1677] {strides = array<i32>} : memref<512xi32, #tpu.memory_space<vmem>>, vector<16xi32>,
    %mul3A_1679 = arith.constant 128 : i32
    %mul3A_1680 = arith.muli %rem3A_1576, %mul3A_1679 : i32
    %add3A_1681 = arith.constant 16 : i32
    %add3A_1682 = arith.addi %mul3A_1680, %add3A_1681 : i32
    %get3A_1683 = arith.index_cast %add3A_1682 : i32 to index
    %get3A_1684 = tpu.vector_load %arg8[%get3A_1683] {strides = array<i32>} : memref<512xi32, #tpu.memory_space<vmem>>, vector<16xi32>,
    %mul3A_1685 = arith.constant 128 : i32
    %mul3A_1686 = arith.muli %rem3A_1576, %mul3A_1685 : i32
    %add3A_1687 = arith.constant 32 : i32
    %add3A_1688 = arith.addi %mul3A_1686, %add3A_1687 : i32
    %get3A_1689 = arith.index_cast %add3A_1688 : i32 to index
    %get3A_1690 = tpu.vector_load %arg8[%get3A_1689] {strides = array<i32>} : memref<512xi32, #tpu.memory_space<vmem>>, vector<16xi32>,
    %mul3A_1691 = arith.constant 128 : i32
    %mul3A_1692 = arith.muli %rem3A_1576, %mul3A_1691 : i32
    %add3A_1693 = arith.constant 48 : i32
    %add3A_1694 = arith.addi %mul3A_1692, %add3A_1693 : i32
    %get3A_1695 = arith.index_cast %add3A_1694 : i32 to index
    %get3A_1696 = tpu.vector_load %arg8[%get3A_1695] {strides = array<i32>} : memref<512xi32, #tpu.memory_space<vmem>>, vector<16xi32>,
    %mul3A_1697 = arith.constant 128 : i32
    %mul3A_1698 = arith.muli %rem3A_1576, %mul3A_1697 : i32
    %add3A_1699 = arith.constant 64 : i32
    %add3A_1700 = arith.addi %mul3A_1698, %add3A_1699 : i32
    %get3A_1701 = arith.index_cast %add3A_1700 : i32 to index
    %get3A_1702 = tpu.vector_load %arg8[%get3A_1701] {strides = array<i32>} : memref<512xi32, #tpu.memory_space<vmem>>, vector<16xi32>,
    %mul3A_1703 = arith.constant 128 : i32
    %mul3A_1704 = arith.muli %rem3A_1576, %mul3A_1703 : i32
    %add3A_1705 = arith.constant 80 : i32
    %add3A_1706 = arith.addi %mul3A_1704, %add3A_1705 : i32
    %get3A_1707 = arith.index_cast %add3A_1706 : i32 to index
    %get3A_1708 = tpu.vector_load %arg8[%get3A_1707] {strides = array<i32>} : memref<512xi32, #tpu.memory_space<vmem>>, vector<16xi32>,
    %mul3A_1709 = arith.constant 128 : i32
    %mul3A_1710 = arith.muli %rem3A_1576, %mul3A_1709 : i32
    %add3A_1711 = arith.constant 96 : i32
    %add3A_1712 = arith.addi %mul3A_1710, %add3A_1711 : i32
    %get3A_1713 = arith.index_cast %add3A_1712 : i32 to index
    %get3A_1714 = tpu.vector_load %arg8[%get3A_1713] {strides = array<i32>} : memref<512xi32, #tpu.memory_space<vmem>>, vector<16xi32>,
    %mul3A_1715 = arith.constant 128 : i32
    %mul3A_1716 = arith.muli %rem3A_1576, %mul3A_1715 : i32
    %add3A_1717 = arith.constant 112 : i32
    %add3A_1718 = arith.addi %mul3A_1716, %add3A_1717 : i32
    %get3A_1719 = arith.index_cast %add3A_1718 : i32 to index
    %get3A_1720 = tpu.vector_load %arg8[%get3A_1719] {strides = array<i32>} : memref<512xi32, #tpu.memory_space<vmem>>, vector<16xi32>,
    %scan3A_1721 = arith.constant 8.000000e+00 : f32
    %scan3A_1722 = arith.constant 0 : i32
    %scan3A_1723 = arith.constant 0 : i32
    %scan3A_1724 = arith.constant 64 : i32
    %scan3A_1725 = arith.addi %scan3A_1723, %scan3A_1724 : i32
    %scan3A_1726 = arith.constant 1 : i32
    %scan3A_1727 = scf.for %scan3A_2740 = %scan3A_1723 to %scan3A_1725 step %scan3A_1726 iter_args(%scan3A_2741 = %scan3A_1722) -> (i32)  : i32 {
      %mul3A_2742 = arith.constant 16 : i32
      %mul3A_2743 = arith.muli %scan3A_2740, %mul3A_2742 : i32
      %get3A_2744 = arith.index_cast %sub3A_1622 : i32 to index
      %get3A_2745 = arith.index_cast %mul3A_2743 : i32 to index
      %get3A_2746 = tpu.vector_load %arg10[%get3A_2744, %get3A_2745] {strides = array<i32>} : memref<16x1024xf32, #tpu.memory_space<vmem>>, vector<16xf32>,
      %add3A_2747 = arith.addi %mul3A_1624, %scan3A_2740 : i32
      %add3A_2748 = vector.broadcast %scan3A_2740 : i32 to vector<16xi32>
      %add3A_2749 = arith.addi %get3A_1678, %add3A_2748 : vector<16xi32>
      %gather3A = tpu.vector_load_idx %arg9[%add3A_1630, %add3A_2749] : memref<512x128xf32, #tpu.memory_space<vmem>>[vector<16xi32>, vector<16xi32>], vector<16xf32>,
      %mul3A_2750 = vector.broadcast %scan3A_1721 : f32 to vector<16xf32>
      %mul3A_2751 = arith.mulf %gather3A, %mul3A_2750 : vector<16xf32>
      %add3A_2752 = arith.addf %mul3A_2751, %get3A_2746 : vector<16xf32>
      %swap3A = arith.index_cast %add3A_2747 : i32 to index
      %swap3A_2753 = arith.constant 0 : index
      %swap3A_2754 = tpu.vector_load %arg11[%swap3A, %swap3A_2753] {strides = array<i32>} : memref<128x128xf32, #tpu.memory_space<vmem>>, vector<16xf32>,
      tpu.vector_store %arg11[%swap3A, %swap3A_2753], %add3A_2752 {strides = array<i32>} : memref<128x128xf32, #tpu.memory_space<vmem>>, vector<16xf32>,
      %add3A_2755 = vector.broadcast %scan3A_2740 : i32 to vector<16xi32>
      %add3A_2756 = arith.addi %get3A_1684, %add3A_2755 : vector<16xi32>
      %gather3A_2757 = tpu.vector_load_idx %arg9[%add3A_1636, %add3A_2756] : memref<512x128xf32, #tpu.memory_space<vmem>>[vector<16xi32>, vector<16xi32>], vector<16xf32>,
      %mul3A_2758 = vector.broadcast %scan3A_1721 : f32 to vector<16xf32>
      %mul3A_2759 = arith.mulf %gather3A_2757, %mul3A_2758 : vector<16xf32>
      %add3A_2760 = arith.addf %mul3A_2759, %get3A_2746 : vector<16xf32>
      %swap3A_2761 = arith.index_cast %add3A_2747 : i32 to index
      %swap3A_2762 = arith.constant 16 : index
      %swap3A_2763 = tpu.vector_load %arg11[%swap3A_2761, %swap3A_2762] {strides = array<i32>} : memref<128x128xf32, #tpu.memory_space<vmem>>, vector<16xf32>,
      tpu.vector_store %arg11[%swap3A_2761, %swap3A_2762], %add3A_2760 {strides = array<i32>} : memref<128x128xf32, #tpu.memory_space<vmem>>, vector<16xf32>,
      %add3A_2764 = vector.broadcast %scan3A_2740 : i32 to vector<16xi32>
      %add3A_2765 = arith.addi %get3A_1690, %add3A_2764 : vector<16xi32>
      %gather3A_2766 = tpu.vector_load_idx %arg9[%add3A_1642, %add3A_2765] : memref<512x128xf32, #tpu.memory_space<vmem>>[vector<16xi32>, vector<16xi32>], vector<16xf32>,
      %mul3A_2767 = vector.broadcast %scan3A_1721 : f32 to vector<16xf32>
      %mul3A_2768 = arith.mulf %gather3A_2766, %mul3A_2767 : vector<16xf32>
      %add3A_2769 = arith.addf %mul3A_2768, %get3A_2746 : vector<16xf32>
      %swap3A_2770 = arith.index_cast %add3A_2747 : i32 to index
      %swap3A_2771 = arith.constant 32 : index
      %swap3A_2772 = tpu.vector_load %arg11[%swap3A_2770, %swap3A_2771] {strides = array<i32>} : memref<128x128xf32, #tpu.memory_space<vmem>>, vector<16xf32>,
      tpu.vector_store %arg11[%swap3A_2770, %swap3A_2771], %add3A_2769 {strides = array<i32>} : memref<128x128xf32, #tpu.memory_space<vmem>>, vector<16xf32>,
      %add3A_2773 = vector.broadcast %scan3A_2740 : i32 to vector<16xi32>
      %add3A_2774 = arith.addi %get3A_1696, %add3A_2773 : vector<16xi32>
      %gather3A_2775 = tpu.vector_load_idx %arg9[%add3A_1648, %add3A_2774] : memref<512x128xf32, #tpu.memory_space<vmem>>[vector<16xi32>, vector<16xi32>], vector<16xf32>,
      %mul3A_2776 = vector.broadcast %scan3A_1721 : f32 to vector<16xf32>
      %mul3A_2777 = arith.mulf %gather3A_2775, %mul3A_2776 : vector<16xf32>
      %add3A_2778 = arith.addf %mul3A_2777, %get3A_2746 : vector<16xf32>
      %swap3A_2779 = arith.index_cast %add3A_2747 : i32 to index
      %swap3A_2780 = arith.constant 48 : index
      %swap3A_2781 = tpu.vector_load %arg11[%swap3A_2779, %swap3A_2780] {strides = array<i32>} : memref<128x128xf32, #tpu.memory_space<vmem>>, vector<16xf32>,
      tpu.vector_store %arg11[%swap3A_2779, %swap3A_2780], %add3A_2778 {strides = array<i32>} : memref<128x128xf32, #tpu.memory_space<vmem>>, vector<16xf32>,
      %add3A_2782 = vector.broadcast %scan3A_2740 : i32 to vector<16xi32>
      %add3A_2783 = arith.addi %get3A_1702, %add3A_2782 : vector<16xi32>
      %gather3A_2784 = tpu.vector_load_idx %arg9[%add3A_1654, %add3A_2783] : memref<512x128xf32, #tpu.memory_space<vmem>>[vector<16xi32>, vector<16xi32>], vector<16xf32>,
      %mul3A_2785 = vector.broadcast %scan3A_1721 : f32 to vector<16xf32>
      %mul3A_2786 = arith.mulf %gather3A_2784, %mul3A_2785 : vector<16xf32>
      %add3A_2787 = arith.addf %mul3A_2786, %get3A_2746 : vector<16xf32>
      %swap3A_2788 = arith.index_cast %add3A_2747 : i32 to index
      %swap3A_2789 = arith.constant 64 : index
      %swap3A_2790 = tpu.vector_load %arg11[%swap3A_2788, %swap3A_2789] {strides = array<i32>} : memref<128x128xf32, #tpu.memory_space<vmem>>, vector<16xf32>,
      tpu.vector_store %arg11[%swap3A_2788, %swap3A_2789], %add3A_2787 {strides = array<i32>} : memref<128x128xf32, #tpu.memory_space<vmem>>, vector<16xf32>,
      %add3A_2791 = vector.broadcast %scan3A_2740 : i32 to vector<16xi32>
      %add3A_2792 = arith.addi %get3A_1708, %add3A_2791 : vector<16xi32>
      %gather3A_2793 = tpu.vector_load_idx %arg9[%add3A_1660, %add3A_2792] : memref<512x128xf32, #tpu.memory_space<vmem>>[vector<16xi32>, vector<16xi32>], vector<16xf32>,
      %mul3A_2794 = vector.broadcast %scan3A_1721 : f32 to vector<16xf32>
      %mul3A_2795 = arith.mulf %gather3A_2793, %mul3A_2794 : vector<16xf32>
      %add3A_2796 = arith.addf %mul3A_2795, %get3A_2746 : vector<16xf32>
      %swap3A_2797 = arith.index_cast %add3A_2747 : i32 to index
      %swap3A_2798 = arith.constant 80 : index
      %swap3A_2799 = tpu.vector_load %arg11[%swap3A_2797, %swap3A_2798] {strides = array<i32>} : memref<128x128xf32, #tpu.memory_space<vmem>>, vector<16xf32>,
      tpu.vector_store %arg11[%swap3A_2797, %swap3A_2798], %add3A_2796 {strides = array<i32>} : memref<128x128xf32, #tpu.memory_space<vmem>>, vector<16xf32>,
      %add3A_2800 = vector.broadcast %scan3A_2740 : i32 to vector<16xi32>
      %add3A_2801 = arith.addi %get3A_1714, %add3A_2800 : vector<16xi32>
      %gather3A_2802 = tpu.vector_load_idx %arg9[%add3A_1666, %add3A_2801] : memref<512x128xf32, #tpu.memory_space<vmem>>[vector<16xi32>, vector<16xi32>], vector<16xf32>,
      %mul3A_2803 = vector.broadcast %scan3A_1721 : f32 to vector<16xf32>
      %mul3A_2804 = arith.mulf %gather3A_2802, %mul3A_2803 : vector<16xf32>
      %add3A_2805 = arith.addf %mul3A_2804, %get3A_2746 : vector<16xf32>
      %swap3A_2806 = arith.index_cast %add3A_2747 : i32 to index
      %swap3A_2807 = arith.constant 96 : index
      %swap3A_2808 = tpu.vector_load %arg11[%swap3A_2806, %swap3A_2807] {strides = array<i32>} : memref<128x128xf32, #tpu.memory_space<vmem>>, vector<16xf32>,
      tpu.vector_store %arg11[%swap3A_2806, %swap3A_2807], %add3A_2805 {strides = array<i32>} : memref<128x128xf32, #tpu.memory_space<vmem>>, vector<16xf32>,
      %add3A_2809 = vector.broadcast %scan3A_2740 : i32 to vector<16xi32>
      %add3A_2810 = arith.addi %get3A_1720, %add3A_2809 : vector<16xi32>
      %gather3A_2811 = tpu.vector_load_idx %arg9[%add3A_1672, %add3A_2810] : memref<512x128xf32, #tpu.memory_space<vmem>>[vector<16xi32>, vector<16xi32>], vector<16xf32>,
      %mul3A_2812 = vector.broadcast %scan3A_1721 : f32 to vector<16xf32>
      %mul3A_2813 = arith.mulf %gather3A_2811, %mul3A_2812 : vector<16xf32>
      %add3A_2814 = arith.addf %mul3A_2813, %get3A_2746 : vector<16xf32>
      %swap3A_2815 = arith.index_cast %add3A_2747 : i32 to index
      %swap3A_2816 = arith.constant 112 : index
      %swap3A_2817 = tpu.vector_load %arg11[%swap3A_2815, %swap3A_2816] {strides = array<i32>} : memref<128x128xf32, #tpu.memory_space<vmem>>, vector<16xf32>,
      tpu.vector_store %arg11[%swap3A_2815, %swap3A_2816], %add3A_2814 {strides = array<i32>} : memref<128x128xf32, #tpu.memory_space<vmem>>, vector<16xf32>,
      %scan3A_2818 = arith.constant 0 : i32
      scf.yield %scan3A_2818 : i32
    }
    %scan3A_1728 = arith.constant 64 : i32
    %rem3A_1729 = arith.constant 1 : i32
    %rem3A_1730 = arith.constant 2 : i32
    %rem3A_1731 = arith.remsi %rem3A_1729, %rem3A_1730 : i32
    %add3A_1732 = arith.constant 1 : i32
    %add3A_1733 = arith.addi %mul3A_2, %add3A_1732 : i32
    %jit3A_1734 = arith.constant 8 : i32
    %div3A_1735 = arith.divsi %add3A_1733, %jit3A_1734 : i32
    %sign3A_1736 = arith.constant 0 : i32
    %sign3A_1737 = arith.cmpi sgt, %add3A_1733, %sign3A_1736 : i32
    %sign3A_1738 = arith.extui %sign3A_1737 : i1 to i32
    %sign3A_1739 = arith.constant 0 : i32
    %sign3A_1740 = arith.cmpi slt, %add3A_1733, %sign3A_1739 : i32
    %sign3A_1741 = arith.extui %sign3A_1740 : i1 to i32
    %sign3A_1742 = arith.subi %sign3A_1738, %sign3A_1741 : i32
    %sign3A_1743 = arith.constant 0 : i32
    %sign3A_1744 = arith.cmpi sgt, %jit3A_1734, %sign3A_1743 : i32
    %sign3A_1745 = arith.extui %sign3A_1744 : i1 to i32
    %sign3A_1746 = arith.constant 0 : i32
    %sign3A_1747 = arith.cmpi slt, %jit3A_1734, %sign3A_1746 : i32
    %sign3A_1748 = arith.extui %sign3A_1747 : i1 to i32
    %sign3A_1749 = arith.subi %sign3A_1745, %sign3A_1748 : i32
    %ne3A_1750 = arith.cmpi ne, %sign3A_1742, %sign3A_1749 : i32
    %rem3A_1751 = arith.remsi %add3A_1733, %jit3A_1734 : i32
    %ne3A_1752 = arith.constant 0 : i32
    %ne3A_1753 = arith.cmpi ne, %rem3A_1751, %ne3A_1752 : i32
    %and3A_1754 = arith.andi %ne3A_1750, %ne3A_1753 : i1
    %sub3A_1755 = arith.constant 1 : i32
    %sub3A_1756 = arith.subi %div3A_1735, %sub3A_1755 : i32
    %select_n3A_1757 = arith.select %and3A_1754, %sub3A_1756, %div3A_1735 : i32
    %jit3A_1758 = arith.constant 8 : i32
    %eq3A_1759 = arith.constant 0 : i32
    %eq3A_1760 = arith.cmpi eq, %jit3A_1758, %eq3A_1759 : i32
    %jit3A_1761 = arith.constant 1 : i32
    %select_n3A_1762 = arith.select %eq3A_1760, %jit3A_1761, %jit3A_1758 : i32
    %rem3A_1763 = arith.remsi %add3A_1733, %select_n3A_1762 : i32
    %ne3A_1764 = arith.constant 0 : i32
    %ne3A_1765 = arith.cmpi ne, %rem3A_1763, %ne3A_1764 : i32
    %lt3A_1766 = arith.constant 0 : i32
    %lt3A_1767 = arith.cmpi slt, %rem3A_1763, %lt3A_1766 : i32
    %lt3A_1768 = arith.constant 0 : i32
    %lt3A_1769 = arith.cmpi slt, %select_n3A_1762, %lt3A_1768 : i32
    %ne3A_1770 = arith.xori %lt3A_1767, %lt3A_1769 : i1
    %and3A_1771 = arith.andi %ne3A_1770, %ne3A_1765 : i1
    %add3A_1772 = arith.addi %rem3A_1763, %select_n3A_1762 : i32
    %select_n3A_1773 = arith.select %and3A_1771, %add3A_1772, %rem3A_1763 : i32
    %mul3A_1774 = arith.constant 64 : i32
    %mul3A_1775 = arith.muli %rem3A_1731, %mul3A_1774 : i32
    %mul3A_1776 = arith.constant 128 : i32
    %mul3A_1777 = arith.muli %select_n3A_1773, %mul3A_1776 : i32
    %dma_start3A_1778 = arith.constant 0 : i32
    %dma_start3A_1779 = tpu.memref_slice %arg11[%mul3A_1775, %dma_start3A_1778] : memref<128x128xf32, #tpu.memory_space<vmem>> -> memref<64x128xf32, #tpu.memory_space<vmem>>
    %dma_start3A_1780 = arith.constant 0 : i32
    %dma_start3A_1781 = tpu.memref_slice %arg5[%select_n3A_1757, %dma_start3A_1780, %mul3A_1777] : memref<200x64x1024xf32, #tpu.memory_space<hbm>> -> memref<1x64x128xf32, #tpu.memory_space<hbm>>
    %dma_start3A_1782 = tpu.memref_squeeze %dma_start3A_1781 : memref<1x64x128xf32, #tpu.memory_space<hbm>> -> memref<64x128xf32, #tpu.memory_space<hbm>>
    %dma_start3A_1783 = tpu.memref_slice %arg14[%rem3A_1731] : memref<2x!tpu.dma_semaphore, #tpu.memory_space<semaphore_mem>> -> memref<1x!tpu.dma_semaphore, #tpu.memory_space<semaphore_mem>>
    %dma_start3A_1784 = tpu.memref_squeeze %dma_start3A_1783 : memref<1x!tpu.dma_semaphore, #tpu.memory_space<semaphore_mem>> -> memref<!tpu.dma_semaphore, #tpu.memory_space<semaphore_mem>>
    %dma_start3A_1785 = arith.constant 0 : i32
    %dma_start3A_1786 = tpu.memref_slice %arg5[%select_n3A_1757, %dma_start3A_1785, %mul3A_1777] : memref<200x64x1024xf32, #tpu.memory_space<hbm>> -> memref<1x64x128xf32, #tpu.memory_space<hbm>>
    %dma_start3A_1787 = tpu.memref_squeeze %dma_start3A_1786 : memref<1x64x128xf32, #tpu.memory_space<hbm>> -> memref<64x128xf32, #tpu.memory_space<hbm>>
    %dma_start3A_1788 = arith.constant 0 : i32
    %dma_start3A_1789 = tpu.memref_slice %arg11[%mul3A_1775, %dma_start3A_1788] : memref<128x128xf32, #tpu.memory_space<vmem>> -> memref<64x128xf32, #tpu.memory_space<vmem>>
    tpu.enqueue_dma source(%dma_start3A_1789 : memref<64x128xf32, #tpu.memory_space<vmem>>) target(%dma_start3A_1787 : memref<64x128xf32, #tpu.memory_space<hbm>>) target_semaphore(%dma_start3A_1784 : memref<!tpu.dma_semaphore, #tpu.memory_space<semaphore_mem>>)
    %scan3A_1790 = arith.constant 8.000000e+00 : f32
    %scan3A_1791 = arith.constant 0 : i32
    %scan3A_1792 = arith.constant 2 : i32
    %scan3A_1793 = arith.constant 45 : i32
    %scan3A_1794 = arith.addi %scan3A_1792, %scan3A_1793 : i32
    %scan3A_1795 = arith.constant 1 : i32
    %scan3A_1796 = scf.for %scan3A_2740 = %scan3A_1792 to %scan3A_1794 step %scan3A_1795 iter_args(%scan3A_2741 = %scan3A_1791) -> (i32)  : i32 {
      %add3A_2742 = arith.constant 3 : i32
      %add3A_2743 = arith.addi %scan3A_2740, %add3A_2742 : i32
      %rem3A_2744 = arith.constant 4 : i32
      %rem3A_2745 = arith.remsi %add3A_2743, %rem3A_2744 : i32
      %rem3A_2746 = arith.constant 2 : i32
      %rem3A_2747 = arith.remsi %scan3A_2740, %rem3A_2746 : i32
      %dma_wait3A_2748 = arith.constant 0 : i32
      %dma_wait3A_2749 = arith.constant 0 : i32
      %dma_wait3A_2750 = arith.constant 0 : i32
      %dma_wait3A_2751 = tpu.memref_slice %arg11[%dma_wait3A_2749, %dma_wait3A_2750] : memref<128x128xf32, #tpu.memory_space<vmem>> -> memref<64x128xf32, #tpu.memory_space<vmem>>
      %dma_wait3A_2752 = arith.constant 0 : i32
      %dma_wait3A_2753 = arith.constant 0 : i32
      %dma_wait3A_2754 = tpu.memref_slice %arg5[%dma_wait3A_2748, %dma_wait3A_2752, %dma_wait3A_2753] : memref<200x64x1024xf32, #tpu.memory_space<hbm>> -> memref<1x64x128xf32, #tpu.memory_space<hbm>>
      %dma_wait3A_2755 = tpu.memref_squeeze %dma_wait3A_2754 : memref<1x64x128xf32, #tpu.memory_space<hbm>> -> memref<64x128xf32, #tpu.memory_space<hbm>>
      %dma_wait3A_2756 = tpu.memref_slice %arg14[%rem3A_2747] : memref<2x!tpu.dma_semaphore, #tpu.memory_space<semaphore_mem>> -> memref<1x!tpu.dma_semaphore, #tpu.memory_space<semaphore_mem>>
      %dma_wait3A_2757 = tpu.memref_squeeze %dma_wait3A_2756 : memref<1x!tpu.dma_semaphore, #tpu.memory_space<semaphore_mem>> -> memref<!tpu.dma_semaphore, #tpu.memory_space<semaphore_mem>>
      %dma_wait3A_2758 = arith.constant 0 : i32
      %dma_wait3A_2759 = arith.constant 0 : i32
      %dma_wait3A_2760 = tpu.memref_slice %arg5[%dma_wait3A_2748, %dma_wait3A_2758, %dma_wait3A_2759] : memref<200x64x1024xf32, #tpu.memory_space<hbm>> -> memref<1x64x128xf32, #tpu.memory_space<hbm>>
      %dma_wait3A_2761 = tpu.memref_squeeze %dma_wait3A_2760 : memref<1x64x128xf32, #tpu.memory_space<hbm>> -> memref<64x128xf32, #tpu.memory_space<hbm>>
      %dma_wait3A_2762 = arith.constant 0 : i32
      %dma_wait3A_2763 = arith.constant 0 : i32
      %dma_wait3A_2764 = tpu.memref_slice %arg11[%dma_wait3A_2762, %dma_wait3A_2763] : memref<128x128xf32, #tpu.memory_space<vmem>> -> memref<64x128xf32, #tpu.memory_space<vmem>>
      tpu.wait_dma2 semaphore(%dma_wait3A_2757 : memref<!tpu.dma_semaphore, #tpu.memory_space<semaphore_mem>>) src(%dma_wait3A_2764 : memref<64x128xf32, #tpu.memory_space<vmem>>) dst(%dma_wait3A_2761 : memref<64x128xf32, #tpu.memory_space<hbm>>)
      %dma_wait3A_2765 = arith.constant 0 : i32
      %dma_wait3A_2766 = arith.constant 0 : i32
      %dma_wait3A_2767 = tpu.memref_slice %arg6[%dma_wait3A_2765, %dma_wait3A_2766] : memref<32x128xi32, #tpu.memory_space<vmem>> -> memref<8x128xi32, #tpu.memory_space<vmem>>
      %dma_wait3A_2768 = arith.constant 0 : i32
      %dma_wait3A_2769 = arith.constant 0 : i32
      %dma_wait3A_2770 = tpu.memref_slice %arg3[%dma_wait3A_2768, %dma_wait3A_2769] : memref<200x1024xi32, #tpu.memory_space<hbm>> -> memref<8x128xi32, #tpu.memory_space<hbm>>
      %dma_wait3A_2771 = tpu.memref_slice %arg12[%rem3A_2745] : memref<4x!tpu.dma_semaphore, #tpu.memory_space<semaphore_mem>> -> memref<1x!tpu.dma_semaphore, #tpu.memory_space<semaphore_mem>>
      %dma_wait3A_2772 = tpu.memref_squeeze %dma_wait3A_2771 : memref<1x!tpu.dma_semaphore, #tpu.memory_space<semaphore_mem>> -> memref<!tpu.dma_semaphore, #tpu.memory_space<semaphore_mem>>
      %dma_wait3A_2773 = arith.constant 0 : i32
      %dma_wait3A_2774 = arith.constant 0 : i32
      %dma_wait3A_2775 = tpu.memref_slice %arg6[%dma_wait3A_2773, %dma_wait3A_2774] : memref<32x128xi32, #tpu.memory_space<vmem>> -> memref<8x128xi32, #tpu.memory_space<vmem>>
      %dma_wait3A_2776 = arith.constant 0 : i32
      %dma_wait3A_2777 = arith.constant 0 : i32
      %dma_wait3A_2778 = tpu.memref_slice %arg3[%dma_wait3A_2776, %dma_wait3A_2777] : memref<200x1024xi32, #tpu.memory_space<hbm>> -> memref<8x128xi32, #tpu.memory_space<hbm>>
      tpu.wait_dma2 semaphore(%dma_wait3A_2772 : memref<!tpu.dma_semaphore, #tpu.memory_space<semaphore_mem>>) src(%dma_wait3A_2778 : memref<8x128xi32, #tpu.memory_space<hbm>>) dst(%dma_wait3A_2775 : memref<8x128xi32, #tpu.memory_space<vmem>>)
      %add3A_2779 = arith.constant 3 : i32
      %add3A_2780 = arith.addi %scan3A_2740, %add3A_2779 : i32
      %rem3A_2781 = arith.constant 4 : i32
      %rem3A_2782 = arith.remsi %add3A_2780, %rem3A_2781 : i32
      %add3A_2783 = arith.addi %mul3A_2, %add3A_2780 : i32
      %jit3A_2784 = arith.constant 8 : i32
      %div3A_2785 = arith.divsi %add3A_2783, %jit3A_2784 : i32
      %sign3A_2786 = arith.constant 0 : i32
      %sign3A_2787 = arith.cmpi sgt, %add3A_2783, %sign3A_2786 : i32
      %sign3A_2788 = arith.extui %sign3A_2787 : i1 to i32
      %sign3A_2789 = arith.constant 0 : i32
      %sign3A_2790 = arith.cmpi slt, %add3A_2783, %sign3A_2789 : i32
      %sign3A_2791 = arith.extui %sign3A_2790 : i1 to i32
      %sign3A_2792 = arith.subi %sign3A_2788, %sign3A_2791 : i32
      %sign3A_2793 = arith.constant 0 : i32
      %sign3A_2794 = arith.cmpi sgt, %jit3A_2784, %sign3A_2793 : i32
      %sign3A_2795 = arith.extui %sign3A_2794 : i1 to i32
      %sign3A_2796 = arith.constant 0 : i32
      %sign3A_2797 = arith.cmpi slt, %jit3A_2784, %sign3A_2796 : i32
      %sign3A_2798 = arith.extui %sign3A_2797 : i1 to i32
      %sign3A_2799 = arith.subi %sign3A_2795, %sign3A_2798 : i32
      %ne3A_2800 = arith.cmpi ne, %sign3A_2792, %sign3A_2799 : i32
      %rem3A_2801 = arith.remsi %add3A_2783, %jit3A_2784 : i32
      %ne3A_2802 = arith.constant 0 : i32
      %ne3A_2803 = arith.cmpi ne, %rem3A_2801, %ne3A_2802 : i32
      %and3A_2804 = arith.andi %ne3A_2800, %ne3A_2803 : i1
      %sub3A_2805 = arith.constant 1 : i32
      %sub3A_2806 = arith.subi %div3A_2785, %sub3A_2805 : i32
      %select_n3A_2807 = arith.select %and3A_2804, %sub3A_2806, %div3A_2785 : i32
      %jit3A_2808 = arith.constant 8 : i32
      %eq3A_2809 = arith.constant 0 : i32
      %eq3A_2810 = arith.cmpi eq, %jit3A_2808, %eq3A_2809 : i32
      %jit3A_2811 = arith.constant 1 : i32
      %select_n3A_2812 = arith.select %eq3A_2810, %jit3A_2811, %jit3A_2808 : i32
      %rem3A_2813 = arith.remsi %add3A_2783, %select_n3A_2812 : i32
      %ne3A_2814 = arith.constant 0 : i32
      %ne3A_2815 = arith.cmpi ne, %rem3A_2813, %ne3A_2814 : i32
      %lt3A_2816 = arith.constant 0 : i32
      %lt3A_2817 = arith.cmpi slt, %rem3A_2813, %lt3A_2816 : i32
      %lt3A_2818 = arith.constant 0 : i32
      %lt3A_2819 = arith.cmpi slt, %select_n3A_2812, %lt3A_2818 : i32
      %ne3A_2820 = arith.xori %lt3A_2817, %lt3A_2819 : i1
      %and3A_2821 = arith.andi %ne3A_2820, %ne3A_2815 : i1
      %add3A_2822 = arith.addi %rem3A_2813, %select_n3A_2812 : i32
      %select_n3A_2823 = arith.select %and3A_2821, %add3A_2822, %rem3A_2813 : i32
      %mul3A_2824 = arith.constant 8 : i32
      %mul3A_2825 = arith.muli %rem3A_2782, %mul3A_2824 : i32
      %rem3A_2826 = arith.constant 8 : i32
      %rem3A_2827 = arith.remsi %select_n3A_2807, %rem3A_2826 : i32
      %add3A_2828 = arith.addi %mul3A_2825, %rem3A_2827 : i32
      %scan3A_2829 = arith.constant 0 : i32
      %scan3A_2830 = arith.constant 0 : i32
      %scan3A_2831 = arith.constant 8 : i32
      %scan3A_2832 = arith.addi %scan3A_2830, %scan3A_2831 : i32
      %scan3A_2833 = arith.constant 1 : i32
      %scan3A_2834 = scf.for %scan3A_3254 = %scan3A_2830 to %scan3A_2832 step %scan3A_2833 iter_args(%scan3A_3255 = %scan3A_2829) -> (i32)  : i32 {
        %mul3A_3256 = arith.constant 16 : i32
        %mul3A_3257 = arith.muli %scan3A_3254, %mul3A_3256 : i32
        %mul3A_3258 = arith.constant 128 : i32
        %mul3A_3259 = arith.muli %rem3A_2782, %mul3A_3258 : i32
        %mul3A_3260 = arith.constant 16 : i32
        %mul3A_3261 = arith.muli %scan3A_3254, %mul3A_3260 : i32
        %add3A_3262 = arith.addi %mul3A_3259, %mul3A_3261 : i32
        %get3A_3263 = arith.index_cast %add3A_2828 : i32 to index
        %get3A_3264 = arith.index_cast %mul3A_3257 : i32 to index
        %get3A_3265 = tpu.vector_load %arg6[%get3A_3263, %get3A_3264] {strides = array<i32>} : memref<32x128xi32, #tpu.memory_space<vmem>>, vector<16xi32>,
        %shift_right_logical3A = arith.constant 14 : i32
        %shift_right_logical3A_3266 = vector.broadcast %shift_right_logical3A : i32 to vector<16xi32>
        %shift_right_logical3A_3267 = arith.shrui %get3A_3265, %shift_right_logical3A_3266 : vector<16xi32>
        %shift_left3A = arith.constant 13 : i32
        %shift_left3A_3268 = vector.broadcast %shift_left3A : i32 to vector<16xi32>
        %shift_left3A_3269 = arith.shli %shift_right_logical3A_3267, %shift_left3A_3268 : vector<16xi32>
        %and3A_3270 = arith.constant 8191 : i32
        %and3A_3271 = vector.broadcast %and3A_3270 : i32 to vector<16xi32>
        %and3A_3272 = arith.andi %get3A_3265, %and3A_3271 : vector<16xi32>
        %or3A = arith.ori %shift_left3A_3269, %and3A_3272 : vector<16xi32>
        %swap3A = arith.index_cast %add3A_3262 : i32 to index
        %swap3A_3273 = tpu.vector_load %arg7[%swap3A] {strides = array<i32>} : memref<512xi32, #tpu.memory_space<vmem>>, vector<16xi32>,
        tpu.vector_store %arg7[%swap3A], %or3A {strides = array<i32>} : memref<512xi32, #tpu.memory_space<vmem>>, vector<16xi32>,
        %and3A_3274 = arith.constant 8192 : i32
        %and3A_3275 = vector.broadcast %and3A_3274 : i32 to vector<16xi32>
        %and3A_3276 = arith.andi %get3A_3265, %and3A_3275 : vector<16xi32>
        %shift_right_logical3A_3277 = arith.constant 7 : i32
        %shift_right_logical3A_3278 = vector.broadcast %shift_right_logical3A_3277 : i32 to vector<16xi32>
        %shift_right_logical3A_3279 = arith.shrui %and3A_3276, %shift_right_logical3A_3278 : vector<16xi32>
        %swap3A_3280 = arith.index_cast %add3A_3262 : i32 to index
        %swap3A_3281 = tpu.vector_load %arg8[%swap3A_3280] {strides = array<i32>} : memref<512xi32, #tpu.memory_space<vmem>>, vector<16xi32>,
        tpu.vector_store %arg8[%swap3A_3280], %shift_right_logical3A_3279 {strides = array<i32>} : memref<512xi32, #tpu.memory_space<vmem>>, vector<16xi32>,
        %scan3A_3282 = arith.constant 0 : i32
        scf.yield %scan3A_3282 : i32
      }
      %scan3A_2835 = arith.constant 8 : i32
      %mul3A_2836 = arith.constant 128 : i32
      %mul3A_2837 = arith.muli %rem3A_2782, %mul3A_2836 : i32
      %add3A_2838 = arith.constant 0 : i32
      %add3A_2839 = arith.addi %mul3A_2837, %add3A_2838 : i32
      %mul3A_2840 = arith.constant 128 : i32
      %mul3A_2841 = arith.muli %rem3A_2782, %mul3A_2840 : i32
      %add3A_2842 = arith.constant 0 : i32
      %add3A_2843 = arith.addi %mul3A_2841, %add3A_2842 : i32
      %dma_start3A_2844 = arith.constant 0 : i32
      %dma_start3A_2845 = tpu.memref_slice %arg9[%add3A_2843, %dma_start3A_2844] : memref<512x128xf32, #tpu.memory_space<vmem>> -> memref<32x128xf32, #tpu.memory_space<vmem>>
      %dma_start3A_2846 = tpu.memref_slice %arg7[%add3A_2839] : memref<512xi32, #tpu.memory_space<vmem>> -> memref<32xi32, #tpu.memory_space<vmem>>
      %dma_start3A_2847 = arith.constant 0 : i32
      %dma_start3A_2848 = arith.constant 0 : i32
      %dma_start3A_2849 = tpu.memref_slice %arg2[%dma_start3A_2847, %dma_start3A_2848] : memref<507904x128xf32, #tpu.memory_space<hbm>> -> memref<507904x128xf32, #tpu.memory_space<hbm>>
      %dma_start3A_2850 = tpu.memref_slice %arg13[%rem3A_2782] : memref<4x!tpu.dma_semaphore, #tpu.memory_space<semaphore_mem>> -> memref<1x!tpu.dma_semaphore, #tpu.memory_space<semaphore_mem>>
      %dma_start3A_2851 = tpu.memref_squeeze %dma_start3A_2850 : memref<1x!tpu.dma_semaphore, #tpu.memory_space<semaphore_mem>> -> memref<!tpu.dma_semaphore, #tpu.memory_space<semaphore_mem>>
      tpu.enqueue_indirect_dma source(%dma_start3A_2849 : memref<507904x128xf32, #tpu.memory_space<hbm>>) target(%dma_start3A_2845 : memref<32x128xf32, #tpu.memory_space<vmem>>) offsets(%dma_start3A_2846 : memref<32xi32, #tpu.memory_space<vmem>>) semaphore(%dma_start3A_2851 : memref<!tpu.dma_semaphore, #tpu.memory_space<semaphore_mem>>)
      %mul3A_2852 = arith.constant 128 : i32
      %mul3A_2853 = arith.muli %rem3A_2782, %mul3A_2852 : i32
      %add3A_2854 = arith.constant 32 : i32
      %add3A_2855 = arith.addi %mul3A_2853, %add3A_2854 : i32
      %mul3A_2856 = arith.constant 128 : i32
      %mul3A_2857 = arith.muli %rem3A_2782, %mul3A_2856 : i32
      %add3A_2858 = arith.constant 32 : i32
      %add3A_2859 = arith.addi %mul3A_2857, %add3A_2858 : i32
      %dma_start3A_2860 = arith.constant 0 : i32
      %dma_start3A_2861 = tpu.memref_slice %arg9[%add3A_2859, %dma_start3A_2860] : memref<512x128xf32, #tpu.memory_space<vmem>> -> memref<32x128xf32, #tpu.memory_space<vmem>>
      %dma_start3A_2862 = tpu.memref_slice %arg7[%add3A_2855] : memref<512xi32, #tpu.memory_space<vmem>> -> memref<32xi32, #tpu.memory_space<vmem>>
      %dma_start3A_2863 = arith.constant 0 : i32
      %dma_start3A_2864 = arith.constant 0 : i32
      %dma_start3A_2865 = tpu.memref_slice %arg2[%dma_start3A_2863, %dma_start3A_2864] : memref<507904x128xf32, #tpu.memory_space<hbm>> -> memref<507904x128xf32, #tpu.memory_space<hbm>>
      %dma_start3A_2866 = tpu.memref_slice %arg13[%rem3A_2782] : memref<4x!tpu.dma_semaphore, #tpu.memory_space<semaphore_mem>> -> memref<1x!tpu.dma_semaphore, #tpu.memory_space<semaphore_mem>>
      %dma_start3A_2867 = tpu.memref_squeeze %dma_start3A_2866 : memref<1x!tpu.dma_semaphore, #tpu.memory_space<semaphore_mem>> -> memref<!tpu.dma_semaphore, #tpu.memory_space<semaphore_mem>>
      tpu.enqueue_indirect_dma source(%dma_start3A_2865 : memref<507904x128xf32, #tpu.memory_space<hbm>>) target(%dma_start3A_2861 : memref<32x128xf32, #tpu.memory_space<vmem>>) offsets(%dma_start3A_2862 : memref<32xi32, #tpu.memory_space<vmem>>) semaphore(%dma_start3A_2867 : memref<!tpu.dma_semaphore, #tpu.memory_space<semaphore_mem>>)
      %mul3A_2868 = arith.constant 128 : i32
      %mul3A_2869 = arith.muli %rem3A_2782, %mul3A_2868 : i32
      %add3A_2870 = arith.constant 64 : i32
      %add3A_2871 = arith.addi %mul3A_2869, %add3A_2870 : i32
      %mul3A_2872 = arith.constant 128 : i32
      %mul3A_2873 = arith.muli %rem3A_2782, %mul3A_2872 : i32
      %add3A_2874 = arith.constant 64 : i32
      %add3A_2875 = arith.addi %mul3A_2873, %add3A_2874 : i32
      %dma_start3A_2876 = arith.constant 0 : i32
      %dma_start3A_2877 = tpu.memref_slice %arg9[%add3A_2875, %dma_start3A_2876] : memref<512x128xf32, #tpu.memory_space<vmem>> -> memref<32x128xf32, #tpu.memory_space<vmem>>
      %dma_start3A_2878 = tpu.memref_slice %arg7[%add3A_2871] : memref<512xi32, #tpu.memory_space<vmem>> -> memref<32xi32, #tpu.memory_space<vmem>>
      %dma_start3A_2879 = arith.constant 0 : i32
      %dma_start3A_2880 = arith.constant 0 : i32
      %dma_start3A_2881 = tpu.memref_slice %arg2[%dma_start3A_2879, %dma_start3A_2880] : memref<507904x128xf32, #tpu.memory_space<hbm>> -> memref<507904x128xf32, #tpu.memory_space<hbm>>
      %dma_start3A_2882 = tpu.memref_slice %arg13[%rem3A_2782] : memref<4x!tpu.dma_semaphore, #tpu.memory_space<semaphore_mem>> -> memref<1x!tpu.dma_semaphore, #tpu.memory_space<semaphore_mem>>
      %dma_start3A_2883 = tpu.memref_squeeze %dma_start3A_2882 : memref<1x!tpu.dma_semaphore, #tpu.memory_space<semaphore_mem>> -> memref<!tpu.dma_semaphore, #tpu.memory_space<semaphore_mem>>
      tpu.enqueue_indirect_dma source(%dma_start3A_2881 : memref<507904x128xf32, #tpu.memory_space<hbm>>) target(%dma_start3A_2877 : memref<32x128xf32, #tpu.memory_space<vmem>>) offsets(%dma_start3A_2878 : memref<32xi32, #tpu.memory_space<vmem>>) semaphore(%dma_start3A_2883 : memref<!tpu.dma_semaphore, #tpu.memory_space<semaphore_mem>>)
      %mul3A_2884 = arith.constant 128 : i32
      %mul3A_2885 = arith.muli %rem3A_2782, %mul3A_2884 : i32
      %add3A_2886 = arith.constant 96 : i32
      %add3A_2887 = arith.addi %mul3A_2885, %add3A_2886 : i32
      %mul3A_2888 = arith.constant 128 : i32
      %mul3A_2889 = arith.muli %rem3A_2782, %mul3A_2888 : i32
      %add3A_2890 = arith.constant 96 : i32
      %add3A_2891 = arith.addi %mul3A_2889, %add3A_2890 : i32
      %dma_start3A_2892 = arith.constant 0 : i32
      %dma_start3A_2893 = tpu.memref_slice %arg9[%add3A_2891, %dma_start3A_2892] : memref<512x128xf32, #tpu.memory_space<vmem>> -> memref<32x128xf32, #tpu.memory_space<vmem>>
      %dma_start3A_2894 = tpu.memref_slice %arg7[%add3A_2887] : memref<512xi32, #tpu.memory_space<vmem>> -> memref<32xi32, #tpu.memory_space<vmem>>
      %dma_start3A_2895 = arith.constant 0 : i32
      %dma_start3A_2896 = arith.constant 0 : i32
      %dma_start3A_2897 = tpu.memref_slice %arg2[%dma_start3A_2895, %dma_start3A_2896] : memref<507904x128xf32, #tpu.memory_space<hbm>> -> memref<507904x128xf32, #tpu.memory_space<hbm>>
      %dma_start3A_2898 = tpu.memref_slice %arg13[%rem3A_2782] : memref<4x!tpu.dma_semaphore, #tpu.memory_space<semaphore_mem>> -> memref<1x!tpu.dma_semaphore, #tpu.memory_space<semaphore_mem>>
      %dma_start3A_2899 = tpu.memref_squeeze %dma_start3A_2898 : memref<1x!tpu.dma_semaphore, #tpu.memory_space<semaphore_mem>> -> memref<!tpu.dma_semaphore, #tpu.memory_space<semaphore_mem>>
      tpu.enqueue_indirect_dma source(%dma_start3A_2897 : memref<507904x128xf32, #tpu.memory_space<hbm>>) target(%dma_start3A_2893 : memref<32x128xf32, #tpu.memory_space<vmem>>) offsets(%dma_start3A_2894 : memref<32xi32, #tpu.memory_space<vmem>>) semaphore(%dma_start3A_2899 : memref<!tpu.dma_semaphore, #tpu.memory_space<semaphore_mem>>)
      %add3A_2900 = arith.constant 4 : i32
      %add3A_2901 = arith.addi %scan3A_2740, %add3A_2900 : i32
      %min3A_2902 = arith.constant 49 : i32
      %min3A_2903 = arith.minsi %add3A_2901, %min3A_2902 : i32
      %add3A_2904 = arith.addi %mul3A_2, %min3A_2903 : i32
      %jit3A_2905 = arith.constant 8 : i32
      %div3A_2906 = arith.divsi %add3A_2904, %jit3A_2905 : i32
      %sign3A_2907 = arith.constant 0 : i32
      %sign3A_2908 = arith.cmpi sgt, %add3A_2904, %sign3A_2907 : i32
      %sign3A_2909 = arith.extui %sign3A_2908 : i1 to i32
      %sign3A_2910 = arith.constant 0 : i32
      %sign3A_2911 = arith.cmpi slt, %add3A_2904, %sign3A_2910 : i32
      %sign3A_2912 = arith.extui %sign3A_2911 : i1 to i32
      %sign3A_2913 = arith.subi %sign3A_2909, %sign3A_2912 : i32
      %sign3A_2914 = arith.constant 0 : i32
      %sign3A_2915 = arith.cmpi sgt, %jit3A_2905, %sign3A_2914 : i32
      %sign3A_2916 = arith.extui %sign3A_2915 : i1 to i32
      %sign3A_2917 = arith.constant 0 : i32
      %sign3A_2918 = arith.cmpi slt, %jit3A_2905, %sign3A_2917 : i32
      %sign3A_2919 = arith.extui %sign3A_2918 : i1 to i32
      %sign3A_2920 = arith.subi %sign3A_2916, %sign3A_2919 : i32
      %ne3A_2921 = arith.cmpi ne, %sign3A_2913, %sign3A_2920 : i32
      %rem3A_2922 = arith.remsi %add3A_2904, %jit3A_2905 : i32
      %ne3A_2923 = arith.constant 0 : i32
      %ne3A_2924 = arith.cmpi ne, %rem3A_2922, %ne3A_2923 : i32
      %and3A_2925 = arith.andi %ne3A_2921, %ne3A_2924 : i1
      %sub3A_2926 = arith.constant 1 : i32
      %sub3A_2927 = arith.subi %div3A_2906, %sub3A_2926 : i32
      %select_n3A_2928 = arith.select %and3A_2925, %sub3A_2927, %div3A_2906 : i32
      %jit3A_2929 = arith.constant 8 : i32
      %eq3A_2930 = arith.constant 0 : i32
      %eq3A_2931 = arith.cmpi eq, %jit3A_2929, %eq3A_2930 : i32
      %jit3A_2932 = arith.constant 1 : i32
      %select_n3A_2933 = arith.select %eq3A_2931, %jit3A_2932, %jit3A_2929 : i32
      %rem3A_2934 = arith.remsi %add3A_2904, %select_n3A_2933 : i32
      %ne3A_2935 = arith.constant 0 : i32
      %ne3A_2936 = arith.cmpi ne, %rem3A_2934, %ne3A_2935 : i32
      %lt3A_2937 = arith.constant 0 : i32
      %lt3A_2938 = arith.cmpi slt, %rem3A_2934, %lt3A_2937 : i32
      %lt3A_2939 = arith.constant 0 : i32
      %lt3A_2940 = arith.cmpi slt, %select_n3A_2933, %lt3A_2939 : i32
      %ne3A_2941 = arith.xori %lt3A_2938, %lt3A_2940 : i1
      %and3A_2942 = arith.andi %ne3A_2941, %ne3A_2936 : i1
      %add3A_2943 = arith.addi %rem3A_2934, %select_n3A_2933 : i32
      %select_n3A_2944 = arith.select %and3A_2942, %add3A_2943, %rem3A_2934 : i32
      %jit3A_2945 = arith.constant 8 : i32
      %div3A_2946 = arith.divsi %select_n3A_2928, %jit3A_2945 : i32
      %sign3A_2947 = arith.constant 0 : i32
      %sign3A_2948 = arith.cmpi sgt, %select_n3A_2928, %sign3A_2947 : i32
      %sign3A_2949 = arith.extui %sign3A_2948 : i1 to i32
      %sign3A_2950 = arith.constant 0 : i32
      %sign3A_2951 = arith.cmpi slt, %select_n3A_2928, %sign3A_2950 : i32
      %sign3A_2952 = arith.extui %sign3A_2951 : i1 to i32
      %sign3A_2953 = arith.subi %sign3A_2949, %sign3A_2952 : i32
      %sign3A_2954 = arith.constant 0 : i32
      %sign3A_2955 = arith.cmpi sgt, %jit3A_2945, %sign3A_2954 : i32
      %sign3A_2956 = arith.extui %sign3A_2955 : i1 to i32
      %sign3A_2957 = arith.constant 0 : i32
      %sign3A_2958 = arith.cmpi slt, %jit3A_2945, %sign3A_2957 : i32
      %sign3A_2959 = arith.extui %sign3A_2958 : i1 to i32
      %sign3A_2960 = arith.subi %sign3A_2956, %sign3A_2959 : i32
      %ne3A_2961 = arith.cmpi ne, %sign3A_2953, %sign3A_2960 : i32
      %rem3A_2962 = arith.remsi %select_n3A_2928, %jit3A_2945 : i32
      %ne3A_2963 = arith.constant 0 : i32
      %ne3A_2964 = arith.cmpi ne, %rem3A_2962, %ne3A_2963 : i32
      %and3A_2965 = arith.andi %ne3A_2961, %ne3A_2964 : i1
      %sub3A_2966 = arith.constant 1 : i32
      %sub3A_2967 = arith.subi %div3A_2946, %sub3A_2966 : i32
      %select_n3A_2968 = arith.select %and3A_2965, %sub3A_2967, %div3A_2946 : i32
      %mul3A_2969 = arith.constant 8 : i32
      %mul3A_2970 = arith.muli %select_n3A_2968, %mul3A_2969 : i32
      %rem3A_2971 = arith.constant 4 : i32
      %rem3A_2972 = arith.remsi %add3A_2901, %rem3A_2971 : i32
      %mul3A_2973 = arith.constant 128 : i32
      %mul3A_2974 = arith.muli %select_n3A_2944, %mul3A_2973 : i32
      %mul3A_2975 = arith.constant 8 : i32
      %mul3A_2976 = arith.muli %rem3A_2972, %mul3A_2975 : i32
      %dma_start3A_2977 = arith.constant 0 : i32
      %dma_start3A_2978 = tpu.memref_slice %arg6[%mul3A_2976, %dma_start3A_2977] : memref<32x128xi32, #tpu.memory_space<vmem>> -> memref<8x128xi32, #tpu.memory_space<vmem>>
      %dma_start3A_2979 = tpu.memref_slice %arg3[%mul3A_2970, %mul3A_2974] : memref<200x1024xi32, #tpu.memory_space<hbm>> -> memref<8x128xi32, #tpu.memory_space<hbm>>
      %dma_start3A_2980 = tpu.memref_slice %arg12[%rem3A_2972] : memref<4x!tpu.dma_semaphore, #tpu.memory_space<semaphore_mem>> -> memref<1x!tpu.dma_semaphore, #tpu.memory_space<semaphore_mem>>
      %dma_start3A_2981 = tpu.memref_squeeze %dma_start3A_2980 : memref<1x!tpu.dma_semaphore, #tpu.memory_space<semaphore_mem>> -> memref<!tpu.dma_semaphore, #tpu.memory_space<semaphore_mem>>
      %dma_start3A_2982 = arith.constant 0 : i32
      %dma_start3A_2983 = tpu.memref_slice %arg6[%mul3A_2976, %dma_start3A_2982] : memref<32x128xi32, #tpu.memory_space<vmem>> -> memref<8x128xi32, #tpu.memory_space<vmem>>
      %dma_start3A_2984 = tpu.memref_slice %arg3[%mul3A_2970, %mul3A_2974] : memref<200x1024xi32, #tpu.memory_space<hbm>> -> memref<8x128xi32, #tpu.memory_space<hbm>>
      tpu.enqueue_dma source(%dma_start3A_2984 : memref<8x128xi32, #tpu.memory_space<hbm>>) target(%dma_start3A_2983 : memref<8x128xi32, #tpu.memory_space<vmem>>) target_semaphore(%dma_start3A_2981 : memref<!tpu.dma_semaphore, #tpu.memory_space<semaphore_mem>>)
      %rem3A_2985 = arith.constant 4 : i32
      %rem3A_2986 = arith.remsi %scan3A_2740, %rem3A_2985 : i32
      %dma_wait3A_2987 = arith.constant 0 : i32
      %dma_wait3A_2988 = arith.constant 0 : i32
      %dma_wait3A_2989 = tpu.memref_slice %arg9[%dma_wait3A_2987, %dma_wait3A_2988] : memref<512x128xf32, #tpu.memory_space<vmem>> -> memref<32x128xf32, #tpu.memory_space<vmem>>
      %dma_wait3A_2990 = arith.constant 0 : i32
      %dma_wait3A_2991 = arith.constant 0 : i32
      %dma_wait3A_2992 = tpu.memref_slice %arg2[%dma_wait3A_2990, %dma_wait3A_2991] : memref<507904x128xf32, #tpu.memory_space<hbm>> -> memref<32x128xf32, #tpu.memory_space<hbm>>
      %dma_wait3A_2993 = tpu.memref_slice %arg13[%rem3A_2986] : memref<4x!tpu.dma_semaphore, #tpu.memory_space<semaphore_mem>> -> memref<1x!tpu.dma_semaphore, #tpu.memory_space<semaphore_mem>>
      %dma_wait3A_2994 = tpu.memref_squeeze %dma_wait3A_2993 : memref<1x!tpu.dma_semaphore, #tpu.memory_space<semaphore_mem>> -> memref<!tpu.dma_semaphore, #tpu.memory_space<semaphore_mem>>
      %dma_wait3A_2995 = arith.constant 0 : i32
      %dma_wait3A_2996 = arith.constant 0 : i32
      %dma_wait3A_2997 = tpu.memref_slice %arg9[%dma_wait3A_2995, %dma_wait3A_2996] : memref<512x128xf32, #tpu.memory_space<vmem>> -> memref<32x128xf32, #tpu.memory_space<vmem>>
      %dma_wait3A_2998 = arith.constant 0 : i32
      %dma_wait3A_2999 = arith.constant 0 : i32
      %dma_wait3A_3000 = tpu.memref_slice %arg2[%dma_wait3A_2998, %dma_wait3A_2999] : memref<507904x128xf32, #tpu.memory_space<hbm>> -> memref<32x128xf32, #tpu.memory_space<hbm>>
      tpu.wait_dma2 semaphore(%dma_wait3A_2994 : memref<!tpu.dma_semaphore, #tpu.memory_space<semaphore_mem>>) src(%dma_wait3A_3000 : memref<32x128xf32, #tpu.memory_space<hbm>>) dst(%dma_wait3A_2997 : memref<32x128xf32, #tpu.memory_space<vmem>>)
      %dma_wait3A_3001 = arith.constant 0 : i32
      %dma_wait3A_3002 = arith.constant 0 : i32
      %dma_wait3A_3003 = tpu.memref_slice %arg9[%dma_wait3A_3001, %dma_wait3A_3002] : memref<512x128xf32, #tpu.memory_space<vmem>> -> memref<32x128xf32, #tpu.memory_space<vmem>>
      %dma_wait3A_3004 = arith.constant 0 : i32
      %dma_wait3A_3005 = arith.constant 0 : i32
      %dma_wait3A_3006 = tpu.memref_slice %arg2[%dma_wait3A_3004, %dma_wait3A_3005] : memref<507904x128xf32, #tpu.memory_space<hbm>> -> memref<32x128xf32, #tpu.memory_space<hbm>>
      %dma_wait3A_3007 = tpu.memref_slice %arg13[%rem3A_2986] : memref<4x!tpu.dma_semaphore, #tpu.memory_space<semaphore_mem>> -> memref<1x!tpu.dma_semaphore, #tpu.memory_space<semaphore_mem>>
      %dma_wait3A_3008 = tpu.memref_squeeze %dma_wait3A_3007 : memref<1x!tpu.dma_semaphore, #tpu.memory_space<semaphore_mem>> -> memref<!tpu.dma_semaphore, #tpu.memory_space<semaphore_mem>>
      %dma_wait3A_3009 = arith.constant 0 : i32
      %dma_wait3A_3010 = arith.constant 0 : i32
      %dma_wait3A_3011 = tpu.memref_slice %arg9[%dma_wait3A_3009, %dma_wait3A_3010] : memref<512x128xf32, #tpu.memory_space<vmem>> -> memref<32x128xf32, #tpu.memory_space<vmem>>
      %dma_wait3A_3012 = arith.constant 0 : i32
      %dma_wait3A_3013 = arith.constant 0 : i32
      %dma_wait3A_3014 = tpu.memref_slice %arg2[%dma_wait3A_3012, %dma_wait3A_3013] : memref<507904x128xf32, #tpu.memory_space<hbm>> -> memref<32x128xf32, #tpu.memory_space<hbm>>
      tpu.wait_dma2 semaphore(%dma_wait3A_3008 : memref<!tpu.dma_semaphore, #tpu.memory_space<semaphore_mem>>) src(%dma_wait3A_3014 : memref<32x128xf32, #tpu.memory_space<hbm>>) dst(%dma_wait3A_3011 : memref<32x128xf32, #tpu.memory_space<vmem>>)
      %dma_wait3A_3015 = arith.constant 0 : i32
      %dma_wait3A_3016 = arith.constant 0 : i32
      %dma_wait3A_3017 = tpu.memref_slice %arg9[%dma_wait3A_3015, %dma_wait3A_3016] : memref<512x128xf32, #tpu.memory_space<vmem>> -> memref<32x128xf32, #tpu.memory_space<vmem>>
      %dma_wait3A_3018 = arith.constant 0 : i32
      %dma_wait3A_3019 = arith.constant 0 : i32
      %dma_wait3A_3020 = tpu.memref_slice %arg2[%dma_wait3A_3018, %dma_wait3A_3019] : memref<507904x128xf32, #tpu.memory_space<hbm>> -> memref<32x128xf32, #tpu.memory_space<hbm>>
      %dma_wait3A_3021 = tpu.memref_slice %arg13[%rem3A_2986] : memref<4x!tpu.dma_semaphore, #tpu.memory_space<semaphore_mem>> -> memref<1x!tpu.dma_semaphore, #tpu.memory_space<semaphore_mem>>
      %dma_wait3A_3022 = tpu.memref_squeeze %dma_wait3A_3021 : memref<1x!tpu.dma_semaphore, #tpu.memory_space<semaphore_mem>> -> memref<!tpu.dma_semaphore, #tpu.memory_space<semaphore_mem>>
      %dma_wait3A_3023 = arith.constant 0 : i32
      %dma_wait3A_3024 = arith.constant 0 : i32
      %dma_wait3A_3025 = tpu.memref_slice %arg9[%dma_wait3A_3023, %dma_wait3A_3024] : memref<512x128xf32, #tpu.memory_space<vmem>> -> memref<32x128xf32, #tpu.memory_space<vmem>>
      %dma_wait3A_3026 = arith.constant 0 : i32
      %dma_wait3A_3027 = arith.constant 0 : i32
      %dma_wait3A_3028 = tpu.memref_slice %arg2[%dma_wait3A_3026, %dma_wait3A_3027] : memref<507904x128xf32, #tpu.memory_space<hbm>> -> memref<32x128xf32, #tpu.memory_space<hbm>>
      tpu.wait_dma2 semaphore(%dma_wait3A_3022 : memref<!tpu.dma_semaphore, #tpu.memory_space<semaphore_mem>>) src(%dma_wait3A_3028 : memref<32x128xf32, #tpu.memory_space<hbm>>) dst(%dma_wait3A_3025 : memref<32x128xf32, #tpu.memory_space<vmem>>)
      %dma_wait3A_3029 = arith.constant 0 : i32
      %dma_wait3A_3030 = arith.constant 0 : i32
      %dma_wait3A_3031 = tpu.memref_slice %arg9[%dma_wait3A_3029, %dma_wait3A_3030] : memref<512x128xf32, #tpu.memory_space<vmem>> -> memref<32x128xf32, #tpu.memory_space<vmem>>
      %dma_wait3A_3032 = arith.constant 0 : i32
      %dma_wait3A_3033 = arith.constant 0 : i32
      %dma_wait3A_3034 = tpu.memref_slice %arg2[%dma_wait3A_3032, %dma_wait3A_3033] : memref<507904x128xf32, #tpu.memory_space<hbm>> -> memref<32x128xf32, #tpu.memory_space<hbm>>
      %dma_wait3A_3035 = tpu.memref_slice %arg13[%rem3A_2986] : memref<4x!tpu.dma_semaphore, #tpu.memory_space<semaphore_mem>> -> memref<1x!tpu.dma_semaphore, #tpu.memory_space<semaphore_mem>>
      %dma_wait3A_3036 = tpu.memref_squeeze %dma_wait3A_3035 : memref<1x!tpu.dma_semaphore, #tpu.memory_space<semaphore_mem>> -> memref<!tpu.dma_semaphore, #tpu.memory_space<semaphore_mem>>
      %dma_wait3A_3037 = arith.constant 0 : i32
      %dma_wait3A_3038 = arith.constant 0 : i32
      %dma_wait3A_3039 = tpu.memref_slice %arg9[%dma_wait3A_3037, %dma_wait3A_3038] : memref<512x128xf32, #tpu.memory_space<vmem>> -> memref<32x128xf32, #tpu.memory_space<vmem>>
      %dma_wait3A_3040 = arith.constant 0 : i32
      %dma_wait3A_3041 = arith.constant 0 : i32
      %dma_wait3A_3042 = tpu.memref_slice %arg2[%dma_wait3A_3040, %dma_wait3A_3041] : memref<507904x128xf32, #tpu.memory_space<hbm>> -> memref<32x128xf32, #tpu.memory_space<hbm>>
      tpu.wait_dma2 semaphore(%dma_wait3A_3036 : memref<!tpu.dma_semaphore, #tpu.memory_space<semaphore_mem>>) src(%dma_wait3A_3042 : memref<32x128xf32, #tpu.memory_space<hbm>>) dst(%dma_wait3A_3039 : memref<32x128xf32, #tpu.memory_space<vmem>>)
      %rem3A_3043 = arith.constant 4 : i32
      %rem3A_3044 = arith.remsi %scan3A_2740, %rem3A_3043 : i32
      %rem3A_3045 = arith.constant 2 : i32
      %rem3A_3046 = arith.remsi %scan3A_2740, %rem3A_3045 : i32
      %add3A_3047 = arith.addi %mul3A_2, %scan3A_2740 : i32
      %jit3A_3048 = arith.constant 8 : i32
      %div3A_3049 = arith.divsi %add3A_3047, %jit3A_3048 : i32
      %sign3A_3050 = arith.constant 0 : i32
      %sign3A_3051 = arith.cmpi sgt, %add3A_3047, %sign3A_3050 : i32
      %sign3A_3052 = arith.extui %sign3A_3051 : i1 to i32
      %sign3A_3053 = arith.constant 0 : i32
      %sign3A_3054 = arith.cmpi slt, %add3A_3047, %sign3A_3053 : i32
      %sign3A_3055 = arith.extui %sign3A_3054 : i1 to i32
      %sign3A_3056 = arith.subi %sign3A_3052, %sign3A_3055 : i32
      %sign3A_3057 = arith.constant 0 : i32
      %sign3A_3058 = arith.cmpi sgt, %jit3A_3048, %sign3A_3057 : i32
      %sign3A_3059 = arith.extui %sign3A_3058 : i1 to i32
      %sign3A_3060 = arith.constant 0 : i32
      %sign3A_3061 = arith.cmpi slt, %jit3A_3048, %sign3A_3060 : i32
      %sign3A_3062 = arith.extui %sign3A_3061 : i1 to i32
      %sign3A_3063 = arith.subi %sign3A_3059, %sign3A_3062 : i32
      %ne3A_3064 = arith.cmpi ne, %sign3A_3056, %sign3A_3063 : i32
      %rem3A_3065 = arith.remsi %add3A_3047, %jit3A_3048 : i32
      %ne3A_3066 = arith.constant 0 : i32
      %ne3A_3067 = arith.cmpi ne, %rem3A_3065, %ne3A_3066 : i32
      %and3A_3068 = arith.andi %ne3A_3064, %ne3A_3067 : i1
      %sub3A_3069 = arith.constant 1 : i32
      %sub3A_3070 = arith.subi %div3A_3049, %sub3A_3069 : i32
      %select_n3A_3071 = arith.select %and3A_3068, %sub3A_3070, %div3A_3049 : i32
      %jit3A_3072 = arith.constant 8 : i32
      %eq3A_3073 = arith.constant 0 : i32
      %eq3A_3074 = arith.cmpi eq, %jit3A_3072, %eq3A_3073 : i32
      %jit3A_3075 = arith.constant 1 : i32
      %select_n3A_3076 = arith.select %eq3A_3074, %jit3A_3075, %jit3A_3072 : i32
      %rem3A_3077 = arith.remsi %add3A_3047, %select_n3A_3076 : i32
      %ne3A_3078 = arith.constant 0 : i32
      %ne3A_3079 = arith.cmpi ne, %rem3A_3077, %ne3A_3078 : i32
      %lt3A_3080 = arith.constant 0 : i32
      %lt3A_3081 = arith.cmpi slt, %rem3A_3077, %lt3A_3080 : i32
      %lt3A_3082 = arith.constant 0 : i32
      %lt3A_3083 = arith.cmpi slt, %select_n3A_3076, %lt3A_3082 : i32
      %ne3A_3084 = arith.xori %lt3A_3081, %lt3A_3083 : i1
      %and3A_3085 = arith.andi %ne3A_3084, %ne3A_3079 : i1
      %add3A_3086 = arith.addi %rem3A_3077, %select_n3A_3076 : i32
      %select_n3A_3087 = arith.select %and3A_3085, %add3A_3086, %rem3A_3077 : i32
      %sub3A_3088 = arith.subi %select_n3A_3071, %mul3A_44 : i32
      %mul3A_3089 = arith.constant 64 : i32
      %mul3A_3090 = arith.muli %rem3A_3046, %mul3A_3089 : i32
      %mul3A_3091 = arith.constant 128 : i32
      %mul3A_3092 = arith.muli %rem3A_3044, %mul3A_3091 : i32
      %add3A_3093 = arith.constant 0 : i32
      %add3A_3094 = arith.addi %mul3A_3092, %add3A_3093 : i32
      %add3A_3095 = vector.broadcast %add3A_3094 : i32 to vector<16xi32>
      %add3A_3096 = arith.addi %iota3A, %add3A_3095 : vector<16xi32>
      %mul3A_3097 = arith.constant 128 : i32
      %mul3A_3098 = arith.muli %rem3A_3044, %mul3A_3097 : i32
      %add3A_3099 = arith.constant 16 : i32
      %add3A_3100 = arith.addi %mul3A_3098, %add3A_3099 : i32
      %add3A_3101 = vector.broadcast %add3A_3100 : i32 to vector<16xi32>
      %add3A_3102 = arith.addi %iota3A, %add3A_3101 : vector<16xi32>
      %mul3A_3103 = arith.constant 128 : i32
      %mul3A_3104 = arith.muli %rem3A_3044, %mul3A_3103 : i32
      %add3A_3105 = arith.constant 32 : i32
      %add3A_3106 = arith.addi %mul3A_3104, %add3A_3105 : i32
      %add3A_3107 = vector.broadcast %add3A_3106 : i32 to vector<16xi32>
      %add3A_3108 = arith.addi %iota3A, %add3A_3107 : vector<16xi32>
      %mul3A_3109 = arith.constant 128 : i32
      %mul3A_3110 = arith.muli %rem3A_3044, %mul3A_3109 : i32
      %add3A_3111 = arith.constant 48 : i32
      %add3A_3112 = arith.addi %mul3A_3110, %add3A_3111 : i32
      %add3A_3113 = vector.broadcast %add3A_3112 : i32 to vector<16xi32>
      %add3A_3114 = arith.addi %iota3A, %add3A_3113 : vector<16xi32>
      %mul3A_3115 = arith.constant 128 : i32
      %mul3A_3116 = arith.muli %rem3A_3044, %mul3A_3115 : i32
      %add3A_3117 = arith.constant 64 : i32
      %add3A_3118 = arith.addi %mul3A_3116, %add3A_3117 : i32
      %add3A_3119 = vector.broadcast %add3A_3118 : i32 to vector<16xi32>
      %add3A_3120 = arith.addi %iota3A, %add3A_3119 : vector<16xi32>
      %mul3A_3121 = arith.constant 128 : i32
      %mul3A_3122 = arith.muli %rem3A_3044, %mul3A_3121 : i32
      %add3A_3123 = arith.constant 80 : i32
      %add3A_3124 = arith.addi %mul3A_3122, %add3A_3123 : i32
      %add3A_3125 = vector.broadcast %add3A_3124 : i32 to vector<16xi32>
      %add3A_3126 = arith.addi %iota3A, %add3A_3125 : vector<16xi32>
      %mul3A_3127 = arith.constant 128 : i32
      %mul3A_3128 = arith.muli %rem3A_3044, %mul3A_3127 : i32
      %add3A_3129 = arith.constant 96 : i32
      %add3A_3130 = arith.addi %mul3A_3128, %add3A_3129 : i32
      %add3A_3131 = vector.broadcast %add3A_3130 : i32 to vector<16xi32>
      %add3A_3132 = arith.addi %iota3A, %add3A_3131 : vector<16xi32>
      %mul3A_3133 = arith.constant 128 : i32
      %mul3A_3134 = arith.muli %rem3A_3044, %mul3A_3133 : i32
      %add3A_3135 = arith.constant 112 : i32
      %add3A_3136 = arith.addi %mul3A_3134, %add3A_3135 : i32
      %add3A_3137 = vector.broadcast %add3A_3136 : i32 to vector<16xi32>
      %add3A_3138 = arith.addi %iota3A, %add3A_3137 : vector<16xi32>
      %mul3A_3139 = arith.constant 128 : i32
      %mul3A_3140 = arith.muli %rem3A_3044, %mul3A_3139 : i32
      %add3A_3141 = arith.constant 0 : i32
      %add3A_3142 = arith.addi %mul3A_3140, %add3A_3141 : i32
      %get3A_3143 = arith.index_cast %add3A_3142 : i32 to index
      %get3A_3144 = tpu.vector_load %arg8[%get3A_3143] {strides = array<i32>} : memref<512xi32, #tpu.memory_space<vmem>>, vector<16xi32>,
      %mul3A_3145 = arith.constant 128 : i32
      %mul3A_3146 = arith.muli %rem3A_3044, %mul3A_3145 : i32
      %add3A_3147 = arith.constant 16 : i32
      %add3A_3148 = arith.addi %mul3A_3146, %add3A_3147 : i32
      %get3A_3149 = arith.index_cast %add3A_3148 : i32 to index
      %get3A_3150 = tpu.vector_load %arg8[%get3A_3149] {strides = array<i32>} : memref<512xi32, #tpu.memory_space<vmem>>, vector<16xi32>,
      %mul3A_3151 = arith.constant 128 : i32
      %mul3A_3152 = arith.muli %rem3A_3044, %mul3A_3151 : i32
      %add3A_3153 = arith.constant 32 : i32
      %add3A_3154 = arith.addi %mul3A_3152, %add3A_3153 : i32
      %get3A_3155 = arith.index_cast %add3A_3154 : i32 to index
      %get3A_3156 = tpu.vector_load %arg8[%get3A_3155] {strides = array<i32>} : memref<512xi32, #tpu.memory_space<vmem>>, vector<16xi32>,
      %mul3A_3157 = arith.constant 128 : i32
      %mul3A_3158 = arith.muli %rem3A_3044, %mul3A_3157 : i32
      %add3A_3159 = arith.constant 48 : i32
      %add3A_3160 = arith.addi %mul3A_3158, %add3A_3159 : i32
      %get3A_3161 = arith.index_cast %add3A_3160 : i32 to index
      %get3A_3162 = tpu.vector_load %arg8[%get3A_3161] {strides = array<i32>} : memref<512xi32, #tpu.memory_space<vmem>>, vector<16xi32>,
      %mul3A_3163 = arith.constant 128 : i32
      %mul3A_3164 = arith.muli %rem3A_3044, %mul3A_3163 : i32
      %add3A_3165 = arith.constant 64 : i32
      %add3A_3166 = arith.addi %mul3A_3164, %add3A_3165 : i32
      %get3A_3167 = arith.index_cast %add3A_3166 : i32 to index
      %get3A_3168 = tpu.vector_load %arg8[%get3A_3167] {strides = array<i32>} : memref<512xi32, #tpu.memory_space<vmem>>, vector<16xi32>,
      %mul3A_3169 = arith.constant 128 : i32
      %mul3A_3170 = arith.muli %rem3A_3044, %mul3A_3169 : i32
      %add3A_3171 = arith.constant 80 : i32
      %add3A_3172 = arith.addi %mul3A_3170, %add3A_3171 : i32
      %get3A_3173 = arith.index_cast %add3A_3172 : i32 to index
      %get3A_3174 = tpu.vector_load %arg8[%get3A_3173] {strides = array<i32>} : memref<512xi32, #tpu.memory_space<vmem>>, vector<16xi32>,
      %mul3A_3175 = arith.constant 128 : i32
      %mul3A_3176 = arith.muli %rem3A_3044, %mul3A_3175 : i32
      %add3A_3177 = arith.constant 96 : i32
      %add3A_3178 = arith.addi %mul3A_3176, %add3A_3177 : i32
      %get3A_3179 = arith.index_cast %add3A_3178 : i32 to index
      %get3A_3180 = tpu.vector_load %arg8[%get3A_3179] {strides = array<i32>} : memref<512xi32, #tpu.memory_space<vmem>>, vector<16xi32>,
      %mul3A_3181 = arith.constant 128 : i32
      %mul3A_3182 = arith.muli %rem3A_3044, %mul3A_3181 : i32
      %add3A_3183 = arith.constant 112 : i32
      %add3A_3184 = arith.addi %mul3A_3182, %add3A_3183 : i32
      %get3A_3185 = arith.index_cast %add3A_3184 : i32 to index
      %get3A_3186 = tpu.vector_load %arg8[%get3A_3185] {strides = array<i32>} : memref<512xi32, #tpu.memory_space<vmem>>, vector<16xi32>,
      %scan3A_3187 = arith.constant 0 : i32
      %scan3A_3188 = arith.constant 0 : i32
      %scan3A_3189 = arith.constant 64 : i32
      %scan3A_3190 = arith.addi %scan3A_3188, %scan3A_3189 : i32
      %scan3A_3191 = arith.constant 1 : i32
      %scan3A_3192 = scf.for %scan3A_3254 = %scan3A_3188 to %scan3A_3190 step %scan3A_3191 iter_args(%scan3A_3255 = %scan3A_3187) -> (i32)  : i32 {
        %mul3A_3256 = arith.constant 16 : i32
        %mul3A_3257 = arith.muli %scan3A_3254, %mul3A_3256 : i32
        %get3A_3258 = arith.index_cast %sub3A_3088 : i32 to index
        %get3A_3259 = arith.index_cast %mul3A_3257 : i32 to index
        %get3A_3260 = tpu.vector_load %arg10[%get3A_3258, %get3A_3259] {strides = array<i32>} : memref<16x1024xf32, #tpu.memory_space<vmem>>, vector<16xf32>,
        %add3A_3261 = arith.addi %mul3A_3090, %scan3A_3254 : i32
        %add3A_3262 = vector.broadcast %scan3A_3254 : i32 to vector<16xi32>
        %add3A_3263 = arith.addi %get3A_3144, %add3A_3262 : vector<16xi32>
        %gather3A = tpu.vector_load_idx %arg9[%add3A_3096, %add3A_3263] : memref<512x128xf32, #tpu.memory_space<vmem>>[vector<16xi32>, vector<16xi32>], vector<16xf32>,
        %mul3A_3264 = vector.broadcast %scan3A_1790 : f32 to vector<16xf32>
        %mul3A_3265 = arith.mulf %gather3A, %mul3A_3264 : vector<16xf32>
        %add3A_3266 = arith.addf %mul3A_3265, %get3A_3260 : vector<16xf32>
        %swap3A = arith.index_cast %add3A_3261 : i32 to index
        %swap3A_3267 = arith.constant 0 : index
        %swap3A_3268 = tpu.vector_load %arg11[%swap3A, %swap3A_3267] {strides = array<i32>} : memref<128x128xf32, #tpu.memory_space<vmem>>, vector<16xf32>,
        tpu.vector_store %arg11[%swap3A, %swap3A_3267], %add3A_3266 {strides = array<i32>} : memref<128x128xf32, #tpu.memory_space<vmem>>, vector<16xf32>,
        %add3A_3269 = vector.broadcast %scan3A_3254 : i32 to vector<16xi32>
        %add3A_3270 = arith.addi %get3A_3150, %add3A_3269 : vector<16xi32>
        %gather3A_3271 = tpu.vector_load_idx %arg9[%add3A_3102, %add3A_3270] : memref<512x128xf32, #tpu.memory_space<vmem>>[vector<16xi32>, vector<16xi32>], vector<16xf32>,
        %mul3A_3272 = vector.broadcast %scan3A_1790 : f32 to vector<16xf32>
        %mul3A_3273 = arith.mulf %gather3A_3271, %mul3A_3272 : vector<16xf32>
        %add3A_3274 = arith.addf %mul3A_3273, %get3A_3260 : vector<16xf32>
        %swap3A_3275 = arith.index_cast %add3A_3261 : i32 to index
        %swap3A_3276 = arith.constant 16 : index
        %swap3A_3277 = tpu.vector_load %arg11[%swap3A_3275, %swap3A_3276] {strides = array<i32>} : memref<128x128xf32, #tpu.memory_space<vmem>>, vector<16xf32>,
        tpu.vector_store %arg11[%swap3A_3275, %swap3A_3276], %add3A_3274 {strides = array<i32>} : memref<128x128xf32, #tpu.memory_space<vmem>>, vector<16xf32>,
        %add3A_3278 = vector.broadcast %scan3A_3254 : i32 to vector<16xi32>
        %add3A_3279 = arith.addi %get3A_3156, %add3A_3278 : vector<16xi32>
        %gather3A_3280 = tpu.vector_load_idx %arg9[%add3A_3108, %add3A_3279] : memref<512x128xf32, #tpu.memory_space<vmem>>[vector<16xi32>, vector<16xi32>], vector<16xf32>,
        %mul3A_3281 = vector.broadcast %scan3A_1790 : f32 to vector<16xf32>
        %mul3A_3282 = arith.mulf %gather3A_3280, %mul3A_3281 : vector<16xf32>
        %add3A_3283 = arith.addf %mul3A_3282, %get3A_3260 : vector<16xf32>
        %swap3A_3284 = arith.index_cast %add3A_3261 : i32 to index
        %swap3A_3285 = arith.constant 32 : index
        %swap3A_3286 = tpu.vector_load %arg11[%swap3A_3284, %swap3A_3285] {strides = array<i32>} : memref<128x128xf32, #tpu.memory_space<vmem>>, vector<16xf32>,
        tpu.vector_store %arg11[%swap3A_3284, %swap3A_3285], %add3A_3283 {strides = array<i32>} : memref<128x128xf32, #tpu.memory_space<vmem>>, vector<16xf32>,
        %add3A_3287 = vector.broadcast %scan3A_3254 : i32 to vector<16xi32>
        %add3A_3288 = arith.addi %get3A_3162, %add3A_3287 : vector<16xi32>
        %gather3A_3289 = tpu.vector_load_idx %arg9[%add3A_3114, %add3A_3288] : memref<512x128xf32, #tpu.memory_space<vmem>>[vector<16xi32>, vector<16xi32>], vector<16xf32>,
        %mul3A_3290 = vector.broadcast %scan3A_1790 : f32 to vector<16xf32>
        %mul3A_3291 = arith.mulf %gather3A_3289, %mul3A_3290 : vector<16xf32>
        %add3A_3292 = arith.addf %mul3A_3291, %get3A_3260 : vector<16xf32>
        %swap3A_3293 = arith.index_cast %add3A_3261 : i32 to index
        %swap3A_3294 = arith.constant 48 : index
        %swap3A_3295 = tpu.vector_load %arg11[%swap3A_3293, %swap3A_3294] {strides = array<i32>} : memref<128x128xf32, #tpu.memory_space<vmem>>, vector<16xf32>,
        tpu.vector_store %arg11[%swap3A_3293, %swap3A_3294], %add3A_3292 {strides = array<i32>} : memref<128x128xf32, #tpu.memory_space<vmem>>, vector<16xf32>,
        %add3A_3296 = vector.broadcast %scan3A_3254 : i32 to vector<16xi32>
        %add3A_3297 = arith.addi %get3A_3168, %add3A_3296 : vector<16xi32>
        %gather3A_3298 = tpu.vector_load_idx %arg9[%add3A_3120, %add3A_3297] : memref<512x128xf32, #tpu.memory_space<vmem>>[vector<16xi32>, vector<16xi32>], vector<16xf32>,
        %mul3A_3299 = vector.broadcast %scan3A_1790 : f32 to vector<16xf32>
        %mul3A_3300 = arith.mulf %gather3A_3298, %mul3A_3299 : vector<16xf32>
        %add3A_3301 = arith.addf %mul3A_3300, %get3A_3260 : vector<16xf32>
        %swap3A_3302 = arith.index_cast %add3A_3261 : i32 to index
        %swap3A_3303 = arith.constant 64 : index
        %swap3A_3304 = tpu.vector_load %arg11[%swap3A_3302, %swap3A_3303] {strides = array<i32>} : memref<128x128xf32, #tpu.memory_space<vmem>>, vector<16xf32>,
        tpu.vector_store %arg11[%swap3A_3302, %swap3A_3303], %add3A_3301 {strides = array<i32>} : memref<128x128xf32, #tpu.memory_space<vmem>>, vector<16xf32>,
        %add3A_3305 = vector.broadcast %scan3A_3254 : i32 to vector<16xi32>
        %add3A_3306 = arith.addi %get3A_3174, %add3A_3305 : vector<16xi32>
        %gather3A_3307 = tpu.vector_load_idx %arg9[%add3A_3126, %add3A_3306] : memref<512x128xf32, #tpu.memory_space<vmem>>[vector<16xi32>, vector<16xi32>], vector<16xf32>,
        %mul3A_3308 = vector.broadcast %scan3A_1790 : f32 to vector<16xf32>
        %mul3A_3309 = arith.mulf %gather3A_3307, %mul3A_3308 : vector<16xf32>
        %add3A_3310 = arith.addf %mul3A_3309, %get3A_3260 : vector<16xf32>
        %swap3A_3311 = arith.index_cast %add3A_3261 : i32 to index
        %swap3A_3312 = arith.constant 80 : index
        %swap3A_3313 = tpu.vector_load %arg11[%swap3A_3311, %swap3A_3312] {strides = array<i32>} : memref<128x128xf32, #tpu.memory_space<vmem>>, vector<16xf32>,
        tpu.vector_store %arg11[%swap3A_3311, %swap3A_3312], %add3A_3310 {strides = array<i32>} : memref<128x128xf32, #tpu.memory_space<vmem>>, vector<16xf32>,
        %add3A_3314 = vector.broadcast %scan3A_3254 : i32 to vector<16xi32>
        %add3A_3315 = arith.addi %get3A_3180, %add3A_3314 : vector<16xi32>
        %gather3A_3316 = tpu.vector_load_idx %arg9[%add3A_3132, %add3A_3315] : memref<512x128xf32, #tpu.memory_space<vmem>>[vector<16xi32>, vector<16xi32>], vector<16xf32>,
        %mul3A_3317 = vector.broadcast %scan3A_1790 : f32 to vector<16xf32>
        %mul3A_3318 = arith.mulf %gather3A_3316, %mul3A_3317 : vector<16xf32>
        %add3A_3319 = arith.addf %mul3A_3318, %get3A_3260 : vector<16xf32>
        %swap3A_3320 = arith.index_cast %add3A_3261 : i32 to index
        %swap3A_3321 = arith.constant 96 : index
        %swap3A_3322 = tpu.vector_load %arg11[%swap3A_3320, %swap3A_3321] {strides = array<i32>} : memref<128x128xf32, #tpu.memory_space<vmem>>, vector<16xf32>,
        tpu.vector_store %arg11[%swap3A_3320, %swap3A_3321], %add3A_3319 {strides = array<i32>} : memref<128x128xf32, #tpu.memory_space<vmem>>, vector<16xf32>,
        %add3A_3323 = vector.broadcast %scan3A_3254 : i32 to vector<16xi32>
        %add3A_3324 = arith.addi %get3A_3186, %add3A_3323 : vector<16xi32>
        %gather3A_3325 = tpu.vector_load_idx %arg9[%add3A_3138, %add3A_3324] : memref<512x128xf32, #tpu.memory_space<vmem>>[vector<16xi32>, vector<16xi32>], vector<16xf32>,
        %mul3A_3326 = vector.broadcast %scan3A_1790 : f32 to vector<16xf32>
        %mul3A_3327 = arith.mulf %gather3A_3325, %mul3A_3326 : vector<16xf32>
        %add3A_3328 = arith.addf %mul3A_3327, %get3A_3260 : vector<16xf32>
        %swap3A_3329 = arith.index_cast %add3A_3261 : i32 to index
        %swap3A_3330 = arith.constant 112 : index
        %swap3A_3331 = tpu.vector_load %arg11[%swap3A_3329, %swap3A_3330] {strides = array<i32>} : memref<128x128xf32, #tpu.memory_space<vmem>>, vector<16xf32>,
        tpu.vector_store %arg11[%swap3A_3329, %swap3A_3330], %add3A_3328 {strides = array<i32>} : memref<128x128xf32, #tpu.memory_space<vmem>>, vector<16xf32>,
        %scan3A_3332 = arith.constant 0 : i32
        scf.yield %scan3A_3332 : i32
      }
      %scan3A_3193 = arith.constant 64 : i32
      %rem3A_3194 = arith.constant 2 : i32
      %rem3A_3195 = arith.remsi %scan3A_2740, %rem3A_3194 : i32
      %add3A_3196 = arith.addi %mul3A_2, %scan3A_2740 : i32
      %jit3A_3197 = arith.constant 8 : i32
      %div3A_3198 = arith.divsi %add3A_3196, %jit3A_3197 : i32
      %sign3A_3199 = arith.constant 0 : i32
      %sign3A_3200 = arith.cmpi sgt, %add3A_3196, %sign3A_3199 : i32
      %sign3A_3201 = arith.extui %sign3A_3200 : i1 to i32
      %sign3A_3202 = arith.constant 0 : i32
      %sign3A_3203 = arith.cmpi slt, %add3A_3196, %sign3A_3202 : i32
      %sign3A_3204 = arith.extui %sign3A_3203 : i1 to i32
      %sign3A_3205 = arith.subi %sign3A_3201, %sign3A_3204 : i32
      %sign3A_3206 = arith.constant 0 : i32
      %sign3A_3207 = arith.cmpi sgt, %jit3A_3197, %sign3A_3206 : i32
      %sign3A_3208 = arith.extui %sign3A_3207 : i1 to i32
      %sign3A_3209 = arith.constant 0 : i32
      %sign3A_3210 = arith.cmpi slt, %jit3A_3197, %sign3A_3209 : i32
      %sign3A_3211 = arith.extui %sign3A_3210 : i1 to i32
      %sign3A_3212 = arith.subi %sign3A_3208, %sign3A_3211 : i32
      %ne3A_3213 = arith.cmpi ne, %sign3A_3205, %sign3A_3212 : i32
      %rem3A_3214 = arith.remsi %add3A_3196, %jit3A_3197 : i32
      %ne3A_3215 = arith.constant 0 : i32
      %ne3A_3216 = arith.cmpi ne, %rem3A_3214, %ne3A_3215 : i32
      %and3A_3217 = arith.andi %ne3A_3213, %ne3A_3216 : i1
      %sub3A_3218 = arith.constant 1 : i32
      %sub3A_3219 = arith.subi %div3A_3198, %sub3A_3218 : i32
      %select_n3A_3220 = arith.select %and3A_3217, %sub3A_3219, %div3A_3198 : i32
      %jit3A_3221 = arith.constant 8 : i32
      %eq3A_3222 = arith.constant 0 : i32
      %eq3A_3223 = arith.cmpi eq, %jit3A_3221, %eq3A_3222 : i32
      %jit3A_3224 = arith.constant 1 : i32
      %select_n3A_3225 = arith.select %eq3A_3223, %jit3A_3224, %jit3A_3221 : i32
      %rem3A_3226 = arith.remsi %add3A_3196, %select_n3A_3225 : i32
      %ne3A_3227 = arith.constant 0 : i32
      %ne3A_3228 = arith.cmpi ne, %rem3A_3226, %ne3A_3227 : i32
      %lt3A_3229 = arith.constant 0 : i32
      %lt3A_3230 = arith.cmpi slt, %rem3A_3226, %lt3A_3229 : i32
      %lt3A_3231 = arith.constant 0 : i32
      %lt3A_3232 = arith.cmpi slt, %select_n3A_3225, %lt3A_3231 : i32
      %ne3A_3233 = arith.xori %lt3A_3230, %lt3A_3232 : i1
      %and3A_3234 = arith.andi %ne3A_3233, %ne3A_3228 : i1
      %add3A_3235 = arith.addi %rem3A_3226, %select_n3A_3225 : i32
      %select_n3A_3236 = arith.select %and3A_3234, %add3A_3235, %rem3A_3226 : i32
      %mul3A_3237 = arith.constant 64 : i32
      %mul3A_3238 = arith.muli %rem3A_3195, %mul3A_3237 : i32
      %mul3A_3239 = arith.constant 128 : i32
      %mul3A_3240 = arith.muli %select_n3A_3236, %mul3A_3239 : i32
      %dma_start3A_3241 = arith.constant 0 : i32
      %dma_start3A_3242 = tpu.memref_slice %arg11[%mul3A_3238, %dma_start3A_3241] : memref<128x128xf32, #tpu.memory_space<vmem>> -> memref<64x128xf32, #tpu.memory_space<vmem>>
      %dma_start3A_3243 = arith.constant 0 : i32
      %dma_start3A_3244 = tpu.memref_slice %arg5[%select_n3A_3220, %dma_start3A_3243, %mul3A_3240] : memref<200x64x1024xf32, #tpu.memory_space<hbm>> -> memref<1x64x128xf32, #tpu.memory_space<hbm>>
      %dma_start3A_3245 = tpu.memref_squeeze %dma_start3A_3244 : memref<1x64x128xf32, #tpu.memory_space<hbm>> -> memref<64x128xf32, #tpu.memory_space<hbm>>
      %dma_start3A_3246 = tpu.memref_slice %arg14[%rem3A_3195] : memref<2x!tpu.dma_semaphore, #tpu.memory_space<semaphore_mem>> -> memref<1x!tpu.dma_semaphore, #tpu.memory_space<semaphore_mem>>
      %dma_start3A_3247 = tpu.memref_squeeze %dma_start3A_3246 : memref<1x!tpu.dma_semaphore, #tpu.memory_space<semaphore_mem>> -> memref<!tpu.dma_semaphore, #tpu.memory_space<semaphore_mem>>
      %dma_start3A_3248 = arith.constant 0 : i32
      %dma_start3A_3249 = tpu.memref_slice %arg5[%select_n3A_3220, %dma_start3A_3248, %mul3A_3240] : memref<200x64x1024xf32, #tpu.memory_space<hbm>> -> memref<1x64x128xf32, #tpu.memory_space<hbm>>
      %dma_start3A_3250 = tpu.memref_squeeze %dma_start3A_3249 : memref<1x64x128xf32, #tpu.memory_space<hbm>> -> memref<64x128xf32, #tpu.memory_space<hbm>>
      %dma_start3A_3251 = arith.constant 0 : i32
      %dma_start3A_3252 = tpu.memref_slice %arg11[%mul3A_3238, %dma_start3A_3251] : memref<128x128xf32, #tpu.memory_space<vmem>> -> memref<64x128xf32, #tpu.memory_space<vmem>>
      tpu.enqueue_dma source(%dma_start3A_3252 : memref<64x128xf32, #tpu.memory_space<vmem>>) target(%dma_start3A_3250 : memref<64x128xf32, #tpu.memory_space<hbm>>) target_semaphore(%dma_start3A_3247 : memref<!tpu.dma_semaphore, #tpu.memory_space<semaphore_mem>>)
      %scan3A_3253 = arith.constant 0 : i32
      scf.yield %scan3A_3253 : i32
    }
    %scan3A_1797 = arith.constant 45 : i32
    %rem3A_1798 = arith.constant 47 : i32
    %rem3A_1799 = arith.constant 2 : i32
    %rem3A_1800 = arith.remsi %rem3A_1798, %rem3A_1799 : i32
    %dma_wait3A_1801 = arith.constant 0 : i32
    %dma_wait3A_1802 = arith.constant 0 : i32
    %dma_wait3A_1803 = arith.constant 0 : i32
    %dma_wait3A_1804 = tpu.memref_slice %arg11[%dma_wait3A_1802, %dma_wait3A_1803] : memref<128x128xf32, #tpu.memory_space<vmem>> -> memref<64x128xf32, #tpu.memory_space<vmem>>
    %dma_wait3A_1805 = arith.constant 0 : i32
    %dma_wait3A_1806 = arith.constant 0 : i32
    %dma_wait3A_1807 = tpu.memref_slice %arg5[%dma_wait3A_1801, %dma_wait3A_1805, %dma_wait3A_1806] : memref<200x64x1024xf32, #tpu.memory_space<hbm>> -> memref<1x64x128xf32, #tpu.memory_space<hbm>>
    %dma_wait3A_1808 = tpu.memref_squeeze %dma_wait3A_1807 : memref<1x64x128xf32, #tpu.memory_space<hbm>> -> memref<64x128xf32, #tpu.memory_space<hbm>>
    %dma_wait3A_1809 = tpu.memref_slice %arg14[%rem3A_1800] : memref<2x!tpu.dma_semaphore, #tpu.memory_space<semaphore_mem>> -> memref<1x!tpu.dma_semaphore, #tpu.memory_space<semaphore_mem>>
    %dma_wait3A_1810 = tpu.memref_squeeze %dma_wait3A_1809 : memref<1x!tpu.dma_semaphore, #tpu.memory_space<semaphore_mem>> -> memref<!tpu.dma_semaphore, #tpu.memory_space<semaphore_mem>>
    %dma_wait3A_1811 = arith.constant 0 : i32
    %dma_wait3A_1812 = arith.constant 0 : i32
    %dma_wait3A_1813 = tpu.memref_slice %arg5[%dma_wait3A_1801, %dma_wait3A_1811, %dma_wait3A_1812] : memref<200x64x1024xf32, #tpu.memory_space<hbm>> -> memref<1x64x128xf32, #tpu.memory_space<hbm>>
    %dma_wait3A_1814 = tpu.memref_squeeze %dma_wait3A_1813 : memref<1x64x128xf32, #tpu.memory_space<hbm>> -> memref<64x128xf32, #tpu.memory_space<hbm>>
    %dma_wait3A_1815 = arith.constant 0 : i32
    %dma_wait3A_1816 = arith.constant 0 : i32
    %dma_wait3A_1817 = tpu.memref_slice %arg11[%dma_wait3A_1815, %dma_wait3A_1816] : memref<128x128xf32, #tpu.memory_space<vmem>> -> memref<64x128xf32, #tpu.memory_space<vmem>>
    tpu.wait_dma2 semaphore(%dma_wait3A_1810 : memref<!tpu.dma_semaphore, #tpu.memory_space<semaphore_mem>>) src(%dma_wait3A_1817 : memref<64x128xf32, #tpu.memory_space<vmem>>) dst(%dma_wait3A_1814 : memref<64x128xf32, #tpu.memory_space<hbm>>)
    %rem3A_1818 = arith.constant 47 : i32
    %rem3A_1819 = arith.constant 4 : i32
    %rem3A_1820 = arith.remsi %rem3A_1818, %rem3A_1819 : i32
    %dma_wait3A_1821 = arith.constant 0 : i32
    %dma_wait3A_1822 = arith.constant 0 : i32
    %dma_wait3A_1823 = tpu.memref_slice %arg9[%dma_wait3A_1821, %dma_wait3A_1822] : memref<512x128xf32, #tpu.memory_space<vmem>> -> memref<32x128xf32, #tpu.memory_space<vmem>>
    %dma_wait3A_1824 = arith.constant 0 : i32
    %dma_wait3A_1825 = arith.constant 0 : i32
    %dma_wait3A_1826 = tpu.memref_slice %arg2[%dma_wait3A_1824, %dma_wait3A_1825] : memref<507904x128xf32, #tpu.memory_space<hbm>> -> memref<32x128xf32, #tpu.memory_space<hbm>>
    %dma_wait3A_1827 = tpu.memref_slice %arg13[%rem3A_1820] : memref<4x!tpu.dma_semaphore, #tpu.memory_space<semaphore_mem>> -> memref<1x!tpu.dma_semaphore, #tpu.memory_space<semaphore_mem>>
    %dma_wait3A_1828 = tpu.memref_squeeze %dma_wait3A_1827 : memref<1x!tpu.dma_semaphore, #tpu.memory_space<semaphore_mem>> -> memref<!tpu.dma_semaphore, #tpu.memory_space<semaphore_mem>>
    %dma_wait3A_1829 = arith.constant 0 : i32
    %dma_wait3A_1830 = arith.constant 0 : i32
    %dma_wait3A_1831 = tpu.memref_slice %arg9[%dma_wait3A_1829, %dma_wait3A_1830] : memref<512x128xf32, #tpu.memory_space<vmem>> -> memref<32x128xf32, #tpu.memory_space<vmem>>
    %dma_wait3A_1832 = arith.constant 0 : i32
    %dma_wait3A_1833 = arith.constant 0 : i32
    %dma_wait3A_1834 = tpu.memref_slice %arg2[%dma_wait3A_1832, %dma_wait3A_1833] : memref<507904x128xf32, #tpu.memory_space<hbm>> -> memref<32x128xf32, #tpu.memory_space<hbm>>
    tpu.wait_dma2 semaphore(%dma_wait3A_1828 : memref<!tpu.dma_semaphore, #tpu.memory_space<semaphore_mem>>) src(%dma_wait3A_1834 : memref<32x128xf32, #tpu.memory_space<hbm>>) dst(%dma_wait3A_1831 : memref<32x128xf32, #tpu.memory_space<vmem>>)
    %dma_wait3A_1835 = arith.constant 0 : i32
    %dma_wait3A_1836 = arith.constant 0 : i32
    %dma_wait3A_1837 = tpu.memref_slice %arg9[%dma_wait3A_1835, %dma_wait3A_1836] : memref<512x128xf32, #tpu.memory_space<vmem>> -> memref<32x128xf32, #tpu.memory_space<vmem>>
    %dma_wait3A_1838 = arith.constant 0 : i32
    %dma_wait3A_1839 = arith.constant 0 : i32
    %dma_wait3A_1840 = tpu.memref_slice %arg2[%dma_wait3A_1838, %dma_wait3A_1839] : memref<507904x128xf32, #tpu.memory_space<hbm>> -> memref<32x128xf32, #tpu.memory_space<hbm>>
    %dma_wait3A_1841 = tpu.memref_slice %arg13[%rem3A_1820] : memref<4x!tpu.dma_semaphore, #tpu.memory_space<semaphore_mem>> -> memref<1x!tpu.dma_semaphore, #tpu.memory_space<semaphore_mem>>
    %dma_wait3A_1842 = tpu.memref_squeeze %dma_wait3A_1841 : memref<1x!tpu.dma_semaphore, #tpu.memory_space<semaphore_mem>> -> memref<!tpu.dma_semaphore, #tpu.memory_space<semaphore_mem>>
    %dma_wait3A_1843 = arith.constant 0 : i32
    %dma_wait3A_1844 = arith.constant 0 : i32
    %dma_wait3A_1845 = tpu.memref_slice %arg9[%dma_wait3A_1843, %dma_wait3A_1844] : memref<512x128xf32, #tpu.memory_space<vmem>> -> memref<32x128xf32, #tpu.memory_space<vmem>>
    %dma_wait3A_1846 = arith.constant 0 : i32
    %dma_wait3A_1847 = arith.constant 0 : i32
    %dma_wait3A_1848 = tpu.memref_slice %arg2[%dma_wait3A_1846, %dma_wait3A_1847] : memref<507904x128xf32, #tpu.memory_space<hbm>> -> memref<32x128xf32, #tpu.memory_space<hbm>>
    tpu.wait_dma2 semaphore(%dma_wait3A_1842 : memref<!tpu.dma_semaphore, #tpu.memory_space<semaphore_mem>>) src(%dma_wait3A_1848 : memref<32x128xf32, #tpu.memory_space<hbm>>) dst(%dma_wait3A_1845 : memref<32x128xf32, #tpu.memory_space<vmem>>)
    %dma_wait3A_1849 = arith.constant 0 : i32
    %dma_wait3A_1850 = arith.constant 0 : i32
    %dma_wait3A_1851 = tpu.memref_slice %arg9[%dma_wait3A_1849, %dma_wait3A_1850] : memref<512x128xf32, #tpu.memory_space<vmem>> -> memref<32x128xf32, #tpu.memory_space<vmem>>
    %dma_wait3A_1852 = arith.constant 0 : i32
    %dma_wait3A_1853 = arith.constant 0 : i32
    %dma_wait3A_1854 = tpu.memref_slice %arg2[%dma_wait3A_1852, %dma_wait3A_1853] : memref<507904x128xf32, #tpu.memory_space<hbm>> -> memref<32x128xf32, #tpu.memory_space<hbm>>
    %dma_wait3A_1855 = tpu.memref_slice %arg13[%rem3A_1820] : memref<4x!tpu.dma_semaphore, #tpu.memory_space<semaphore_mem>> -> memref<1x!tpu.dma_semaphore, #tpu.memory_space<semaphore_mem>>
    %dma_wait3A_1856 = tpu.memref_squeeze %dma_wait3A_1855 : memref<1x!tpu.dma_semaphore, #tpu.memory_space<semaphore_mem>> -> memref<!tpu.dma_semaphore, #tpu.memory_space<semaphore_mem>>
    %dma_wait3A_1857 = arith.constant 0 : i32
    %dma_wait3A_1858 = arith.constant 0 : i32
    %dma_wait3A_1859 = tpu.memref_slice %arg9[%dma_wait3A_1857, %dma_wait3A_1858] : memref<512x128xf32, #tpu.memory_space<vmem>> -> memref<32x128xf32, #tpu.memory_space<vmem>>
    %dma_wait3A_1860 = arith.constant 0 : i32
    %dma_wait3A_1861 = arith.constant 0 : i32
    %dma_wait3A_1862 = tpu.memref_slice %arg2[%dma_wait3A_1860, %dma_wait3A_1861] : memref<507904x128xf32, #tpu.memory_space<hbm>> -> memref<32x128xf32, #tpu.memory_space<hbm>>
    tpu.wait_dma2 semaphore(%dma_wait3A_1856 : memref<!tpu.dma_semaphore, #tpu.memory_space<semaphore_mem>>) src(%dma_wait3A_1862 : memref<32x128xf32, #tpu.memory_space<hbm>>) dst(%dma_wait3A_1859 : memref<32x128xf32, #tpu.memory_space<vmem>>)
    %dma_wait3A_1863 = arith.constant 0 : i32
    %dma_wait3A_1864 = arith.constant 0 : i32
    %dma_wait3A_1865 = tpu.memref_slice %arg9[%dma_wait3A_1863, %dma_wait3A_1864] : memref<512x128xf32, #tpu.memory_space<vmem>> -> memref<32x128xf32, #tpu.memory_space<vmem>>
    %dma_wait3A_1866 = arith.constant 0 : i32
    %dma_wait3A_1867 = arith.constant 0 : i32
    %dma_wait3A_1868 = tpu.memref_slice %arg2[%dma_wait3A_1866, %dma_wait3A_1867] : memref<507904x128xf32, #tpu.memory_space<hbm>> -> memref<32x128xf32, #tpu.memory_space<hbm>>
    %dma_wait3A_1869 = tpu.memref_slice %arg13[%rem3A_1820] : memref<4x!tpu.dma_semaphore, #tpu.memory_space<semaphore_mem>> -> memref<1x!tpu.dma_semaphore, #tpu.memory_space<semaphore_mem>>
    %dma_wait3A_1870 = tpu.memref_squeeze %dma_wait3A_1869 : memref<1x!tpu.dma_semaphore, #tpu.memory_space<semaphore_mem>> -> memref<!tpu.dma_semaphore, #tpu.memory_space<semaphore_mem>>
    %dma_wait3A_1871 = arith.constant 0 : i32
    %dma_wait3A_1872 = arith.constant 0 : i32
    %dma_wait3A_1873 = tpu.memref_slice %arg9[%dma_wait3A_1871, %dma_wait3A_1872] : memref<512x128xf32, #tpu.memory_space<vmem>> -> memref<32x128xf32, #tpu.memory_space<vmem>>
    %dma_wait3A_1874 = arith.constant 0 : i32
    %dma_wait3A_1875 = arith.constant 0 : i32
    %dma_wait3A_1876 = tpu.memref_slice %arg2[%dma_wait3A_1874, %dma_wait3A_1875] : memref<507904x128xf32, #tpu.memory_space<hbm>> -> memref<32x128xf32, #tpu.memory_space<hbm>>
    tpu.wait_dma2 semaphore(%dma_wait3A_1870 : memref<!tpu.dma_semaphore, #tpu.memory_space<semaphore_mem>>) src(%dma_wait3A_1876 : memref<32x128xf32, #tpu.memory_space<hbm>>) dst(%dma_wait3A_1873 : memref<32x128xf32, #tpu.memory_space<vmem>>)
    %rem3A_1877 = arith.constant 47 : i32
    %rem3A_1878 = arith.constant 4 : i32
    %rem3A_1879 = arith.remsi %rem3A_1877, %rem3A_1878 : i32
    %rem3A_1880 = arith.constant 47 : i32
    %rem3A_1881 = arith.constant 2 : i32
    %rem3A_1882 = arith.remsi %rem3A_1880, %rem3A_1881 : i32
    %add3A_1883 = arith.constant 47 : i32
    %add3A_1884 = arith.addi %mul3A_2, %add3A_1883 : i32
    %jit3A_1885 = arith.constant 8 : i32
    %div3A_1886 = arith.divsi %add3A_1884, %jit3A_1885 : i32
    %sign3A_1887 = arith.constant 0 : i32
    %sign3A_1888 = arith.cmpi sgt, %add3A_1884, %sign3A_1887 : i32
    %sign3A_1889 = arith.extui %sign3A_1888 : i1 to i32
    %sign3A_1890 = arith.constant 0 : i32
    %sign3A_1891 = arith.cmpi slt, %add3A_1884, %sign3A_1890 : i32
    %sign3A_1892 = arith.extui %sign3A_1891 : i1 to i32
    %sign3A_1893 = arith.subi %sign3A_1889, %sign3A_1892 : i32
    %sign3A_1894 = arith.constant 0 : i32
    %sign3A_1895 = arith.cmpi sgt, %jit3A_1885, %sign3A_1894 : i32
    %sign3A_1896 = arith.extui %sign3A_1895 : i1 to i32
    %sign3A_1897 = arith.constant 0 : i32
    %sign3A_1898 = arith.cmpi slt, %jit3A_1885, %sign3A_1897 : i32
    %sign3A_1899 = arith.extui %sign3A_1898 : i1 to i32
    %sign3A_1900 = arith.subi %sign3A_1896, %sign3A_1899 : i32
    %ne3A_1901 = arith.cmpi ne, %sign3A_1893, %sign3A_1900 : i32
    %rem3A_1902 = arith.remsi %add3A_1884, %jit3A_1885 : i32
    %ne3A_1903 = arith.constant 0 : i32
    %ne3A_1904 = arith.cmpi ne, %rem3A_1902, %ne3A_1903 : i32
    %and3A_1905 = arith.andi %ne3A_1901, %ne3A_1904 : i1
    %sub3A_1906 = arith.constant 1 : i32
    %sub3A_1907 = arith.subi %div3A_1886, %sub3A_1906 : i32
    %select_n3A_1908 = arith.select %and3A_1905, %sub3A_1907, %div3A_1886 : i32
    %jit3A_1909 = arith.constant 8 : i32
    %eq3A_1910 = arith.constant 0 : i32
    %eq3A_1911 = arith.cmpi eq, %jit3A_1909, %eq3A_1910 : i32
    %jit3A_1912 = arith.constant 1 : i32
    %select_n3A_1913 = arith.select %eq3A_1911, %jit3A_1912, %jit3A_1909 : i32
    %rem3A_1914 = arith.remsi %add3A_1884, %select_n3A_1913 : i32
    %ne3A_1915 = arith.constant 0 : i32
    %ne3A_1916 = arith.cmpi ne, %rem3A_1914, %ne3A_1915 : i32
    %lt3A_1917 = arith.constant 0 : i32
    %lt3A_1918 = arith.cmpi slt, %rem3A_1914, %lt3A_1917 : i32
    %lt3A_1919 = arith.constant 0 : i32
    %lt3A_1920 = arith.cmpi slt, %select_n3A_1913, %lt3A_1919 : i32
    %ne3A_1921 = arith.xori %lt3A_1918, %lt3A_1920 : i1
    %and3A_1922 = arith.andi %ne3A_1921, %ne3A_1916 : i1
    %add3A_1923 = arith.addi %rem3A_1914, %select_n3A_1913 : i32
    %select_n3A_1924 = arith.select %and3A_1922, %add3A_1923, %rem3A_1914 : i32
    %sub3A_1925 = arith.subi %select_n3A_1908, %mul3A_44 : i32
    %mul3A_1926 = arith.constant 64 : i32
    %mul3A_1927 = arith.muli %rem3A_1882, %mul3A_1926 : i32
    %mul3A_1928 = arith.constant 128 : i32
    %mul3A_1929 = arith.muli %rem3A_1879, %mul3A_1928 : i32
    %add3A_1930 = arith.constant 0 : i32
    %add3A_1931 = arith.addi %mul3A_1929, %add3A_1930 : i32
    %add3A_1932 = vector.broadcast %add3A_1931 : i32 to vector<16xi32>
    %add3A_1933 = arith.addi %iota3A, %add3A_1932 : vector<16xi32>
    %mul3A_1934 = arith.constant 128 : i32
    %mul3A_1935 = arith.muli %rem3A_1879, %mul3A_1934 : i32
    %add3A_1936 = arith.constant 16 : i32
    %add3A_1937 = arith.addi %mul3A_1935, %add3A_1936 : i32
    %add3A_1938 = vector.broadcast %add3A_1937 : i32 to vector<16xi32>
    %add3A_1939 = arith.addi %iota3A, %add3A_1938 : vector<16xi32>
    %mul3A_1940 = arith.constant 128 : i32
    %mul3A_1941 = arith.muli %rem3A_1879, %mul3A_1940 : i32
    %add3A_1942 = arith.constant 32 : i32
    %add3A_1943 = arith.addi %mul3A_1941, %add3A_1942 : i32
    %add3A_1944 = vector.broadcast %add3A_1943 : i32 to vector<16xi32>
    %add3A_1945 = arith.addi %iota3A, %add3A_1944 : vector<16xi32>
    %mul3A_1946 = arith.constant 128 : i32
    %mul3A_1947 = arith.muli %rem3A_1879, %mul3A_1946 : i32
    %add3A_1948 = arith.constant 48 : i32
    %add3A_1949 = arith.addi %mul3A_1947, %add3A_1948 : i32
    %add3A_1950 = vector.broadcast %add3A_1949 : i32 to vector<16xi32>
    %add3A_1951 = arith.addi %iota3A, %add3A_1950 : vector<16xi32>
    %mul3A_1952 = arith.constant 128 : i32
    %mul3A_1953 = arith.muli %rem3A_1879, %mul3A_1952 : i32
    %add3A_1954 = arith.constant 64 : i32
    %add3A_1955 = arith.addi %mul3A_1953, %add3A_1954 : i32
    %add3A_1956 = vector.broadcast %add3A_1955 : i32 to vector<16xi32>
    %add3A_1957 = arith.addi %iota3A, %add3A_1956 : vector<16xi32>
    %mul3A_1958 = arith.constant 128 : i32
    %mul3A_1959 = arith.muli %rem3A_1879, %mul3A_1958 : i32
    %add3A_1960 = arith.constant 80 : i32
    %add3A_1961 = arith.addi %mul3A_1959, %add3A_1960 : i32
    %add3A_1962 = vector.broadcast %add3A_1961 : i32 to vector<16xi32>
    %add3A_1963 = arith.addi %iota3A, %add3A_1962 : vector<16xi32>
    %mul3A_1964 = arith.constant 128 : i32
    %mul3A_1965 = arith.muli %rem3A_1879, %mul3A_1964 : i32
    %add3A_1966 = arith.constant 96 : i32
    %add3A_1967 = arith.addi %mul3A_1965, %add3A_1966 : i32
    %add3A_1968 = vector.broadcast %add3A_1967 : i32 to vector<16xi32>
    %add3A_1969 = arith.addi %iota3A, %add3A_1968 : vector<16xi32>
    %mul3A_1970 = arith.constant 128 : i32
    %mul3A_1971 = arith.muli %rem3A_1879, %mul3A_1970 : i32
    %add3A_1972 = arith.constant 112 : i32
    %add3A_1973 = arith.addi %mul3A_1971, %add3A_1972 : i32
    %add3A_1974 = vector.broadcast %add3A_1973 : i32 to vector<16xi32>
    %add3A_1975 = arith.addi %iota3A, %add3A_1974 : vector<16xi32>
    %mul3A_1976 = arith.constant 128 : i32
    %mul3A_1977 = arith.muli %rem3A_1879, %mul3A_1976 : i32
    %add3A_1978 = arith.constant 0 : i32
    %add3A_1979 = arith.addi %mul3A_1977, %add3A_1978 : i32
    %get3A_1980 = arith.index_cast %add3A_1979 : i32 to index
    %get3A_1981 = tpu.vector_load %arg8[%get3A_1980] {strides = array<i32>} : memref<512xi32, #tpu.memory_space<vmem>>, vector<16xi32>,
    %mul3A_1982 = arith.constant 128 : i32
    %mul3A_1983 = arith.muli %rem3A_1879, %mul3A_1982 : i32
    %add3A_1984 = arith.constant 16 : i32
    %add3A_1985 = arith.addi %mul3A_1983, %add3A_1984 : i32
    %get3A_1986 = arith.index_cast %add3A_1985 : i32 to index
    %get3A_1987 = tpu.vector_load %arg8[%get3A_1986] {strides = array<i32>} : memref<512xi32, #tpu.memory_space<vmem>>, vector<16xi32>,
    %mul3A_1988 = arith.constant 128 : i32
    %mul3A_1989 = arith.muli %rem3A_1879, %mul3A_1988 : i32
    %add3A_1990 = arith.constant 32 : i32
    %add3A_1991 = arith.addi %mul3A_1989, %add3A_1990 : i32
    %get3A_1992 = arith.index_cast %add3A_1991 : i32 to index
    %get3A_1993 = tpu.vector_load %arg8[%get3A_1992] {strides = array<i32>} : memref<512xi32, #tpu.memory_space<vmem>>, vector<16xi32>,
    %mul3A_1994 = arith.constant 128 : i32
    %mul3A_1995 = arith.muli %rem3A_1879, %mul3A_1994 : i32
    %add3A_1996 = arith.constant 48 : i32
    %add3A_1997 = arith.addi %mul3A_1995, %add3A_1996 : i32
    %get3A_1998 = arith.index_cast %add3A_1997 : i32 to index
    %get3A_1999 = tpu.vector_load %arg8[%get3A_1998] {strides = array<i32>} : memref<512xi32, #tpu.memory_space<vmem>>, vector<16xi32>,
    %mul3A_2000 = arith.constant 128 : i32
    %mul3A_2001 = arith.muli %rem3A_1879, %mul3A_2000 : i32
    %add3A_2002 = arith.constant 64 : i32
    %add3A_2003 = arith.addi %mul3A_2001, %add3A_2002 : i32
    %get3A_2004 = arith.index_cast %add3A_2003 : i32 to index
    %get3A_2005 = tpu.vector_load %arg8[%get3A_2004] {strides = array<i32>} : memref<512xi32, #tpu.memory_space<vmem>>, vector<16xi32>,
    %mul3A_2006 = arith.constant 128 : i32
    %mul3A_2007 = arith.muli %rem3A_1879, %mul3A_2006 : i32
    %add3A_2008 = arith.constant 80 : i32
    %add3A_2009 = arith.addi %mul3A_2007, %add3A_2008 : i32
    %get3A_2010 = arith.index_cast %add3A_2009 : i32 to index
    %get3A_2011 = tpu.vector_load %arg8[%get3A_2010] {strides = array<i32>} : memref<512xi32, #tpu.memory_space<vmem>>, vector<16xi32>,
    %mul3A_2012 = arith.constant 128 : i32
    %mul3A_2013 = arith.muli %rem3A_1879, %mul3A_2012 : i32
    %add3A_2014 = arith.constant 96 : i32
    %add3A_2015 = arith.addi %mul3A_2013, %add3A_2014 : i32
    %get3A_2016 = arith.index_cast %add3A_2015 : i32 to index
    %get3A_2017 = tpu.vector_load %arg8[%get3A_2016] {strides = array<i32>} : memref<512xi32, #tpu.memory_space<vmem>>, vector<16xi32>,
    %mul3A_2018 = arith.constant 128 : i32
    %mul3A_2019 = arith.muli %rem3A_1879, %mul3A_2018 : i32
    %add3A_2020 = arith.constant 112 : i32
    %add3A_2021 = arith.addi %mul3A_2019, %add3A_2020 : i32
    %get3A_2022 = arith.index_cast %add3A_2021 : i32 to index
    %get3A_2023 = tpu.vector_load %arg8[%get3A_2022] {strides = array<i32>} : memref<512xi32, #tpu.memory_space<vmem>>, vector<16xi32>,
    %scan3A_2024 = arith.constant 8.000000e+00 : f32
    %scan3A_2025 = arith.constant 0 : i32
    %scan3A_2026 = arith.constant 0 : i32
    %scan3A_2027 = arith.constant 64 : i32
    %scan3A_2028 = arith.addi %scan3A_2026, %scan3A_2027 : i32
    %scan3A_2029 = arith.constant 1 : i32
    %scan3A_2030 = scf.for %scan3A_2740 = %scan3A_2026 to %scan3A_2028 step %scan3A_2029 iter_args(%scan3A_2741 = %scan3A_2025) -> (i32)  : i32 {
      %mul3A_2742 = arith.constant 16 : i32
      %mul3A_2743 = arith.muli %scan3A_2740, %mul3A_2742 : i32
      %get3A_2744 = arith.index_cast %sub3A_1925 : i32 to index
      %get3A_2745 = arith.index_cast %mul3A_2743 : i32 to index
      %get3A_2746 = tpu.vector_load %arg10[%get3A_2744, %get3A_2745] {strides = array<i32>} : memref<16x1024xf32, #tpu.memory_space<vmem>>, vector<16xf32>,
      %add3A_2747 = arith.addi %mul3A_1927, %scan3A_2740 : i32
      %add3A_2748 = vector.broadcast %scan3A_2740 : i32 to vector<16xi32>
      %add3A_2749 = arith.addi %get3A_1981, %add3A_2748 : vector<16xi32>
      %gather3A = tpu.vector_load_idx %arg9[%add3A_1933, %add3A_2749] : memref<512x128xf32, #tpu.memory_space<vmem>>[vector<16xi32>, vector<16xi32>], vector<16xf32>,
      %mul3A_2750 = vector.broadcast %scan3A_2024 : f32 to vector<16xf32>
      %mul3A_2751 = arith.mulf %gather3A, %mul3A_2750 : vector<16xf32>
      %add3A_2752 = arith.addf %mul3A_2751, %get3A_2746 : vector<16xf32>
      %swap3A = arith.index_cast %add3A_2747 : i32 to index
      %swap3A_2753 = arith.constant 0 : index
      %swap3A_2754 = tpu.vector_load %arg11[%swap3A, %swap3A_2753] {strides = array<i32>} : memref<128x128xf32, #tpu.memory_space<vmem>>, vector<16xf32>,
      tpu.vector_store %arg11[%swap3A, %swap3A_2753], %add3A_2752 {strides = array<i32>} : memref<128x128xf32, #tpu.memory_space<vmem>>, vector<16xf32>,
      %add3A_2755 = vector.broadcast %scan3A_2740 : i32 to vector<16xi32>
      %add3A_2756 = arith.addi %get3A_1987, %add3A_2755 : vector<16xi32>
      %gather3A_2757 = tpu.vector_load_idx %arg9[%add3A_1939, %add3A_2756] : memref<512x128xf32, #tpu.memory_space<vmem>>[vector<16xi32>, vector<16xi32>], vector<16xf32>,
      %mul3A_2758 = vector.broadcast %scan3A_2024 : f32 to vector<16xf32>
      %mul3A_2759 = arith.mulf %gather3A_2757, %mul3A_2758 : vector<16xf32>
      %add3A_2760 = arith.addf %mul3A_2759, %get3A_2746 : vector<16xf32>
      %swap3A_2761 = arith.index_cast %add3A_2747 : i32 to index
      %swap3A_2762 = arith.constant 16 : index
      %swap3A_2763 = tpu.vector_load %arg11[%swap3A_2761, %swap3A_2762] {strides = array<i32>} : memref<128x128xf32, #tpu.memory_space<vmem>>, vector<16xf32>,
      tpu.vector_store %arg11[%swap3A_2761, %swap3A_2762], %add3A_2760 {strides = array<i32>} : memref<128x128xf32, #tpu.memory_space<vmem>>, vector<16xf32>,
      %add3A_2764 = vector.broadcast %scan3A_2740 : i32 to vector<16xi32>
      %add3A_2765 = arith.addi %get3A_1993, %add3A_2764 : vector<16xi32>
      %gather3A_2766 = tpu.vector_load_idx %arg9[%add3A_1945, %add3A_2765] : memref<512x128xf32, #tpu.memory_space<vmem>>[vector<16xi32>, vector<16xi32>], vector<16xf32>,
      %mul3A_2767 = vector.broadcast %scan3A_2024 : f32 to vector<16xf32>
      %mul3A_2768 = arith.mulf %gather3A_2766, %mul3A_2767 : vector<16xf32>
      %add3A_2769 = arith.addf %mul3A_2768, %get3A_2746 : vector<16xf32>
      %swap3A_2770 = arith.index_cast %add3A_2747 : i32 to index
      %swap3A_2771 = arith.constant 32 : index
      %swap3A_2772 = tpu.vector_load %arg11[%swap3A_2770, %swap3A_2771] {strides = array<i32>} : memref<128x128xf32, #tpu.memory_space<vmem>>, vector<16xf32>,
      tpu.vector_store %arg11[%swap3A_2770, %swap3A_2771], %add3A_2769 {strides = array<i32>} : memref<128x128xf32, #tpu.memory_space<vmem>>, vector<16xf32>,
      %add3A_2773 = vector.broadcast %scan3A_2740 : i32 to vector<16xi32>
      %add3A_2774 = arith.addi %get3A_1999, %add3A_2773 : vector<16xi32>
      %gather3A_2775 = tpu.vector_load_idx %arg9[%add3A_1951, %add3A_2774] : memref<512x128xf32, #tpu.memory_space<vmem>>[vector<16xi32>, vector<16xi32>], vector<16xf32>,
      %mul3A_2776 = vector.broadcast %scan3A_2024 : f32 to vector<16xf32>
      %mul3A_2777 = arith.mulf %gather3A_2775, %mul3A_2776 : vector<16xf32>
      %add3A_2778 = arith.addf %mul3A_2777, %get3A_2746 : vector<16xf32>
      %swap3A_2779 = arith.index_cast %add3A_2747 : i32 to index
      %swap3A_2780 = arith.constant 48 : index
      %swap3A_2781 = tpu.vector_load %arg11[%swap3A_2779, %swap3A_2780] {strides = array<i32>} : memref<128x128xf32, #tpu.memory_space<vmem>>, vector<16xf32>,
      tpu.vector_store %arg11[%swap3A_2779, %swap3A_2780], %add3A_2778 {strides = array<i32>} : memref<128x128xf32, #tpu.memory_space<vmem>>, vector<16xf32>,
      %add3A_2782 = vector.broadcast %scan3A_2740 : i32 to vector<16xi32>
      %add3A_2783 = arith.addi %get3A_2005, %add3A_2782 : vector<16xi32>
      %gather3A_2784 = tpu.vector_load_idx %arg9[%add3A_1957, %add3A_2783] : memref<512x128xf32, #tpu.memory_space<vmem>>[vector<16xi32>, vector<16xi32>], vector<16xf32>,
      %mul3A_2785 = vector.broadcast %scan3A_2024 : f32 to vector<16xf32>
      %mul3A_2786 = arith.mulf %gather3A_2784, %mul3A_2785 : vector<16xf32>
      %add3A_2787 = arith.addf %mul3A_2786, %get3A_2746 : vector<16xf32>
      %swap3A_2788 = arith.index_cast %add3A_2747 : i32 to index
      %swap3A_2789 = arith.constant 64 : index
      %swap3A_2790 = tpu.vector_load %arg11[%swap3A_2788, %swap3A_2789] {strides = array<i32>} : memref<128x128xf32, #tpu.memory_space<vmem>>, vector<16xf32>,
      tpu.vector_store %arg11[%swap3A_2788, %swap3A_2789], %add3A_2787 {strides = array<i32>} : memref<128x128xf32, #tpu.memory_space<vmem>>, vector<16xf32>,
      %add3A_2791 = vector.broadcast %scan3A_2740 : i32 to vector<16xi32>
      %add3A_2792 = arith.addi %get3A_2011, %add3A_2791 : vector<16xi32>
      %gather3A_2793 = tpu.vector_load_idx %arg9[%add3A_1963, %add3A_2792] : memref<512x128xf32, #tpu.memory_space<vmem>>[vector<16xi32>, vector<16xi32>], vector<16xf32>,
      %mul3A_2794 = vector.broadcast %scan3A_2024 : f32 to vector<16xf32>
      %mul3A_2795 = arith.mulf %gather3A_2793, %mul3A_2794 : vector<16xf32>
      %add3A_2796 = arith.addf %mul3A_2795, %get3A_2746 : vector<16xf32>
      %swap3A_2797 = arith.index_cast %add3A_2747 : i32 to index
      %swap3A_2798 = arith.constant 80 : index
      %swap3A_2799 = tpu.vector_load %arg11[%swap3A_2797, %swap3A_2798] {strides = array<i32>} : memref<128x128xf32, #tpu.memory_space<vmem>>, vector<16xf32>,
      tpu.vector_store %arg11[%swap3A_2797, %swap3A_2798], %add3A_2796 {strides = array<i32>} : memref<128x128xf32, #tpu.memory_space<vmem>>, vector<16xf32>,
      %add3A_2800 = vector.broadcast %scan3A_2740 : i32 to vector<16xi32>
      %add3A_2801 = arith.addi %get3A_2017, %add3A_2800 : vector<16xi32>
      %gather3A_2802 = tpu.vector_load_idx %arg9[%add3A_1969, %add3A_2801] : memref<512x128xf32, #tpu.memory_space<vmem>>[vector<16xi32>, vector<16xi32>], vector<16xf32>,
      %mul3A_2803 = vector.broadcast %scan3A_2024 : f32 to vector<16xf32>
      %mul3A_2804 = arith.mulf %gather3A_2802, %mul3A_2803 : vector<16xf32>
      %add3A_2805 = arith.addf %mul3A_2804, %get3A_2746 : vector<16xf32>
      %swap3A_2806 = arith.index_cast %add3A_2747 : i32 to index
      %swap3A_2807 = arith.constant 96 : index
      %swap3A_2808 = tpu.vector_load %arg11[%swap3A_2806, %swap3A_2807] {strides = array<i32>} : memref<128x128xf32, #tpu.memory_space<vmem>>, vector<16xf32>,
      tpu.vector_store %arg11[%swap3A_2806, %swap3A_2807], %add3A_2805 {strides = array<i32>} : memref<128x128xf32, #tpu.memory_space<vmem>>, vector<16xf32>,
      %add3A_2809 = vector.broadcast %scan3A_2740 : i32 to vector<16xi32>
      %add3A_2810 = arith.addi %get3A_2023, %add3A_2809 : vector<16xi32>
      %gather3A_2811 = tpu.vector_load_idx %arg9[%add3A_1975, %add3A_2810] : memref<512x128xf32, #tpu.memory_space<vmem>>[vector<16xi32>, vector<16xi32>], vector<16xf32>,
      %mul3A_2812 = vector.broadcast %scan3A_2024 : f32 to vector<16xf32>
      %mul3A_2813 = arith.mulf %gather3A_2811, %mul3A_2812 : vector<16xf32>
      %add3A_2814 = arith.addf %mul3A_2813, %get3A_2746 : vector<16xf32>
      %swap3A_2815 = arith.index_cast %add3A_2747 : i32 to index
      %swap3A_2816 = arith.constant 112 : index
      %swap3A_2817 = tpu.vector_load %arg11[%swap3A_2815, %swap3A_2816] {strides = array<i32>} : memref<128x128xf32, #tpu.memory_space<vmem>>, vector<16xf32>,
      tpu.vector_store %arg11[%swap3A_2815, %swap3A_2816], %add3A_2814 {strides = array<i32>} : memref<128x128xf32, #tpu.memory_space<vmem>>, vector<16xf32>,
      %scan3A_2818 = arith.constant 0 : i32
      scf.yield %scan3A_2818 : i32
    }
    %scan3A_2031 = arith.constant 64 : i32
    %rem3A_2032 = arith.constant 47 : i32
    %rem3A_2033 = arith.constant 2 : i32
    %rem3A_2034 = arith.remsi %rem3A_2032, %rem3A_2033 : i32
    %add3A_2035 = arith.constant 47 : i32
    %add3A_2036 = arith.addi %mul3A_2, %add3A_2035 : i32
    %jit3A_2037 = arith.constant 8 : i32
    %div3A_2038 = arith.divsi %add3A_2036, %jit3A_2037 : i32
    %sign3A_2039 = arith.constant 0 : i32
    %sign3A_2040 = arith.cmpi sgt, %add3A_2036, %sign3A_2039 : i32
    %sign3A_2041 = arith.extui %sign3A_2040 : i1 to i32
    %sign3A_2042 = arith.constant 0 : i32
    %sign3A_2043 = arith.cmpi slt, %add3A_2036, %sign3A_2042 : i32
    %sign3A_2044 = arith.extui %sign3A_2043 : i1 to i32
    %sign3A_2045 = arith.subi %sign3A_2041, %sign3A_2044 : i32
    %sign3A_2046 = arith.constant 0 : i32
    %sign3A_2047 = arith.cmpi sgt, %jit3A_2037, %sign3A_2046 : i32
    %sign3A_2048 = arith.extui %sign3A_2047 : i1 to i32
    %sign3A_2049 = arith.constant 0 : i32
    %sign3A_2050 = arith.cmpi slt, %jit3A_2037, %sign3A_2049 : i32
    %sign3A_2051 = arith.extui %sign3A_2050 : i1 to i32
    %sign3A_2052 = arith.subi %sign3A_2048, %sign3A_2051 : i32
    %ne3A_2053 = arith.cmpi ne, %sign3A_2045, %sign3A_2052 : i32
    %rem3A_2054 = arith.remsi %add3A_2036, %jit3A_2037 : i32
    %ne3A_2055 = arith.constant 0 : i32
    %ne3A_2056 = arith.cmpi ne, %rem3A_2054, %ne3A_2055 : i32
    %and3A_2057 = arith.andi %ne3A_2053, %ne3A_2056 : i1
    %sub3A_2058 = arith.constant 1 : i32
    %sub3A_2059 = arith.subi %div3A_2038, %sub3A_2058 : i32
    %select_n3A_2060 = arith.select %and3A_2057, %sub3A_2059, %div3A_2038 : i32
    %jit3A_2061 = arith.constant 8 : i32
    %eq3A_2062 = arith.constant 0 : i32
    %eq3A_2063 = arith.cmpi eq, %jit3A_2061, %eq3A_2062 : i32
    %jit3A_2064 = arith.constant 1 : i32
    %select_n3A_2065 = arith.select %eq3A_2063, %jit3A_2064, %jit3A_2061 : i32
    %rem3A_2066 = arith.remsi %add3A_2036, %select_n3A_2065 : i32
    %ne3A_2067 = arith.constant 0 : i32
    %ne3A_2068 = arith.cmpi ne, %rem3A_2066, %ne3A_2067 : i32
    %lt3A_2069 = arith.constant 0 : i32
    %lt3A_2070 = arith.cmpi slt, %rem3A_2066, %lt3A_2069 : i32
    %lt3A_2071 = arith.constant 0 : i32
    %lt3A_2072 = arith.cmpi slt, %select_n3A_2065, %lt3A_2071 : i32
    %ne3A_2073 = arith.xori %lt3A_2070, %lt3A_2072 : i1
    %and3A_2074 = arith.andi %ne3A_2073, %ne3A_2068 : i1
    %add3A_2075 = arith.addi %rem3A_2066, %select_n3A_2065 : i32
    %select_n3A_2076 = arith.select %and3A_2074, %add3A_2075, %rem3A_2066 : i32
    %mul3A_2077 = arith.constant 64 : i32
    %mul3A_2078 = arith.muli %rem3A_2034, %mul3A_2077 : i32
    %mul3A_2079 = arith.constant 128 : i32
    %mul3A_2080 = arith.muli %select_n3A_2076, %mul3A_2079 : i32
    %dma_start3A_2081 = arith.constant 0 : i32
    %dma_start3A_2082 = tpu.memref_slice %arg11[%mul3A_2078, %dma_start3A_2081] : memref<128x128xf32, #tpu.memory_space<vmem>> -> memref<64x128xf32, #tpu.memory_space<vmem>>
    %dma_start3A_2083 = arith.constant 0 : i32
    %dma_start3A_2084 = tpu.memref_slice %arg5[%select_n3A_2060, %dma_start3A_2083, %mul3A_2080] : memref<200x64x1024xf32, #tpu.memory_space<hbm>> -> memref<1x64x128xf32, #tpu.memory_space<hbm>>
    %dma_start3A_2085 = tpu.memref_squeeze %dma_start3A_2084 : memref<1x64x128xf32, #tpu.memory_space<hbm>> -> memref<64x128xf32, #tpu.memory_space<hbm>>
    %dma_start3A_2086 = tpu.memref_slice %arg14[%rem3A_2034] : memref<2x!tpu.dma_semaphore, #tpu.memory_space<semaphore_mem>> -> memref<1x!tpu.dma_semaphore, #tpu.memory_space<semaphore_mem>>
    %dma_start3A_2087 = tpu.memref_squeeze %dma_start3A_2086 : memref<1x!tpu.dma_semaphore, #tpu.memory_space<semaphore_mem>> -> memref<!tpu.dma_semaphore, #tpu.memory_space<semaphore_mem>>
    %dma_start3A_2088 = arith.constant 0 : i32
    %dma_start3A_2089 = tpu.memref_slice %arg5[%select_n3A_2060, %dma_start3A_2088, %mul3A_2080] : memref<200x64x1024xf32, #tpu.memory_space<hbm>> -> memref<1x64x128xf32, #tpu.memory_space<hbm>>
    %dma_start3A_2090 = tpu.memref_squeeze %dma_start3A_2089 : memref<1x64x128xf32, #tpu.memory_space<hbm>> -> memref<64x128xf32, #tpu.memory_space<hbm>>
    %dma_start3A_2091 = arith.constant 0 : i32
    %dma_start3A_2092 = tpu.memref_slice %arg11[%mul3A_2078, %dma_start3A_2091] : memref<128x128xf32, #tpu.memory_space<vmem>> -> memref<64x128xf32, #tpu.memory_space<vmem>>
    tpu.enqueue_dma source(%dma_start3A_2092 : memref<64x128xf32, #tpu.memory_space<vmem>>) target(%dma_start3A_2090 : memref<64x128xf32, #tpu.memory_space<hbm>>) target_semaphore(%dma_start3A_2087 : memref<!tpu.dma_semaphore, #tpu.memory_space<semaphore_mem>>)
    %rem3A_2093 = arith.constant 48 : i32
    %rem3A_2094 = arith.constant 2 : i32
    %rem3A_2095 = arith.remsi %rem3A_2093, %rem3A_2094 : i32
    %dma_wait3A_2096 = arith.constant 0 : i32
    %dma_wait3A_2097 = arith.constant 0 : i32
    %dma_wait3A_2098 = arith.constant 0 : i32
    %dma_wait3A_2099 = tpu.memref_slice %arg11[%dma_wait3A_2097, %dma_wait3A_2098] : memref<128x128xf32, #tpu.memory_space<vmem>> -> memref<64x128xf32, #tpu.memory_space<vmem>>
    %dma_wait3A_2100 = arith.constant 0 : i32
    %dma_wait3A_2101 = arith.constant 0 : i32
    %dma_wait3A_2102 = tpu.memref_slice %arg5[%dma_wait3A_2096, %dma_wait3A_2100, %dma_wait3A_2101] : memref<200x64x1024xf32, #tpu.memory_space<hbm>> -> memref<1x64x128xf32, #tpu.memory_space<hbm>>
    %dma_wait3A_2103 = tpu.memref_squeeze %dma_wait3A_2102 : memref<1x64x128xf32, #tpu.memory_space<hbm>> -> memref<64x128xf32, #tpu.memory_space<hbm>>
    %dma_wait3A_2104 = tpu.memref_slice %arg14[%rem3A_2095] : memref<2x!tpu.dma_semaphore, #tpu.memory_space<semaphore_mem>> -> memref<1x!tpu.dma_semaphore, #tpu.memory_space<semaphore_mem>>
    %dma_wait3A_2105 = tpu.memref_squeeze %dma_wait3A_2104 : memref<1x!tpu.dma_semaphore, #tpu.memory_space<semaphore_mem>> -> memref<!tpu.dma_semaphore, #tpu.memory_space<semaphore_mem>>
    %dma_wait3A_2106 = arith.constant 0 : i32
    %dma_wait3A_2107 = arith.constant 0 : i32
    %dma_wait3A_2108 = tpu.memref_slice %arg5[%dma_wait3A_2096, %dma_wait3A_2106, %dma_wait3A_2107] : memref<200x64x1024xf32, #tpu.memory_space<hbm>> -> memref<1x64x128xf32, #tpu.memory_space<hbm>>
    %dma_wait3A_2109 = tpu.memref_squeeze %dma_wait3A_2108 : memref<1x64x128xf32, #tpu.memory_space<hbm>> -> memref<64x128xf32, #tpu.memory_space<hbm>>
    %dma_wait3A_2110 = arith.constant 0 : i32
    %dma_wait3A_2111 = arith.constant 0 : i32
    %dma_wait3A_2112 = tpu.memref_slice %arg11[%dma_wait3A_2110, %dma_wait3A_2111] : memref<128x128xf32, #tpu.memory_space<vmem>> -> memref<64x128xf32, #tpu.memory_space<vmem>>
    tpu.wait_dma2 semaphore(%dma_wait3A_2105 : memref<!tpu.dma_semaphore, #tpu.memory_space<semaphore_mem>>) src(%dma_wait3A_2112 : memref<64x128xf32, #tpu.memory_space<vmem>>) dst(%dma_wait3A_2109 : memref<64x128xf32, #tpu.memory_space<hbm>>)
    %rem3A_2113 = arith.constant 48 : i32
    %rem3A_2114 = arith.constant 4 : i32
    %rem3A_2115 = arith.remsi %rem3A_2113, %rem3A_2114 : i32
    %dma_wait3A_2116 = arith.constant 0 : i32
    %dma_wait3A_2117 = arith.constant 0 : i32
    %dma_wait3A_2118 = tpu.memref_slice %arg9[%dma_wait3A_2116, %dma_wait3A_2117] : memref<512x128xf32, #tpu.memory_space<vmem>> -> memref<32x128xf32, #tpu.memory_space<vmem>>
    %dma_wait3A_2119 = arith.constant 0 : i32
    %dma_wait3A_2120 = arith.constant 0 : i32
    %dma_wait3A_2121 = tpu.memref_slice %arg2[%dma_wait3A_2119, %dma_wait3A_2120] : memref<507904x128xf32, #tpu.memory_space<hbm>> -> memref<32x128xf32, #tpu.memory_space<hbm>>
    %dma_wait3A_2122 = tpu.memref_slice %arg13[%rem3A_2115] : memref<4x!tpu.dma_semaphore, #tpu.memory_space<semaphore_mem>> -> memref<1x!tpu.dma_semaphore, #tpu.memory_space<semaphore_mem>>
    %dma_wait3A_2123 = tpu.memref_squeeze %dma_wait3A_2122 : memref<1x!tpu.dma_semaphore, #tpu.memory_space<semaphore_mem>> -> memref<!tpu.dma_semaphore, #tpu.memory_space<semaphore_mem>>
    %dma_wait3A_2124 = arith.constant 0 : i32
    %dma_wait3A_2125 = arith.constant 0 : i32
    %dma_wait3A_2126 = tpu.memref_slice %arg9[%dma_wait3A_2124, %dma_wait3A_2125] : memref<512x128xf32, #tpu.memory_space<vmem>> -> memref<32x128xf32, #tpu.memory_space<vmem>>
    %dma_wait3A_2127 = arith.constant 0 : i32
    %dma_wait3A_2128 = arith.constant 0 : i32
    %dma_wait3A_2129 = tpu.memref_slice %arg2[%dma_wait3A_2127, %dma_wait3A_2128] : memref<507904x128xf32, #tpu.memory_space<hbm>> -> memref<32x128xf32, #tpu.memory_space<hbm>>
    tpu.wait_dma2 semaphore(%dma_wait3A_2123 : memref<!tpu.dma_semaphore, #tpu.memory_space<semaphore_mem>>) src(%dma_wait3A_2129 : memref<32x128xf32, #tpu.memory_space<hbm>>) dst(%dma_wait3A_2126 : memref<32x128xf32, #tpu.memory_space<vmem>>)
    %dma_wait3A_2130 = arith.constant 0 : i32
    %dma_wait3A_2131 = arith.constant 0 : i32
    %dma_wait3A_2132 = tpu.memref_slice %arg9[%dma_wait3A_2130, %dma_wait3A_2131] : memref<512x128xf32, #tpu.memory_space<vmem>> -> memref<32x128xf32, #tpu.memory_space<vmem>>
    %dma_wait3A_2133 = arith.constant 0 : i32
    %dma_wait3A_2134 = arith.constant 0 : i32
    %dma_wait3A_2135 = tpu.memref_slice %arg2[%dma_wait3A_2133, %dma_wait3A_2134] : memref<507904x128xf32, #tpu.memory_space<hbm>> -> memref<32x128xf32, #tpu.memory_space<hbm>>
    %dma_wait3A_2136 = tpu.memref_slice %arg13[%rem3A_2115] : memref<4x!tpu.dma_semaphore, #tpu.memory_space<semaphore_mem>> -> memref<1x!tpu.dma_semaphore, #tpu.memory_space<semaphore_mem>>
    %dma_wait3A_2137 = tpu.memref_squeeze %dma_wait3A_2136 : memref<1x!tpu.dma_semaphore, #tpu.memory_space<semaphore_mem>> -> memref<!tpu.dma_semaphore, #tpu.memory_space<semaphore_mem>>
    %dma_wait3A_2138 = arith.constant 0 : i32
    %dma_wait3A_2139 = arith.constant 0 : i32
    %dma_wait3A_2140 = tpu.memref_slice %arg9[%dma_wait3A_2138, %dma_wait3A_2139] : memref<512x128xf32, #tpu.memory_space<vmem>> -> memref<32x128xf32, #tpu.memory_space<vmem>>
    %dma_wait3A_2141 = arith.constant 0 : i32
    %dma_wait3A_2142 = arith.constant 0 : i32
    %dma_wait3A_2143 = tpu.memref_slice %arg2[%dma_wait3A_2141, %dma_wait3A_2142] : memref<507904x128xf32, #tpu.memory_space<hbm>> -> memref<32x128xf32, #tpu.memory_space<hbm>>
    tpu.wait_dma2 semaphore(%dma_wait3A_2137 : memref<!tpu.dma_semaphore, #tpu.memory_space<semaphore_mem>>) src(%dma_wait3A_2143 : memref<32x128xf32, #tpu.memory_space<hbm>>) dst(%dma_wait3A_2140 : memref<32x128xf32, #tpu.memory_space<vmem>>)
    %dma_wait3A_2144 = arith.constant 0 : i32
    %dma_wait3A_2145 = arith.constant 0 : i32
    %dma_wait3A_2146 = tpu.memref_slice %arg9[%dma_wait3A_2144, %dma_wait3A_2145] : memref<512x128xf32, #tpu.memory_space<vmem>> -> memref<32x128xf32, #tpu.memory_space<vmem>>
    %dma_wait3A_2147 = arith.constant 0 : i32
    %dma_wait3A_2148 = arith.constant 0 : i32
    %dma_wait3A_2149 = tpu.memref_slice %arg2[%dma_wait3A_2147, %dma_wait3A_2148] : memref<507904x128xf32, #tpu.memory_space<hbm>> -> memref<32x128xf32, #tpu.memory_space<hbm>>
    %dma_wait3A_2150 = tpu.memref_slice %arg13[%rem3A_2115] : memref<4x!tpu.dma_semaphore, #tpu.memory_space<semaphore_mem>> -> memref<1x!tpu.dma_semaphore, #tpu.memory_space<semaphore_mem>>
    %dma_wait3A_2151 = tpu.memref_squeeze %dma_wait3A_2150 : memref<1x!tpu.dma_semaphore, #tpu.memory_space<semaphore_mem>> -> memref<!tpu.dma_semaphore, #tpu.memory_space<semaphore_mem>>
    %dma_wait3A_2152 = arith.constant 0 : i32
    %dma_wait3A_2153 = arith.constant 0 : i32
    %dma_wait3A_2154 = tpu.memref_slice %arg9[%dma_wait3A_2152, %dma_wait3A_2153] : memref<512x128xf32, #tpu.memory_space<vmem>> -> memref<32x128xf32, #tpu.memory_space<vmem>>
    %dma_wait3A_2155 = arith.constant 0 : i32
    %dma_wait3A_2156 = arith.constant 0 : i32
    %dma_wait3A_2157 = tpu.memref_slice %arg2[%dma_wait3A_2155, %dma_wait3A_2156] : memref<507904x128xf32, #tpu.memory_space<hbm>> -> memref<32x128xf32, #tpu.memory_space<hbm>>
    tpu.wait_dma2 semaphore(%dma_wait3A_2151 : memref<!tpu.dma_semaphore, #tpu.memory_space<semaphore_mem>>) src(%dma_wait3A_2157 : memref<32x128xf32, #tpu.memory_space<hbm>>) dst(%dma_wait3A_2154 : memref<32x128xf32, #tpu.memory_space<vmem>>)
    %dma_wait3A_2158 = arith.constant 0 : i32
    %dma_wait3A_2159 = arith.constant 0 : i32
    %dma_wait3A_2160 = tpu.memref_slice %arg9[%dma_wait3A_2158, %dma_wait3A_2159] : memref<512x128xf32, #tpu.memory_space<vmem>> -> memref<32x128xf32, #tpu.memory_space<vmem>>
    %dma_wait3A_2161 = arith.constant 0 : i32
    %dma_wait3A_2162 = arith.constant 0 : i32
    %dma_wait3A_2163 = tpu.memref_slice %arg2[%dma_wait3A_2161, %dma_wait3A_2162] : memref<507904x128xf32, #tpu.memory_space<hbm>> -> memref<32x128xf32, #tpu.memory_space<hbm>>
    %dma_wait3A_2164 = tpu.memref_slice %arg13[%rem3A_2115] : memref<4x!tpu.dma_semaphore, #tpu.memory_space<semaphore_mem>> -> memref<1x!tpu.dma_semaphore, #tpu.memory_space<semaphore_mem>>
    %dma_wait3A_2165 = tpu.memref_squeeze %dma_wait3A_2164 : memref<1x!tpu.dma_semaphore, #tpu.memory_space<semaphore_mem>> -> memref<!tpu.dma_semaphore, #tpu.memory_space<semaphore_mem>>
    %dma_wait3A_2166 = arith.constant 0 : i32
    %dma_wait3A_2167 = arith.constant 0 : i32
    %dma_wait3A_2168 = tpu.memref_slice %arg9[%dma_wait3A_2166, %dma_wait3A_2167] : memref<512x128xf32, #tpu.memory_space<vmem>> -> memref<32x128xf32, #tpu.memory_space<vmem>>
    %dma_wait3A_2169 = arith.constant 0 : i32
    %dma_wait3A_2170 = arith.constant 0 : i32
    %dma_wait3A_2171 = tpu.memref_slice %arg2[%dma_wait3A_2169, %dma_wait3A_2170] : memref<507904x128xf32, #tpu.memory_space<hbm>> -> memref<32x128xf32, #tpu.memory_space<hbm>>
    tpu.wait_dma2 semaphore(%dma_wait3A_2165 : memref<!tpu.dma_semaphore, #tpu.memory_space<semaphore_mem>>) src(%dma_wait3A_2171 : memref<32x128xf32, #tpu.memory_space<hbm>>) dst(%dma_wait3A_2168 : memref<32x128xf32, #tpu.memory_space<vmem>>)
    %rem3A_2172 = arith.constant 48 : i32
    %rem3A_2173 = arith.constant 4 : i32
    %rem3A_2174 = arith.remsi %rem3A_2172, %rem3A_2173 : i32
    %rem3A_2175 = arith.constant 48 : i32
    %rem3A_2176 = arith.constant 2 : i32
    %rem3A_2177 = arith.remsi %rem3A_2175, %rem3A_2176 : i32
    %add3A_2178 = arith.constant 48 : i32
    %add3A_2179 = arith.addi %mul3A_2, %add3A_2178 : i32
    %jit3A_2180 = arith.constant 8 : i32
    %div3A_2181 = arith.divsi %add3A_2179, %jit3A_2180 : i32
    %sign3A_2182 = arith.constant 0 : i32
    %sign3A_2183 = arith.cmpi sgt, %add3A_2179, %sign3A_2182 : i32
    %sign3A_2184 = arith.extui %sign3A_2183 : i1 to i32
    %sign3A_2185 = arith.constant 0 : i32
    %sign3A_2186 = arith.cmpi slt, %add3A_2179, %sign3A_2185 : i32
    %sign3A_2187 = arith.extui %sign3A_2186 : i1 to i32
    %sign3A_2188 = arith.subi %sign3A_2184, %sign3A_2187 : i32
    %sign3A_2189 = arith.constant 0 : i32
    %sign3A_2190 = arith.cmpi sgt, %jit3A_2180, %sign3A_2189 : i32
    %sign3A_2191 = arith.extui %sign3A_2190 : i1 to i32
    %sign3A_2192 = arith.constant 0 : i32
    %sign3A_2193 = arith.cmpi slt, %jit3A_2180, %sign3A_2192 : i32
    %sign3A_2194 = arith.extui %sign3A_2193 : i1 to i32
    %sign3A_2195 = arith.subi %sign3A_2191, %sign3A_2194 : i32
    %ne3A_2196 = arith.cmpi ne, %sign3A_2188, %sign3A_2195 : i32
    %rem3A_2197 = arith.remsi %add3A_2179, %jit3A_2180 : i32
    %ne3A_2198 = arith.constant 0 : i32
    %ne3A_2199 = arith.cmpi ne, %rem3A_2197, %ne3A_2198 : i32
    %and3A_2200 = arith.andi %ne3A_2196, %ne3A_2199 : i1
    %sub3A_2201 = arith.constant 1 : i32
    %sub3A_2202 = arith.subi %div3A_2181, %sub3A_2201 : i32
    %select_n3A_2203 = arith.select %and3A_2200, %sub3A_2202, %div3A_2181 : i32
    %jit3A_2204 = arith.constant 8 : i32
    %eq3A_2205 = arith.constant 0 : i32
    %eq3A_2206 = arith.cmpi eq, %jit3A_2204, %eq3A_2205 : i32
    %jit3A_2207 = arith.constant 1 : i32
    %select_n3A_2208 = arith.select %eq3A_2206, %jit3A_2207, %jit3A_2204 : i32
    %rem3A_2209 = arith.remsi %add3A_2179, %select_n3A_2208 : i32
    %ne3A_2210 = arith.constant 0 : i32
    %ne3A_2211 = arith.cmpi ne, %rem3A_2209, %ne3A_2210 : i32
    %lt3A_2212 = arith.constant 0 : i32
    %lt3A_2213 = arith.cmpi slt, %rem3A_2209, %lt3A_2212 : i32
    %lt3A_2214 = arith.constant 0 : i32
    %lt3A_2215 = arith.cmpi slt, %select_n3A_2208, %lt3A_2214 : i32
    %ne3A_2216 = arith.xori %lt3A_2213, %lt3A_2215 : i1
    %and3A_2217 = arith.andi %ne3A_2216, %ne3A_2211 : i1
    %add3A_2218 = arith.addi %rem3A_2209, %select_n3A_2208 : i32
    %select_n3A_2219 = arith.select %and3A_2217, %add3A_2218, %rem3A_2209 : i32
    %sub3A_2220 = arith.subi %select_n3A_2203, %mul3A_44 : i32
    %mul3A_2221 = arith.constant 64 : i32
    %mul3A_2222 = arith.muli %rem3A_2177, %mul3A_2221 : i32
    %mul3A_2223 = arith.constant 128 : i32
    %mul3A_2224 = arith.muli %rem3A_2174, %mul3A_2223 : i32
    %add3A_2225 = arith.constant 0 : i32
    %add3A_2226 = arith.addi %mul3A_2224, %add3A_2225 : i32
    %add3A_2227 = vector.broadcast %add3A_2226 : i32 to vector<16xi32>
    %add3A_2228 = arith.addi %iota3A, %add3A_2227 : vector<16xi32>
    %mul3A_2229 = arith.constant 128 : i32
    %mul3A_2230 = arith.muli %rem3A_2174, %mul3A_2229 : i32
    %add3A_2231 = arith.constant 16 : i32
    %add3A_2232 = arith.addi %mul3A_2230, %add3A_2231 : i32
    %add3A_2233 = vector.broadcast %add3A_2232 : i32 to vector<16xi32>
    %add3A_2234 = arith.addi %iota3A, %add3A_2233 : vector<16xi32>
    %mul3A_2235 = arith.constant 128 : i32
    %mul3A_2236 = arith.muli %rem3A_2174, %mul3A_2235 : i32
    %add3A_2237 = arith.constant 32 : i32
    %add3A_2238 = arith.addi %mul3A_2236, %add3A_2237 : i32
    %add3A_2239 = vector.broadcast %add3A_2238 : i32 to vector<16xi32>
    %add3A_2240 = arith.addi %iota3A, %add3A_2239 : vector<16xi32>
    %mul3A_2241 = arith.constant 128 : i32
    %mul3A_2242 = arith.muli %rem3A_2174, %mul3A_2241 : i32
    %add3A_2243 = arith.constant 48 : i32
    %add3A_2244 = arith.addi %mul3A_2242, %add3A_2243 : i32
    %add3A_2245 = vector.broadcast %add3A_2244 : i32 to vector<16xi32>
    %add3A_2246 = arith.addi %iota3A, %add3A_2245 : vector<16xi32>
    %mul3A_2247 = arith.constant 128 : i32
    %mul3A_2248 = arith.muli %rem3A_2174, %mul3A_2247 : i32
    %add3A_2249 = arith.constant 64 : i32
    %add3A_2250 = arith.addi %mul3A_2248, %add3A_2249 : i32
    %add3A_2251 = vector.broadcast %add3A_2250 : i32 to vector<16xi32>
    %add3A_2252 = arith.addi %iota3A, %add3A_2251 : vector<16xi32>
    %mul3A_2253 = arith.constant 128 : i32
    %mul3A_2254 = arith.muli %rem3A_2174, %mul3A_2253 : i32
    %add3A_2255 = arith.constant 80 : i32
    %add3A_2256 = arith.addi %mul3A_2254, %add3A_2255 : i32
    %add3A_2257 = vector.broadcast %add3A_2256 : i32 to vector<16xi32>
    %add3A_2258 = arith.addi %iota3A, %add3A_2257 : vector<16xi32>
    %mul3A_2259 = arith.constant 128 : i32
    %mul3A_2260 = arith.muli %rem3A_2174, %mul3A_2259 : i32
    %add3A_2261 = arith.constant 96 : i32
    %add3A_2262 = arith.addi %mul3A_2260, %add3A_2261 : i32
    %add3A_2263 = vector.broadcast %add3A_2262 : i32 to vector<16xi32>
    %add3A_2264 = arith.addi %iota3A, %add3A_2263 : vector<16xi32>
    %mul3A_2265 = arith.constant 128 : i32
    %mul3A_2266 = arith.muli %rem3A_2174, %mul3A_2265 : i32
    %add3A_2267 = arith.constant 112 : i32
    %add3A_2268 = arith.addi %mul3A_2266, %add3A_2267 : i32
    %add3A_2269 = vector.broadcast %add3A_2268 : i32 to vector<16xi32>
    %add3A_2270 = arith.addi %iota3A, %add3A_2269 : vector<16xi32>
    %mul3A_2271 = arith.constant 128 : i32
    %mul3A_2272 = arith.muli %rem3A_2174, %mul3A_2271 : i32
    %add3A_2273 = arith.constant 0 : i32
    %add3A_2274 = arith.addi %mul3A_2272, %add3A_2273 : i32
    %get3A_2275 = arith.index_cast %add3A_2274 : i32 to index
    %get3A_2276 = tpu.vector_load %arg8[%get3A_2275] {strides = array<i32>} : memref<512xi32, #tpu.memory_space<vmem>>, vector<16xi32>,
    %mul3A_2277 = arith.constant 128 : i32
    %mul3A_2278 = arith.muli %rem3A_2174, %mul3A_2277 : i32
    %add3A_2279 = arith.constant 16 : i32
    %add3A_2280 = arith.addi %mul3A_2278, %add3A_2279 : i32
    %get3A_2281 = arith.index_cast %add3A_2280 : i32 to index
    %get3A_2282 = tpu.vector_load %arg8[%get3A_2281] {strides = array<i32>} : memref<512xi32, #tpu.memory_space<vmem>>, vector<16xi32>,
    %mul3A_2283 = arith.constant 128 : i32
    %mul3A_2284 = arith.muli %rem3A_2174, %mul3A_2283 : i32
    %add3A_2285 = arith.constant 32 : i32
    %add3A_2286 = arith.addi %mul3A_2284, %add3A_2285 : i32
    %get3A_2287 = arith.index_cast %add3A_2286 : i32 to index
    %get3A_2288 = tpu.vector_load %arg8[%get3A_2287] {strides = array<i32>} : memref<512xi32, #tpu.memory_space<vmem>>, vector<16xi32>,
    %mul3A_2289 = arith.constant 128 : i32
    %mul3A_2290 = arith.muli %rem3A_2174, %mul3A_2289 : i32
    %add3A_2291 = arith.constant 48 : i32
    %add3A_2292 = arith.addi %mul3A_2290, %add3A_2291 : i32
    %get3A_2293 = arith.index_cast %add3A_2292 : i32 to index
    %get3A_2294 = tpu.vector_load %arg8[%get3A_2293] {strides = array<i32>} : memref<512xi32, #tpu.memory_space<vmem>>, vector<16xi32>,
    %mul3A_2295 = arith.constant 128 : i32
    %mul3A_2296 = arith.muli %rem3A_2174, %mul3A_2295 : i32
    %add3A_2297 = arith.constant 64 : i32
    %add3A_2298 = arith.addi %mul3A_2296, %add3A_2297 : i32
    %get3A_2299 = arith.index_cast %add3A_2298 : i32 to index
    %get3A_2300 = tpu.vector_load %arg8[%get3A_2299] {strides = array<i32>} : memref<512xi32, #tpu.memory_space<vmem>>, vector<16xi32>,
    %mul3A_2301 = arith.constant 128 : i32
    %mul3A_2302 = arith.muli %rem3A_2174, %mul3A_2301 : i32
    %add3A_2303 = arith.constant 80 : i32
    %add3A_2304 = arith.addi %mul3A_2302, %add3A_2303 : i32
    %get3A_2305 = arith.index_cast %add3A_2304 : i32 to index
    %get3A_2306 = tpu.vector_load %arg8[%get3A_2305] {strides = array<i32>} : memref<512xi32, #tpu.memory_space<vmem>>, vector<16xi32>,
    %mul3A_2307 = arith.constant 128 : i32
    %mul3A_2308 = arith.muli %rem3A_2174, %mul3A_2307 : i32
    %add3A_2309 = arith.constant 96 : i32
    %add3A_2310 = arith.addi %mul3A_2308, %add3A_2309 : i32
    %get3A_2311 = arith.index_cast %add3A_2310 : i32 to index
    %get3A_2312 = tpu.vector_load %arg8[%get3A_2311] {strides = array<i32>} : memref<512xi32, #tpu.memory_space<vmem>>, vector<16xi32>,
    %mul3A_2313 = arith.constant 128 : i32
    %mul3A_2314 = arith.muli %rem3A_2174, %mul3A_2313 : i32
    %add3A_2315 = arith.constant 112 : i32
    %add3A_2316 = arith.addi %mul3A_2314, %add3A_2315 : i32
    %get3A_2317 = arith.index_cast %add3A_2316 : i32 to index
    %get3A_2318 = tpu.vector_load %arg8[%get3A_2317] {strides = array<i32>} : memref<512xi32, #tpu.memory_space<vmem>>, vector<16xi32>,
    %scan3A_2319 = arith.constant 8.000000e+00 : f32
    %scan3A_2320 = arith.constant 0 : i32
    %scan3A_2321 = arith.constant 0 : i32
    %scan3A_2322 = arith.constant 64 : i32
    %scan3A_2323 = arith.addi %scan3A_2321, %scan3A_2322 : i32
    %scan3A_2324 = arith.constant 1 : i32
    %scan3A_2325 = scf.for %scan3A_2740 = %scan3A_2321 to %scan3A_2323 step %scan3A_2324 iter_args(%scan3A_2741 = %scan3A_2320) -> (i32)  : i32 {
      %mul3A_2742 = arith.constant 16 : i32
      %mul3A_2743 = arith.muli %scan3A_2740, %mul3A_2742 : i32
      %get3A_2744 = arith.index_cast %sub3A_2220 : i32 to index
      %get3A_2745 = arith.index_cast %mul3A_2743 : i32 to index
      %get3A_2746 = tpu.vector_load %arg10[%get3A_2744, %get3A_2745] {strides = array<i32>} : memref<16x1024xf32, #tpu.memory_space<vmem>>, vector<16xf32>,
      %add3A_2747 = arith.addi %mul3A_2222, %scan3A_2740 : i32
      %add3A_2748 = vector.broadcast %scan3A_2740 : i32 to vector<16xi32>
      %add3A_2749 = arith.addi %get3A_2276, %add3A_2748 : vector<16xi32>
      %gather3A = tpu.vector_load_idx %arg9[%add3A_2228, %add3A_2749] : memref<512x128xf32, #tpu.memory_space<vmem>>[vector<16xi32>, vector<16xi32>], vector<16xf32>,
      %mul3A_2750 = vector.broadcast %scan3A_2319 : f32 to vector<16xf32>
      %mul3A_2751 = arith.mulf %gather3A, %mul3A_2750 : vector<16xf32>
      %add3A_2752 = arith.addf %mul3A_2751, %get3A_2746 : vector<16xf32>
      %swap3A = arith.index_cast %add3A_2747 : i32 to index
      %swap3A_2753 = arith.constant 0 : index
      %swap3A_2754 = tpu.vector_load %arg11[%swap3A, %swap3A_2753] {strides = array<i32>} : memref<128x128xf32, #tpu.memory_space<vmem>>, vector<16xf32>,
      tpu.vector_store %arg11[%swap3A, %swap3A_2753], %add3A_2752 {strides = array<i32>} : memref<128x128xf32, #tpu.memory_space<vmem>>, vector<16xf32>,
      %add3A_2755 = vector.broadcast %scan3A_2740 : i32 to vector<16xi32>
      %add3A_2756 = arith.addi %get3A_2282, %add3A_2755 : vector<16xi32>
      %gather3A_2757 = tpu.vector_load_idx %arg9[%add3A_2234, %add3A_2756] : memref<512x128xf32, #tpu.memory_space<vmem>>[vector<16xi32>, vector<16xi32>], vector<16xf32>,
      %mul3A_2758 = vector.broadcast %scan3A_2319 : f32 to vector<16xf32>
      %mul3A_2759 = arith.mulf %gather3A_2757, %mul3A_2758 : vector<16xf32>
      %add3A_2760 = arith.addf %mul3A_2759, %get3A_2746 : vector<16xf32>
      %swap3A_2761 = arith.index_cast %add3A_2747 : i32 to index
      %swap3A_2762 = arith.constant 16 : index
      %swap3A_2763 = tpu.vector_load %arg11[%swap3A_2761, %swap3A_2762] {strides = array<i32>} : memref<128x128xf32, #tpu.memory_space<vmem>>, vector<16xf32>,
      tpu.vector_store %arg11[%swap3A_2761, %swap3A_2762], %add3A_2760 {strides = array<i32>} : memref<128x128xf32, #tpu.memory_space<vmem>>, vector<16xf32>,
      %add3A_2764 = vector.broadcast %scan3A_2740 : i32 to vector<16xi32>
      %add3A_2765 = arith.addi %get3A_2288, %add3A_2764 : vector<16xi32>
      %gather3A_2766 = tpu.vector_load_idx %arg9[%add3A_2240, %add3A_2765] : memref<512x128xf32, #tpu.memory_space<vmem>>[vector<16xi32>, vector<16xi32>], vector<16xf32>,
      %mul3A_2767 = vector.broadcast %scan3A_2319 : f32 to vector<16xf32>
      %mul3A_2768 = arith.mulf %gather3A_2766, %mul3A_2767 : vector<16xf32>
      %add3A_2769 = arith.addf %mul3A_2768, %get3A_2746 : vector<16xf32>
      %swap3A_2770 = arith.index_cast %add3A_2747 : i32 to index
      %swap3A_2771 = arith.constant 32 : index
      %swap3A_2772 = tpu.vector_load %arg11[%swap3A_2770, %swap3A_2771] {strides = array<i32>} : memref<128x128xf32, #tpu.memory_space<vmem>>, vector<16xf32>,
      tpu.vector_store %arg11[%swap3A_2770, %swap3A_2771], %add3A_2769 {strides = array<i32>} : memref<128x128xf32, #tpu.memory_space<vmem>>, vector<16xf32>,
      %add3A_2773 = vector.broadcast %scan3A_2740 : i32 to vector<16xi32>
      %add3A_2774 = arith.addi %get3A_2294, %add3A_2773 : vector<16xi32>
      %gather3A_2775 = tpu.vector_load_idx %arg9[%add3A_2246, %add3A_2774] : memref<512x128xf32, #tpu.memory_space<vmem>>[vector<16xi32>, vector<16xi32>], vector<16xf32>,
      %mul3A_2776 = vector.broadcast %scan3A_2319 : f32 to vector<16xf32>
      %mul3A_2777 = arith.mulf %gather3A_2775, %mul3A_2776 : vector<16xf32>
      %add3A_2778 = arith.addf %mul3A_2777, %get3A_2746 : vector<16xf32>
      %swap3A_2779 = arith.index_cast %add3A_2747 : i32 to index
      %swap3A_2780 = arith.constant 48 : index
      %swap3A_2781 = tpu.vector_load %arg11[%swap3A_2779, %swap3A_2780] {strides = array<i32>} : memref<128x128xf32, #tpu.memory_space<vmem>>, vector<16xf32>,
      tpu.vector_store %arg11[%swap3A_2779, %swap3A_2780], %add3A_2778 {strides = array<i32>} : memref<128x128xf32, #tpu.memory_space<vmem>>, vector<16xf32>,
      %add3A_2782 = vector.broadcast %scan3A_2740 : i32 to vector<16xi32>
      %add3A_2783 = arith.addi %get3A_2300, %add3A_2782 : vector<16xi32>
      %gather3A_2784 = tpu.vector_load_idx %arg9[%add3A_2252, %add3A_2783] : memref<512x128xf32, #tpu.memory_space<vmem>>[vector<16xi32>, vector<16xi32>], vector<16xf32>,
      %mul3A_2785 = vector.broadcast %scan3A_2319 : f32 to vector<16xf32>
      %mul3A_2786 = arith.mulf %gather3A_2784, %mul3A_2785 : vector<16xf32>
      %add3A_2787 = arith.addf %mul3A_2786, %get3A_2746 : vector<16xf32>
      %swap3A_2788 = arith.index_cast %add3A_2747 : i32 to index
      %swap3A_2789 = arith.constant 64 : index
      %swap3A_2790 = tpu.vector_load %arg11[%swap3A_2788, %swap3A_2789] {strides = array<i32>} : memref<128x128xf32, #tpu.memory_space<vmem>>, vector<16xf32>,
      tpu.vector_store %arg11[%swap3A_2788, %swap3A_2789], %add3A_2787 {strides = array<i32>} : memref<128x128xf32, #tpu.memory_space<vmem>>, vector<16xf32>,
      %add3A_2791 = vector.broadcast %scan3A_2740 : i32 to vector<16xi32>
      %add3A_2792 = arith.addi %get3A_2306, %add3A_2791 : vector<16xi32>
      %gather3A_2793 = tpu.vector_load_idx %arg9[%add3A_2258, %add3A_2792] : memref<512x128xf32, #tpu.memory_space<vmem>>[vector<16xi32>, vector<16xi32>], vector<16xf32>,
      %mul3A_2794 = vector.broadcast %scan3A_2319 : f32 to vector<16xf32>
      %mul3A_2795 = arith.mulf %gather3A_2793, %mul3A_2794 : vector<16xf32>
      %add3A_2796 = arith.addf %mul3A_2795, %get3A_2746 : vector<16xf32>
      %swap3A_2797 = arith.index_cast %add3A_2747 : i32 to index
      %swap3A_2798 = arith.constant 80 : index
      %swap3A_2799 = tpu.vector_load %arg11[%swap3A_2797, %swap3A_2798] {strides = array<i32>} : memref<128x128xf32, #tpu.memory_space<vmem>>, vector<16xf32>,
      tpu.vector_store %arg11[%swap3A_2797, %swap3A_2798], %add3A_2796 {strides = array<i32>} : memref<128x128xf32, #tpu.memory_space<vmem>>, vector<16xf32>,
      %add3A_2800 = vector.broadcast %scan3A_2740 : i32 to vector<16xi32>
      %add3A_2801 = arith.addi %get3A_2312, %add3A_2800 : vector<16xi32>
      %gather3A_2802 = tpu.vector_load_idx %arg9[%add3A_2264, %add3A_2801] : memref<512x128xf32, #tpu.memory_space<vmem>>[vector<16xi32>, vector<16xi32>], vector<16xf32>,
      %mul3A_2803 = vector.broadcast %scan3A_2319 : f32 to vector<16xf32>
      %mul3A_2804 = arith.mulf %gather3A_2802, %mul3A_2803 : vector<16xf32>
      %add3A_2805 = arith.addf %mul3A_2804, %get3A_2746 : vector<16xf32>
      %swap3A_2806 = arith.index_cast %add3A_2747 : i32 to index
      %swap3A_2807 = arith.constant 96 : index
      %swap3A_2808 = tpu.vector_load %arg11[%swap3A_2806, %swap3A_2807] {strides = array<i32>} : memref<128x128xf32, #tpu.memory_space<vmem>>, vector<16xf32>,
      tpu.vector_store %arg11[%swap3A_2806, %swap3A_2807], %add3A_2805 {strides = array<i32>} : memref<128x128xf32, #tpu.memory_space<vmem>>, vector<16xf32>,
      %add3A_2809 = vector.broadcast %scan3A_2740 : i32 to vector<16xi32>
      %add3A_2810 = arith.addi %get3A_2318, %add3A_2809 : vector<16xi32>
      %gather3A_2811 = tpu.vector_load_idx %arg9[%add3A_2270, %add3A_2810] : memref<512x128xf32, #tpu.memory_space<vmem>>[vector<16xi32>, vector<16xi32>], vector<16xf32>,
      %mul3A_2812 = vector.broadcast %scan3A_2319 : f32 to vector<16xf32>
      %mul3A_2813 = arith.mulf %gather3A_2811, %mul3A_2812 : vector<16xf32>
      %add3A_2814 = arith.addf %mul3A_2813, %get3A_2746 : vector<16xf32>
      %swap3A_2815 = arith.index_cast %add3A_2747 : i32 to index
      %swap3A_2816 = arith.constant 112 : index
      %swap3A_2817 = tpu.vector_load %arg11[%swap3A_2815, %swap3A_2816] {strides = array<i32>} : memref<128x128xf32, #tpu.memory_space<vmem>>, vector<16xf32>,
      tpu.vector_store %arg11[%swap3A_2815, %swap3A_2816], %add3A_2814 {strides = array<i32>} : memref<128x128xf32, #tpu.memory_space<vmem>>, vector<16xf32>,
      %scan3A_2818 = arith.constant 0 : i32
      scf.yield %scan3A_2818 : i32
    }
    %scan3A_2326 = arith.constant 64 : i32
    %rem3A_2327 = arith.constant 48 : i32
    %rem3A_2328 = arith.constant 2 : i32
    %rem3A_2329 = arith.remsi %rem3A_2327, %rem3A_2328 : i32
    %add3A_2330 = arith.constant 48 : i32
    %add3A_2331 = arith.addi %mul3A_2, %add3A_2330 : i32
    %jit3A_2332 = arith.constant 8 : i32
    %div3A_2333 = arith.divsi %add3A_2331, %jit3A_2332 : i32
    %sign3A_2334 = arith.constant 0 : i32
    %sign3A_2335 = arith.cmpi sgt, %add3A_2331, %sign3A_2334 : i32
    %sign3A_2336 = arith.extui %sign3A_2335 : i1 to i32
    %sign3A_2337 = arith.constant 0 : i32
    %sign3A_2338 = arith.cmpi slt, %add3A_2331, %sign3A_2337 : i32
    %sign3A_2339 = arith.extui %sign3A_2338 : i1 to i32
    %sign3A_2340 = arith.subi %sign3A_2336, %sign3A_2339 : i32
    %sign3A_2341 = arith.constant 0 : i32
    %sign3A_2342 = arith.cmpi sgt, %jit3A_2332, %sign3A_2341 : i32
    %sign3A_2343 = arith.extui %sign3A_2342 : i1 to i32
    %sign3A_2344 = arith.constant 0 : i32
    %sign3A_2345 = arith.cmpi slt, %jit3A_2332, %sign3A_2344 : i32
    %sign3A_2346 = arith.extui %sign3A_2345 : i1 to i32
    %sign3A_2347 = arith.subi %sign3A_2343, %sign3A_2346 : i32
    %ne3A_2348 = arith.cmpi ne, %sign3A_2340, %sign3A_2347 : i32
    %rem3A_2349 = arith.remsi %add3A_2331, %jit3A_2332 : i32
    %ne3A_2350 = arith.constant 0 : i32
    %ne3A_2351 = arith.cmpi ne, %rem3A_2349, %ne3A_2350 : i32
    %and3A_2352 = arith.andi %ne3A_2348, %ne3A_2351 : i1
    %sub3A_2353 = arith.constant 1 : i32
    %sub3A_2354 = arith.subi %div3A_2333, %sub3A_2353 : i32
    %select_n3A_2355 = arith.select %and3A_2352, %sub3A_2354, %div3A_2333 : i32
    %jit3A_2356 = arith.constant 8 : i32
    %eq3A_2357 = arith.constant 0 : i32
    %eq3A_2358 = arith.cmpi eq, %jit3A_2356, %eq3A_2357 : i32
    %jit3A_2359 = arith.constant 1 : i32
    %select_n3A_2360 = arith.select %eq3A_2358, %jit3A_2359, %jit3A_2356 : i32
    %rem3A_2361 = arith.remsi %add3A_2331, %select_n3A_2360 : i32
    %ne3A_2362 = arith.constant 0 : i32
    %ne3A_2363 = arith.cmpi ne, %rem3A_2361, %ne3A_2362 : i32
    %lt3A_2364 = arith.constant 0 : i32
    %lt3A_2365 = arith.cmpi slt, %rem3A_2361, %lt3A_2364 : i32
    %lt3A_2366 = arith.constant 0 : i32
    %lt3A_2367 = arith.cmpi slt, %select_n3A_2360, %lt3A_2366 : i32
    %ne3A_2368 = arith.xori %lt3A_2365, %lt3A_2367 : i1
    %and3A_2369 = arith.andi %ne3A_2368, %ne3A_2363 : i1
    %add3A_2370 = arith.addi %rem3A_2361, %select_n3A_2360 : i32
    %select_n3A_2371 = arith.select %and3A_2369, %add3A_2370, %rem3A_2361 : i32
    %mul3A_2372 = arith.constant 64 : i32
    %mul3A_2373 = arith.muli %rem3A_2329, %mul3A_2372 : i32
    %mul3A_2374 = arith.constant 128 : i32
    %mul3A_2375 = arith.muli %select_n3A_2371, %mul3A_2374 : i32
    %dma_start3A_2376 = arith.constant 0 : i32
    %dma_start3A_2377 = tpu.memref_slice %arg11[%mul3A_2373, %dma_start3A_2376] : memref<128x128xf32, #tpu.memory_space<vmem>> -> memref<64x128xf32, #tpu.memory_space<vmem>>
    %dma_start3A_2378 = arith.constant 0 : i32
    %dma_start3A_2379 = tpu.memref_slice %arg5[%select_n3A_2355, %dma_start3A_2378, %mul3A_2375] : memref<200x64x1024xf32, #tpu.memory_space<hbm>> -> memref<1x64x128xf32, #tpu.memory_space<hbm>>
    %dma_start3A_2380 = tpu.memref_squeeze %dma_start3A_2379 : memref<1x64x128xf32, #tpu.memory_space<hbm>> -> memref<64x128xf32, #tpu.memory_space<hbm>>
    %dma_start3A_2381 = tpu.memref_slice %arg14[%rem3A_2329] : memref<2x!tpu.dma_semaphore, #tpu.memory_space<semaphore_mem>> -> memref<1x!tpu.dma_semaphore, #tpu.memory_space<semaphore_mem>>
    %dma_start3A_2382 = tpu.memref_squeeze %dma_start3A_2381 : memref<1x!tpu.dma_semaphore, #tpu.memory_space<semaphore_mem>> -> memref<!tpu.dma_semaphore, #tpu.memory_space<semaphore_mem>>
    %dma_start3A_2383 = arith.constant 0 : i32
    %dma_start3A_2384 = tpu.memref_slice %arg5[%select_n3A_2355, %dma_start3A_2383, %mul3A_2375] : memref<200x64x1024xf32, #tpu.memory_space<hbm>> -> memref<1x64x128xf32, #tpu.memory_space<hbm>>
    %dma_start3A_2385 = tpu.memref_squeeze %dma_start3A_2384 : memref<1x64x128xf32, #tpu.memory_space<hbm>> -> memref<64x128xf32, #tpu.memory_space<hbm>>
    %dma_start3A_2386 = arith.constant 0 : i32
    %dma_start3A_2387 = tpu.memref_slice %arg11[%mul3A_2373, %dma_start3A_2386] : memref<128x128xf32, #tpu.memory_space<vmem>> -> memref<64x128xf32, #tpu.memory_space<vmem>>
    tpu.enqueue_dma source(%dma_start3A_2387 : memref<64x128xf32, #tpu.memory_space<vmem>>) target(%dma_start3A_2385 : memref<64x128xf32, #tpu.memory_space<hbm>>) target_semaphore(%dma_start3A_2382 : memref<!tpu.dma_semaphore, #tpu.memory_space<semaphore_mem>>)
    %rem3A_2388 = arith.constant 49 : i32
    %rem3A_2389 = arith.constant 2 : i32
    %rem3A_2390 = arith.remsi %rem3A_2388, %rem3A_2389 : i32
    %dma_wait3A_2391 = arith.constant 0 : i32
    %dma_wait3A_2392 = arith.constant 0 : i32
    %dma_wait3A_2393 = arith.constant 0 : i32
    %dma_wait3A_2394 = tpu.memref_slice %arg11[%dma_wait3A_2392, %dma_wait3A_2393] : memref<128x128xf32, #tpu.memory_space<vmem>> -> memref<64x128xf32, #tpu.memory_space<vmem>>
    %dma_wait3A_2395 = arith.constant 0 : i32
    %dma_wait3A_2396 = arith.constant 0 : i32
    %dma_wait3A_2397 = tpu.memref_slice %arg5[%dma_wait3A_2391, %dma_wait3A_2395, %dma_wait3A_2396] : memref<200x64x1024xf32, #tpu.memory_space<hbm>> -> memref<1x64x128xf32, #tpu.memory_space<hbm>>
    %dma_wait3A_2398 = tpu.memref_squeeze %dma_wait3A_2397 : memref<1x64x128xf32, #tpu.memory_space<hbm>> -> memref<64x128xf32, #tpu.memory_space<hbm>>
    %dma_wait3A_2399 = tpu.memref_slice %arg14[%rem3A_2390] : memref<2x!tpu.dma_semaphore, #tpu.memory_space<semaphore_mem>> -> memref<1x!tpu.dma_semaphore, #tpu.memory_space<semaphore_mem>>
    %dma_wait3A_2400 = tpu.memref_squeeze %dma_wait3A_2399 : memref<1x!tpu.dma_semaphore, #tpu.memory_space<semaphore_mem>> -> memref<!tpu.dma_semaphore, #tpu.memory_space<semaphore_mem>>
    %dma_wait3A_2401 = arith.constant 0 : i32
    %dma_wait3A_2402 = arith.constant 0 : i32
    %dma_wait3A_2403 = tpu.memref_slice %arg5[%dma_wait3A_2391, %dma_wait3A_2401, %dma_wait3A_2402] : memref<200x64x1024xf32, #tpu.memory_space<hbm>> -> memref<1x64x128xf32, #tpu.memory_space<hbm>>
    %dma_wait3A_2404 = tpu.memref_squeeze %dma_wait3A_2403 : memref<1x64x128xf32, #tpu.memory_space<hbm>> -> memref<64x128xf32, #tpu.memory_space<hbm>>
    %dma_wait3A_2405 = arith.constant 0 : i32
    %dma_wait3A_2406 = arith.constant 0 : i32
    %dma_wait3A_2407 = tpu.memref_slice %arg11[%dma_wait3A_2405, %dma_wait3A_2406] : memref<128x128xf32, #tpu.memory_space<vmem>> -> memref<64x128xf32, #tpu.memory_space<vmem>>
    tpu.wait_dma2 semaphore(%dma_wait3A_2400 : memref<!tpu.dma_semaphore, #tpu.memory_space<semaphore_mem>>) src(%dma_wait3A_2407 : memref<64x128xf32, #tpu.memory_space<vmem>>) dst(%dma_wait3A_2404 : memref<64x128xf32, #tpu.memory_space<hbm>>)
    %rem3A_2408 = arith.constant 49 : i32
    %rem3A_2409 = arith.constant 4 : i32
    %rem3A_2410 = arith.remsi %rem3A_2408, %rem3A_2409 : i32
    %dma_wait3A_2411 = arith.constant 0 : i32
    %dma_wait3A_2412 = arith.constant 0 : i32
    %dma_wait3A_2413 = tpu.memref_slice %arg9[%dma_wait3A_2411, %dma_wait3A_2412] : memref<512x128xf32, #tpu.memory_space<vmem>> -> memref<32x128xf32, #tpu.memory_space<vmem>>
    %dma_wait3A_2414 = arith.constant 0 : i32
    %dma_wait3A_2415 = arith.constant 0 : i32
    %dma_wait3A_2416 = tpu.memref_slice %arg2[%dma_wait3A_2414, %dma_wait3A_2415] : memref<507904x128xf32, #tpu.memory_space<hbm>> -> memref<32x128xf32, #tpu.memory_space<hbm>>
    %dma_wait3A_2417 = tpu.memref_slice %arg13[%rem3A_2410] : memref<4x!tpu.dma_semaphore, #tpu.memory_space<semaphore_mem>> -> memref<1x!tpu.dma_semaphore, #tpu.memory_space<semaphore_mem>>
    %dma_wait3A_2418 = tpu.memref_squeeze %dma_wait3A_2417 : memref<1x!tpu.dma_semaphore, #tpu.memory_space<semaphore_mem>> -> memref<!tpu.dma_semaphore, #tpu.memory_space<semaphore_mem>>
    %dma_wait3A_2419 = arith.constant 0 : i32
    %dma_wait3A_2420 = arith.constant 0 : i32
    %dma_wait3A_2421 = tpu.memref_slice %arg9[%dma_wait3A_2419, %dma_wait3A_2420] : memref<512x128xf32, #tpu.memory_space<vmem>> -> memref<32x128xf32, #tpu.memory_space<vmem>>
    %dma_wait3A_2422 = arith.constant 0 : i32
    %dma_wait3A_2423 = arith.constant 0 : i32
    %dma_wait3A_2424 = tpu.memref_slice %arg2[%dma_wait3A_2422, %dma_wait3A_2423] : memref<507904x128xf32, #tpu.memory_space<hbm>> -> memref<32x128xf32, #tpu.memory_space<hbm>>
    tpu.wait_dma2 semaphore(%dma_wait3A_2418 : memref<!tpu.dma_semaphore, #tpu.memory_space<semaphore_mem>>) src(%dma_wait3A_2424 : memref<32x128xf32, #tpu.memory_space<hbm>>) dst(%dma_wait3A_2421 : memref<32x128xf32, #tpu.memory_space<vmem>>)
    %dma_wait3A_2425 = arith.constant 0 : i32
    %dma_wait3A_2426 = arith.constant 0 : i32
    %dma_wait3A_2427 = tpu.memref_slice %arg9[%dma_wait3A_2425, %dma_wait3A_2426] : memref<512x128xf32, #tpu.memory_space<vmem>> -> memref<32x128xf32, #tpu.memory_space<vmem>>
    %dma_wait3A_2428 = arith.constant 0 : i32
    %dma_wait3A_2429 = arith.constant 0 : i32
    %dma_wait3A_2430 = tpu.memref_slice %arg2[%dma_wait3A_2428, %dma_wait3A_2429] : memref<507904x128xf32, #tpu.memory_space<hbm>> -> memref<32x128xf32, #tpu.memory_space<hbm>>
    %dma_wait3A_2431 = tpu.memref_slice %arg13[%rem3A_2410] : memref<4x!tpu.dma_semaphore, #tpu.memory_space<semaphore_mem>> -> memref<1x!tpu.dma_semaphore, #tpu.memory_space<semaphore_mem>>
    %dma_wait3A_2432 = tpu.memref_squeeze %dma_wait3A_2431 : memref<1x!tpu.dma_semaphore, #tpu.memory_space<semaphore_mem>> -> memref<!tpu.dma_semaphore, #tpu.memory_space<semaphore_mem>>
    %dma_wait3A_2433 = arith.constant 0 : i32
    %dma_wait3A_2434 = arith.constant 0 : i32
    %dma_wait3A_2435 = tpu.memref_slice %arg9[%dma_wait3A_2433, %dma_wait3A_2434] : memref<512x128xf32, #tpu.memory_space<vmem>> -> memref<32x128xf32, #tpu.memory_space<vmem>>
    %dma_wait3A_2436 = arith.constant 0 : i32
    %dma_wait3A_2437 = arith.constant 0 : i32
    %dma_wait3A_2438 = tpu.memref_slice %arg2[%dma_wait3A_2436, %dma_wait3A_2437] : memref<507904x128xf32, #tpu.memory_space<hbm>> -> memref<32x128xf32, #tpu.memory_space<hbm>>
    tpu.wait_dma2 semaphore(%dma_wait3A_2432 : memref<!tpu.dma_semaphore, #tpu.memory_space<semaphore_mem>>) src(%dma_wait3A_2438 : memref<32x128xf32, #tpu.memory_space<hbm>>) dst(%dma_wait3A_2435 : memref<32x128xf32, #tpu.memory_space<vmem>>)
    %dma_wait3A_2439 = arith.constant 0 : i32
    %dma_wait3A_2440 = arith.constant 0 : i32
    %dma_wait3A_2441 = tpu.memref_slice %arg9[%dma_wait3A_2439, %dma_wait3A_2440] : memref<512x128xf32, #tpu.memory_space<vmem>> -> memref<32x128xf32, #tpu.memory_space<vmem>>
    %dma_wait3A_2442 = arith.constant 0 : i32
    %dma_wait3A_2443 = arith.constant 0 : i32
    %dma_wait3A_2444 = tpu.memref_slice %arg2[%dma_wait3A_2442, %dma_wait3A_2443] : memref<507904x128xf32, #tpu.memory_space<hbm>> -> memref<32x128xf32, #tpu.memory_space<hbm>>
    %dma_wait3A_2445 = tpu.memref_slice %arg13[%rem3A_2410] : memref<4x!tpu.dma_semaphore, #tpu.memory_space<semaphore_mem>> -> memref<1x!tpu.dma_semaphore, #tpu.memory_space<semaphore_mem>>
    %dma_wait3A_2446 = tpu.memref_squeeze %dma_wait3A_2445 : memref<1x!tpu.dma_semaphore, #tpu.memory_space<semaphore_mem>> -> memref<!tpu.dma_semaphore, #tpu.memory_space<semaphore_mem>>
    %dma_wait3A_2447 = arith.constant 0 : i32
    %dma_wait3A_2448 = arith.constant 0 : i32
    %dma_wait3A_2449 = tpu.memref_slice %arg9[%dma_wait3A_2447, %dma_wait3A_2448] : memref<512x128xf32, #tpu.memory_space<vmem>> -> memref<32x128xf32, #tpu.memory_space<vmem>>
    %dma_wait3A_2450 = arith.constant 0 : i32
    %dma_wait3A_2451 = arith.constant 0 : i32
    %dma_wait3A_2452 = tpu.memref_slice %arg2[%dma_wait3A_2450, %dma_wait3A_2451] : memref<507904x128xf32, #tpu.memory_space<hbm>> -> memref<32x128xf32, #tpu.memory_space<hbm>>
    tpu.wait_dma2 semaphore(%dma_wait3A_2446 : memref<!tpu.dma_semaphore, #tpu.memory_space<semaphore_mem>>) src(%dma_wait3A_2452 : memref<32x128xf32, #tpu.memory_space<hbm>>) dst(%dma_wait3A_2449 : memref<32x128xf32, #tpu.memory_space<vmem>>)
    %dma_wait3A_2453 = arith.constant 0 : i32
    %dma_wait3A_2454 = arith.constant 0 : i32
    %dma_wait3A_2455 = tpu.memref_slice %arg9[%dma_wait3A_2453, %dma_wait3A_2454] : memref<512x128xf32, #tpu.memory_space<vmem>> -> memref<32x128xf32, #tpu.memory_space<vmem>>
    %dma_wait3A_2456 = arith.constant 0 : i32
    %dma_wait3A_2457 = arith.constant 0 : i32
    %dma_wait3A_2458 = tpu.memref_slice %arg2[%dma_wait3A_2456, %dma_wait3A_2457] : memref<507904x128xf32, #tpu.memory_space<hbm>> -> memref<32x128xf32, #tpu.memory_space<hbm>>
    %dma_wait3A_2459 = tpu.memref_slice %arg13[%rem3A_2410] : memref<4x!tpu.dma_semaphore, #tpu.memory_space<semaphore_mem>> -> memref<1x!tpu.dma_semaphore, #tpu.memory_space<semaphore_mem>>
    %dma_wait3A_2460 = tpu.memref_squeeze %dma_wait3A_2459 : memref<1x!tpu.dma_semaphore, #tpu.memory_space<semaphore_mem>> -> memref<!tpu.dma_semaphore, #tpu.memory_space<semaphore_mem>>
    %dma_wait3A_2461 = arith.constant 0 : i32
    %dma_wait3A_2462 = arith.constant 0 : i32
    %dma_wait3A_2463 = tpu.memref_slice %arg9[%dma_wait3A_2461, %dma_wait3A_2462] : memref<512x128xf32, #tpu.memory_space<vmem>> -> memref<32x128xf32, #tpu.memory_space<vmem>>
    %dma_wait3A_2464 = arith.constant 0 : i32
    %dma_wait3A_2465 = arith.constant 0 : i32
    %dma_wait3A_2466 = tpu.memref_slice %arg2[%dma_wait3A_2464, %dma_wait3A_2465] : memref<507904x128xf32, #tpu.memory_space<hbm>> -> memref<32x128xf32, #tpu.memory_space<hbm>>
    tpu.wait_dma2 semaphore(%dma_wait3A_2460 : memref<!tpu.dma_semaphore, #tpu.memory_space<semaphore_mem>>) src(%dma_wait3A_2466 : memref<32x128xf32, #tpu.memory_space<hbm>>) dst(%dma_wait3A_2463 : memref<32x128xf32, #tpu.memory_space<vmem>>)
    %rem3A_2467 = arith.constant 49 : i32
    %rem3A_2468 = arith.constant 4 : i32
    %rem3A_2469 = arith.remsi %rem3A_2467, %rem3A_2468 : i32
    %rem3A_2470 = arith.constant 49 : i32
    %rem3A_2471 = arith.constant 2 : i32
    %rem3A_2472 = arith.remsi %rem3A_2470, %rem3A_2471 : i32
    %add3A_2473 = arith.constant 49 : i32
    %add3A_2474 = arith.addi %mul3A_2, %add3A_2473 : i32
    %jit3A_2475 = arith.constant 8 : i32
    %div3A_2476 = arith.divsi %add3A_2474, %jit3A_2475 : i32
    %sign3A_2477 = arith.constant 0 : i32
    %sign3A_2478 = arith.cmpi sgt, %add3A_2474, %sign3A_2477 : i32
    %sign3A_2479 = arith.extui %sign3A_2478 : i1 to i32
    %sign3A_2480 = arith.constant 0 : i32
    %sign3A_2481 = arith.cmpi slt, %add3A_2474, %sign3A_2480 : i32
    %sign3A_2482 = arith.extui %sign3A_2481 : i1 to i32
    %sign3A_2483 = arith.subi %sign3A_2479, %sign3A_2482 : i32
    %sign3A_2484 = arith.constant 0 : i32
    %sign3A_2485 = arith.cmpi sgt, %jit3A_2475, %sign3A_2484 : i32
    %sign3A_2486 = arith.extui %sign3A_2485 : i1 to i32
    %sign3A_2487 = arith.constant 0 : i32
    %sign3A_2488 = arith.cmpi slt, %jit3A_2475, %sign3A_2487 : i32
    %sign3A_2489 = arith.extui %sign3A_2488 : i1 to i32
    %sign3A_2490 = arith.subi %sign3A_2486, %sign3A_2489 : i32
    %ne3A_2491 = arith.cmpi ne, %sign3A_2483, %sign3A_2490 : i32
    %rem3A_2492 = arith.remsi %add3A_2474, %jit3A_2475 : i32
    %ne3A_2493 = arith.constant 0 : i32
    %ne3A_2494 = arith.cmpi ne, %rem3A_2492, %ne3A_2493 : i32
    %and3A_2495 = arith.andi %ne3A_2491, %ne3A_2494 : i1
    %sub3A_2496 = arith.constant 1 : i32
    %sub3A_2497 = arith.subi %div3A_2476, %sub3A_2496 : i32
    %select_n3A_2498 = arith.select %and3A_2495, %sub3A_2497, %div3A_2476 : i32
    %jit3A_2499 = arith.constant 8 : i32
    %eq3A_2500 = arith.constant 0 : i32
    %eq3A_2501 = arith.cmpi eq, %jit3A_2499, %eq3A_2500 : i32
    %jit3A_2502 = arith.constant 1 : i32
    %select_n3A_2503 = arith.select %eq3A_2501, %jit3A_2502, %jit3A_2499 : i32
    %rem3A_2504 = arith.remsi %add3A_2474, %select_n3A_2503 : i32
    %ne3A_2505 = arith.constant 0 : i32
    %ne3A_2506 = arith.cmpi ne, %rem3A_2504, %ne3A_2505 : i32
    %lt3A_2507 = arith.constant 0 : i32
    %lt3A_2508 = arith.cmpi slt, %rem3A_2504, %lt3A_2507 : i32
    %lt3A_2509 = arith.constant 0 : i32
    %lt3A_2510 = arith.cmpi slt, %select_n3A_2503, %lt3A_2509 : i32
    %ne3A_2511 = arith.xori %lt3A_2508, %lt3A_2510 : i1
    %and3A_2512 = arith.andi %ne3A_2511, %ne3A_2506 : i1
    %add3A_2513 = arith.addi %rem3A_2504, %select_n3A_2503 : i32
    %select_n3A_2514 = arith.select %and3A_2512, %add3A_2513, %rem3A_2504 : i32
    %sub3A_2515 = arith.subi %select_n3A_2498, %mul3A_44 : i32
    %mul3A_2516 = arith.constant 64 : i32
    %mul3A_2517 = arith.muli %rem3A_2472, %mul3A_2516 : i32
    %mul3A_2518 = arith.constant 128 : i32
    %mul3A_2519 = arith.muli %rem3A_2469, %mul3A_2518 : i32
    %add3A_2520 = arith.constant 0 : i32
    %add3A_2521 = arith.addi %mul3A_2519, %add3A_2520 : i32
    %add3A_2522 = vector.broadcast %add3A_2521 : i32 to vector<16xi32>
    %add3A_2523 = arith.addi %iota3A, %add3A_2522 : vector<16xi32>
    %mul3A_2524 = arith.constant 128 : i32
    %mul3A_2525 = arith.muli %rem3A_2469, %mul3A_2524 : i32
    %add3A_2526 = arith.constant 16 : i32
    %add3A_2527 = arith.addi %mul3A_2525, %add3A_2526 : i32
    %add3A_2528 = vector.broadcast %add3A_2527 : i32 to vector<16xi32>
    %add3A_2529 = arith.addi %iota3A, %add3A_2528 : vector<16xi32>
    %mul3A_2530 = arith.constant 128 : i32
    %mul3A_2531 = arith.muli %rem3A_2469, %mul3A_2530 : i32
    %add3A_2532 = arith.constant 32 : i32
    %add3A_2533 = arith.addi %mul3A_2531, %add3A_2532 : i32
    %add3A_2534 = vector.broadcast %add3A_2533 : i32 to vector<16xi32>
    %add3A_2535 = arith.addi %iota3A, %add3A_2534 : vector<16xi32>
    %mul3A_2536 = arith.constant 128 : i32
    %mul3A_2537 = arith.muli %rem3A_2469, %mul3A_2536 : i32
    %add3A_2538 = arith.constant 48 : i32
    %add3A_2539 = arith.addi %mul3A_2537, %add3A_2538 : i32
    %add3A_2540 = vector.broadcast %add3A_2539 : i32 to vector<16xi32>
    %add3A_2541 = arith.addi %iota3A, %add3A_2540 : vector<16xi32>
    %mul3A_2542 = arith.constant 128 : i32
    %mul3A_2543 = arith.muli %rem3A_2469, %mul3A_2542 : i32
    %add3A_2544 = arith.constant 64 : i32
    %add3A_2545 = arith.addi %mul3A_2543, %add3A_2544 : i32
    %add3A_2546 = vector.broadcast %add3A_2545 : i32 to vector<16xi32>
    %add3A_2547 = arith.addi %iota3A, %add3A_2546 : vector<16xi32>
    %mul3A_2548 = arith.constant 128 : i32
    %mul3A_2549 = arith.muli %rem3A_2469, %mul3A_2548 : i32
    %add3A_2550 = arith.constant 80 : i32
    %add3A_2551 = arith.addi %mul3A_2549, %add3A_2550 : i32
    %add3A_2552 = vector.broadcast %add3A_2551 : i32 to vector<16xi32>
    %add3A_2553 = arith.addi %iota3A, %add3A_2552 : vector<16xi32>
    %mul3A_2554 = arith.constant 128 : i32
    %mul3A_2555 = arith.muli %rem3A_2469, %mul3A_2554 : i32
    %add3A_2556 = arith.constant 96 : i32
    %add3A_2557 = arith.addi %mul3A_2555, %add3A_2556 : i32
    %add3A_2558 = vector.broadcast %add3A_2557 : i32 to vector<16xi32>
    %add3A_2559 = arith.addi %iota3A, %add3A_2558 : vector<16xi32>
    %mul3A_2560 = arith.constant 128 : i32
    %mul3A_2561 = arith.muli %rem3A_2469, %mul3A_2560 : i32
    %add3A_2562 = arith.constant 112 : i32
    %add3A_2563 = arith.addi %mul3A_2561, %add3A_2562 : i32
    %add3A_2564 = vector.broadcast %add3A_2563 : i32 to vector<16xi32>
    %add3A_2565 = arith.addi %iota3A, %add3A_2564 : vector<16xi32>
    %mul3A_2566 = arith.constant 128 : i32
    %mul3A_2567 = arith.muli %rem3A_2469, %mul3A_2566 : i32
    %add3A_2568 = arith.constant 0 : i32
    %add3A_2569 = arith.addi %mul3A_2567, %add3A_2568 : i32
    %get3A_2570 = arith.index_cast %add3A_2569 : i32 to index
    %get3A_2571 = tpu.vector_load %arg8[%get3A_2570] {strides = array<i32>} : memref<512xi32, #tpu.memory_space<vmem>>, vector<16xi32>,
    %mul3A_2572 = arith.constant 128 : i32
    %mul3A_2573 = arith.muli %rem3A_2469, %mul3A_2572 : i32
    %add3A_2574 = arith.constant 16 : i32
    %add3A_2575 = arith.addi %mul3A_2573, %add3A_2574 : i32
    %get3A_2576 = arith.index_cast %add3A_2575 : i32 to index
    %get3A_2577 = tpu.vector_load %arg8[%get3A_2576] {strides = array<i32>} : memref<512xi32, #tpu.memory_space<vmem>>, vector<16xi32>,
    %mul3A_2578 = arith.constant 128 : i32
    %mul3A_2579 = arith.muli %rem3A_2469, %mul3A_2578 : i32
    %add3A_2580 = arith.constant 32 : i32
    %add3A_2581 = arith.addi %mul3A_2579, %add3A_2580 : i32
    %get3A_2582 = arith.index_cast %add3A_2581 : i32 to index
    %get3A_2583 = tpu.vector_load %arg8[%get3A_2582] {strides = array<i32>} : memref<512xi32, #tpu.memory_space<vmem>>, vector<16xi32>,
    %mul3A_2584 = arith.constant 128 : i32
    %mul3A_2585 = arith.muli %rem3A_2469, %mul3A_2584 : i32
    %add3A_2586 = arith.constant 48 : i32
    %add3A_2587 = arith.addi %mul3A_2585, %add3A_2586 : i32
    %get3A_2588 = arith.index_cast %add3A_2587 : i32 to index
    %get3A_2589 = tpu.vector_load %arg8[%get3A_2588] {strides = array<i32>} : memref<512xi32, #tpu.memory_space<vmem>>, vector<16xi32>,
    %mul3A_2590 = arith.constant 128 : i32
    %mul3A_2591 = arith.muli %rem3A_2469, %mul3A_2590 : i32
    %add3A_2592 = arith.constant 64 : i32
    %add3A_2593 = arith.addi %mul3A_2591, %add3A_2592 : i32
    %get3A_2594 = arith.index_cast %add3A_2593 : i32 to index
    %get3A_2595 = tpu.vector_load %arg8[%get3A_2594] {strides = array<i32>} : memref<512xi32, #tpu.memory_space<vmem>>, vector<16xi32>,
    %mul3A_2596 = arith.constant 128 : i32
    %mul3A_2597 = arith.muli %rem3A_2469, %mul3A_2596 : i32
    %add3A_2598 = arith.constant 80 : i32
    %add3A_2599 = arith.addi %mul3A_2597, %add3A_2598 : i32
    %get3A_2600 = arith.index_cast %add3A_2599 : i32 to index
    %get3A_2601 = tpu.vector_load %arg8[%get3A_2600] {strides = array<i32>} : memref<512xi32, #tpu.memory_space<vmem>>, vector<16xi32>,
    %mul3A_2602 = arith.constant 128 : i32
    %mul3A_2603 = arith.muli %rem3A_2469, %mul3A_2602 : i32
    %add3A_2604 = arith.constant 96 : i32
    %add3A_2605 = arith.addi %mul3A_2603, %add3A_2604 : i32
    %get3A_2606 = arith.index_cast %add3A_2605 : i32 to index
    %get3A_2607 = tpu.vector_load %arg8[%get3A_2606] {strides = array<i32>} : memref<512xi32, #tpu.memory_space<vmem>>, vector<16xi32>,
    %mul3A_2608 = arith.constant 128 : i32
    %mul3A_2609 = arith.muli %rem3A_2469, %mul3A_2608 : i32
    %add3A_2610 = arith.constant 112 : i32
    %add3A_2611 = arith.addi %mul3A_2609, %add3A_2610 : i32
    %get3A_2612 = arith.index_cast %add3A_2611 : i32 to index
    %get3A_2613 = tpu.vector_load %arg8[%get3A_2612] {strides = array<i32>} : memref<512xi32, #tpu.memory_space<vmem>>, vector<16xi32>,
    %scan3A_2614 = arith.constant 8.000000e+00 : f32
    %scan3A_2615 = arith.constant 0 : i32
    %scan3A_2616 = arith.constant 0 : i32
    %scan3A_2617 = arith.constant 64 : i32
    %scan3A_2618 = arith.addi %scan3A_2616, %scan3A_2617 : i32
    %scan3A_2619 = arith.constant 1 : i32
    %scan3A_2620 = scf.for %scan3A_2740 = %scan3A_2616 to %scan3A_2618 step %scan3A_2619 iter_args(%scan3A_2741 = %scan3A_2615) -> (i32)  : i32 {
      %mul3A_2742 = arith.constant 16 : i32
      %mul3A_2743 = arith.muli %scan3A_2740, %mul3A_2742 : i32
      %get3A_2744 = arith.index_cast %sub3A_2515 : i32 to index
      %get3A_2745 = arith.index_cast %mul3A_2743 : i32 to index
      %get3A_2746 = tpu.vector_load %arg10[%get3A_2744, %get3A_2745] {strides = array<i32>} : memref<16x1024xf32, #tpu.memory_space<vmem>>, vector<16xf32>,
      %add3A_2747 = arith.addi %mul3A_2517, %scan3A_2740 : i32
      %add3A_2748 = vector.broadcast %scan3A_2740 : i32 to vector<16xi32>
      %add3A_2749 = arith.addi %get3A_2571, %add3A_2748 : vector<16xi32>
      %gather3A = tpu.vector_load_idx %arg9[%add3A_2523, %add3A_2749] : memref<512x128xf32, #tpu.memory_space<vmem>>[vector<16xi32>, vector<16xi32>], vector<16xf32>,
      %mul3A_2750 = vector.broadcast %scan3A_2614 : f32 to vector<16xf32>
      %mul3A_2751 = arith.mulf %gather3A, %mul3A_2750 : vector<16xf32>
      %add3A_2752 = arith.addf %mul3A_2751, %get3A_2746 : vector<16xf32>
      %swap3A = arith.index_cast %add3A_2747 : i32 to index
      %swap3A_2753 = arith.constant 0 : index
      %swap3A_2754 = tpu.vector_load %arg11[%swap3A, %swap3A_2753] {strides = array<i32>} : memref<128x128xf32, #tpu.memory_space<vmem>>, vector<16xf32>,
      tpu.vector_store %arg11[%swap3A, %swap3A_2753], %add3A_2752 {strides = array<i32>} : memref<128x128xf32, #tpu.memory_space<vmem>>, vector<16xf32>,
      %add3A_2755 = vector.broadcast %scan3A_2740 : i32 to vector<16xi32>
      %add3A_2756 = arith.addi %get3A_2577, %add3A_2755 : vector<16xi32>
      %gather3A_2757 = tpu.vector_load_idx %arg9[%add3A_2529, %add3A_2756] : memref<512x128xf32, #tpu.memory_space<vmem>>[vector<16xi32>, vector<16xi32>], vector<16xf32>,
      %mul3A_2758 = vector.broadcast %scan3A_2614 : f32 to vector<16xf32>
      %mul3A_2759 = arith.mulf %gather3A_2757, %mul3A_2758 : vector<16xf32>
      %add3A_2760 = arith.addf %mul3A_2759, %get3A_2746 : vector<16xf32>
      %swap3A_2761 = arith.index_cast %add3A_2747 : i32 to index
      %swap3A_2762 = arith.constant 16 : index
      %swap3A_2763 = tpu.vector_load %arg11[%swap3A_2761, %swap3A_2762] {strides = array<i32>} : memref<128x128xf32, #tpu.memory_space<vmem>>, vector<16xf32>,
      tpu.vector_store %arg11[%swap3A_2761, %swap3A_2762], %add3A_2760 {strides = array<i32>} : memref<128x128xf32, #tpu.memory_space<vmem>>, vector<16xf32>,
      %add3A_2764 = vector.broadcast %scan3A_2740 : i32 to vector<16xi32>
      %add3A_2765 = arith.addi %get3A_2583, %add3A_2764 : vector<16xi32>
      %gather3A_2766 = tpu.vector_load_idx %arg9[%add3A_2535, %add3A_2765] : memref<512x128xf32, #tpu.memory_space<vmem>>[vector<16xi32>, vector<16xi32>], vector<16xf32>,
      %mul3A_2767 = vector.broadcast %scan3A_2614 : f32 to vector<16xf32>
      %mul3A_2768 = arith.mulf %gather3A_2766, %mul3A_2767 : vector<16xf32>
      %add3A_2769 = arith.addf %mul3A_2768, %get3A_2746 : vector<16xf32>
      %swap3A_2770 = arith.index_cast %add3A_2747 : i32 to index
      %swap3A_2771 = arith.constant 32 : index
      %swap3A_2772 = tpu.vector_load %arg11[%swap3A_2770, %swap3A_2771] {strides = array<i32>} : memref<128x128xf32, #tpu.memory_space<vmem>>, vector<16xf32>,
      tpu.vector_store %arg11[%swap3A_2770, %swap3A_2771], %add3A_2769 {strides = array<i32>} : memref<128x128xf32, #tpu.memory_space<vmem>>, vector<16xf32>,
      %add3A_2773 = vector.broadcast %scan3A_2740 : i32 to vector<16xi32>
      %add3A_2774 = arith.addi %get3A_2589, %add3A_2773 : vector<16xi32>
      %gather3A_2775 = tpu.vector_load_idx %arg9[%add3A_2541, %add3A_2774] : memref<512x128xf32, #tpu.memory_space<vmem>>[vector<16xi32>, vector<16xi32>], vector<16xf32>,
      %mul3A_2776 = vector.broadcast %scan3A_2614 : f32 to vector<16xf32>
      %mul3A_2777 = arith.mulf %gather3A_2775, %mul3A_2776 : vector<16xf32>
      %add3A_2778 = arith.addf %mul3A_2777, %get3A_2746 : vector<16xf32>
      %swap3A_2779 = arith.index_cast %add3A_2747 : i32 to index
      %swap3A_2780 = arith.constant 48 : index
      %swap3A_2781 = tpu.vector_load %arg11[%swap3A_2779, %swap3A_2780] {strides = array<i32>} : memref<128x128xf32, #tpu.memory_space<vmem>>, vector<16xf32>,
      tpu.vector_store %arg11[%swap3A_2779, %swap3A_2780], %add3A_2778 {strides = array<i32>} : memref<128x128xf32, #tpu.memory_space<vmem>>, vector<16xf32>,
      %add3A_2782 = vector.broadcast %scan3A_2740 : i32 to vector<16xi32>
      %add3A_2783 = arith.addi %get3A_2595, %add3A_2782 : vector<16xi32>
      %gather3A_2784 = tpu.vector_load_idx %arg9[%add3A_2547, %add3A_2783] : memref<512x128xf32, #tpu.memory_space<vmem>>[vector<16xi32>, vector<16xi32>], vector<16xf32>,
      %mul3A_2785 = vector.broadcast %scan3A_2614 : f32 to vector<16xf32>
      %mul3A_2786 = arith.mulf %gather3A_2784, %mul3A_2785 : vector<16xf32>
      %add3A_2787 = arith.addf %mul3A_2786, %get3A_2746 : vector<16xf32>
      %swap3A_2788 = arith.index_cast %add3A_2747 : i32 to index
      %swap3A_2789 = arith.constant 64 : index
      %swap3A_2790 = tpu.vector_load %arg11[%swap3A_2788, %swap3A_2789] {strides = array<i32>} : memref<128x128xf32, #tpu.memory_space<vmem>>, vector<16xf32>,
      tpu.vector_store %arg11[%swap3A_2788, %swap3A_2789], %add3A_2787 {strides = array<i32>} : memref<128x128xf32, #tpu.memory_space<vmem>>, vector<16xf32>,
      %add3A_2791 = vector.broadcast %scan3A_2740 : i32 to vector<16xi32>
      %add3A_2792 = arith.addi %get3A_2601, %add3A_2791 : vector<16xi32>
      %gather3A_2793 = tpu.vector_load_idx %arg9[%add3A_2553, %add3A_2792] : memref<512x128xf32, #tpu.memory_space<vmem>>[vector<16xi32>, vector<16xi32>], vector<16xf32>,
      %mul3A_2794 = vector.broadcast %scan3A_2614 : f32 to vector<16xf32>
      %mul3A_2795 = arith.mulf %gather3A_2793, %mul3A_2794 : vector<16xf32>
      %add3A_2796 = arith.addf %mul3A_2795, %get3A_2746 : vector<16xf32>
      %swap3A_2797 = arith.index_cast %add3A_2747 : i32 to index
      %swap3A_2798 = arith.constant 80 : index
      %swap3A_2799 = tpu.vector_load %arg11[%swap3A_2797, %swap3A_2798] {strides = array<i32>} : memref<128x128xf32, #tpu.memory_space<vmem>>, vector<16xf32>,
      tpu.vector_store %arg11[%swap3A_2797, %swap3A_2798], %add3A_2796 {strides = array<i32>} : memref<128x128xf32, #tpu.memory_space<vmem>>, vector<16xf32>,
      %add3A_2800 = vector.broadcast %scan3A_2740 : i32 to vector<16xi32>
      %add3A_2801 = arith.addi %get3A_2607, %add3A_2800 : vector<16xi32>
      %gather3A_2802 = tpu.vector_load_idx %arg9[%add3A_2559, %add3A_2801] : memref<512x128xf32, #tpu.memory_space<vmem>>[vector<16xi32>, vector<16xi32>], vector<16xf32>,
      %mul3A_2803 = vector.broadcast %scan3A_2614 : f32 to vector<16xf32>
      %mul3A_2804 = arith.mulf %gather3A_2802, %mul3A_2803 : vector<16xf32>
      %add3A_2805 = arith.addf %mul3A_2804, %get3A_2746 : vector<16xf32>
      %swap3A_2806 = arith.index_cast %add3A_2747 : i32 to index
      %swap3A_2807 = arith.constant 96 : index
      %swap3A_2808 = tpu.vector_load %arg11[%swap3A_2806, %swap3A_2807] {strides = array<i32>} : memref<128x128xf32, #tpu.memory_space<vmem>>, vector<16xf32>,
      tpu.vector_store %arg11[%swap3A_2806, %swap3A_2807], %add3A_2805 {strides = array<i32>} : memref<128x128xf32, #tpu.memory_space<vmem>>, vector<16xf32>,
      %add3A_2809 = vector.broadcast %scan3A_2740 : i32 to vector<16xi32>
      %add3A_2810 = arith.addi %get3A_2613, %add3A_2809 : vector<16xi32>
      %gather3A_2811 = tpu.vector_load_idx %arg9[%add3A_2565, %add3A_2810] : memref<512x128xf32, #tpu.memory_space<vmem>>[vector<16xi32>, vector<16xi32>], vector<16xf32>,
      %mul3A_2812 = vector.broadcast %scan3A_2614 : f32 to vector<16xf32>
      %mul3A_2813 = arith.mulf %gather3A_2811, %mul3A_2812 : vector<16xf32>
      %add3A_2814 = arith.addf %mul3A_2813, %get3A_2746 : vector<16xf32>
      %swap3A_2815 = arith.index_cast %add3A_2747 : i32 to index
      %swap3A_2816 = arith.constant 112 : index
      %swap3A_2817 = tpu.vector_load %arg11[%swap3A_2815, %swap3A_2816] {strides = array<i32>} : memref<128x128xf32, #tpu.memory_space<vmem>>, vector<16xf32>,
      tpu.vector_store %arg11[%swap3A_2815, %swap3A_2816], %add3A_2814 {strides = array<i32>} : memref<128x128xf32, #tpu.memory_space<vmem>>, vector<16xf32>,
      %scan3A_2818 = arith.constant 0 : i32
      scf.yield %scan3A_2818 : i32
    }
    %scan3A_2621 = arith.constant 64 : i32
    %rem3A_2622 = arith.constant 49 : i32
    %rem3A_2623 = arith.constant 2 : i32
    %rem3A_2624 = arith.remsi %rem3A_2622, %rem3A_2623 : i32
    %add3A_2625 = arith.constant 49 : i32
    %add3A_2626 = arith.addi %mul3A_2, %add3A_2625 : i32
    %jit3A_2627 = arith.constant 8 : i32
    %div3A_2628 = arith.divsi %add3A_2626, %jit3A_2627 : i32
    %sign3A_2629 = arith.constant 0 : i32
    %sign3A_2630 = arith.cmpi sgt, %add3A_2626, %sign3A_2629 : i32
    %sign3A_2631 = arith.extui %sign3A_2630 : i1 to i32
    %sign3A_2632 = arith.constant 0 : i32
    %sign3A_2633 = arith.cmpi slt, %add3A_2626, %sign3A_2632 : i32
    %sign3A_2634 = arith.extui %sign3A_2633 : i1 to i32
    %sign3A_2635 = arith.subi %sign3A_2631, %sign3A_2634 : i32
    %sign3A_2636 = arith.constant 0 : i32
    %sign3A_2637 = arith.cmpi sgt, %jit3A_2627, %sign3A_2636 : i32
    %sign3A_2638 = arith.extui %sign3A_2637 : i1 to i32
    %sign3A_2639 = arith.constant 0 : i32
    %sign3A_2640 = arith.cmpi slt, %jit3A_2627, %sign3A_2639 : i32
    %sign3A_2641 = arith.extui %sign3A_2640 : i1 to i32
    %sign3A_2642 = arith.subi %sign3A_2638, %sign3A_2641 : i32
    %ne3A_2643 = arith.cmpi ne, %sign3A_2635, %sign3A_2642 : i32
    %rem3A_2644 = arith.remsi %add3A_2626, %jit3A_2627 : i32
    %ne3A_2645 = arith.constant 0 : i32
    %ne3A_2646 = arith.cmpi ne, %rem3A_2644, %ne3A_2645 : i32
    %and3A_2647 = arith.andi %ne3A_2643, %ne3A_2646 : i1
    %sub3A_2648 = arith.constant 1 : i32
    %sub3A_2649 = arith.subi %div3A_2628, %sub3A_2648 : i32
    %select_n3A_2650 = arith.select %and3A_2647, %sub3A_2649, %div3A_2628 : i32
    %jit3A_2651 = arith.constant 8 : i32
    %eq3A_2652 = arith.constant 0 : i32
    %eq3A_2653 = arith.cmpi eq, %jit3A_2651, %eq3A_2652 : i32
    %jit3A_2654 = arith.constant 1 : i32
    %select_n3A_2655 = arith.select %eq3A_2653, %jit3A_2654, %jit3A_2651 : i32
    %rem3A_2656 = arith.remsi %add3A_2626, %select_n3A_2655 : i32
    %ne3A_2657 = arith.constant 0 : i32
    %ne3A_2658 = arith.cmpi ne, %rem3A_2656, %ne3A_2657 : i32
    %lt3A_2659 = arith.constant 0 : i32
    %lt3A_2660 = arith.cmpi slt, %rem3A_2656, %lt3A_2659 : i32
    %lt3A_2661 = arith.constant 0 : i32
    %lt3A_2662 = arith.cmpi slt, %select_n3A_2655, %lt3A_2661 : i32
    %ne3A_2663 = arith.xori %lt3A_2660, %lt3A_2662 : i1
    %and3A_2664 = arith.andi %ne3A_2663, %ne3A_2658 : i1
    %add3A_2665 = arith.addi %rem3A_2656, %select_n3A_2655 : i32
    %select_n3A_2666 = arith.select %and3A_2664, %add3A_2665, %rem3A_2656 : i32
    %mul3A_2667 = arith.constant 64 : i32
    %mul3A_2668 = arith.muli %rem3A_2624, %mul3A_2667 : i32
    %mul3A_2669 = arith.constant 128 : i32
    %mul3A_2670 = arith.muli %select_n3A_2666, %mul3A_2669 : i32
    %dma_start3A_2671 = arith.constant 0 : i32
    %dma_start3A_2672 = tpu.memref_slice %arg11[%mul3A_2668, %dma_start3A_2671] : memref<128x128xf32, #tpu.memory_space<vmem>> -> memref<64x128xf32, #tpu.memory_space<vmem>>
    %dma_start3A_2673 = arith.constant 0 : i32
    %dma_start3A_2674 = tpu.memref_slice %arg5[%select_n3A_2650, %dma_start3A_2673, %mul3A_2670] : memref<200x64x1024xf32, #tpu.memory_space<hbm>> -> memref<1x64x128xf32, #tpu.memory_space<hbm>>
    %dma_start3A_2675 = tpu.memref_squeeze %dma_start3A_2674 : memref<1x64x128xf32, #tpu.memory_space<hbm>> -> memref<64x128xf32, #tpu.memory_space<hbm>>
    %dma_start3A_2676 = tpu.memref_slice %arg14[%rem3A_2624] : memref<2x!tpu.dma_semaphore, #tpu.memory_space<semaphore_mem>> -> memref<1x!tpu.dma_semaphore, #tpu.memory_space<semaphore_mem>>
    %dma_start3A_2677 = tpu.memref_squeeze %dma_start3A_2676 : memref<1x!tpu.dma_semaphore, #tpu.memory_space<semaphore_mem>> -> memref<!tpu.dma_semaphore, #tpu.memory_space<semaphore_mem>>
    %dma_start3A_2678 = arith.constant 0 : i32
    %dma_start3A_2679 = tpu.memref_slice %arg5[%select_n3A_2650, %dma_start3A_2678, %mul3A_2670] : memref<200x64x1024xf32, #tpu.memory_space<hbm>> -> memref<1x64x128xf32, #tpu.memory_space<hbm>>
    %dma_start3A_2680 = tpu.memref_squeeze %dma_start3A_2679 : memref<1x64x128xf32, #tpu.memory_space<hbm>> -> memref<64x128xf32, #tpu.memory_space<hbm>>
    %dma_start3A_2681 = arith.constant 0 : i32
    %dma_start3A_2682 = tpu.memref_slice %arg11[%mul3A_2668, %dma_start3A_2681] : memref<128x128xf32, #tpu.memory_space<vmem>> -> memref<64x128xf32, #tpu.memory_space<vmem>>
    tpu.enqueue_dma source(%dma_start3A_2682 : memref<64x128xf32, #tpu.memory_space<vmem>>) target(%dma_start3A_2680 : memref<64x128xf32, #tpu.memory_space<hbm>>) target_semaphore(%dma_start3A_2677 : memref<!tpu.dma_semaphore, #tpu.memory_space<semaphore_mem>>)
    %rem3A_2683 = arith.constant 50 : i32
    %rem3A_2684 = arith.constant 4 : i32
    %rem3A_2685 = arith.remsi %rem3A_2683, %rem3A_2684 : i32
    %dma_wait3A_2686 = arith.constant 0 : i32
    %dma_wait3A_2687 = arith.constant 0 : i32
    %dma_wait3A_2688 = tpu.memref_slice %arg6[%dma_wait3A_2686, %dma_wait3A_2687] : memref<32x128xi32, #tpu.memory_space<vmem>> -> memref<8x128xi32, #tpu.memory_space<vmem>>
    %dma_wait3A_2689 = arith.constant 0 : i32
    %dma_wait3A_2690 = arith.constant 0 : i32
    %dma_wait3A_2691 = tpu.memref_slice %arg3[%dma_wait3A_2689, %dma_wait3A_2690] : memref<200x1024xi32, #tpu.memory_space<hbm>> -> memref<8x128xi32, #tpu.memory_space<hbm>>
    %dma_wait3A_2692 = tpu.memref_slice %arg12[%rem3A_2685] : memref<4x!tpu.dma_semaphore, #tpu.memory_space<semaphore_mem>> -> memref<1x!tpu.dma_semaphore, #tpu.memory_space<semaphore_mem>>
    %dma_wait3A_2693 = tpu.memref_squeeze %dma_wait3A_2692 : memref<1x!tpu.dma_semaphore, #tpu.memory_space<semaphore_mem>> -> memref<!tpu.dma_semaphore, #tpu.memory_space<semaphore_mem>>
    %dma_wait3A_2694 = arith.constant 0 : i32
    %dma_wait3A_2695 = arith.constant 0 : i32
    %dma_wait3A_2696 = tpu.memref_slice %arg6[%dma_wait3A_2694, %dma_wait3A_2695] : memref<32x128xi32, #tpu.memory_space<vmem>> -> memref<8x128xi32, #tpu.memory_space<vmem>>
    %dma_wait3A_2697 = arith.constant 0 : i32
    %dma_wait3A_2698 = arith.constant 0 : i32
    %dma_wait3A_2699 = tpu.memref_slice %arg3[%dma_wait3A_2697, %dma_wait3A_2698] : memref<200x1024xi32, #tpu.memory_space<hbm>> -> memref<8x128xi32, #tpu.memory_space<hbm>>
    tpu.wait_dma2 semaphore(%dma_wait3A_2693 : memref<!tpu.dma_semaphore, #tpu.memory_space<semaphore_mem>>) src(%dma_wait3A_2699 : memref<8x128xi32, #tpu.memory_space<hbm>>) dst(%dma_wait3A_2696 : memref<8x128xi32, #tpu.memory_space<vmem>>)
    %rem3A_2700 = arith.constant 48 : i32
    %rem3A_2701 = arith.constant 2 : i32
    %rem3A_2702 = arith.remsi %rem3A_2700, %rem3A_2701 : i32
    %dma_wait3A_2703 = arith.constant 0 : i32
    %dma_wait3A_2704 = arith.constant 0 : i32
    %dma_wait3A_2705 = arith.constant 0 : i32
    %dma_wait3A_2706 = tpu.memref_slice %arg11[%dma_wait3A_2704, %dma_wait3A_2705] : memref<128x128xf32, #tpu.memory_space<vmem>> -> memref<64x128xf32, #tpu.memory_space<vmem>>
    %dma_wait3A_2707 = arith.constant 0 : i32
    %dma_wait3A_2708 = arith.constant 0 : i32
    %dma_wait3A_2709 = tpu.memref_slice %arg5[%dma_wait3A_2703, %dma_wait3A_2707, %dma_wait3A_2708] : memref<200x64x1024xf32, #tpu.memory_space<hbm>> -> memref<1x64x128xf32, #tpu.memory_space<hbm>>
    %dma_wait3A_2710 = tpu.memref_squeeze %dma_wait3A_2709 : memref<1x64x128xf32, #tpu.memory_space<hbm>> -> memref<64x128xf32, #tpu.memory_space<hbm>>
    %dma_wait3A_2711 = tpu.memref_slice %arg14[%rem3A_2702] : memref<2x!tpu.dma_semaphore, #tpu.memory_space<semaphore_mem>> -> memref<1x!tpu.dma_semaphore, #tpu.memory_space<semaphore_mem>>
    %dma_wait3A_2712 = tpu.memref_squeeze %dma_wait3A_2711 : memref<1x!tpu.dma_semaphore, #tpu.memory_space<semaphore_mem>> -> memref<!tpu.dma_semaphore, #tpu.memory_space<semaphore_mem>>
    %dma_wait3A_2713 = arith.constant 0 : i32
    %dma_wait3A_2714 = arith.constant 0 : i32
    %dma_wait3A_2715 = tpu.memref_slice %arg5[%dma_wait3A_2703, %dma_wait3A_2713, %dma_wait3A_2714] : memref<200x64x1024xf32, #tpu.memory_space<hbm>> -> memref<1x64x128xf32, #tpu.memory_space<hbm>>
    %dma_wait3A_2716 = tpu.memref_squeeze %dma_wait3A_2715 : memref<1x64x128xf32, #tpu.memory_space<hbm>> -> memref<64x128xf32, #tpu.memory_space<hbm>>
    %dma_wait3A_2717 = arith.constant 0 : i32
    %dma_wait3A_2718 = arith.constant 0 : i32
    %dma_wait3A_2719 = tpu.memref_slice %arg11[%dma_wait3A_2717, %dma_wait3A_2718] : memref<128x128xf32, #tpu.memory_space<vmem>> -> memref<64x128xf32, #tpu.memory_space<vmem>>
    tpu.wait_dma2 semaphore(%dma_wait3A_2712 : memref<!tpu.dma_semaphore, #tpu.memory_space<semaphore_mem>>) src(%dma_wait3A_2719 : memref<64x128xf32, #tpu.memory_space<vmem>>) dst(%dma_wait3A_2716 : memref<64x128xf32, #tpu.memory_space<hbm>>)
    %rem3A_2720 = arith.constant 49 : i32
    %rem3A_2721 = arith.constant 2 : i32
    %rem3A_2722 = arith.remsi %rem3A_2720, %rem3A_2721 : i32
    %dma_wait3A_2723 = arith.constant 0 : i32
    %dma_wait3A_2724 = arith.constant 0 : i32
    %dma_wait3A_2725 = arith.constant 0 : i32
    %dma_wait3A_2726 = tpu.memref_slice %arg11[%dma_wait3A_2724, %dma_wait3A_2725] : memref<128x128xf32, #tpu.memory_space<vmem>> -> memref<64x128xf32, #tpu.memory_space<vmem>>
    %dma_wait3A_2727 = arith.constant 0 : i32
    %dma_wait3A_2728 = arith.constant 0 : i32
    %dma_wait3A_2729 = tpu.memref_slice %arg5[%dma_wait3A_2723, %dma_wait3A_2727, %dma_wait3A_2728] : memref<200x64x1024xf32, #tpu.memory_space<hbm>> -> memref<1x64x128xf32, #tpu.memory_space<hbm>>
    %dma_wait3A_2730 = tpu.memref_squeeze %dma_wait3A_2729 : memref<1x64x128xf32, #tpu.memory_space<hbm>> -> memref<64x128xf32, #tpu.memory_space<hbm>>
    %dma_wait3A_2731 = tpu.memref_slice %arg14[%rem3A_2722] : memref<2x!tpu.dma_semaphore, #tpu.memory_space<semaphore_mem>> -> memref<1x!tpu.dma_semaphore, #tpu.memory_space<semaphore_mem>>
    %dma_wait3A_2732 = tpu.memref_squeeze %dma_wait3A_2731 : memref<1x!tpu.dma_semaphore, #tpu.memory_space<semaphore_mem>> -> memref<!tpu.dma_semaphore, #tpu.memory_space<semaphore_mem>>
    %dma_wait3A_2733 = arith.constant 0 : i32
    %dma_wait3A_2734 = arith.constant 0 : i32
    %dma_wait3A_2735 = tpu.memref_slice %arg5[%dma_wait3A_2723, %dma_wait3A_2733, %dma_wait3A_2734] : memref<200x64x1024xf32, #tpu.memory_space<hbm>> -> memref<1x64x128xf32, #tpu.memory_space<hbm>>
    %dma_wait3A_2736 = tpu.memref_squeeze %dma_wait3A_2735 : memref<1x64x128xf32, #tpu.memory_space<hbm>> -> memref<64x128xf32, #tpu.memory_space<hbm>>
    %dma_wait3A_2737 = arith.constant 0 : i32
    %dma_wait3A_2738 = arith.constant 0 : i32
    %dma_wait3A_2739 = tpu.memref_slice %arg11[%dma_wait3A_2737, %dma_wait3A_2738] : memref<128x128xf32, #tpu.memory_space<vmem>> -> memref<64x128xf32, #tpu.memory_space<vmem>>
    tpu.wait_dma2 semaphore(%dma_wait3A_2732 : memref<!tpu.dma_semaphore, #tpu.memory_space<semaphore_mem>>) src(%dma_wait3A_2739 : memref<64x128xf32, #tpu.memory_space<vmem>>) dst(%dma_wait3A_2736 : memref<64x128xf32, #tpu.memory_space<hbm>>)
    return
  }
}

module attributes {stable_mosaic.version = 14 : i64} {
  func.func @_tc_pack_kernel(%arg0: i32, %arg1: memref<64x8192xf32, #tpu.memory_space<vmem>>, %arg2: memref<8192x128xf32, #tpu.memory_space<vmem>>) attributes {dimension_semantics = [#tpu.dimension_semantics<arbitrary>], iteration_bounds = array<i64: 123>, scalar_prefetch = 0 : i64, scratch_operands = 0 : i64, tpu.core_type = #tpu.core_type<tc>, window_params = [{transform_indices = @transform_0, window_bounds = array<i64: 64, 8192>}, {transform_indices = @transform_1, window_bounds = array<i64: 8192, 128>}]} {
    %get3A = arith.constant 0 : index
    %get3A_0 = arith.constant 0 : index
    %get3A_1 = vector.load %arg1[%get3A, %get3A_0] : memref<64x8192xf32, #tpu.memory_space<vmem>>, vector<64x8192xf32>
    %transpose3A = tpu.transpose %get3A_1, [1, 0] : vector<64x8192xf32> -> vector<8192x64xf32>
    %jit3A = arith.constant 2 : i32
    %eq3A = arith.constant 0 : i32
    %eq3A_2 = arith.cmpi eq, %jit3A, %eq3A : i32
    %jit3A_3 = arith.constant 1 : i32
    %select_n3A = arith.select %eq3A_2, %jit3A_3, %jit3A : i32
    %rem3A = arith.remsi %arg0, %select_n3A : i32
    %ne3A = arith.constant 0 : i32
    %ne3A_4 = arith.cmpi ne, %rem3A, %ne3A : i32
    %lt3A = arith.constant 0 : i32
    %lt3A_5 = arith.cmpi slt, %rem3A, %lt3A : i32
    %lt3A_6 = arith.constant 0 : i32
    %lt3A_7 = arith.cmpi slt, %select_n3A, %lt3A_6 : i32
    %ne3A_8 = arith.xori %lt3A_5, %lt3A_7 : i1
    %and3A = arith.andi %ne3A_8, %ne3A_4 : i1
    %add3A = arith.addi %rem3A, %select_n3A : i32
    %select_n3A_9 = arith.select %and3A, %add3A, %rem3A : i32
    %eq3A_10 = arith.constant 0 : i32
    %eq3A_11 = arith.cmpi eq, %select_n3A_9, %eq3A_10 : i32
    %convert_element_type3A = arith.extui %eq3A_11 : i1 to i32
    %cond3A = arith.constant 0 : i32
    %cond3A_12 = arith.cmpi ne, %convert_element_type3A, %cond3A : i32
    scf.if %cond3A_12 {
      %swap3A = arith.constant 0 : index
      %swap3A_34 = arith.constant 0 : index
      %swap3A_35 = vector.load %arg2[%swap3A, %swap3A_34] : memref<8192x128xf32, #tpu.memory_space<vmem>>, vector<8192x64xf32>
      tpu.vector_store %arg2[%swap3A, %swap3A_34], %transpose3A {strides = array<i32>} : memref<8192x128xf32, #tpu.memory_space<vmem>>, vector<8192x64xf32>,
    } else {
    }
    %jit3A_13 = arith.constant 2 : i32
    %eq3A_14 = arith.constant 0 : i32
    %eq3A_15 = arith.cmpi eq, %jit3A_13, %eq3A_14 : i32
    %jit3A_16 = arith.constant 1 : i32
    %select_n3A_17 = arith.select %eq3A_15, %jit3A_16, %jit3A_13 : i32
    %rem3A_18 = arith.remsi %arg0, %select_n3A_17 : i32
    %ne3A_19 = arith.constant 0 : i32
    %ne3A_20 = arith.cmpi ne, %rem3A_18, %ne3A_19 : i32
    %lt3A_21 = arith.constant 0 : i32
    %lt3A_22 = arith.cmpi slt, %rem3A_18, %lt3A_21 : i32
    %lt3A_23 = arith.constant 0 : i32
    %lt3A_24 = arith.cmpi slt, %select_n3A_17, %lt3A_23 : i32
    %ne3A_25 = arith.xori %lt3A_22, %lt3A_24 : i1
    %and3A_26 = arith.andi %ne3A_25, %ne3A_20 : i1
    %add3A_27 = arith.addi %rem3A_18, %select_n3A_17 : i32
    %select_n3A_28 = arith.select %and3A_26, %add3A_27, %rem3A_18 : i32
    %eq3A_29 = arith.constant 1 : i32
    %eq3A_30 = arith.cmpi eq, %select_n3A_28, %eq3A_29 : i32
    %convert_element_type3A_31 = arith.extui %eq3A_30 : i1 to i32
    %cond3A_32 = arith.constant 0 : i32
    %cond3A_33 = arith.cmpi ne, %convert_element_type3A_31, %cond3A_32 : i32
    scf.if %cond3A_33 {
      %swap3A = arith.constant 0 : index
      %swap3A_34 = arith.constant 64 : index
      %swap3A_35 = vector.load %arg2[%swap3A, %swap3A_34] : memref<8192x128xf32, #tpu.memory_space<vmem>>, vector<8192x64xf32>
      tpu.vector_store %arg2[%swap3A, %swap3A_34], %transpose3A {strides = array<i32>} : memref<8192x128xf32, #tpu.memory_space<vmem>>, vector<8192x64xf32>,
    } else {
    }
    return
  }
  func.func @transform_0(%arg0: i32) -> (i32, i32) {
    %c0_i32 = arith.constant 0 : i32
    %c0_i32_0 = arith.constant 0 : i32
    return %c0_i32, %arg0 : i32, i32
  }
  func.func @transform_1(%arg0: i32) -> (i32, i32) {
    %jit3A = arith.constant 2 : i32
    %div3A = arith.divsi %arg0, %jit3A : i32
    %sign3A = arith.constant 0 : i32
    %sign3A_0 = arith.cmpi sgt, %arg0, %sign3A : i32
    %sign3A_1 = arith.extui %sign3A_0 : i1 to i32
    %sign3A_2 = arith.constant 0 : i32
    %sign3A_3 = arith.cmpi slt, %arg0, %sign3A_2 : i32
    %sign3A_4 = arith.extui %sign3A_3 : i1 to i32
    %sign3A_5 = arith.subi %sign3A_1, %sign3A_4 : i32
    %sign3A_6 = arith.constant 0 : i32
    %sign3A_7 = arith.cmpi sgt, %jit3A, %sign3A_6 : i32
    %sign3A_8 = arith.extui %sign3A_7 : i1 to i32
    %sign3A_9 = arith.constant 0 : i32
    %sign3A_10 = arith.cmpi slt, %jit3A, %sign3A_9 : i32
    %sign3A_11 = arith.extui %sign3A_10 : i1 to i32
    %sign3A_12 = arith.subi %sign3A_8, %sign3A_11 : i32
    %ne3A = arith.cmpi ne, %sign3A_5, %sign3A_12 : i32
    %rem3A = arith.remsi %arg0, %jit3A : i32
    %ne3A_13 = arith.constant 0 : i32
    %ne3A_14 = arith.cmpi ne, %rem3A, %ne3A_13 : i32
    %and3A = arith.andi %ne3A, %ne3A_14 : i1
    %sub3A = arith.constant 1 : i32
    %sub3A_15 = arith.subi %div3A, %sub3A : i32
    %select_n3A = arith.select %and3A, %sub3A_15, %div3A : i32
    %c0_i32 = arith.constant 0 : i32
    %c0_i32_16 = arith.constant 0 : i32
    return %select_n3A, %c0_i32 : i32, i32
  }
}

</mosaic_0001>

<sc_bundles>
// kernel: _run.4.cloned.1.call-start
scs
__scs_entry_jumppad:
0x0: {  	(pc) =	sbr.rel $0x88, $3  }
0x1: {  	(tag) =	ssettag $0x0;
	lr =	simm.s32 $0x1  }
0x2: {  	[smem:$0x3F9F] =	sst lr;
	_ =	strace $0xD0000000  }
0x3: {  	_ = 	snop  }
0x4: {  	_ = 	snop  }
0x5: {  	_ = 	snop  }
0x6: {  	_ = 	snop  }
0x7: {  	_ = 	snop  }
__scs_overlays_trampoline_lowered:
0x8: {  	[smem:$0x3FAE] =	sst s0  }
0x9: {  	[smem:$0x3FAF] =	sst s1  }
0xa: {  	[smem:$0x3FB0] =	sst s2  }
0xb: {  	[smem:$0x3FB1] =	sst s3  }
0xc: {  	[smem:$0x3FB2] =	sst s4  }
0xd: {  	[smem:$0x3FB3] =	sst s5  }
0xe: {  	[smem:$0x3FB4] =	sst s6  }
0xf: {  	[smem:$0x3FB5] =	sst s7  }
0x10: {  	[smem:$0x3FB6] =	sst s8  }
0x11: {  	[smem:$0x3FB7] =	sst s9;
	s0 =	simm.s32 @!p0 $0x0  }
0x12: {  	s1 =	sld [smem:$0x3F9D];
	s0 =	simm.s32 @p0 $0x1  }
0x13: {  	[smem:$0x3FB8] =	sst s0;
	s0 =	simm.s32 @!p1 $0x0  }
0x14: {  	s2 =	sld [smem:$0x3F9C];
	s0 =	simm.s32 @p1 $0x1  }
0x15: {  	[smem:$0x3FB9] =	sst s0;
	s0 =	simm.s32 @!p2 $0x0  }
0x16: {  	s3 =	sld [smem:$0x3FDB];
	s0 =	simm.s32 @p2 $0x1  }
0x17: {  	s4 =	simm.s32 $0x1BF5;
	[smem:$0x3FBB] =	sst s0  }
0x18: {  	s0 =	sld [smem:$0x3F9E];
	_ =	swait.ge [sflag:s4], $0x0  }
0x19: {  	s7 =	sld [smem:$0x3F9F]  }
0x1a: {  	s8 =	sadd.s32 $0xFFFFE003, lr  }
0x1b: {  	s9 =	sadd.s32 $0xFFFFFEF7, lr;
	s5 =	simm.s32 $0xFFFFFFFF;
	p2 =	slt.u32 s8, $0xFFFFF086  }
0x1c: {  	p1 =	slt.u32 s9, $0xF7A;
	s5 =	simm.s32 @!p2 $0x0  }
0x1d: {  	s5 =	simm.s32 @p1 $0x1;
	p0 =	seq.s32 s7, s2  }
0x1e: {  	s7 =	smul.u32 @!p0 $0xF7A, s2;
	p2 =	seq.s32 @!p0 s5, $0x0  }
0x1f: {  	s9 =	smul.u32 $0xF7A, s1;
	s8 =	simm.s32 @!p0 $0x1BF5;
	p2 =	por !p2, p0  }
0x20: {  	[sflag:s8] =	ssyncset.s32 @!p0 $0xFFFFF086;
	s6 =	sadd.s32 @!p0 s3, s7;
	s7 =	simm.s32 @!p0 $0x108  }
0x21: {  	s3 =	sadd.s32 s3, s9;
	s6 =	sadd.s32 @!p0 $0x88, s6;
	s7 =	simm.s32 @p2 $0x1082  }
0x22: {  	[simem:s7], [sflag:s8] =	dma.local @!p0 [hbm:s6], $0xF7A  }
0x23: {  	s9 =	sor.u32 $0xD0000000, s2;
	s6 =	simm.s32 $0x108;
	_ =	swait.ge @!p0 [sflag:s8], $0x0  }
0x24: {  	s3 =	sadd.s32 $0x88, s3;
	s6 =	simm.s32 @!p1 $0x1082;
	[sflag:s4] =	ssyncset.s32 $0xFFFFF086  }
0x25: {  	[simem:s6], [sflag:s4] =	dma.local [hbm:s3], $0xF7A  }
0x26: {  	[smem:$0x3F9F] =	sst s1;
	(tag) =	ssettag s2;
	_ =	strace s9  }
0x27: {  	s1 =	sld [smem:$0x3FAF]  }
0x28: {  	s2 =	sld [smem:$0x3FB0]  }
0x29: {  	s4 =	sld [smem:$0x3FB2]  }
0x2a: {  	p0 =	seq.s32 s5, $0x0;
	s5 =	sld [smem:$0x3FB3]  }
0x2b: {  	s6 =	sld [smem:$0x3FB4]  }
0x2c: {  	s7 =	sld [smem:$0x3FB5]  }
0x2d: {  	s3 =	simm.s32 $0x108;
	s8 =	sld [smem:$0x3FB6]  }
0x2e: {  	s3 =	simm.s32 @!p0 $0x1082;
	s9 =	sld [smem:$0x3FB7]  }
0x2f: {  	lr =	sadd.s32 s0, s3;
	s0 =	sld [smem:$0x3FAE]  }
0x30: {  	s3 =	sld [smem:$0x3FB1]  }
0x31: {  	[smem:$0x3FBA] =	sst s10  }
0x32: {  	s10 =	sld [smem:$0x3FB8];
	_ =	sdelay $0x3  }
0x33: {  	p0 =	seq.s32 s10, $0x1;
	s10 =	sld [smem:$0x3FBA];
	_ =	sdelay $0x3  }
0x34: {  	[smem:$0x3FBA] =	sst s10  }
0x35: {  	s10 =	sld [smem:$0x3FB9];
	_ =	sdelay $0x3  }
0x36: {  	p1 =	seq.s32 s10, $0x1;
	s10 =	sld [smem:$0x3FBA];
	_ =	sdelay $0x3  }
0x37: {  	[smem:$0x3FBA] =	sst s10  }
0x38: {  	s10 =	sld [smem:$0x3FBB]  }
0x39: {  	_ = 	snop;
	(pc) =	sbr.ind lr, $3  }
0x3a: {  	_ = 	snop  }
0x3b: {  	_ = 	snop  }
0x3c: {  	p2 =	seq.s32 s10, $0x1;
	s10 =	sld [smem:$0x3FBA]  }
0x3d: {  	_ =	shalt  }
0x3e: {  	_ =	shalt  }
0x3f: {  	_ =	shalt  }
0x40: {  	_ =	shalt  }
0x41: {  	_ =	shalt  }
0x42: {  	_ =	shalt  }
0x43: {  	_ =	shalt  }
0x44: {  	_ =	shalt  }
0x45: {  	_ =	shalt  }
0x46: {  	_ =	shalt  }
0x47: {  	_ =	shalt  }
0x48: {  	_ =	shalt  }
0x49: {  	_ =	shalt  }
0x4a: {  	_ =	shalt  }
0x4b: {  	_ =	shalt  }
0x4c: {  	_ =	shalt  }
0x4d: {  	_ =	shalt  }
0x4e: {  	_ =	shalt  }
0x4f: {  	_ =	shalt  }
0x50: {  	_ =	shalt  }
0x51: {  	_ =	shalt  }
0x52: {  	_ =	shalt  }
0x53: {  	_ =	shalt  }
0x54: {  	_ =	shalt  }
0x55: {  	_ =	shalt  }
0x56: {  	_ =	shalt  }
0x57: {  	_ =	shalt  }
0x58: {  	_ =	shalt  }
0x59: {  	_ =	shalt  }
0x5a: {  	_ =	shalt  }
0x5b: {  	_ =	shalt  }
0x5c: {  	_ =	shalt  }
0x5d: {  	_ =	shalt  }
0x5e: {  	_ =	shalt  }
0x5f: {  	_ =	shalt  }
0x60: {  	_ =	shalt  }
0x61: {  	_ =	shalt  }
0x62: {  	_ =	shalt  }
0x63: {  	_ =	shalt  }
0x64: {  	_ =	shalt  }
0x65: {  	_ =	shalt  }
0x66: {  	_ =	shalt  }
0x67: {  	_ =	shalt  }
0x68: {  	_ =	shalt  }
0x69: {  	_ =	shalt  }
0x6a: {  	_ =	shalt  }
0x6b: {  	_ =	shalt  }
0x6c: {  	_ =	shalt  }
0x6d: {  	_ =	shalt  }
0x6e: {  	_ =	shalt  }
0x6f: {  	_ =	shalt  }
0x70: {  	_ =	shalt  }
0x71: {  	_ =	shalt  }
0x72: {  	_ =	shalt  }
0x73: {  	_ =	shalt  }
0x74: {  	_ =	shalt  }
0x75: {  	_ =	shalt  }
0x76: {  	_ =	shalt  }
0x77: {  	_ =	shalt  }
0x78: {  	_ =	shalt  }
0x79: {  	_ =	shalt  }
0x7a: {  	_ =	shalt  }
0x7b: {  	_ =	shalt  }
0x7c: {  	_ =	shalt  }
0x7d: {  	_ =	shalt  }
0x7e: {  	_ =	shalt  }
0x7f: {  	_ =	shalt  }
0x80: {  	_ =	shalt  }
0x81: {  	_ =	shalt  }
0x82: {  	_ =	shalt  }
0x83: {  	_ =	shalt  }
0x84: {  	_ =	shalt  }
0x85: {  	_ =	shalt  }
0x86: {  	_ =	shalt  }
0x87: {  	_ =	shalt  }
.Lfunc_end0:
.L_simem_size_0:
called_computation_lowered:
.L_overlay_start_0:
0x88: {  	s2 =	sld [smem:$0x3FD9]  }
0x89: {  	s3 =	sld [smem:$0x3FFE];
	_ =	sdelay $0x1  }
0x8a: {  	s1 =	srdreg.scid  }
0x8b: {  	s0 =	sand.u32 $0x1, s1  }
0x8c: {  	s17 =	sshll.u32 s0, $0xA;
	s2 =	sadd.s32 s3, s2  }
0x8d: {  	s2 =	sadd.s32 s2, s17  }
0x8e: {  	[smem:$0x3FC6] =	sst s2  }
0x8f: {  	_ = 	snop  }
0x90: {  	s2 =	sld [smem:$0x3FC9]  }
0x91: {  	s18 =	sld [smem:$0x3FD0];
	(tm) =	ssettm $0x1  }
0x92: {  	s4 =	sld [smem:$0x3FFB];
	_ =	sdelay $0x3  }
0x93: {  	_ =	strace s4  }
0x94: {  	s4 =	sld [smem:$0x3FFC];
	_ =	sdelay $0x3  }
0x95: {  	_ =	strace s4  }
0x96: {  	s4 =	sld [smem:$0x3FFD];
	_ =	sdelay $0x3  }
0x97: {  	_ =	strace s4  }
0x98: {  	_ =	strace $0x8FFFFFFF  }
0x99: {  	s19 =	sld [smem:$0x3FDB];
	_ =	sdelay $0x1  }
0x9a: {  	s5 =	simm.s32 $_scs_section_size  }
0x9b: {  	s6 =	simm.s32 $_size__tile_overlayer_lowered;
	s7 =	simm.s32 $_tile_overlayer_lowered  }
0x9c: {  	s22 =	simm.s32 $0x1BFF;
	s21 =	sshll.u32 s7, $0x1;
	s4 =	sadd.s32 s5, s19  }
0x9d: {  	s8 =	simm.s32 $0x0;
	s20 =	sshll.u32 s6, $0x1;
	s6 =	sadd.s32 s21, s4  }
0x9e: {  	[timem:s8], [sflag:s22] =	dma.local [hbm:s6], s20  }
0x9f: {  	_ =	swait.ge [sflag:s22], s20  }
0xa0: {  	s5 =	ssub.s32 $0x0, s20;
	[sflag:s22] =	ssyncset.done $0x0  }
0xa1: {  	[sflag:s22] =	ssyncadd.s32 s5;
	_ =	sdelay $0x1  }
0xa2: {  	s23 =	simm.s32 $0x1B8B  }
0xa3: {  	_ =	swait.ge [sflag:s23], $0x1  }
0xa4: {  	[sflag:s23] =	ssyncset.done $0x0  }
0xa5: {  	s25 =	simm.s32 $0x1B8E;
	s24 =	sld [smem:$0x3FFE];
	[sflag:s23] =	ssyncadd.s32 $0xFFFFFFFF  }
0xa6: {  	s26 =	simm.s32 $execute0_lowered;
	[smem:$0x3FD2] =	sst s25  }
0xa7: {  	s6 =	sshll.u32 s26, $0x1;
	_ =	strace $0x80000046;
	[dreg:$0x1] =	wrdreg $0xFFFFFFFF  }
0xa8: {  	s28 =	simm.s32 $_size_execute0_lowered;
	s4 =	sadd.s32 s4, s6;
	[dreg:$0x0] =	wrdreg $0x0  }
0xa9: {  	s6 =	sshll.u32 s28, $0x1;
	[dreg:$0x2] =	wrdreg s4  }
0xaa: {  	[dreg:$0x3] =	wrdreg s6  }
0xab: {  	[dreg:$0x4] =	wrdreg $0xC0  }
0xac: {  	_ =	task [dreg:s8], $0x5FFFF  }
0xad: {  	[dreg:$0x1] =	wrdreg $0xFFFFFFFF  }
0xae: {  	[dreg:$0x0] =	wrdreg $0x60  }
0xaf: {  	[dreg:$0x2] =	wrdreg s24  }
0xb0: {  	[dreg:$0x3] =	wrdreg s2  }
0xb1: {  	[dreg:$0x4] =	wrdreg s18  }
0xb2: {  	[dreg:$0x5] =	wrdreg $0x9  }
0xb3: {  	_ =	task.clear_ibuf [dreg:s8], $0x6FFFF;
	_ =	strace $0x90000046  }
0xb4: {  	s29 =	simm.s32 $0x9;
	_ =	strace $0x80000048  }
0xb5: {  	_ =	swait.ge [sflag:s29], $0x1  }
0xb6: {  	[sflag:s29] =	ssyncadd.s32 $0xFFFFFFFF  }
0xb7: {  	_ =	strace $0x90000048  }
0xb8: {  	_ =	sfence  }
0xb9: {  	s30 =	sld [smem:$0x0];
	_ =	sdelay $0x2  }
0xba: {  	s31 =	sshll.u32 s1, $0xD;
	s1 =	sshrl.u32 s1, $0x2  }
0xbb: {  	s3 =	sand.u32 $0x4000, s31;
	s1 =	sadd.s32 s1, s30  }
0xbc: {  	s0 =	sor.u32 s3, s0;
	s1 =	sshll.u32 s1, $0x11  }
0xbd: {  	s0 =	sor.u32 s1, s0  }
0xbe: {  	s0 =	sadd.s32 $0x8F2B, s0  }
0xbf: {  	[sflag:s0] =	ssyncadd.remote.s32 $0x1  }
0xc0: {  	_ =	sfence.sel $0xFFFF  }
0xc1: {  	[dreg:$0x0] =	wrdreg $0xFFFFFFFF;
	(pc) =	sbr.abs _section_cstart, $3  }
0xc2: {  	[dreg:$0x1] =	wrdreg $0xFFFFFFFF  }
0xc3: {  	_ =	task.clear_ibuf [dreg:s8], $0x2FFFF;
	_ =	strace $0x9FFFFFFF  }
0xc4: {  	(tm) =	ssettm $0x7FFFFFFF  }
0xc5: {  	_ =	shalt  }
tec
execute0_lowered:
.L_overlay_start_1:
0x0: {  	(tag) =	ssettag $0x1  }
0x1: {  	s0 =	srdreg.scid  }
0x2: {  	s1 =	stileid.u32;
	s2 =	rddreg [dreg:$0x1]  }
0x3: {  	s3 =	rddreg [dreg:$0x2];
	s0 =	sand.u32 $0x1, s0;
	s1 =	sshll.u32 s1, $0x1  }
0x4: {  	s28 =	simm.s32 $0x2400;
	s30 =	simm.s32 $0x1040;
	s13 =	sor.u32 s0, s1  }
0x5: {  	s31 =	simm.s32 $0x3400;
	s0 =	ssub.s32 $0x2, s0;
	s1 =	smul.u32 $0x32, s13  }
0x6: {  	s4 =	sshrl.u32 s0, $0x1;
	s18 =	sshll.u32 s13, $0xB;
	s7 =	smul.u32 $0x1900, s13  }
0x7: {  	p0 =	seq.s32 s13, $0x0;
	s13 =	simm.s32 $0x1;
	s0 =	ssub.s32 s0, s4  }
0x8: {  	s12 =	sand.u32 $0x1800, s18;
	s8 =	sshrl.u32 s1, $0x6;
	s5 =	sshrl.u32 s1, $0x3  }
0x9: {  	s19 =	sadd.s32 $0x2, s1;
	s14 =	sor.u32 $0x400, s12;
	s15 =	sand.u32 $0x3E000, s7  }
0xa: {  	s21 =	sadd.s32 $0x3, s1;
	s26 =	sadd.s32 $0x2F, s1;
	s0 =	smax.u32 s0, $0x1  }
0xb: {  	s6 =	sshll.u32 s8, $0xD;
	s4 =	sshll.u32 s8, $0x3;
	s10 =	sshll.u32 s19, $0x7  }
0xc: {  	s7 =	sshll.u32 s19, $0x4;
	s16 =	sshll.u32 s21, $0x7;
	s19 =	sadd.s32 $0x5, s1  }
0xd: {  	s15 =	sor.u32 s15, s14;
	s8 =	sshll.u32 s8, $0xA;
	s9 =	sor.u32 s12, s6  }
0xe: {  	s20 =	sand.u32 $0x300, s10;
	s11 =	sand.u32 $0xFC00, s7;
	s22 =	sand.u32 $0x380, s16  }
0xf: {  	s16 =	sshll.u32 s26, $0x7;
	s7 =	sand.u32 $0x380, s7;
	s6 =	sadd.s32 s2, s20  }
0x10: {  	s17 =	sadd.s32 s2, s22;
	s22 =	sshll.u32 s19, $0xA;
	s6 =	sadd.s32 s11, s6  }
0x11: {  	s11 =	sshll.u32 s21, $0x4;
	s21 =	sand.u32 $0x38, s19;
	[dreg:$0x4] =	wrdreg s6  }
0x12: {  	s23 =	sand.u32 $0xFC00, s11;
	s6 =	sadd.s32 $0x4, s1;
	p1 =	sne.s32 s21, $0x0  }
0x13: {  	s11 =	sand.u32 $0x380, s11;
	s10 =	sshll.u32 s6, $0x4;
	s18 =	sshll.u32 s6, $0x7  }
0x14: {  	s24 =	sadd.s32 s23, s17;
	p0 =	por !p0, !p1;
	s17 =	sand.u32 $0x1C00, s22  }
0x15: {  	s20 =	sand.u32 $0xFC00, s10;
	s18 =	sand.u32 $0x300, s18;
	p0 =	por !p0, !p0  }
0x16: {  	[dreg:$0x5] =	wrdreg s24;
	s18 =	sadd.s32 s2, s18;
	s13 =	simm.s32 @!p0 $0x0  }
0x17: {  	s25 =	sadd.s32 s20, s18;
	s18 =	sshrl.u32 s19, $0x6;
	s20 =	sshrl.u32 s26, $0x3  }
0x18: {  	[dreg:$0x6] =	wrdreg s25;
	s13 =	ssub.s32 s18, s13;
	s23 =	ssub.s32 s20, s4  }
0x19: {  	s25 =	sshll.u32 s26, $0x4;
	s26 =	sadd.s32 $0x30, s1;
	s13 =	sshll.u32 s13, $0xD  }
0x1a: {  	s18 =	sshll.u32 s20, $0xD;
	s19 =	sshll.u32 s23, $0xA;
	s17 =	sor.u32 s17, s13  }
0x1b: {  	s24 =	sand.u32 $0xFFFFE000, s19;
	s19 =	sand.u32 $0x380, s25;
	s25 =	sshll.u32 s5, $0x10  }
0x1c: {  	s5 =	ssub.s32 s5, s4;
	s21 =	sor.u32 s19, s24;
	s19 =	sand.u32 $0x380, s16  }
0x1d: {  	s16 =	sshrl.u32 s26, $0x3;
	s24 =	sshll.u32 s26, $0x4;
	s14 =	sor.u32 s14, s25  }
0x1e: {  	s5 =	sshll.u32 s5, $0xA;
	s17 =	sshrl.u32 s17, $0x3;
	s13 =	sadd.s32 s3, s19  }
0x1f: {  	s22 =	ssub.s32 s16, s4;
	s19 =	sadd.s32 $0x31, s1;
	s16 =	sshll.u32 s16, $0x10  }
0x20: {  	s5 =	sand.u32 $0xFFFFE000, s5;
	s13 =	sadd.s32 s18, s13;
	s23 =	sshll.u32 s22, $0xA  }
0x21: {  	s18 =	sand.u32 $0x380, s24;
	s22 =	sor.u32 s12, s25;
	s12 =	sor.u32 s12, s16  }
0x22: {  	s25 =	sshll.u32 s19, $0x4;
	[dreg:$0x7] =	wrdreg s13;
	s13 =	sand.u32 $0xFFFFE000, s23  }
0x23: {  	s16 =	sand.u32 $0x380, s25;
	s23 =	sor.u32 s18, s13;
	s18 =	sshrl.u32 s19, $0x3  }
0x24: {  	s25 =	sshll.u32 s1, $0x4;
	s19 =	sshll.u32 s19, $0x7;
	s26 =	ssub.s32 s18, s4  }
0x25: {  	s18 =	sshll.u32 s18, $0xD;
	s20 =	sshll.u32 s26, $0xA;
	s26 =	simm.s32 $0x0  }
0x26: {  	s24 =	sand.u32 $0xFFFFE000, s20;
	[smem:$0x7FF] =	sst s26;
	s20 =	sshrl.u32 s9, $0x3  }
0x27: {  	s26 =	sshrl.u32 s15, $0x3;
	s15 =	sshrl.u32 s22, $0x3;
	s22 =	sand.u32 $0x380, s10  }
0x28: {  	s24 =	sor.u32 s16, s24;
	s16 =	sand.u32 $0x380, s19;
	s19 =	rddreg [dreg:$0x0]  }
0x29: {  	s9 =	sadd.s32 s2, s26;
	s26 =	sadd.s32 $0x11400, s23;
	s23 =	sshrl.u32 s12, $0x3  }
0x2a: {  	s12 =	simm.s32 $0x3;
	s13 =	sadd.s32 s3, s16;
	s8 =	sadd.s32 s8, s19  }
0x2b: {  	s16 =	sand.u32 $0x380, s25;
	s25 =	sadd.s32 $0x11400, s21;
	s13 =	sadd.s32 s18, s13  }
0x2c: {  	s29 =	sadd.s32 $0x11400, s24;
	s8 =	sadd.s32 $0x7C0600, s8;
	[dreg:$0x8] =	wrdreg s13  }
0x2d: {  	s24 =	simm.s32 $0x1020;
	_ =	strace $0x80000047;
	[dreg:$0x9] =	wrdreg s8  }
0x2e: {  	s21 =	simm.s32 $0x6;
	s5 =	sor.u32 s16, s5;
	[dreg:$0xb] =	wrdreg s9  }
0x2f: {  	v0 =	vlaneseq.u32;
	s18 =	sshrl.u32 s14, $0x3;
	s13 =	sadd.s32 $0x600, s19;
	[dreg:$0xc] =	wrdreg s7  }
0x30: {  	v0 =	vmul.u32 $0x80, v0;
	s19 =	sadd.s32 s3, s18;
	s18 =	simm.s32 $0x1;
	[dreg:$0xd] =	wrdreg s11  }
0x31: {  	s8 =	sadd.s32 s2, s20;
	s20 =	sadd.s32 $0x11400, s5;
	[dreg:$0x10] =	wrdreg s19  }
0x32: {  	v1 =	vor.u32 $0x800, v0;
	v2 =	vor.u32 $0x1000, v0;
	v3 =	vor.u32 $0x1800, v0;
	s5 =	sadd.s32 s3, s15;
	[dreg:$0x12] =	wrdreg s0;
	s11 =	simm.s32 $0x400  }
0x33: {  	v4 =	vor.u32 $0x2000, v0;
	v5 =	vor.u32 $0x2800, v0;
	v6 =	vor.u32 $0x3000, v0;
	s19 =	simm.s32 $0x1000;
	s7 =	simm.s32 $0x5;
	[dreg:$0xa] =	wrdreg s8  }
0x34: {  	v7 =	vor.u32 $0x3800, v0;
	v8 =	vor.u32 $0x4000, v0;
	v9 =	vor.u32 $0x4800, v0;
	s15 =	simm.s32 $0x2000;
	[dreg:$0xe] =	wrdreg s5;
	s5 =	sadd.s32 s2, s17  }
0x35: {  	v10 =	vor.u32 $0x5000, v0;
	v11 =	vor.u32 $0x5800, v0;
	v12 =	vor.u32 $0x6000, v0;
	s9 =	simm.s32 $0x0;
	[dreg:$0xf] =	wrdreg s5;
	s5 =	sadd.s32 s3, s23  }
0x36: {  	v13 =	vor.u32 $0x6800, v0;
	v14 =	vor.u32 $0x7000, v0;
	v15 =	vor.u32 $0x7800, v0;
	s8 =	simm.s32 $0x1400;
	[dreg:$0x11] =	wrdreg s5;
	s5 =	simm.s32 $0x20  }
.LBB2_1:
0x37: {  	[dreg:$0x13] =	wrdreg s9;
	s10 =	simm.s32 $0x0  }
0x38: {  	s0 =	rddreg [dreg:$0x9];
	s23 =	simm.s32 $0x11400;
	s14 =	simm.s32 $0xB  }
0x39: {  	[tilespmem:s23], [sflag:$0xB] =	stream.linear.gather [hbm4b:s0+s10], $0x4000, $0x38;
	[tilespmem:$0x19400] =	vst v63  }
0x3a: {  	_ =	swait.ge [sflag:s14], $0x4000  }
0x3b: {  	[sflag:s14] =	ssyncset.done $0x0  }
0x3c: {  	s17 =	rddreg [dreg:$0xa];
	[sflag:s14] =	ssyncadd.s32 $0xFFFFC000  }
0x3d: {  	[tilespmem:s10], [sflag:$0x1] =	stream.linear.gather [hbm4b:s17+s10], $0x400, $0x38;
	[tilespmem:$0x19400] =	vst v63  }
0x3e: {  	s23 =	rddreg [dreg:$0xb]  }
0x3f: {  	[tilespmem:s11], [sflag:$0x2] =	stream.linear.gather [hbm4b:s23+s10], $0x400, $0x38;
	[tilespmem:$0x19400] =	vst v63  }
0x40: {  	s9 =	rddreg [dreg:$0x4];
	s14 =	simm.s32 $0x800  }
0x41: {  	[tilespmem:s14], [sflag:$0x3] =	stream.linear.gather [hbm4b:s9+s10], $0x400, $0x38;
	[tilespmem:$0x19400] =	vst v63  }
0x42: {  	s17 =	rddreg [dreg:$0x5];
	s23 =	simm.s32 $0xC00  }
0x43: {  	[tilespmem:s23], [sflag:$0x4] =	stream.linear.gather [hbm4b:s17+s10], $0x400, $0x38;
	[tilespmem:$0x19400] =	vst v63  }
0x44: {  	_ =	swait.ge [sflag:s18], $0x400  }
0x45: {  	[sflag:s18] =	ssyncset.done $0x0  }
0x46: {  	[sflag:s18] =	ssyncadd.s32 $0xFFFFFC00  }
0x47: {  	v16 =	vld [tilespmem:s16+$0x0];
	_ =	sdelay $0x4  }
0x48: {  	v17 =	vshrl.u32 v16, $0x1;
	v18 =	vand.u32 $0x1FFF, v16;
	v16 =	vshrl.u32 v16, $0x7  }
0x49: {  	v17 =	vand.u32 $0x7FFFE000, v17;
	v16 =	vand.u32 $0x40, v16  }
0x4a: {  	v17 =	vor.u32 v18, v17;
	[tilespmem:$0x1200] =	vst v16  }
0x4b: {  	[tilespmem:$0x1000] =	vst v17  }
0x4c: {  	v16 =	vld [tilespmem:s16+$0x10];
	_ =	sdelay $0x4  }
0x4d: {  	v17 =	vshrl.u32 v16, $0x1;
	v18 =	vand.u32 $0x1FFF, v16;
	v16 =	vshrl.u32 v16, $0x7  }
0x4e: {  	v17 =	vand.u32 $0x7FFFE000, v17;
	v16 =	vand.u32 $0x40, v16  }
0x4f: {  	v17 =	vor.u32 v18, v17;
	[tilespmem:$0x1210] =	vst v16  }
0x50: {  	[tilespmem:$0x1010] =	vst v17  }
0x51: {  	v16 =	vld [tilespmem:s16+$0x20];
	_ =	sdelay $0x4  }
0x52: {  	v17 =	vshrl.u32 v16, $0x1;
	v18 =	vand.u32 $0x1FFF, v16;
	v16 =	vshrl.u32 v16, $0x7  }
0x53: {  	v17 =	vand.u32 $0x7FFFE000, v17;
	v16 =	vand.u32 $0x40, v16  }
0x54: {  	v17 =	vor.u32 v18, v17;
	[tilespmem:$0x1220] =	vst v16  }
0x55: {  	[tilespmem:$0x1020] =	vst v17  }
0x56: {  	v16 =	vld [tilespmem:s16+$0x30];
	_ =	sdelay $0x4  }
0x57: {  	v17 =	vshrl.u32 v16, $0x1;
	v18 =	vand.u32 $0x1FFF, v16;
	v16 =	vshrl.u32 v16, $0x7  }
0x58: {  	v17 =	vand.u32 $0x7FFFE000, v17;
	v16 =	vand.u32 $0x40, v16  }
0x59: {  	v17 =	vor.u32 v18, v17;
	[tilespmem:$0x1230] =	vst v16  }
0x5a: {  	[tilespmem:$0x1030] =	vst v17  }
0x5b: {  	v16 =	vld [tilespmem:s16+$0x40];
	_ =	sdelay $0x4  }
0x5c: {  	v17 =	vshrl.u32 v16, $0x1;
	v18 =	vand.u32 $0x1FFF, v16;
	v16 =	vshrl.u32 v16, $0x7  }
0x5d: {  	v17 =	vand.u32 $0x7FFFE000, v17;
	v16 =	vand.u32 $0x40, v16  }
0x5e: {  	v17 =	vor.u32 v18, v17;
	[tilespmem:$0x1240] =	vst v16  }
0x5f: {  	[tilespmem:$0x1040] =	vst v17  }
0x60: {  	v16 =	vld [tilespmem:s16+$0x50];
	_ =	sdelay $0x4  }
0x61: {  	v17 =	vshrl.u32 v16, $0x1;
	v18 =	vand.u32 $0x1FFF, v16;
	v16 =	vshrl.u32 v16, $0x7  }
0x62: {  	v17 =	vand.u32 $0x7FFFE000, v17;
	v16 =	vand.u32 $0x40, v16  }
0x63: {  	v17 =	vor.u32 v18, v17;
	[tilespmem:$0x1250] =	vst v16  }
0x64: {  	[tilespmem:$0x1050] =	vst v17  }
0x65: {  	v16 =	vld [tilespmem:s16+$0x60];
	_ =	sdelay $0x4  }
0x66: {  	v17 =	vshrl.u32 v16, $0x1;
	v18 =	vand.u32 $0x1FFF, v16;
	v16 =	vshrl.u32 v16, $0x7  }
0x67: {  	v17 =	vand.u32 $0x7FFFE000, v17;
	v16 =	vand.u32 $0x40, v16  }
0x68: {  	v17 =	vor.u32 v18, v17;
	[tilespmem:$0x1260] =	vst v16  }
0x69: {  	[tilespmem:$0x1060] =	vst v17  }
0x6a: {  	v16 =	vld [tilespmem:s16+$0x70];
	_ =	sdelay $0x4  }
0x6b: {  	v17 =	vshrl.u32 v16, $0x1;
	v18 =	vand.u32 $0x1FFF, v16;
	v16 =	vshrl.u32 v16, $0x7  }
0x6c: {  	v17 =	vand.u32 $0x7FFFE000, v17;
	v16 =	vand.u32 $0x40, v16  }
0x6d: {  	v17 =	vor.u32 v18, v17;
	[tilespmem:$0x1270] =	vst v16  }
0x6e: {  	[tilespmem:$0x1070] =	vst v17  }
0x6f: {  	[tilespmem:s8], [sflag:$0x5] =	stream.indirect.gather [hbm4b:s13+s5], $0x80, s19, s5, $0xb8;
	[tilespmem:$0x19400] =	vst v63  }
0x70: {  	_ = 	snop  }
0x71: {  	[tilespmem:s28], [sflag:$0x5] =	stream.indirect.gather [hbm4b:s13+s5], $0x80, s24, s5, $0xb8;
	[tilespmem:$0x19400] =	vst v63  }
0x72: {  	_ = 	snop  }
0x73: {  	[tilespmem:s31], [sflag:$0x5] =	stream.indirect.gather [hbm4b:s13+s5], $0x80, s30, s5, $0xb8;
	[tilespmem:$0x19400] =	vst v63  }
0x74: {  	s14 =	simm.s32 $0x1060;
	s17 =	simm.s32 $0x4400;
	s23 =	simm.s32 $0x2  }
0x75: {  	[tilespmem:s17], [sflag:$0x5] =	stream.indirect.gather [hbm4b:s13+s5], $0x80, s14, s5, $0xb8;
	[tilespmem:$0x19400] =	vst v63  }
0x76: {  	_ =	swait.ge [sflag:s23], $0x400  }
0x77: {  	[sflag:s23] =	ssyncset.done $0x0  }
0x78: {  	[sflag:s23] =	ssyncadd.s32 $0xFFFFFC00  }
0x79: {  	v16 =	vld [tilespmem:s16+$0x400];
	_ =	sdelay $0x4  }
0x7a: {  	v17 =	vshrl.u32 v16, $0x1;
	v18 =	vand.u32 $0x1FFF, v16;
	v16 =	vshrl.u32 v16, $0x7  }
0x7b: {  	v17 =	vand.u32 $0x7FFFE000, v17;
	v16 =	vand.u32 $0x40, v16  }
0x7c: {  	v17 =	vor.u32 v18, v17;
	[tilespmem:$0x1280] =	vst v16  }
0x7d: {  	[tilespmem:$0x1080] =	vst v17  }
0x7e: {  	v16 =	vld [tilespmem:s16+$0x410];
	_ =	sdelay $0x4  }
0x7f: {  	v17 =	vshrl.u32 v16, $0x1;
	v18 =	vand.u32 $0x1FFF, v16;
	v16 =	vshrl.u32 v16, $0x7  }
0x80: {  	v17 =	vand.u32 $0x7FFFE000, v17;
	v16 =	vand.u32 $0x40, v16  }
0x81: {  	v17 =	vor.u32 v18, v17;
	[tilespmem:$0x1290] =	vst v16  }
0x82: {  	[tilespmem:$0x1090] =	vst v17  }
0x83: {  	v16 =	vld [tilespmem:s16+$0x420];
	_ =	sdelay $0x4  }
0x84: {  	v17 =	vshrl.u32 v16, $0x1;
	v18 =	vand.u32 $0x1FFF, v16;
	v16 =	vshrl.u32 v16, $0x7  }
0x85: {  	v17 =	vand.u32 $0x7FFFE000, v17;
	v16 =	vand.u32 $0x40, v16  }
0x86: {  	v17 =	vor.u32 v18, v17;
	[tilespmem:$0x12A0] =	vst v16  }
0x87: {  	[tilespmem:$0x10A0] =	vst v17  }
0x88: {  	v16 =	vld [tilespmem:s16+$0x430];
	_ =	sdelay $0x4  }
0x89: {  	v17 =	vshrl.u32 v16, $0x1;
	v18 =	vand.u32 $0x1FFF, v16;
	v16 =	vshrl.u32 v16, $0x7  }
0x8a: {  	v17 =	vand.u32 $0x7FFFE000, v17;
	v16 =	vand.u32 $0x40, v16  }
0x8b: {  	v17 =	vor.u32 v18, v17;
	[tilespmem:$0x12B0] =	vst v16  }
0x8c: {  	[tilespmem:$0x10B0] =	vst v17  }
0x8d: {  	v16 =	vld [tilespmem:s16+$0x440];
	_ =	sdelay $0x4  }
0x8e: {  	v17 =	vshrl.u32 v16, $0x1;
	v18 =	vand.u32 $0x1FFF, v16;
	v16 =	vshrl.u32 v16, $0x7  }
0x8f: {  	v17 =	vand.u32 $0x7FFFE000, v17;
	v16 =	vand.u32 $0x40, v16  }
0x90: {  	v17 =	vor.u32 v18, v17;
	[tilespmem:$0x12C0] =	vst v16  }
0x91: {  	[tilespmem:$0x10C0] =	vst v17  }
0x92: {  	v16 =	vld [tilespmem:s16+$0x450];
	_ =	sdelay $0x4  }
0x93: {  	v17 =	vshrl.u32 v16, $0x1;
	v18 =	vand.u32 $0x1FFF, v16;
	v16 =	vshrl.u32 v16, $0x7  }
0x94: {  	v17 =	vand.u32 $0x7FFFE000, v17;
	v16 =	vand.u32 $0x40, v16  }
0x95: {  	v17 =	vor.u32 v18, v17;
	[tilespmem:$0x12D0] =	vst v16  }
0x96: {  	[tilespmem:$0x10D0] =	vst v17  }
0x97: {  	v16 =	vld [tilespmem:s16+$0x460];
	_ =	sdelay $0x4  }
0x98: {  	v17 =	vshrl.u32 v16, $0x1;
	v18 =	vand.u32 $0x1FFF, v16;
	v16 =	vshrl.u32 v16, $0x7  }
0x99: {  	v17 =	vand.u32 $0x7FFFE000, v17;
	v16 =	vand.u32 $0x40, v16  }
0x9a: {  	v17 =	vor.u32 v18, v17;
	[tilespmem:$0x12E0] =	vst v16  }
0x9b: {  	[tilespmem:$0x10E0] =	vst v17  }
0x9c: {  	v16 =	vld [tilespmem:s16+$0x470];
	_ =	sdelay $0x4  }
0x9d: {  	v17 =	vshrl.u32 v16, $0x1;
	v18 =	vand.u32 $0x1FFF, v16;
	v16 =	vshrl.u32 v16, $0x7  }
0x9e: {  	v17 =	vand.u32 $0x7FFFE000, v17;
	v16 =	vand.u32 $0x40, v16  }
0x9f: {  	v17 =	vor.u32 v18, v17;
	[tilespmem:$0x12F0] =	vst v16  }
0xa0: {  	s9 =	simm.s32 $0x1080;
	s14 =	simm.s32 $0x5400;
	[tilespmem:$0x10F0] =	vst v17  }
0xa1: {  	[tilespmem:s14], [sflag:$0x6] =	stream.indirect.gather [hbm4b:s13+s5], $0x80, s9, s5, $0xb8;
	[tilespmem:$0x19400] =	vst v63  }
0xa2: {  	s17 =	simm.s32 $0x10A0;
	s23 =	simm.s32 $0x6400  }
0xa3: {  	[tilespmem:s23], [sflag:$0x6] =	stream.indirect.gather [hbm4b:s13+s5], $0x80, s17, s5, $0xb8;
	[tilespmem:$0x19400] =	vst v63  }
0xa4: {  	s9 =	simm.s32 $0x10C0;
	s14 =	simm.s32 $0x7400  }
0xa5: {  	[tilespmem:s14], [sflag:$0x6] =	stream.indirect.gather [hbm4b:s13+s5], $0x80, s9, s5, $0xb8;
	[tilespmem:$0x19400] =	vst v63  }
0xa6: {  	s17 =	simm.s32 $0x10E0;
	s23 =	simm.s32 $0x8400  }
0xa7: {  	[tilespmem:s23], [sflag:$0x6] =	stream.indirect.gather [hbm4b:s13+s5], $0x80, s17, s5, $0xb8;
	[tilespmem:$0x19400] =	vst v63  }
0xa8: {  	_ =	swait.ge [sflag:s12], $0x400  }
0xa9: {  	[sflag:s12] =	ssyncset.done $0x0  }
0xaa: {  	s9 =	rddreg [dreg:$0xc];
	[sflag:s12] =	ssyncadd.s32 $0xFFFFFC00  }
0xab: {  	v16 =	vld [tilespmem:s9+$0x800];
	_ =	sdelay $0x4  }
0xac: {  	v17 =	vshrl.u32 v16, $0x1;
	v18 =	vand.u32 $0x1FFF, v16;
	v16 =	vshrl.u32 v16, $0x7  }
0xad: {  	v17 =	vand.u32 $0x7FFFE000, v17;
	v16 =	vand.u32 $0x40, v16  }
0xae: {  	v17 =	vor.u32 v18, v17;
	[tilespmem:$0x1300] =	vst v16  }
0xaf: {  	[tilespmem:$0x1100] =	vst v17  }
0xb0: {  	v16 =	vld [tilespmem:s9+$0x810];
	_ =	sdelay $0x4  }
0xb1: {  	v17 =	vshrl.u32 v16, $0x1;
	v18 =	vand.u32 $0x1FFF, v16;
	v16 =	vshrl.u32 v16, $0x7  }
0xb2: {  	v17 =	vand.u32 $0x7FFFE000, v17;
	v16 =	vand.u32 $0x40, v16  }
0xb3: {  	v17 =	vor.u32 v18, v17;
	[tilespmem:$0x1310] =	vst v16  }
0xb4: {  	[tilespmem:$0x1110] =	vst v17  }
0xb5: {  	v16 =	vld [tilespmem:s9+$0x820];
	_ =	sdelay $0x4  }
0xb6: {  	v17 =	vshrl.u32 v16, $0x1;
	v18 =	vand.u32 $0x1FFF, v16;
	v16 =	vshrl.u32 v16, $0x7  }
0xb7: {  	v17 =	vand.u32 $0x7FFFE000, v17;
	v16 =	vand.u32 $0x40, v16  }
0xb8: {  	v17 =	vor.u32 v18, v17;
	[tilespmem:$0x1320] =	vst v16  }
0xb9: {  	[tilespmem:$0x1120] =	vst v17  }
0xba: {  	v16 =	vld [tilespmem:s9+$0x830];
	_ =	sdelay $0x4  }
0xbb: {  	v17 =	vshrl.u32 v16, $0x1;
	v18 =	vand.u32 $0x1FFF, v16;
	v16 =	vshrl.u32 v16, $0x7  }
0xbc: {  	v17 =	vand.u32 $0x7FFFE000, v17;
	v16 =	vand.u32 $0x40, v16  }
0xbd: {  	v17 =	vor.u32 v18, v17;
	[tilespmem:$0x1330] =	vst v16  }
0xbe: {  	[tilespmem:$0x1130] =	vst v17  }
0xbf: {  	v16 =	vld [tilespmem:s9+$0x840];
	_ =	sdelay $0x4  }
0xc0: {  	v17 =	vshrl.u32 v16, $0x1;
	v18 =	vand.u32 $0x1FFF, v16;
	v16 =	vshrl.u32 v16, $0x7  }
0xc1: {  	v17 =	vand.u32 $0x7FFFE000, v17;
	v16 =	vand.u32 $0x40, v16  }
0xc2: {  	v17 =	vor.u32 v18, v17;
	[tilespmem:$0x1340] =	vst v16  }
0xc3: {  	[tilespmem:$0x1140] =	vst v17  }
0xc4: {  	v16 =	vld [tilespmem:s9+$0x850];
	_ =	sdelay $0x4  }
0xc5: {  	v17 =	vshrl.u32 v16, $0x1;
	v18 =	vand.u32 $0x1FFF, v16;
	v16 =	vshrl.u32 v16, $0x7  }
0xc6: {  	v17 =	vand.u32 $0x7FFFE000, v17;
	v16 =	vand.u32 $0x40, v16  }
0xc7: {  	v17 =	vor.u32 v18, v17;
	[tilespmem:$0x1350] =	vst v16  }
0xc8: {  	[tilespmem:$0x1150] =	vst v17  }
0xc9: {  	v16 =	vld [tilespmem:s9+$0x860];
	_ =	sdelay $0x4  }
0xca: {  	v17 =	vshrl.u32 v16, $0x1;
	v18 =	vand.u32 $0x1FFF, v16;
	v16 =	vshrl.u32 v16, $0x7  }
0xcb: {  	v17 =	vand.u32 $0x7FFFE000, v17;
	v16 =	vand.u32 $0x40, v16  }
0xcc: {  	v17 =	vor.u32 v18, v17;
	[tilespmem:$0x1360] =	vst v16  }
0xcd: {  	[tilespmem:$0x1160] =	vst v17  }
0xce: {  	v16 =	vld [tilespmem:s9+$0x870];
	_ =	sdelay $0x4  }
0xcf: {  	v17 =	vshrl.u32 v16, $0x1;
	v18 =	vand.u32 $0x1FFF, v16;
	v16 =	vshrl.u32 v16, $0x7  }
0xd0: {  	v17 =	vand.u32 $0x7FFFE000, v17;
	v16 =	vand.u32 $0x40, v16  }
0xd1: {  	v17 =	vor.u32 v18, v17;
	[tilespmem:$0x1370] =	vst v16  }
0xd2: {  	s14 =	simm.s32 $0x9400;
	s12 =	simm.s32 $0x1100;
	[tilespmem:$0x1170] =	vst v17  }
0xd3: {  	[tilespmem:s14], [sflag:$0x7] =	stream.indirect.gather [hbm4b:s13+s5], $0x80, s12, s5, $0xb8;
	[tilespmem:$0x19400] =	vst v63  }
0xd4: {  	s17 =	simm.s32 $0x1120;
	s23 =	simm.s32 $0xA400  }
0xd5: {  	[tilespmem:s23], [sflag:$0x7] =	stream.indirect.gather [hbm4b:s13+s5], $0x80, s17, s5, $0xb8;
	[tilespmem:$0x19400] =	vst v63  }
0xd6: {  	s12 =	simm.s32 $0x1140;
	s14 =	simm.s32 $0xB400  }
0xd7: {  	[tilespmem:s14], [sflag:$0x7] =	stream.indirect.gather [hbm4b:s13+s5], $0x80, s12, s5, $0xb8;
	[tilespmem:$0x19400] =	vst v63  }
0xd8: {  	s17 =	simm.s32 $0x1160;
	s23 =	simm.s32 $0xC400;
	s12 =	simm.s32 $0x4  }
0xd9: {  	[tilespmem:s23], [sflag:$0x7] =	stream.indirect.gather [hbm4b:s13+s5], $0x80, s17, s5, $0xb8;
	[tilespmem:$0x19400] =	vst v63  }
0xda: {  	_ =	swait.ge [sflag:s12], $0x400  }
0xdb: {  	[sflag:s12] =	ssyncset.done $0x0  }
0xdc: {  	s14 =	rddreg [dreg:$0xd];
	[sflag:s12] =	ssyncadd.s32 $0xFFFFFC00  }
0xdd: {  	v16 =	vld [tilespmem:s14+$0xC00];
	_ =	sdelay $0x4  }
0xde: {  	v17 =	vshrl.u32 v16, $0x1;
	v18 =	vand.u32 $0x1FFF, v16;
	v16 =	vshrl.u32 v16, $0x7  }
0xdf: {  	v17 =	vand.u32 $0x7FFFE000, v17;
	v16 =	vand.u32 $0x40, v16  }
0xe0: {  	v17 =	vor.u32 v18, v17;
	[tilespmem:$0x1380] =	vst v16  }
0xe1: {  	[tilespmem:$0x1180] =	vst v17  }
0xe2: {  	v16 =	vld [tilespmem:s14+$0xC10];
	_ =	sdelay $0x4  }
0xe3: {  	v17 =	vshrl.u32 v16, $0x1;
	v18 =	vand.u32 $0x1FFF, v16;
	v16 =	vshrl.u32 v16, $0x7  }
0xe4: {  	v17 =	vand.u32 $0x7FFFE000, v17;
	v16 =	vand.u32 $0x40, v16  }
0xe5: {  	v17 =	vor.u32 v18, v17;
	[tilespmem:$0x1390] =	vst v16  }
0xe6: {  	[tilespmem:$0x1190] =	vst v17  }
0xe7: {  	v16 =	vld [tilespmem:s14+$0xC20];
	_ =	sdelay $0x4  }
0xe8: {  	v17 =	vshrl.u32 v16, $0x1;
	v18 =	vand.u32 $0x1FFF, v16;
	v16 =	vshrl.u32 v16, $0x7  }
0xe9: {  	v17 =	vand.u32 $0x7FFFE000, v17;
	v16 =	vand.u32 $0x40, v16  }
0xea: {  	v17 =	vor.u32 v18, v17;
	[tilespmem:$0x13A0] =	vst v16  }
0xeb: {  	[tilespmem:$0x11A0] =	vst v17  }
0xec: {  	v16 =	vld [tilespmem:s14+$0xC30];
	_ =	sdelay $0x4  }
0xed: {  	v17 =	vshrl.u32 v16, $0x1;
	v18 =	vand.u32 $0x1FFF, v16;
	v16 =	vshrl.u32 v16, $0x7  }
0xee: {  	v17 =	vand.u32 $0x7FFFE000, v17;
	v16 =	vand.u32 $0x40, v16  }
0xef: {  	v17 =	vor.u32 v18, v17;
	[tilespmem:$0x13B0] =	vst v16  }
0xf0: {  	[tilespmem:$0x11B0] =	vst v17  }
0xf1: {  	v16 =	vld [tilespmem:s14+$0xC40];
	_ =	sdelay $0x4  }
0xf2: {  	v17 =	vshrl.u32 v16, $0x1;
	v18 =	vand.u32 $0x1FFF, v16;
	v16 =	vshrl.u32 v16, $0x7  }
0xf3: {  	v17 =	vand.u32 $0x7FFFE000, v17;
	v16 =	vand.u32 $0x40, v16  }
0xf4: {  	v17 =	vor.u32 v18, v17;
	[tilespmem:$0x13C0] =	vst v16  }
0xf5: {  	[tilespmem:$0x11C0] =	vst v17  }
0xf6: {  	v16 =	vld [tilespmem:s14+$0xC50];
	_ =	sdelay $0x4  }
0xf7: {  	v17 =	vshrl.u32 v16, $0x1;
	v18 =	vand.u32 $0x1FFF, v16;
	v16 =	vshrl.u32 v16, $0x7  }
0xf8: {  	v17 =	vand.u32 $0x7FFFE000, v17;
	v16 =	vand.u32 $0x40, v16  }
0xf9: {  	v17 =	vor.u32 v18, v17;
	[tilespmem:$0x13D0] =	vst v16  }
0xfa: {  	[tilespmem:$0x11D0] =	vst v17  }
0xfb: {  	v16 =	vld [tilespmem:s14+$0xC60];
	_ =	sdelay $0x4  }
0xfc: {  	v17 =	vshrl.u32 v16, $0x1;
	v18 =	vand.u32 $0x1FFF, v16;
	v16 =	vshrl.u32 v16, $0x7  }
0xfd: {  	v17 =	vand.u32 $0x7FFFE000, v17;
	v16 =	vand.u32 $0x40, v16  }
0xfe: {  	v17 =	vor.u32 v18, v17;
	[tilespmem:$0x13E0] =	vst v16  }
0xff: {  	[tilespmem:$0x11E0] =	vst v17  }
0x100: {  	v16 =	vld [tilespmem:s14+$0xC70];
	_ =	sdelay $0x4  }
0x101: {  	v17 =	vshrl.u32 v16, $0x1;
	v18 =	vand.u32 $0x1FFF, v16;
	v16 =	vshrl.u32 v16, $0x7  }
0x102: {  	v17 =	vand.u32 $0x7FFFE000, v17;
	v16 =	vand.u32 $0x40, v16  }
0x103: {  	v17 =	vor.u32 v18, v17;
	[tilespmem:$0x13F0] =	vst v16  }
0x104: {  	s17 =	simm.s32 $0x1180;
	s23 =	simm.s32 $0xD400;
	[tilespmem:$0x11F0] =	vst v17  }
0x105: {  	[tilespmem:s23], [sflag:$0x8] =	stream.indirect.gather [hbm4b:s13+s5], $0x80, s17, s5, $0xb8;
	[tilespmem:$0x19400] =	vst v63  }
0x106: {  	s12 =	simm.s32 $0x11A0;
	s14 =	simm.s32 $0xE400  }
0x107: {  	[tilespmem:s14], [sflag:$0x8] =	stream.indirect.gather [hbm4b:s13+s5], $0x80, s12, s5, $0xb8;
	[tilespmem:$0x19400] =	vst v63  }
0x108: {  	s17 =	simm.s32 $0x11C0;
	s23 =	simm.s32 $0xF400  }
0x109: {  	[tilespmem:s23], [sflag:$0x8] =	stream.indirect.gather [hbm4b:s13+s5], $0x80, s17, s5, $0xb8;
	[tilespmem:$0x19400] =	vst v63  }
0x10a: {  	s9 =	simm.s32 $0x11E0;
	s12 =	simm.s32 $0x10400  }
0x10b: {  	[tilespmem:s12], [sflag:$0x8] =	stream.indirect.gather [hbm4b:s13+s5], $0x80, s9, s5, $0xb8;
	[tilespmem:$0x19400] =	vst v63  }
0x10c: {  	s14 =	rddreg [dreg:$0x6]  }
0x10d: {  	[tilespmem:s10], [sflag:$0x1] =	stream.linear.gather [hbm4b:s14+s10], $0x400, $0x38;
	[tilespmem:$0x19400] =	vst v63  }
0x10e: {  	_ =	swait.ge [sflag:s7], $0x1000  }
0x10f: {  	[sflag:s7] =	ssyncset.done $0x0  }
0x110: {  	[sflag:s7] =	ssyncadd.s32 $0xFFFFF000  }
0x111: {  	_ =	swait.ge [sflag:s7], $0x1000  }
0x112: {  	[sflag:s7] =	ssyncset.done $0x0  }
0x113: {  	[sflag:s7] =	ssyncadd.s32 $0xFFFFF000  }
0x114: {  	_ =	swait.ge [sflag:s7], $0x1000  }
0x115: {  	[sflag:s7] =	ssyncset.done $0x0  }
0x116: {  	[sflag:s7] =	ssyncadd.s32 $0xFFFFF000  }
0x117: {  	_ =	swait.ge [sflag:s7], $0x1000  }
0x118: {  	[sflag:s7] =	ssyncset.done $0x0  }
0x119: {  	[sflag:s7] =	ssyncadd.s32 $0xFFFFF000  }
0x11a: {  	v23 =	vld [tilespmem:$0x1200];
	_ =	sdelay $0x4  }
0x11b: {  	v16 =	vadd.s32 s10, v23  }
0x11c: {  	v16 =	vadd.s32 v0, v16;
	_ =	sdelay $0x3  }
0x11d: {  	s17 =	sand.u32 $0x1C00, s10;
	v21 =	vld [tilespmem:$0x1210]  }
0x11e: {  	s23 =	sand.u32 $0x70, s10;
	s0 =	sadd.s32 s17, s20;
	v16 =	vld.idx.msk [tilespmem:v16+s8+$0x0], $0xffff  }
0x11f: {  	s0 =	sadd.s32 s23, s0  }
0x120: {  	v24 =	vld [tilespmem:s0+$0x0];
	_ =	sdelay $0x1  }
0x121: {  	v22 =	vld [tilespmem:$0x1220];
	v17 =	vadd.s32 s10, v21  }
0x122: {  	v20 =	vld [tilespmem:$0x1230];
	v25 =	vadd.s32 v1, v17;
	v16 =	vmul.f32 $8.000000000e+00, v16  }
0x123: {  	v19 =	vld [tilespmem:$0x1240]  }
0x124: {  	v18 =	vld [tilespmem:$0x1250];
	v26 =	vadd.f32 v16, v24  }
0x125: {  	s0 =	simm.s32 $0x15440;
	v17 =	vld [tilespmem:$0x1260]  }
0x126: {  	v16 =	vld [tilespmem:$0x1270];
	[tilespmem:s0+$0xFFFFFFC0] =	vst v26  }
0x127: {  	v25 =	vld.idx.msk [tilespmem:v25+s8+$0x0], $0xffff;
	_ =	sdelay $0x3  }
0x128: {  	v26 =	vadd.s32 s10, v22  }
0x129: {  	v26 =	vadd.s32 v2, v26;
	v25 =	vmul.f32 $8.000000000e+00, v25;
	_ =	sdelay $0x1  }
0x12a: {  	v25 =	vadd.f32 v25, v24;
	_ =	sdelay $0x1  }
0x12b: {  	[tilespmem:s0+$0xFFFFFFD0] =	vst v25  }
0x12c: {  	v25 =	vld.idx.msk [tilespmem:v26+s8+$0x0], $0xffff;
	_ =	sdelay $0x3  }
0x12d: {  	v26 =	vadd.s32 s10, v20  }
0x12e: {  	v26 =	vadd.s32 v3, v26;
	v25 =	vmul.f32 $8.000000000e+00, v25;
	_ =	sdelay $0x1  }
0x12f: {  	v25 =	vadd.f32 v25, v24;
	_ =	sdelay $0x1  }
0x130: {  	[tilespmem:s0+$0xFFFFFFE0] =	vst v25  }
0x131: {  	v25 =	vld.idx.msk [tilespmem:v26+s8+$0x0], $0xffff;
	_ =	sdelay $0x3  }
0x132: {  	v26 =	vadd.s32 s10, v19  }
0x133: {  	v26 =	vadd.s32 v4, v26;
	v25 =	vmul.f32 $8.000000000e+00, v25;
	_ =	sdelay $0x1  }
0x134: {  	v25 =	vadd.f32 v25, v24;
	_ =	sdelay $0x1  }
0x135: {  	[tilespmem:s0+$0xFFFFFFF0] =	vst v25  }
0x136: {  	v25 =	vld.idx.msk [tilespmem:v26+s8+$0x0], $0xffff;
	_ =	sdelay $0x3  }
0x137: {  	v26 =	vadd.s32 s10, v18  }
0x138: {  	v26 =	vadd.s32 v5, v26;
	v25 =	vmul.f32 $8.000000000e+00, v25;
	_ =	sdelay $0x1  }
0x139: {  	v25 =	vadd.f32 v25, v24;
	_ =	sdelay $0x1  }
0x13a: {  	[tilespmem:s0+$0x0] =	vst v25  }
0x13b: {  	v25 =	vld.idx.msk [tilespmem:v26+s8+$0x0], $0xffff;
	_ =	sdelay $0x3  }
0x13c: {  	v26 =	vadd.s32 s10, v17  }
0x13d: {  	v26 =	vadd.s32 v6, v26;
	v25 =	vmul.f32 $8.000000000e+00, v25;
	_ =	sdelay $0x1  }
0x13e: {  	v25 =	vadd.f32 v25, v24;
	_ =	sdelay $0x1  }
0x13f: {  	[tilespmem:s0+$0x10] =	vst v25  }
0x140: {  	v25 =	vld.idx.msk [tilespmem:v26+s8+$0x0], $0xffff;
	_ =	sdelay $0x3  }
0x141: {  	v26 =	vadd.s32 s10, v16  }
0x142: {  	v26 =	vadd.s32 v7, v26;
	v25 =	vmul.f32 $8.000000000e+00, v25;
	_ =	sdelay $0x1  }
0x143: {  	v25 =	vadd.f32 v25, v24;
	_ =	sdelay $0x1  }
0x144: {  	[tilespmem:s0+$0x20] =	vst v25  }
0x145: {  	v25 =	vld.idx.msk [tilespmem:v26+s8+$0x0], $0xffff;
	_ =	sdelay $0x2  }
0x146: {  	s9 =	simm.s32 $0x1  }
0x147: {  	s12 =	simm.s32 $0x0;
	s14 =	simm.s32 $0x2;
	s10 =	simm.s32 $0x0;
	v26 =	vadd.s32 s9, v23  }
.LBB2_2:
0x148: {  	p0 =	sne.s32 s14, $0x3F;
	v26 =	vadd.s32 v0, v26;
	v25 =	vmul.f32 $8.000000000e+00, v25;
	_ =	sdelay $0x1  }
0x149: {  	s12 =	sadd.s32 $0x80, s12;
	v24 =	vadd.f32 v25, v24  }
0x14a: {  	s10 =	sadd.s32 $0x10, s10;
	s17 =	sand.u32 $0x1C00, s12  }
0x14b: {  	s23 =	sand.u32 $0x70, s10;
	s17 =	sadd.s32 s17, s20;
	[tilespmem:s0+$0x30] =	vst v24  }
0x14c: {  	s17 =	sadd.s32 s23, s17;
	v25 =	vld.idx.msk [tilespmem:v26+s8+$0x0], $0xffff  }
0x14d: {  	v24 =	vld [tilespmem:s17+$0x0];
	_ =	sdelay $0x3  }
0x14e: {  	v26 =	vadd.s32 s9, v21  }
0x14f: {  	v26 =	vadd.s32 v1, v26;
	v25 =	vmul.f32 $8.000000000e+00, v25;
	_ =	sdelay $0x1  }
0x150: {  	v25 =	vadd.f32 v25, v24  }
0x151: {  	s0 =	sadd.s32 $0x80, s0  }
0x152: {  	[tilespmem:s0+$0xFFFFFFC0] =	vst v25  }
0x153: {  	v25 =	vld.idx.msk [tilespmem:v26+s8+$0x0], $0xffff;
	_ =	sdelay $0x4  }
0x154: {  	v26 =	vadd.s32 s9, v22  }
0x155: {  	v26 =	vadd.s32 v2, v26;
	v25 =	vmul.f32 $8.000000000e+00, v25;
	_ =	sdelay $0x1  }
0x156: {  	v25 =	vadd.f32 v25, v24;
	_ =	sdelay $0x1  }
0x157: {  	[tilespmem:s0+$0xFFFFFFD0] =	vst v25  }
0x158: {  	v25 =	vld.idx.msk [tilespmem:v26+s8+$0x0], $0xffff;
	_ =	sdelay $0x4  }
0x159: {  	v26 =	vadd.s32 s9, v20  }
0x15a: {  	v26 =	vadd.s32 v3, v26;
	v25 =	vmul.f32 $8.000000000e+00, v25;
	_ =	sdelay $0x1  }
0x15b: {  	v25 =	vadd.f32 v25, v24;
	_ =	sdelay $0x1  }
0x15c: {  	[tilespmem:s0+$0xFFFFFFE0] =	vst v25  }
0x15d: {  	v25 =	vld.idx.msk [tilespmem:v26+s8+$0x0], $0xffff;
	_ =	sdelay $0x4  }
0x15e: {  	v26 =	vadd.s32 s9, v19  }
0x15f: {  	v26 =	vadd.s32 v4, v26;
	v25 =	vmul.f32 $8.000000000e+00, v25;
	_ =	sdelay $0x1  }
0x160: {  	v25 =	vadd.f32 v25, v24;
	_ =	sdelay $0x1  }
0x161: {  	[tilespmem:s0+$0xFFFFFFF0] =	vst v25  }
0x162: {  	v25 =	vld.idx.msk [tilespmem:v26+s8+$0x0], $0xffff;
	_ =	sdelay $0x4  }
0x163: {  	v26 =	vadd.s32 s9, v18  }
0x164: {  	v26 =	vadd.s32 v5, v26;
	v25 =	vmul.f32 $8.000000000e+00, v25;
	_ =	sdelay $0x1  }
0x165: {  	v25 =	vadd.f32 v25, v24;
	_ =	sdelay $0x1  }
0x166: {  	[tilespmem:s0+$0x0] =	vst v25  }
0x167: {  	v25 =	vld.idx.msk [tilespmem:v26+s8+$0x0], $0xffff;
	_ =	sdelay $0x4  }
0x168: {  	v26 =	vadd.s32 s9, v17  }
0x169: {  	v26 =	vadd.s32 v6, v26;
	v25 =	vmul.f32 $8.000000000e+00, v25;
	_ =	sdelay $0x1  }
0x16a: {  	v25 =	vadd.f32 v25, v24;
	_ =	sdelay $0x1  }
0x16b: {  	[tilespmem:s0+$0x10] =	vst v25  }
0x16c: {  	v25 =	vld.idx.msk [tilespmem:v26+s8+$0x0], $0xffff;
	_ =	sdelay $0x4  }
0x16d: {  	v26 =	vadd.s32 s9, v16;
	s9 =	smov.u32 s14  }
0x16e: {  	v26 =	vadd.s32 v7, v26;
	v25 =	vmul.f32 $8.000000000e+00, v25;
	_ =	sdelay $0x1  }
0x16f: {  	v25 =	vadd.f32 v25, v24;
	_ =	sdelay $0x1  }
0x170: {  	[tilespmem:s0+$0x20] =	vst v25  }
0x171: {  	v25 =	vld.idx.msk [tilespmem:v26+s8+$0x0], $0xffff  }
.Ltmp0:
0x172: {  	(pc) =	sbr.rel @p0 .LBB2_2-.Ltmp0, $2  }
0x173: {  	_ =	sdelay $0x2  }
0x174: {  	s14 =	sadd.s32 $0x1, s14;
	v26 =	vadd.s32 s9, v23  }
0x175: {  	v23 =	vadd.s32 v0, v26;
	v25 =	vmul.f32 $8.000000000e+00, v25;
	_ =	sdelay $0x1  }
0x176: {  	v24 =	vadd.f32 v25, v24  }
0x177: {  	s12 =	sadd.s32 $0x80, s12  }
0x178: {  	s10 =	sadd.s32 $0x10, s10;
	s12 =	sand.u32 $0x1C00, s12;
	[tilespmem:s0+$0x30] =	vst v24  }
0x179: {  	s10 =	sand.u32 $0x70, s10;
	s12 =	sadd.s32 s12, s20;
	v23 =	vld.idx.msk [tilespmem:v23+s8+$0x0], $0xffff  }
0x17a: {  	s10 =	sadd.s32 s10, s12  }
0x17b: {  	v24 =	vld [tilespmem:s10+$0x0];
	_ =	sdelay $0x1  }
0x17c: {  	v21 =	vadd.s32 s9, v21  }
0x17d: {  	v21 =	vadd.s32 v1, v21;
	v23 =	vmul.f32 $8.000000000e+00, v23;
	_ =	sdelay $0x1  }
0x17e: {  	v23 =	vadd.f32 v23, v24  }
0x17f: {  	s12 =	sadd.s32 $0x80, s0  }
0x180: {  	[tilespmem:s12+$0xFFFFFFC0] =	vst v23  }
0x181: {  	v21 =	vld.idx.msk [tilespmem:v21+s8+$0x0], $0xffff;
	_ =	sdelay $0x3  }
0x182: {  	v22 =	vadd.s32 s9, v22  }
0x183: {  	v22 =	vadd.s32 v2, v22;
	v21 =	vmul.f32 $8.000000000e+00, v21;
	_ =	sdelay $0x1  }
0x184: {  	v21 =	vadd.f32 v21, v24;
	_ =	sdelay $0x1  }
0x185: {  	[tilespmem:s12+$0xFFFFFFD0] =	vst v21  }
0x186: {  	v21 =	vld.idx.msk [tilespmem:v22+s8+$0x0], $0xffff;
	_ =	sdelay $0x3  }
0x187: {  	v20 =	vadd.s32 s9, v20  }
0x188: {  	v20 =	vadd.s32 v3, v20;
	v21 =	vmul.f32 $8.000000000e+00, v21;
	_ =	sdelay $0x1  }
0x189: {  	v21 =	vadd.f32 v21, v24;
	_ =	sdelay $0x1  }
0x18a: {  	[tilespmem:s12+$0xFFFFFFE0] =	vst v21  }
0x18b: {  	v20 =	vld.idx.msk [tilespmem:v20+s8+$0x0], $0xffff;
	_ =	sdelay $0x3  }
0x18c: {  	v19 =	vadd.s32 s9, v19  }
0x18d: {  	v19 =	vadd.s32 v4, v19;
	v20 =	vmul.f32 $8.000000000e+00, v20;
	_ =	sdelay $0x1  }
0x18e: {  	v20 =	vadd.f32 v20, v24;
	_ =	sdelay $0x1  }
0x18f: {  	[tilespmem:s12+$0xFFFFFFF0] =	vst v20  }
0x190: {  	v19 =	vld.idx.msk [tilespmem:v19+s8+$0x0], $0xffff;
	_ =	sdelay $0x3  }
0x191: {  	v18 =	vadd.s32 s9, v18  }
0x192: {  	v18 =	vadd.s32 v5, v18;
	v19 =	vmul.f32 $8.000000000e+00, v19;
	_ =	sdelay $0x1  }
0x193: {  	v19 =	vadd.f32 v19, v24;
	_ =	sdelay $0x1  }
0x194: {  	[tilespmem:s12+$0x0] =	vst v19  }
0x195: {  	v18 =	vld.idx.msk [tilespmem:v18+s8+$0x0], $0xffff;
	_ =	sdelay $0x3  }
0x196: {  	v17 =	vadd.s32 s9, v17  }
0x197: {  	v17 =	vadd.s32 v6, v17;
	v18 =	vmul.f32 $8.000000000e+00, v18;
	_ =	sdelay $0x1  }
0x198: {  	v18 =	vadd.f32 v18, v24;
	_ =	sdelay $0x1  }
0x199: {  	[tilespmem:s12+$0x10] =	vst v18  }
0x19a: {  	v17 =	vld.idx.msk [tilespmem:v17+s8+$0x0], $0xffff;
	_ =	sdelay $0x3  }
0x19b: {  	v16 =	vadd.s32 s9, v16  }
0x19c: {  	v16 =	vadd.s32 v7, v16;
	v17 =	vmul.f32 $8.000000000e+00, v17;
	_ =	sdelay $0x1  }
0x19d: {  	v17 =	vadd.f32 v17, v24;
	_ =	sdelay $0x1  }
0x19e: {  	[tilespmem:s12+$0x20] =	vst v17  }
0x19f: {  	v16 =	vld.idx.msk [tilespmem:v16+s8+$0x0], $0xffff;
	_ =	sdelay $0x4  }
0x1a0: {  	v16 =	vmul.f32 $8.000000000e+00, v16;
	_ =	sdelay $0x1  }
0x1a1: {  	v16 =	vadd.f32 v16, v24;
	_ =	sdelay $0x1  }
0x1a2: {  	s14 =	rddreg [dreg:$0xe];
	s17 =	simm.s32 $0x15400;
	[tilespmem:s12+$0x30] =	vst v16  }
0x1a3: {  	[hbm4b:s14+s11] =	stream.strided.scatter [tilespmem:s17], [sflag:$0x9], $0x2000, s15, s11, $0x38;
	[tilespmem:$0x19400] =	vst v63  }
0x1a4: {  	_ =	swait.ge [sflag:s18], $0x400  }
0x1a5: {  	[sflag:s18] =	ssyncset.done $0x0  }
0x1a6: {  	[sflag:s18] =	ssyncadd.s32 $0xFFFFFC00  }
0x1a7: {  	v16 =	vld [tilespmem:s22+$0x0];
	_ =	sdelay $0x4  }
0x1a8: {  	v17 =	vshrl.u32 v16, $0x1;
	v18 =	vand.u32 $0x1FFF, v16;
	v16 =	vshrl.u32 v16, $0x7  }
0x1a9: {  	v17 =	vand.u32 $0x7FFFE000, v17;
	v16 =	vand.u32 $0x40, v16  }
0x1aa: {  	v17 =	vor.u32 v18, v17;
	[tilespmem:$0x1200] =	vst v16  }
0x1ab: {  	[tilespmem:$0x1000] =	vst v17  }
0x1ac: {  	v16 =	vld [tilespmem:s22+$0x10];
	_ =	sdelay $0x4  }
0x1ad: {  	v17 =	vshrl.u32 v16, $0x1;
	v18 =	vand.u32 $0x1FFF, v16;
	v16 =	vshrl.u32 v16, $0x7  }
0x1ae: {  	v17 =	vand.u32 $0x7FFFE000, v17;
	v16 =	vand.u32 $0x40, v16  }
0x1af: {  	v17 =	vor.u32 v18, v17;
	[tilespmem:$0x1210] =	vst v16  }
0x1b0: {  	[tilespmem:$0x1010] =	vst v17  }
0x1b1: {  	v16 =	vld [tilespmem:s22+$0x20];
	_ =	sdelay $0x4  }
0x1b2: {  	v17 =	vshrl.u32 v16, $0x1;
	v18 =	vand.u32 $0x1FFF, v16;
	v16 =	vshrl.u32 v16, $0x7  }
0x1b3: {  	v17 =	vand.u32 $0x7FFFE000, v17;
	v16 =	vand.u32 $0x40, v16  }
0x1b4: {  	v17 =	vor.u32 v18, v17;
	[tilespmem:$0x1220] =	vst v16  }
0x1b5: {  	[tilespmem:$0x1020] =	vst v17  }
0x1b6: {  	v16 =	vld [tilespmem:s22+$0x30];
	_ =	sdelay $0x4  }
0x1b7: {  	v17 =	vshrl.u32 v16, $0x1;
	v18 =	vand.u32 $0x1FFF, v16;
	v16 =	vshrl.u32 v16, $0x7  }
0x1b8: {  	v17 =	vand.u32 $0x7FFFE000, v17;
	v16 =	vand.u32 $0x40, v16  }
0x1b9: {  	v17 =	vor.u32 v18, v17;
	[tilespmem:$0x1230] =	vst v16  }
0x1ba: {  	[tilespmem:$0x1030] =	vst v17  }
0x1bb: {  	v16 =	vld [tilespmem:s22+$0x40];
	_ =	sdelay $0x4  }
0x1bc: {  	v17 =	vshrl.u32 v16, $0x1;
	v18 =	vand.u32 $0x1FFF, v16;
	v16 =	vshrl.u32 v16, $0x7  }
0x1bd: {  	v17 =	vand.u32 $0x7FFFE000, v17;
	v16 =	vand.u32 $0x40, v16  }
0x1be: {  	v17 =	vor.u32 v18, v17;
	[tilespmem:$0x1240] =	vst v16  }
0x1bf: {  	[tilespmem:$0x1040] =	vst v17  }
0x1c0: {  	v16 =	vld [tilespmem:s22+$0x50];
	_ =	sdelay $0x4  }
0x1c1: {  	v17 =	vshrl.u32 v16, $0x1;
	v18 =	vand.u32 $0x1FFF, v16;
	v16 =	vshrl.u32 v16, $0x7  }
0x1c2: {  	v17 =	vand.u32 $0x7FFFE000, v17;
	v16 =	vand.u32 $0x40, v16  }
0x1c3: {  	v17 =	vor.u32 v18, v17;
	[tilespmem:$0x1250] =	vst v16  }
0x1c4: {  	[tilespmem:$0x1050] =	vst v17  }
0x1c5: {  	v16 =	vld [tilespmem:s22+$0x60];
	_ =	sdelay $0x4  }
0x1c6: {  	v17 =	vshrl.u32 v16, $0x1;
	v18 =	vand.u32 $0x1FFF, v16;
	v16 =	vshrl.u32 v16, $0x7  }
0x1c7: {  	v17 =	vand.u32 $0x7FFFE000, v17;
	v16 =	vand.u32 $0x40, v16  }
0x1c8: {  	v17 =	vor.u32 v18, v17;
	[tilespmem:$0x1260] =	vst v16  }
0x1c9: {  	[tilespmem:$0x1060] =	vst v17  }
0x1ca: {  	v16 =	vld [tilespmem:s22+$0x70];
	_ =	sdelay $0x4  }
0x1cb: {  	v17 =	vshrl.u32 v16, $0x1;
	v18 =	vand.u32 $0x1FFF, v16;
	v16 =	vshrl.u32 v16, $0x7  }
0x1cc: {  	v17 =	vand.u32 $0x7FFFE000, v17;
	v16 =	vand.u32 $0x40, v16  }
0x1cd: {  	v17 =	vor.u32 v18, v17;
	[tilespmem:$0x1270] =	vst v16  }
0x1ce: {  	[tilespmem:$0x1070] =	vst v17  }
0x1cf: {  	[tilespmem:s8], [sflag:$0x5] =	stream.indirect.gather [hbm4b:s13+s5], $0x80, s19, s5, $0xb8;
	[tilespmem:$0x19400] =	vst v63  }
0x1d0: {  	_ = 	snop  }
0x1d1: {  	[tilespmem:s28], [sflag:$0x5] =	stream.indirect.gather [hbm4b:s13+s5], $0x80, s24, s5, $0xb8;
	[tilespmem:$0x19400] =	vst v63  }
0x1d2: {  	_ = 	snop  }
0x1d3: {  	[tilespmem:s31], [sflag:$0x5] =	stream.indirect.gather [hbm4b:s13+s5], $0x80, s30, s5, $0xb8;
	[tilespmem:$0x19400] =	vst v63  }
0x1d4: {  	s23 =	simm.s32 $0x1060;
	s24 =	simm.s32 $0x4400  }
0x1d5: {  	[tilespmem:s24], [sflag:$0x5] =	stream.indirect.gather [hbm4b:s13+s5], $0x80, s23, s5, $0xb8;
	[tilespmem:$0x19400] =	vst v63  }
0x1d6: {  	s0 =	simm.s32 $0x0;
	s28 =	rddreg [dreg:$0xf]  }
0x1d7: {  	[tilespmem:s11], [sflag:$0x2] =	stream.linear.gather [hbm4b:s28+s0], $0x400, $0x38;
	[tilespmem:$0x19400] =	vst v63  }
0x1d8: {  	_ =	swait.ge [sflag:s21], $0x1000  }
0x1d9: {  	[sflag:s21] =	ssyncset.done $0x0  }
0x1da: {  	[sflag:s21] =	ssyncadd.s32 $0xFFFFF000  }
0x1db: {  	_ =	swait.ge [sflag:s21], $0x1000  }
0x1dc: {  	[sflag:s21] =	ssyncset.done $0x0  }
0x1dd: {  	[sflag:s21] =	ssyncadd.s32 $0xFFFFF000  }
0x1de: {  	_ =	swait.ge [sflag:s21], $0x1000  }
0x1df: {  	[sflag:s21] =	ssyncset.done $0x0  }
0x1e0: {  	[sflag:s21] =	ssyncadd.s32 $0xFFFFF000  }
0x1e1: {  	_ =	swait.ge [sflag:s21], $0x1000  }
0x1e2: {  	[sflag:s21] =	ssyncset.done $0x0  }
0x1e3: {  	[sflag:s21] =	ssyncadd.s32 $0xFFFFF000  }
0x1e4: {  	v23 =	vld [tilespmem:$0x1280];
	_ =	sdelay $0x4  }
0x1e5: {  	v16 =	vadd.s32 s0, v23  }
0x1e6: {  	v16 =	vadd.s32 v8, v16;
	_ =	sdelay $0x3  }
0x1e7: {  	s30 =	sand.u32 $0x1C00, s0;
	v21 =	vld [tilespmem:$0x1290]  }
0x1e8: {  	s31 =	sand.u32 $0x70, s0;
	s9 =	sadd.s32 s30, s20;
	v16 =	vld.idx.msk [tilespmem:v16+s8+$0x0], $0xffff  }
0x1e9: {  	s9 =	sadd.s32 s31, s9  }
0x1ea: {  	v24 =	vld [tilespmem:s9+$0x0];
	_ =	sdelay $0x1  }
0x1eb: {  	v22 =	vld [tilespmem:$0x12A0];
	v17 =	vadd.s32 s0, v21  }
0x1ec: {  	v20 =	vld [tilespmem:$0x12B0];
	v25 =	vadd.s32 v9, v17;
	v16 =	vmul.f32 $8.000000000e+00, v16  }
0x1ed: {  	v19 =	vld [tilespmem:$0x12C0]  }
0x1ee: {  	v18 =	vld [tilespmem:$0x12D0];
	v26 =	vadd.f32 v16, v24  }
0x1ef: {  	s9 =	simm.s32 $0x17470;
	v17 =	vld [tilespmem:$0x12E0]  }
0x1f0: {  	v16 =	vld [tilespmem:$0x12F0];
	[tilespmem:s9+$0xFFFFFF90] =	vst v26  }
0x1f1: {  	v25 =	vld.idx.msk [tilespmem:v25+s8+$0x0], $0xffff;
	_ =	sdelay $0x3  }
0x1f2: {  	v26 =	vadd.s32 s0, v22  }
0x1f3: {  	v26 =	vadd.s32 v10, v26;
	v25 =	vmul.f32 $8.000000000e+00, v25;
	_ =	sdelay $0x1  }
0x1f4: {  	v25 =	vadd.f32 v25, v24;
	_ =	sdelay $0x1  }
0x1f5: {  	[tilespmem:s9+$0xFFFFFFA0] =	vst v25  }
0x1f6: {  	v25 =	vld.idx.msk [tilespmem:v26+s8+$0x0], $0xffff;
	_ =	sdelay $0x3  }
0x1f7: {  	v26 =	vadd.s32 s0, v20  }
0x1f8: {  	v26 =	vadd.s32 v11, v26;
	v25 =	vmul.f32 $8.000000000e+00, v25;
	_ =	sdelay $0x1  }
0x1f9: {  	v25 =	vadd.f32 v25, v24;
	_ =	sdelay $0x1  }
0x1fa: {  	[tilespmem:s9+$0xFFFFFFB0] =	vst v25  }
0x1fb: {  	v25 =	vld.idx.msk [tilespmem:v26+s8+$0x0], $0xffff;
	_ =	sdelay $0x3  }
0x1fc: {  	v26 =	vadd.s32 s0, v19  }
0x1fd: {  	v26 =	vadd.s32 v12, v26;
	v25 =	vmul.f32 $8.000000000e+00, v25;
	_ =	sdelay $0x1  }
0x1fe: {  	v25 =	vadd.f32 v25, v24;
	_ =	sdelay $0x1  }
0x1ff: {  	[tilespmem:s9+$0xFFFFFFC0] =	vst v25  }
0x200: {  	v25 =	vld.idx.msk [tilespmem:v26+s8+$0x0], $0xffff;
	_ =	sdelay $0x3  }
0x201: {  	v26 =	vadd.s32 s0, v18  }
0x202: {  	v26 =	vadd.s32 v13, v26;
	v25 =	vmul.f32 $8.000000000e+00, v25;
	_ =	sdelay $0x1  }
0x203: {  	v25 =	vadd.f32 v25, v24;
	_ =	sdelay $0x1  }
0x204: {  	[tilespmem:s9+$0xFFFFFFD0] =	vst v25  }
0x205: {  	v25 =	vld.idx.msk [tilespmem:v26+s8+$0x0], $0xffff;
	_ =	sdelay $0x3  }
0x206: {  	v26 =	vadd.s32 s0, v17  }
0x207: {  	v26 =	vadd.s32 v14, v26;
	v25 =	vmul.f32 $8.000000000e+00, v25;
	_ =	sdelay $0x1  }
0x208: {  	v25 =	vadd.f32 v25, v24;
	_ =	sdelay $0x1  }
0x209: {  	[tilespmem:s9+$0xFFFFFFE0] =	vst v25  }
0x20a: {  	v25 =	vld.idx.msk [tilespmem:v26+s8+$0x0], $0xffff;
	_ =	sdelay $0x3  }
0x20b: {  	v26 =	vadd.s32 s0, v16  }
0x20c: {  	v26 =	vadd.s32 v15, v26;
	v25 =	vmul.f32 $8.000000000e+00, v25;
	_ =	sdelay $0x1  }
0x20d: {  	v25 =	vadd.f32 v25, v24;
	_ =	sdelay $0x1  }
0x20e: {  	[tilespmem:s9+$0xFFFFFFF0] =	vst v25  }
0x20f: {  	v25 =	vld.idx.msk [tilespmem:v26+s8+$0x0], $0xffff;
	_ =	sdelay $0x2  }
0x210: {  	s12 =	simm.s32 $0x1  }
0x211: {  	s10 =	simm.s32 $0x0;
	s14 =	simm.s32 $0x2;
	v26 =	vadd.s32 s12, v23  }
.LBB2_4:
0x212: {  	p0 =	sne.s32 s14, $0x3F;
	v26 =	vadd.s32 v8, v26;
	v25 =	vmul.f32 $8.000000000e+00, v25;
	_ =	sdelay $0x1  }
0x213: {  	s0 =	sadd.s32 $0x80, s0;
	v24 =	vadd.f32 v25, v24  }
0x214: {  	s10 =	sadd.s32 $0x10, s10;
	s17 =	sand.u32 $0x1C00, s0  }
0x215: {  	s23 =	sand.u32 $0x70, s10;
	s17 =	sadd.s32 s17, s20;
	[tilespmem:s9+$0x0] =	vst v24  }
0x216: {  	s17 =	sadd.s32 s23, s17;
	v25 =	vld.idx.msk [tilespmem:v26+s8+$0x0], $0xffff  }
0x217: {  	v24 =	vld [tilespmem:s17+$0x0];
	_ =	sdelay $0x3  }
0x218: {  	v26 =	vadd.s32 s12, v21  }
0x219: {  	v26 =	vadd.s32 v9, v26;
	v25 =	vmul.f32 $8.000000000e+00, v25;
	_ =	sdelay $0x1  }
0x21a: {  	v25 =	vadd.f32 v25, v24  }
0x21b: {  	s9 =	sadd.s32 $0x80, s9  }
0x21c: {  	[tilespmem:s9+$0xFFFFFF90] =	vst v25  }
0x21d: {  	v25 =	vld.idx.msk [tilespmem:v26+s8+$0x0], $0xffff;
	_ =	sdelay $0x4  }
0x21e: {  	v26 =	vadd.s32 s12, v22  }
0x21f: {  	v26 =	vadd.s32 v10, v26;
	v25 =	vmul.f32 $8.000000000e+00, v25;
	_ =	sdelay $0x1  }
0x220: {  	v25 =	vadd.f32 v25, v24;
	_ =	sdelay $0x1  }
0x221: {  	[tilespmem:s9+$0xFFFFFFA0] =	vst v25  }
0x222: {  	v25 =	vld.idx.msk [tilespmem:v26+s8+$0x0], $0xffff;
	_ =	sdelay $0x4  }
0x223: {  	v26 =	vadd.s32 s12, v20  }
0x224: {  	v26 =	vadd.s32 v11, v26;
	v25 =	vmul.f32 $8.000000000e+00, v25;
	_ =	sdelay $0x1  }
0x225: {  	v25 =	vadd.f32 v25, v24;
	_ =	sdelay $0x1  }
0x226: {  	[tilespmem:s9+$0xFFFFFFB0] =	vst v25  }
0x227: {  	v25 =	vld.idx.msk [tilespmem:v26+s8+$0x0], $0xffff;
	_ =	sdelay $0x4  }
0x228: {  	v26 =	vadd.s32 s12, v19  }
0x229: {  	v26 =	vadd.s32 v12, v26;
	v25 =	vmul.f32 $8.000000000e+00, v25;
	_ =	sdelay $0x1  }
0x22a: {  	v25 =	vadd.f32 v25, v24;
	_ =	sdelay $0x1  }
0x22b: {  	[tilespmem:s9+$0xFFFFFFC0] =	vst v25  }
0x22c: {  	v25 =	vld.idx.msk [tilespmem:v26+s8+$0x0], $0xffff;
	_ =	sdelay $0x4  }
0x22d: {  	v26 =	vadd.s32 s12, v18  }
0x22e: {  	v26 =	vadd.s32 v13, v26;
	v25 =	vmul.f32 $8.000000000e+00, v25;
	_ =	sdelay $0x1  }
0x22f: {  	v25 =	vadd.f32 v25, v24;
	_ =	sdelay $0x1  }
0x230: {  	[tilespmem:s9+$0xFFFFFFD0] =	vst v25  }
0x231: {  	v25 =	vld.idx.msk [tilespmem:v26+s8+$0x0], $0xffff;
	_ =	sdelay $0x4  }
0x232: {  	v26 =	vadd.s32 s12, v17  }
0x233: {  	v26 =	vadd.s32 v14, v26;
	v25 =	vmul.f32 $8.000000000e+00, v25;
	_ =	sdelay $0x1  }
0x234: {  	v25 =	vadd.f32 v25, v24;
	_ =	sdelay $0x1  }
0x235: {  	[tilespmem:s9+$0xFFFFFFE0] =	vst v25  }
0x236: {  	v25 =	vld.idx.msk [tilespmem:v26+s8+$0x0], $0xffff;
	_ =	sdelay $0x4  }
0x237: {  	v26 =	vadd.s32 s12, v16;
	s12 =	smov.u32 s14  }
0x238: {  	v26 =	vadd.s32 v15, v26;
	v25 =	vmul.f32 $8.000000000e+00, v25;
	_ =	sdelay $0x1  }
0x239: {  	v25 =	vadd.f32 v25, v24;
	_ =	sdelay $0x1  }
0x23a: {  	[tilespmem:s9+$0xFFFFFFF0] =	vst v25  }
0x23b: {  	v25 =	vld.idx.msk [tilespmem:v26+s8+$0x0], $0xffff  }
.Ltmp1:
0x23c: {  	(pc) =	sbr.rel @p0 .LBB2_4-.Ltmp1, $2  }
0x23d: {  	_ =	sdelay $0x2  }
0x23e: {  	s14 =	sadd.s32 $0x1, s14;
	v26 =	vadd.s32 s12, v23  }
0x23f: {  	v23 =	vadd.s32 v8, v26;
	v25 =	vmul.f32 $8.000000000e+00, v25;
	_ =	sdelay $0x1  }
0x240: {  	v24 =	vadd.f32 v25, v24  }
0x241: {  	s0 =	sadd.s32 $0x80, s0  }
0x242: {  	s10 =	sadd.s32 $0x10, s10;
	s0 =	sand.u32 $0x1C00, s0;
	[tilespmem:s9+$0x0] =	vst v24  }
0x243: {  	s10 =	sand.u32 $0x70, s10;
	s0 =	sadd.s32 s0, s20;
	v23 =	vld.idx.msk [tilespmem:v23+s8+$0x0], $0xffff  }
0x244: {  	s0 =	sadd.s32 s10, s0  }
0x245: {  	v24 =	vld [tilespmem:s0+$0x0];
	_ =	sdelay $0x1  }
0x246: {  	v21 =	vadd.s32 s12, v21  }
0x247: {  	v21 =	vadd.s32 v9, v21;
	v23 =	vmul.f32 $8.000000000e+00, v23;
	_ =	sdelay $0x1  }
0x248: {  	v23 =	vadd.f32 v23, v24  }
0x249: {  	s28 =	sadd.s32 $0x80, s9  }
0x24a: {  	[tilespmem:s28+$0xFFFFFF90] =	vst v23  }
0x24b: {  	v21 =	vld.idx.msk [tilespmem:v21+s8+$0x0], $0xffff;
	_ =	sdelay $0x3  }
0x24c: {  	v22 =	vadd.s32 s12, v22  }
0x24d: {  	v22 =	vadd.s32 v10, v22;
	v21 =	vmul.f32 $8.000000000e+00, v21;
	_ =	sdelay $0x1  }
0x24e: {  	v21 =	vadd.f32 v21, v24;
	_ =	sdelay $0x1  }
0x24f: {  	[tilespmem:s28+$0xFFFFFFA0] =	vst v21  }
0x250: {  	v21 =	vld.idx.msk [tilespmem:v22+s8+$0x0], $0xffff;
	_ =	sdelay $0x3  }
0x251: {  	v20 =	vadd.s32 s12, v20  }
0x252: {  	v20 =	vadd.s32 v11, v20;
	v21 =	vmul.f32 $8.000000000e+00, v21;
	_ =	sdelay $0x1  }
0x253: {  	v21 =	vadd.f32 v21, v24;
	_ =	sdelay $0x1  }
0x254: {  	[tilespmem:s28+$0xFFFFFFB0] =	vst v21  }
0x255: {  	v20 =	vld.idx.msk [tilespmem:v20+s8+$0x0], $0xffff;
	_ =	sdelay $0x3  }
0x256: {  	v19 =	vadd.s32 s12, v19  }
0x257: {  	v19 =	vadd.s32 v12, v19;
	v20 =	vmul.f32 $8.000000000e+00, v20;
	_ =	sdelay $0x1  }
0x258: {  	v20 =	vadd.f32 v20, v24;
	_ =	sdelay $0x1  }
0x259: {  	[tilespmem:s28+$0xFFFFFFC0] =	vst v20  }
0x25a: {  	v19 =	vld.idx.msk [tilespmem:v19+s8+$0x0], $0xffff;
	_ =	sdelay $0x3  }
0x25b: {  	v18 =	vadd.s32 s12, v18  }
0x25c: {  	v18 =	vadd.s32 v13, v18;
	v19 =	vmul.f32 $8.000000000e+00, v19;
	_ =	sdelay $0x1  }
0x25d: {  	v19 =	vadd.f32 v19, v24;
	_ =	sdelay $0x1  }
0x25e: {  	[tilespmem:s28+$0xFFFFFFD0] =	vst v19  }
0x25f: {  	v18 =	vld.idx.msk [tilespmem:v18+s8+$0x0], $0xffff;
	_ =	sdelay $0x3  }
0x260: {  	v17 =	vadd.s32 s12, v17  }
0x261: {  	v17 =	vadd.s32 v14, v17;
	v18 =	vmul.f32 $8.000000000e+00, v18;
	_ =	sdelay $0x1  }
0x262: {  	v18 =	vadd.f32 v18, v24;
	_ =	sdelay $0x1  }
0x263: {  	[tilespmem:s28+$0xFFFFFFE0] =	vst v18  }
0x264: {  	v17 =	vld.idx.msk [tilespmem:v17+s8+$0x0], $0xffff;
	_ =	sdelay $0x3  }
0x265: {  	v16 =	vadd.s32 s12, v16  }
0x266: {  	v16 =	vadd.s32 v15, v16;
	v17 =	vmul.f32 $8.000000000e+00, v17;
	_ =	sdelay $0x1  }
0x267: {  	v17 =	vadd.f32 v17, v24;
	_ =	sdelay $0x1  }
0x268: {  	[tilespmem:s28+$0xFFFFFFF0] =	vst v17  }
0x269: {  	v16 =	vld.idx.msk [tilespmem:v16+s8+$0x0], $0xffff;
	_ =	sdelay $0x4  }
0x26a: {  	v16 =	vmul.f32 $8.000000000e+00, v16;
	_ =	sdelay $0x1  }
0x26b: {  	v16 =	vadd.f32 v16, v24  }
0x26c: {  	s30 =	rddreg [dreg:$0x10]  }
0x26d: {  	s31 =	simm.s32 $0x17400;
	p0 =	por $0x0, $0x0;
	s0 =	simm.s32 $0x2;
	[tilespmem:s28+$0x0] =	vst v16  }
0x26e: {  	[hbm4b:s30+s11] =	stream.strided.scatter [tilespmem:s31], [sflag:$0xA], $0x2000, s15, s11, $0x38;
	[tilespmem:$0x19400] =	vst v63  }
.LBB2_6:
0x26f: {  	s24 =	sand.u32 $0x1, s0  }
0x270: {  	s14 =	sadd.s32 $0x9, s24  }
0x271: {  	s10 =	sadd.s32 $0x3, s0;
	_ =	swait.ge [sflag:s14], $0x2000  }
0x272: {  	s9 =	sand.u32 $0x3, s10;
	[sflag:s14] =	ssyncset.done $0x0  }
0x273: {  	s10 =	sadd.s32 s1, s10;
	s12 =	sadd.s32 $0x1, s9;
	[sflag:s14] =	ssyncadd.s32 $0xFFFFE000  }
0x274: {  	s10 =	sshll.u32 s10, $0x4;
	_ =	swait.ge [sflag:s12], $0x400  }
0x275: {  	s17 =	sshll.u32 s9, $0xA;
	s10 =	sand.u32 $0x380, s10;
	[sflag:s12] =	ssyncset.done $0x0  }
0x276: {  	s18 =	sor.u32 s10, s17;
	[sflag:s12] =	ssyncadd.s32 $0xFFFFFC00  }
0x277: {  	v16 =	vld [tilespmem:s18+$0x0];
	_ =	sdelay $0x4  }
0x278: {  	v17 =	vshrl.u32 v16, $0x1;
	v18 =	vand.u32 $0x1FFF, v16;
	v16 =	vshrl.u32 v16, $0x7  }
0x279: {  	s10 =	sshll.u32 s9, $0x7;
	v17 =	vand.u32 $0x7FFFE000, v17;
	v16 =	vand.u32 $0x40, v16  }
0x27a: {  	v17 =	vor.u32 v18, v17;
	[tilespmem:s10+$0x1200] =	vst v16  }
0x27b: {  	[tilespmem:s10+$0x1000] =	vst v17  }
0x27c: {  	v16 =	vld [tilespmem:s18+$0x10];
	_ =	sdelay $0x4  }
0x27d: {  	v17 =	vshrl.u32 v16, $0x1;
	v18 =	vand.u32 $0x1FFF, v16;
	v16 =	vshrl.u32 v16, $0x7  }
0x27e: {  	v17 =	vand.u32 $0x7FFFE000, v17;
	v16 =	vand.u32 $0x40, v16  }
0x27f: {  	v17 =	vor.u32 v18, v17;
	[tilespmem:s10+$0x1210] =	vst v16  }
0x280: {  	[tilespmem:s10+$0x1010] =	vst v17  }
0x281: {  	v16 =	vld [tilespmem:s18+$0x20];
	_ =	sdelay $0x4  }
0x282: {  	v17 =	vshrl.u32 v16, $0x1;
	v18 =	vand.u32 $0x1FFF, v16;
	v16 =	vshrl.u32 v16, $0x7  }
0x283: {  	v17 =	vand.u32 $0x7FFFE000, v17;
	v16 =	vand.u32 $0x40, v16  }
0x284: {  	v17 =	vor.u32 v18, v17;
	[tilespmem:s10+$0x1220] =	vst v16  }
0x285: {  	[tilespmem:s10+$0x1020] =	vst v17  }
0x286: {  	v16 =	vld [tilespmem:s18+$0x30];
	_ =	sdelay $0x4  }
0x287: {  	v17 =	vshrl.u32 v16, $0x1;
	v18 =	vand.u32 $0x1FFF, v16;
	v16 =	vshrl.u32 v16, $0x7  }
0x288: {  	v17 =	vand.u32 $0x7FFFE000, v17;
	v16 =	vand.u32 $0x40, v16  }
0x289: {  	v17 =	vor.u32 v18, v17;
	[tilespmem:s10+$0x1230] =	vst v16  }
0x28a: {  	[tilespmem:s10+$0x1030] =	vst v17  }
0x28b: {  	v16 =	vld [tilespmem:s18+$0x40];
	_ =	sdelay $0x4  }
0x28c: {  	v17 =	vshrl.u32 v16, $0x1;
	v18 =	vand.u32 $0x1FFF, v16;
	v16 =	vshrl.u32 v16, $0x7  }
0x28d: {  	v17 =	vand.u32 $0x7FFFE000, v17;
	v16 =	vand.u32 $0x40, v16  }
0x28e: {  	v17 =	vor.u32 v18, v17;
	[tilespmem:s10+$0x1240] =	vst v16  }
0x28f: {  	[tilespmem:s10+$0x1040] =	vst v17  }
0x290: {  	v16 =	vld [tilespmem:s18+$0x50];
	_ =	sdelay $0x4  }
0x291: {  	v17 =	vshrl.u32 v16, $0x1;
	v18 =	vand.u32 $0x1FFF, v16;
	v16 =	vshrl.u32 v16, $0x7  }
0x292: {  	v17 =	vand.u32 $0x7FFFE000, v17;
	v16 =	vand.u32 $0x40, v16  }
0x293: {  	v17 =	vor.u32 v18, v17;
	[tilespmem:s10+$0x1250] =	vst v16  }
0x294: {  	[tilespmem:s10+$0x1050] =	vst v17  }
0x295: {  	v16 =	vld [tilespmem:s18+$0x60];
	_ =	sdelay $0x4  }
0x296: {  	v17 =	vshrl.u32 v16, $0x1;
	v18 =	vand.u32 $0x1FFF, v16;
	v16 =	vshrl.u32 v16, $0x7  }
0x297: {  	v17 =	vand.u32 $0x7FFFE000, v17;
	v16 =	vand.u32 $0x40, v16  }
0x298: {  	v17 =	vor.u32 v18, v17;
	[tilespmem:s10+$0x1260] =	vst v16  }
0x299: {  	[tilespmem:s10+$0x1060] =	vst v17  }
0x29a: {  	v16 =	vld [tilespmem:s18+$0x70];
	_ =	sdelay $0x4  }
0x29b: {  	v17 =	vshrl.u32 v16, $0x1;
	v18 =	vand.u32 $0x1FFF, v16;
	v16 =	vshrl.u32 v16, $0x7  }
0x29c: {  	v17 =	vand.u32 $0x7FFFE000, v17;
	v16 =	vand.u32 $0x40, v16  }
0x29d: {  	s12 =	sshll.u32 s9, $0xE;
	v17 =	vor.u32 v18, v17;
	[tilespmem:s10+$0x1270] =	vst v16  }
0x29e: {  	s19 =	sor.u32 $0x1000, s10;
	s9 =	sadd.s32 $0x5, s9;
	s23 =	sor.u32 $0x1400, s12;
	[tilespmem:s10+$0x1070] =	vst v17  }
0x29f: {  	[tilespmem:s23], [sflag:s9] =	stream.indirect.gather [hbm4b:s13+s5], $0x80, s19, s5, $0xb8;
	[tilespmem:$0x19400] =	vst v63  }
0x2a0: {  	s18 =	sor.u32 $0x1020, s10;
	s19 =	sor.u32 $0x2400, s12  }
0x2a1: {  	[tilespmem:s19], [sflag:s9] =	stream.indirect.gather [hbm4b:s13+s5], $0x80, s18, s5, $0xb8;
	[tilespmem:$0x19400] =	vst v63  }
0x2a2: {  	s18 =	sor.u32 $0x1040, s10;
	s19 =	sor.u32 $0x3400, s12  }
0x2a3: {  	[tilespmem:s19], [sflag:s9] =	stream.indirect.gather [hbm4b:s13+s5], $0x80, s18, s5, $0xb8;
	[tilespmem:$0x19400] =	vst v63  }
0x2a4: {  	s10 =	sor.u32 $0x1060, s10;
	s12 =	sadd.s32 $0x4400, s12  }
0x2a5: {  	[tilespmem:s12], [sflag:s9] =	stream.indirect.gather [hbm4b:s13+s5], $0x80, s10, s5, $0xb8;
	[tilespmem:$0x19400] =	vst v63  }
0x2a6: {  	p1 =	slt.s32 s0, $0x2D;
	s9 =	smov.u32 s0  }
0x2a7: {  	s9 =	simm.s32 @!p1 $0x2D  }
0x2a8: {  	s9 =	sadd.s32 s9, s6  }
0x2a9: {  	s31 =	simm.s32 $0x0;
	s17 =	sshll.u32 s9, $0x7  }
0x2aa: {  	s12 =	sand.u32 $0x3, s0;
	s9 =	sshll.u32 s9, $0x4;
	s10 =	sand.u32 $0x380, s17  }
0x2ab: {  	s18 =	sshll.u32 s12, $0xA;
	s9 =	sand.u32 $0xFFFFC00, s9;
	s10 =	sadd.s32 s2, s10  }
0x2ac: {  	s19 =	sadd.s32 $0x1, s12;
	s17 =	sadd.s32 $0x5, s12;
	s9 =	sadd.s32 s9, s10  }
0x2ad: {  	[tilespmem:s18], [sflag:s19] =	stream.linear.gather [hbm4b:s9+s31], $0x400, $0x38;
	[tilespmem:$0x19400] =	vst v63  }
0x2ae: {  	_ =	swait.ge [sflag:s17], $0x1000  }
0x2af: {  	[sflag:s17] =	ssyncset.done $0x0  }
0x2b0: {  	[sflag:s17] =	ssyncadd.s32 $0xFFFFF000  }
0x2b1: {  	_ =	swait.ge [sflag:s17], $0x1000  }
0x2b2: {  	[sflag:s17] =	ssyncset.done $0x0  }
0x2b3: {  	[sflag:s17] =	ssyncadd.s32 $0xFFFFF000  }
0x2b4: {  	_ =	swait.ge [sflag:s17], $0x1000  }
0x2b5: {  	[sflag:s17] =	ssyncset.done $0x0  }
0x2b6: {  	[sflag:s17] =	ssyncadd.s32 $0xFFFFF000  }
0x2b7: {  	_ =	swait.ge [sflag:s17], $0x1000  }
0x2b8: {  	[sflag:s17] =	ssyncset.done $0x0  }
0x2b9: {  	s10 =	sshll.u32 s12, $0x7;
	[sflag:s17] =	ssyncadd.s32 $0xFFFFF000  }
0x2ba: {  	v22 =	vld [tilespmem:s10+$0x1200];
	_ =	sdelay $0x3  }
0x2bb: {  	v16 =	vmov s10  }
0x2bc: {  	v16 =	vshll.u32 v16, $0x7;
	v17 =	vadd.s32 s31, v22  }
0x2bd: {  	s12 =	sadd.s32 s1, s0;
	v23 =	vor.u32 v0, v16;
	v16 =	vand.u32 $0xFFFFFF80, v17  }
0x2be: {  	s23 =	sshrl.u32 s12, $0x3;
	v17 =	vand.u32 $0x7F, v17;
	v16 =	vadd.s32 v23, v16  }
0x2bf: {  	s18 =	ssub.s32 s23, s4;
	v16 =	vor.u32 v17, v16  }
0x2c0: {  	s19 =	sshll.u32 s12, $0x4;
	s9 =	sshll.u32 s18, $0xA  }
0x2c1: {  	s9 =	sand.u32 $0xFFFFE000, s9;
	s17 =	sand.u32 $0x380, s19;
	v21 =	vld [tilespmem:s10+$0x1210]  }
0x2c2: {  	s9 =	sor.u32 s17, s9  }
0x2c3: {  	s18 =	sand.u32 $0x1C00, s31;
	s9 =	sadd.s32 $0x11400, s9  }
0x2c4: {  	s30 =	sand.u32 $0x70, s31;
	s28 =	sor.u32 $0x10, s10;
	s17 =	sadd.s32 s18, s9;
	v16 =	vld.idx.msk [tilespmem:v16+s8+$0x0], $0xffff  }
0x2c5: {  	s17 =	sadd.s32 s30, s17;
	v17 =	vmov s28  }
0x2c6: {  	v29 =	vld [tilespmem:s17+$0x0];
	v18 =	vadd.s32 s31, v21;
	v17 =	vshll.u32 v17, $0x7  }
0x2c7: {  	v25 =	vor.u32 v0, v17;
	v17 =	vand.u32 $0xFFFFFF80, v18  }
0x2c8: {  	v24 =	vld [tilespmem:s10+$0x1220];
	v18 =	vand.u32 $0x7F, v18;
	v17 =	vadd.s32 v25, v17  }
0x2c9: {  	v20 =	vld [tilespmem:s10+$0x1230];
	s17 =	simm.s32 $0x1;
	v26 =	vor.u32 v18, v17;
	v16 =	vmul.f32 $8.000000000e+00, v16  }
0x2ca: {  	v19 =	vld [tilespmem:s10+$0x1240];
	s17 =	simm.s32 @!p0 $0x0  }
0x2cb: {  	s17 =	sshll.u32 s17, $0xD;
	v18 =	vld [tilespmem:s10+$0x1250];
	v27 =	vadd.f32 v16, v29  }
0x2cc: {  	s30 =	sor.u32 $0x15440, s17;
	v17 =	vld [tilespmem:s10+$0x1260]  }
0x2cd: {  	v16 =	vld [tilespmem:s10+$0x1270];
	[tilespmem:s30+$0xFFFFFFC0] =	vst v27  }
0x2ce: {  	s19 =	sor.u32 $0x20, s10;
	v27 =	vld.idx.msk [tilespmem:v26+s8+$0x0], $0xffff  }
0x2cf: {  	v26 =	vmov s19  }
0x2d0: {  	v28 =	vadd.s32 s31, v24;
	v26 =	vshll.u32 v26, $0x7  }
0x2d1: {  	v30 =	vand.u32 $0xFFFFFF80, v28;
	v26 =	vor.u32 v0, v26  }
0x2d2: {  	v28 =	vand.u32 $0x7F, v28;
	v30 =	vadd.s32 v26, v30  }
0x2d3: {  	v28 =	vor.u32 v28, v30;
	v27 =	vmul.f32 $8.000000000e+00, v27;
	_ =	sdelay $0x1  }
0x2d4: {  	v27 =	vadd.f32 v27, v29;
	_ =	sdelay $0x1  }
0x2d5: {  	[tilespmem:s30+$0xFFFFFFD0] =	vst v27  }
0x2d6: {  	s18 =	sor.u32 $0x30, s10;
	v28 =	vld.idx.msk [tilespmem:v28+s8+$0x0], $0xffff  }
0x2d7: {  	v27 =	vmov s18  }
0x2d8: {  	v30 =	vadd.s32 s31, v20;
	v27 =	vshll.u32 v27, $0x7  }
0x2d9: {  	v31 =	vand.u32 $0xFFFFFF80, v30;
	v27 =	vor.u32 v0, v27  }
0x2da: {  	v30 =	vand.u32 $0x7F, v30;
	v31 =	vadd.s32 v27, v31  }
0x2db: {  	v30 =	vor.u32 v30, v31;
	v28 =	vmul.f32 $8.000000000e+00, v28;
	_ =	sdelay $0x1  }
0x2dc: {  	v28 =	vadd.f32 v28, v29;
	_ =	sdelay $0x1  }
0x2dd: {  	[tilespmem:s30+$0xFFFFFFE0] =	vst v28  }
0x2de: {  	s19 =	sor.u32 $0x40, s10;
	v30 =	vld.idx.msk [tilespmem:v30+s8+$0x0], $0xffff  }
0x2df: {  	v28 =	vmov s19  }
0x2e0: {  	v31 =	vadd.s32 s31, v19;
	v28 =	vshll.u32 v28, $0x7  }
0x2e1: {  	v32 =	vand.u32 $0xFFFFFF80, v31;
	v28 =	vor.u32 v0, v28  }
0x2e2: {  	v31 =	vand.u32 $0x7F, v31;
	v32 =	vadd.s32 v28, v32  }
0x2e3: {  	v31 =	vor.u32 v31, v32;
	v30 =	vmul.f32 $8.000000000e+00, v30;
	_ =	sdelay $0x1  }
0x2e4: {  	v30 =	vadd.f32 v30, v29;
	_ =	sdelay $0x1  }
0x2e5: {  	[tilespmem:s30+$0xFFFFFFF0] =	vst v30  }
0x2e6: {  	s18 =	sor.u32 $0x50, s10;
	v31 =	vld.idx.msk [tilespmem:v31+s8+$0x0], $0xffff  }
0x2e7: {  	v30 =	vmov s18  }
0x2e8: {  	v60 =	vadd.s32 s31, v18;
	v30 =	vshll.u32 v30, $0x7  }
0x2e9: {  	v33 =	vand.u32 $0xFFFFFF80, v60;
	v30 =	vor.u32 v0, v30  }
0x2ea: {  	v32 =	vand.u32 $0x7F, v60;
	v33 =	vadd.s32 v30, v33  }
0x2eb: {  	v32 =	vor.u32 v32, v33;
	v31 =	vmul.f32 $8.000000000e+00, v31;
	_ =	sdelay $0x1  }
0x2ec: {  	v31 =	vadd.f32 v31, v29;
	_ =	sdelay $0x1  }
0x2ed: {  	[tilespmem:s30+$0x0] =	vst v31  }
0x2ee: {  	s19 =	sor.u32 $0x60, s10;
	v32 =	vld.idx.msk [tilespmem:v32+s8+$0x0], $0xffff  }
0x2ef: {  	v31 =	vmov s19  }
0x2f0: {  	v61 =	vadd.s32 s31, v17;
	v31 =	vshll.u32 v31, $0x7  }
0x2f1: {  	v34 =	vand.u32 $0xFFFFFF80, v61;
	v31 =	vor.u32 v0, v31  }
0x2f2: {  	v33 =	vand.u32 $0x7F, v61;
	v34 =	vadd.s32 v31, v34  }
0x2f3: {  	v33 =	vor.u32 v33, v34;
	v32 =	vmul.f32 $8.000000000e+00, v32;
	_ =	sdelay $0x1  }
0x2f4: {  	v32 =	vadd.f32 v32, v29;
	_ =	sdelay $0x1  }
0x2f5: {  	[tilespmem:s30+$0x10] =	vst v32  }
0x2f6: {  	s10 =	sor.u32 $0x70, s10;
	v33 =	vld.idx.msk [tilespmem:v33+s8+$0x0], $0xffff  }
0x2f7: {  	v62 =	vmov s10  }
0x2f8: {  	v63 =	vadd.s32 s31, v16;
	v32 =	vshll.u32 v62, $0x7  }
0x2f9: {  	v35 =	vand.u32 $0xFFFFFF80, v63;
	v32 =	vor.u32 v0, v32  }
0x2fa: {  	v34 =	vand.u32 $0x7F, v63;
	v35 =	vadd.s32 v32, v35  }
0x2fb: {  	v34 =	vor.u32 v34, v35;
	v33 =	vmul.f32 $8.000000000e+00, v33;
	_ =	sdelay $0x1  }
0x2fc: {  	v33 =	vadd.f32 v33, v29;
	_ =	sdelay $0x1  }
0x2fd: {  	[tilespmem:s30+$0x20] =	vst v33  }
0x2fe: {  	v33 =	vld.idx.msk [tilespmem:v34+s8+$0x0], $0xffff  }
0x2ff: {  	s24 =	sshll.u32 s24, $0xD;
	s28 =	simm.s32 $0x1  }
0x300: {  	s24 =	sor.u32 $0x15400, s24;
	s17 =	simm.s32 $0x0;
	s10 =	simm.s32 $0x2;
	v34 =	vadd.s32 s28, v22  }
.LBB2_7:
0x301: {  	p1 =	sne.s32 s10, $0x3F;
	v35 =	vand.u32 $0xFFFFFF80, v34  }
0x302: {  	v34 =	vand.u32 $0x7F, v34;
	v35 =	vadd.s32 v23, v35  }
0x303: {  	v33 =	vmul.f32 $8.000000000e+00, v33;
	v34 =	vor.u32 v34, v35;
	_ =	sdelay $0x1  }
0x304: {  	s31 =	sadd.s32 $0x80, s31;
	v29 =	vadd.f32 v33, v29  }
0x305: {  	s17 =	sadd.s32 $0x10, s17;
	s18 =	sand.u32 $0x1C00, s31  }
0x306: {  	s19 =	sand.u32 $0x70, s17;
	s18 =	sadd.s32 s18, s9;
	[tilespmem:s30+$0x30] =	vst v29  }
0x307: {  	s18 =	sadd.s32 s19, s18;
	v33 =	vld.idx.msk [tilespmem:v34+s8+$0x0], $0xffff  }
0x308: {  	v29 =	vld [tilespmem:s18+$0x0];
	_ =	sdelay $0x1  }
0x309: {  	v34 =	vadd.s32 s28, v21  }
0x30a: {  	v35 =	vand.u32 $0xFFFFFF80, v34  }
0x30b: {  	v34 =	vand.u32 $0x7F, v34;
	v35 =	vadd.s32 v25, v35  }
0x30c: {  	v34 =	vor.u32 v34, v35;
	v33 =	vmul.f32 $8.000000000e+00, v33;
	_ =	sdelay $0x1  }
0x30d: {  	v33 =	vadd.f32 v33, v29  }
0x30e: {  	s30 =	sadd.s32 $0x80, s30  }
0x30f: {  	[tilespmem:s30+$0xFFFFFFC0] =	vst v33  }
0x310: {  	v33 =	vld.idx.msk [tilespmem:v34+s8+$0x0], $0xffff;
	_ =	sdelay $0x2  }
0x311: {  	v34 =	vadd.s32 s28, v24  }
0x312: {  	v35 =	vand.u32 $0xFFFFFF80, v34  }
0x313: {  	v34 =	vand.u32 $0x7F, v34;
	v35 =	vadd.s32 v26, v35  }
0x314: {  	v34 =	vor.u32 v34, v35;
	v33 =	vmul.f32 $8.000000000e+00, v33;
	_ =	sdelay $0x1  }
0x315: {  	v33 =	vadd.f32 v33, v29;
	_ =	sdelay $0x1  }
0x316: {  	[tilespmem:s30+$0xFFFFFFD0] =	vst v33  }
0x317: {  	v33 =	vld.idx.msk [tilespmem:v34+s8+$0x0], $0xffff;
	_ =	sdelay $0x2  }
0x318: {  	v34 =	vadd.s32 s28, v20  }
0x319: {  	v35 =	vand.u32 $0xFFFFFF80, v34  }
0x31a: {  	v34 =	vand.u32 $0x7F, v34;
	v35 =	vadd.s32 v27, v35  }
0x31b: {  	v34 =	vor.u32 v34, v35;
	v33 =	vmul.f32 $8.000000000e+00, v33;
	_ =	sdelay $0x1  }
0x31c: {  	v33 =	vadd.f32 v33, v29;
	_ =	sdelay $0x1  }
0x31d: {  	[tilespmem:s30+$0xFFFFFFE0] =	vst v33  }
0x31e: {  	v33 =	vld.idx.msk [tilespmem:v34+s8+$0x0], $0xffff;
	_ =	sdelay $0x2  }
0x31f: {  	v34 =	vadd.s32 s28, v19  }
0x320: {  	v35 =	vand.u32 $0xFFFFFF80, v34  }
0x321: {  	v34 =	vand.u32 $0x7F, v34;
	v35 =	vadd.s32 v28, v35  }
0x322: {  	v34 =	vor.u32 v34, v35;
	v33 =	vmul.f32 $8.000000000e+00, v33;
	_ =	sdelay $0x1  }
0x323: {  	v33 =	vadd.f32 v33, v29;
	_ =	sdelay $0x1  }
0x324: {  	[tilespmem:s30+$0xFFFFFFF0] =	vst v33  }
0x325: {  	v33 =	vld.idx.msk [tilespmem:v34+s8+$0x0], $0xffff;
	_ =	sdelay $0x2  }
0x326: {  	v34 =	vadd.s32 s28, v18  }
0x327: {  	v35 =	vand.u32 $0xFFFFFF80, v34  }
0x328: {  	v34 =	vand.u32 $0x7F, v34;
	v35 =	vadd.s32 v30, v35  }
0x329: {  	v34 =	vor.u32 v34, v35;
	v33 =	vmul.f32 $8.000000000e+00, v33;
	_ =	sdelay $0x1  }
0x32a: {  	v33 =	vadd.f32 v33, v29;
	_ =	sdelay $0x1  }
0x32b: {  	[tilespmem:s30+$0x0] =	vst v33  }
0x32c: {  	v33 =	vld.idx.msk [tilespmem:v34+s8+$0x0], $0xffff;
	_ =	sdelay $0x2  }
0x32d: {  	v34 =	vadd.s32 s28, v17  }
0x32e: {  	v35 =	vand.u32 $0xFFFFFF80, v34  }
0x32f: {  	v34 =	vand.u32 $0x7F, v34;
	v35 =	vadd.s32 v31, v35  }
0x330: {  	v34 =	vor.u32 v34, v35;
	v33 =	vmul.f32 $8.000000000e+00, v33;
	_ =	sdelay $0x1  }
0x331: {  	v33 =	vadd.f32 v33, v29;
	_ =	sdelay $0x1  }
0x332: {  	[tilespmem:s30+$0x10] =	vst v33  }
0x333: {  	v33 =	vld.idx.msk [tilespmem:v34+s8+$0x0], $0xffff;
	_ =	sdelay $0x2  }
0x334: {  	v34 =	vadd.s32 s28, v16;
	s28 =	smov.u32 s10  }
0x335: {  	v35 =	vand.u32 $0xFFFFFF80, v34  }
0x336: {  	v34 =	vand.u32 $0x7F, v34;
	v35 =	vadd.s32 v32, v35  }
0x337: {  	v34 =	vor.u32 v34, v35;
	v33 =	vmul.f32 $8.000000000e+00, v33;
	_ =	sdelay $0x1  }
0x338: {  	v33 =	vadd.f32 v33, v29;
	_ =	sdelay $0x1  }
.Ltmp2:
0x339: {  	[tilespmem:s30+$0x20] =	vst v33;
	(pc) =	sbr.rel @p1 .LBB2_7-.Ltmp2, $2  }
0x33a: {  	v33 =	vld.idx.msk [tilespmem:v34+s8+$0x0], $0xffff;
	_ =	sdelay $0x2  }
0x33b: {  	s10 =	sadd.s32 $0x1, s10;
	v34 =	vadd.s32 s28, v22  }
0x33c: {  	v22 =	vand.u32 $0xFFFFFF80, v34  }
0x33d: {  	v55 =	vand.u32 $0x7F, v34;
	v22 =	vadd.s32 v23, v22  }
0x33e: {  	v56 =	vmul.f32 $8.000000000e+00, v33;
	v22 =	vor.u32 v55, v22;
	_ =	sdelay $0x1  }
0x33f: {  	v23 =	vadd.f32 v56, v29  }
0x340: {  	s10 =	sadd.s32 $0x80, s31  }
0x341: {  	s17 =	sadd.s32 $0x10, s17;
	s10 =	sand.u32 $0x1C00, s10;
	[tilespmem:s30+$0x30] =	vst v23  }
0x342: {  	s17 =	sand.u32 $0x70, s17;
	s9 =	sadd.s32 s10, s9;
	v22 =	vld.idx.msk [tilespmem:v22+s8+$0x0], $0xffff  }
0x343: {  	s9 =	sadd.s32 s17, s9  }
0x344: {  	v21 =	vadd.s32 s28, v21;
	v23 =	vld [tilespmem:s9+$0x0]  }
0x345: {  	v57 =	vand.u32 $0xFFFFFF80, v21  }
0x346: {  	v21 =	vand.u32 $0x7F, v21;
	v25 =	vadd.s32 v25, v57  }
0x347: {  	v21 =	vor.u32 v21, v25;
	v22 =	vmul.f32 $8.000000000e+00, v22;
	_ =	sdelay $0x1  }
0x348: {  	v22 =	vadd.f32 v22, v23  }
0x349: {  	s19 =	sadd.s32 $0x80, s30  }
0x34a: {  	[tilespmem:s19+$0xFFFFFFC0] =	vst v22  }
0x34b: {  	v21 =	vld.idx.msk [tilespmem:v21+s8+$0x0], $0xffff;
	_ =	sdelay $0x1  }
0x34c: {  	v58 =	vadd.s32 s28, v24  }
0x34d: {  	v24 =	vand.u32 $0xFFFFFF80, v58  }
0x34e: {  	v24 =	vadd.s32 v26, v24;
	v22 =	vand.u32 $0x7F, v58  }
0x34f: {  	v22 =	vor.u32 v22, v24;
	v21 =	vmul.f32 $8.000000000e+00, v21;
	_ =	sdelay $0x1  }
0x350: {  	v21 =	vadd.f32 v21, v23;
	_ =	sdelay $0x1  }
0x351: {  	[tilespmem:s19+$0xFFFFFFD0] =	vst v21  }
0x352: {  	v21 =	vld.idx.msk [tilespmem:v22+s8+$0x0], $0xffff;
	_ =	sdelay $0x1  }
0x353: {  	v20 =	vadd.s32 s28, v20  }
0x354: {  	v59 =	vand.u32 $0xFFFFFF80, v20  }
0x355: {  	v20 =	vand.u32 $0x7F, v20;
	v22 =	vadd.s32 v27, v59  }
0x356: {  	v20 =	vor.u32 v20, v22;
	v21 =	vmul.f32 $8.000000000e+00, v21;
	_ =	sdelay $0x1  }
0x357: {  	v21 =	vadd.f32 v21, v23;
	_ =	sdelay $0x1  }
0x358: {  	[tilespmem:s19+$0xFFFFFFE0] =	vst v21  }
0x359: {  	v20 =	vld.idx.msk [tilespmem:v20+s8+$0x0], $0xffff;
	_ =	sdelay $0x1  }
0x35a: {  	v19 =	vadd.s32 s28, v19  }
0x35b: {  	v60 =	vand.u32 $0xFFFFFF80, v19  }
0x35c: {  	v19 =	vand.u32 $0x7F, v19;
	v21 =	vadd.s32 v28, v60  }
0x35d: {  	v19 =	vor.u32 v19, v21;
	v20 =	vmul.f32 $8.000000000e+00, v20;
	_ =	sdelay $0x1  }
0x35e: {  	v20 =	vadd.f32 v20, v23;
	_ =	sdelay $0x1  }
0x35f: {  	[tilespmem:s19+$0xFFFFFFF0] =	vst v20  }
0x360: {  	v19 =	vld.idx.msk [tilespmem:v19+s8+$0x0], $0xffff;
	_ =	sdelay $0x1  }
0x361: {  	v18 =	vadd.s32 s28, v18  }
0x362: {  	v61 =	vand.u32 $0xFFFFFF80, v18  }
0x363: {  	v18 =	vand.u32 $0x7F, v18;
	v20 =	vadd.s32 v30, v61  }
0x364: {  	v18 =	vor.u32 v18, v20;
	v19 =	vmul.f32 $8.000000000e+00, v19;
	_ =	sdelay $0x1  }
0x365: {  	v19 =	vadd.f32 v19, v23;
	_ =	sdelay $0x1  }
0x366: {  	[tilespmem:s19+$0x0] =	vst v19  }
0x367: {  	v18 =	vld.idx.msk [tilespmem:v18+s8+$0x0], $0xffff;
	_ =	sdelay $0x1  }
0x368: {  	v17 =	vadd.s32 s28, v17  }
0x369: {  	v62 =	vand.u32 $0xFFFFFF80, v17  }
0x36a: {  	v17 =	vand.u32 $0x7F, v17;
	v19 =	vadd.s32 v31, v62  }
0x36b: {  	v17 =	vor.u32 v17, v19;
	v18 =	vmul.f32 $8.000000000e+00, v18;
	_ =	sdelay $0x1  }
0x36c: {  	v18 =	vadd.f32 v18, v23;
	_ =	sdelay $0x1  }
0x36d: {  	[tilespmem:s19+$0x10] =	vst v18  }
0x36e: {  	v17 =	vld.idx.msk [tilespmem:v17+s8+$0x0], $0xffff;
	_ =	sdelay $0x1  }
0x36f: {  	v16 =	vadd.s32 s28, v16  }
0x370: {  	v63 =	vand.u32 $0xFFFFFF80, v16  }
0x371: {  	v16 =	vand.u32 $0x7F, v16;
	v18 =	vadd.s32 v32, v63  }
0x372: {  	v16 =	vor.u32 v16, v18;
	v17 =	vmul.f32 $8.000000000e+00, v17;
	_ =	sdelay $0x1  }
0x373: {  	v17 =	vadd.f32 v17, v23;
	_ =	sdelay $0x1  }
0x374: {  	[tilespmem:s19+$0x20] =	vst v17  }
0x375: {  	v16 =	vld.idx.msk [tilespmem:v16+s8+$0x0], $0xffff;
	_ =	sdelay $0x3  }
0x376: {  	s0 =	sadd.s32 $0x1, s0  }
0x377: {  	p1 =	sne.s32 s0, $0x2F;
	v16 =	vmul.f32 $8.000000000e+00, v16  }
.Ltmp3:
0x378: {  	s28 =	sshll.u32 s12, $0x7;
	(pc) =	sbr.rel @p1 .LBB2_6-.Ltmp3, $4  }
0x379: {  	s10 =	sand.u32 $0x380, s28;
	v16 =	vadd.f32 v16, v23  }
0x37a: {  	s10 =	sadd.s32 s3, s10;
	s30 =	sshll.u32 s23, $0xD  }
0x37b: {  	p0 =	por !p0, !p0;
	s31 =	sadd.s32 s30, s10;
	[tilespmem:s19+$0x30] =	vst v16  }
0x37c: {  	[hbm4b:s31+s11] =	stream.strided.scatter [tilespmem:s24], [sflag:s14], $0x2000, s15, s11, $0x38;
	[tilespmem:$0x19400] =	vst v63  }
0x37d: {  	s23 =	simm.s32 $0xA  }
0x37e: {  	_ =	swait.ge [sflag:s23], $0x2000  }
0x37f: {  	[sflag:s23] =	ssyncset.done $0x0  }
0x380: {  	s0 =	simm.s32 $0x8;
	[sflag:s23] =	ssyncadd.s32 $0xFFFFE000  }
0x381: {  	_ =	swait.ge [sflag:s0], $0x1000  }
0x382: {  	[sflag:s0] =	ssyncset.done $0x0  }
0x383: {  	[sflag:s0] =	ssyncadd.s32 $0xFFFFF000  }
0x384: {  	_ =	swait.ge [sflag:s0], $0x1000  }
0x385: {  	[sflag:s0] =	ssyncset.done $0x0  }
0x386: {  	[sflag:s0] =	ssyncadd.s32 $0xFFFFF000  }
0x387: {  	_ =	swait.ge [sflag:s0], $0x1000  }
0x388: {  	[sflag:s0] =	ssyncset.done $0x0  }
0x389: {  	[sflag:s0] =	ssyncadd.s32 $0xFFFFF000  }
0x38a: {  	_ =	swait.ge [sflag:s0], $0x1000  }
0x38b: {  	[sflag:s0] =	ssyncset.done $0x0  }
0x38c: {  	[sflag:s0] =	ssyncadd.s32 $0xFFFFF000  }
0x38d: {  	v24 =	vld [tilespmem:$0x1380];
	_ =	sdelay $0x3  }
0x38e: {  	s0 =	simm.s32 $0x0  }
0x38f: {  	v25 =	vor.u32 $0xC000, v0;
	v16 =	vadd.s32 s0, v24  }
0x390: {  	v16 =	vadd.s32 v25, v16;
	_ =	sdelay $0x3  }
0x391: {  	v21 =	vld [tilespmem:$0x1390];
	s9 =	sand.u32 $0x1C00, s0  }
0x392: {  	s10 =	sand.u32 $0x70, s0;
	s9 =	sadd.s32 s9, s25;
	v16 =	vld.idx.msk [tilespmem:v16+s8+$0x0], $0xffff  }
0x393: {  	s9 =	sadd.s32 s10, s9  }
0x394: {  	v32 =	vld [tilespmem:s9+$0x0];
	_ =	sdelay $0x1  }
0x395: {  	v23 =	vor.u32 $0xC800, v0;
	v22 =	vld [tilespmem:$0x13A0];
	v17 =	vadd.s32 s0, v21  }
0x396: {  	v20 =	vld [tilespmem:$0x13B0];
	v26 =	vadd.s32 v23, v17;
	v16 =	vmul.f32 $8.000000000e+00, v16  }
0x397: {  	v19 =	vld [tilespmem:$0x13C0]  }
0x398: {  	v18 =	vld [tilespmem:$0x13D0];
	v27 =	vadd.f32 v16, v32  }
0x399: {  	s9 =	simm.s32 $0x17470;
	v17 =	vld [tilespmem:$0x13E0]  }
0x39a: {  	v16 =	vld [tilespmem:$0x13F0];
	[tilespmem:s9+$0xFFFFFF90] =	vst v27  }
0x39b: {  	v27 =	vld.idx.msk [tilespmem:v26+s8+$0x0], $0xffff;
	_ =	sdelay $0x3  }
0x39c: {  	v28 =	vadd.s32 s0, v22;
	v26 =	vor.u32 $0xD000, v0  }
0x39d: {  	v28 =	vadd.s32 v26, v28;
	v27 =	vmul.f32 $8.000000000e+00, v27;
	_ =	sdelay $0x1  }
0x39e: {  	v27 =	vadd.f32 v27, v32;
	_ =	sdelay $0x1  }
0x39f: {  	[tilespmem:s9+$0xFFFFFFA0] =	vst v27  }
0x3a0: {  	v28 =	vld.idx.msk [tilespmem:v28+s8+$0x0], $0xffff;
	_ =	sdelay $0x3  }
0x3a1: {  	v29 =	vadd.s32 s0, v20;
	v27 =	vor.u32 $0xD800, v0  }
0x3a2: {  	v29 =	vadd.s32 v27, v29;
	v28 =	vmul.f32 $8.000000000e+00, v28;
	_ =	sdelay $0x1  }
0x3a3: {  	v28 =	vadd.f32 v28, v32;
	_ =	sdelay $0x1  }
0x3a4: {  	[tilespmem:s9+$0xFFFFFFB0] =	vst v28  }
0x3a5: {  	v29 =	vld.idx.msk [tilespmem:v29+s8+$0x0], $0xffff;
	_ =	sdelay $0x3  }
0x3a6: {  	v30 =	vadd.s32 s0, v19;
	v28 =	vor.u32 $0xE000, v0  }
0x3a7: {  	v30 =	vadd.s32 v28, v30;
	v29 =	vmul.f32 $8.000000000e+00, v29;
	_ =	sdelay $0x1  }
0x3a8: {  	v29 =	vadd.f32 v29, v32;
	_ =	sdelay $0x1  }
0x3a9: {  	[tilespmem:s9+$0xFFFFFFC0] =	vst v29  }
0x3aa: {  	v30 =	vld.idx.msk [tilespmem:v30+s8+$0x0], $0xffff;
	_ =	sdelay $0x3  }
0x3ab: {  	v31 =	vadd.s32 s0, v18;
	v29 =	vor.u32 $0xE800, v0  }
0x3ac: {  	v31 =	vadd.s32 v29, v31;
	v30 =	vmul.f32 $8.000000000e+00, v30;
	_ =	sdelay $0x1  }
0x3ad: {  	v30 =	vadd.f32 v30, v32;
	_ =	sdelay $0x1  }
0x3ae: {  	[tilespmem:s9+$0xFFFFFFD0] =	vst v30  }
0x3af: {  	v31 =	vld.idx.msk [tilespmem:v31+s8+$0x0], $0xffff;
	_ =	sdelay $0x3  }
0x3b0: {  	v33 =	vadd.s32 s0, v17;
	v30 =	vor.u32 $0xF000, v0  }
0x3b1: {  	v33 =	vadd.s32 v30, v33;
	v31 =	vmul.f32 $8.000000000e+00, v31;
	_ =	sdelay $0x1  }
0x3b2: {  	v31 =	vadd.f32 v31, v32;
	_ =	sdelay $0x1  }
0x3b3: {  	[tilespmem:s9+$0xFFFFFFE0] =	vst v31  }
0x3b4: {  	v33 =	vld.idx.msk [tilespmem:v33+s8+$0x0], $0xffff;
	_ =	sdelay $0x3  }
0x3b5: {  	v34 =	vadd.s32 s0, v16;
	v31 =	vor.u32 $0xF800, v0  }
0x3b6: {  	v34 =	vadd.s32 v31, v34;
	v33 =	vmul.f32 $8.000000000e+00, v33;
	_ =	sdelay $0x1  }
0x3b7: {  	v33 =	vadd.f32 v33, v32;
	_ =	sdelay $0x1  }
0x3b8: {  	[tilespmem:s9+$0xFFFFFFF0] =	vst v33  }
0x3b9: {  	v33 =	vld.idx.msk [tilespmem:v34+s8+$0x0], $0xffff;
	_ =	sdelay $0x2  }
0x3ba: {  	s12 =	simm.s32 $0x1  }
0x3bb: {  	s14 =	simm.s32 $0x2;
	s10 =	simm.s32 $0x0;
	v34 =	vadd.s32 s12, v24  }
.LBB2_10:
0x3bc: {  	p0 =	sne.s32 s14, $0x3F;
	v34 =	vadd.s32 v25, v34;
	v33 =	vmul.f32 $8.000000000e+00, v33;
	_ =	sdelay $0x1  }
0x3bd: {  	s0 =	sadd.s32 $0x80, s0;
	v32 =	vadd.f32 v33, v32  }
0x3be: {  	s10 =	sadd.s32 $0x10, s10;
	s17 =	sand.u32 $0x1C00, s0  }
0x3bf: {  	s18 =	sand.u32 $0x70, s10;
	s17 =	sadd.s32 s17, s25;
	[tilespmem:s9+$0x0] =	vst v32  }
0x3c0: {  	s17 =	sadd.s32 s18, s17;
	v33 =	vld.idx.msk [tilespmem:v34+s8+$0x0], $0xffff  }
0x3c1: {  	v32 =	vld [tilespmem:s17+$0x0];
	_ =	sdelay $0x3  }
0x3c2: {  	v34 =	vadd.s32 s12, v21  }
0x3c3: {  	v34 =	vadd.s32 v23, v34;
	v33 =	vmul.f32 $8.000000000e+00, v33;
	_ =	sdelay $0x1  }
0x3c4: {  	v33 =	vadd.f32 v33, v32  }
0x3c5: {  	s9 =	sadd.s32 $0x80, s9  }
0x3c6: {  	[tilespmem:s9+$0xFFFFFF90] =	vst v33  }
0x3c7: {  	v33 =	vld.idx.msk [tilespmem:v34+s8+$0x0], $0xffff;
	_ =	sdelay $0x4  }
0x3c8: {  	v34 =	vadd.s32 s12, v22  }
0x3c9: {  	v34 =	vadd.s32 v26, v34;
	v33 =	vmul.f32 $8.000000000e+00, v33;
	_ =	sdelay $0x1  }
0x3ca: {  	v33 =	vadd.f32 v33, v32;
	_ =	sdelay $0x1  }
0x3cb: {  	[tilespmem:s9+$0xFFFFFFA0] =	vst v33  }
0x3cc: {  	v33 =	vld.idx.msk [tilespmem:v34+s8+$0x0], $0xffff;
	_ =	sdelay $0x4  }
0x3cd: {  	v34 =	vadd.s32 s12, v20  }
0x3ce: {  	v34 =	vadd.s32 v27, v34;
	v33 =	vmul.f32 $8.000000000e+00, v33;
	_ =	sdelay $0x1  }
0x3cf: {  	v33 =	vadd.f32 v33, v32;
	_ =	sdelay $0x1  }
0x3d0: {  	[tilespmem:s9+$0xFFFFFFB0] =	vst v33  }
0x3d1: {  	v33 =	vld.idx.msk [tilespmem:v34+s8+$0x0], $0xffff;
	_ =	sdelay $0x4  }
0x3d2: {  	v34 =	vadd.s32 s12, v19  }
0x3d3: {  	v34 =	vadd.s32 v28, v34;
	v33 =	vmul.f32 $8.000000000e+00, v33;
	_ =	sdelay $0x1  }
0x3d4: {  	v33 =	vadd.f32 v33, v32;
	_ =	sdelay $0x1  }
0x3d5: {  	[tilespmem:s9+$0xFFFFFFC0] =	vst v33  }
0x3d6: {  	v33 =	vld.idx.msk [tilespmem:v34+s8+$0x0], $0xffff;
	_ =	sdelay $0x4  }
0x3d7: {  	v34 =	vadd.s32 s12, v18  }
0x3d8: {  	v34 =	vadd.s32 v29, v34;
	v33 =	vmul.f32 $8.000000000e+00, v33;
	_ =	sdelay $0x1  }
0x3d9: {  	v33 =	vadd.f32 v33, v32;
	_ =	sdelay $0x1  }
0x3da: {  	[tilespmem:s9+$0xFFFFFFD0] =	vst v33  }
0x3db: {  	v33 =	vld.idx.msk [tilespmem:v34+s8+$0x0], $0xffff;
	_ =	sdelay $0x4  }
0x3dc: {  	v34 =	vadd.s32 s12, v17  }
0x3dd: {  	v34 =	vadd.s32 v30, v34;
	v33 =	vmul.f32 $8.000000000e+00, v33;
	_ =	sdelay $0x1  }
0x3de: {  	v33 =	vadd.f32 v33, v32;
	_ =	sdelay $0x1  }
0x3df: {  	[tilespmem:s9+$0xFFFFFFE0] =	vst v33  }
0x3e0: {  	v33 =	vld.idx.msk [tilespmem:v34+s8+$0x0], $0xffff;
	_ =	sdelay $0x4  }
0x3e1: {  	v34 =	vadd.s32 s12, v16;
	s12 =	smov.u32 s14  }
0x3e2: {  	v34 =	vadd.s32 v31, v34;
	v33 =	vmul.f32 $8.000000000e+00, v33;
	_ =	sdelay $0x1  }
0x3e3: {  	v33 =	vadd.f32 v33, v32;
	_ =	sdelay $0x1  }
0x3e4: {  	[tilespmem:s9+$0xFFFFFFF0] =	vst v33  }
0x3e5: {  	v33 =	vld.idx.msk [tilespmem:v34+s8+$0x0], $0xffff  }
.Ltmp4:
0x3e6: {  	(pc) =	sbr.rel @p0 .LBB2_10-.Ltmp4, $2  }
0x3e7: {  	_ =	sdelay $0x2  }
0x3e8: {  	s14 =	sadd.s32 $0x1, s14;
	v34 =	vadd.s32 s12, v24  }
0x3e9: {  	v24 =	vadd.s32 v25, v34;
	v25 =	vmul.f32 $8.000000000e+00, v33;
	_ =	sdelay $0x1  }
0x3ea: {  	v25 =	vadd.f32 v25, v32  }
0x3eb: {  	s0 =	sadd.s32 $0x80, s0  }
0x3ec: {  	s10 =	sadd.s32 $0x10, s10;
	s0 =	sand.u32 $0x1C00, s0;
	[tilespmem:s9+$0x0] =	vst v25  }
0x3ed: {  	s10 =	sand.u32 $0x70, s10;
	s0 =	sadd.s32 s0, s25;
	v24 =	vld.idx.msk [tilespmem:v24+s8+$0x0], $0xffff  }
0x3ee: {  	s0 =	sadd.s32 s10, s0  }
0x3ef: {  	v25 =	vld [tilespmem:s0+$0x0];
	_ =	sdelay $0x1  }
0x3f0: {  	v21 =	vadd.s32 s12, v21  }
0x3f1: {  	v21 =	vadd.s32 v23, v21;
	v24 =	vmul.f32 $8.000000000e+00, v24;
	_ =	sdelay $0x1  }
0x3f2: {  	v23 =	vadd.f32 v24, v25  }
0x3f3: {  	s18 =	sadd.s32 $0x80, s9  }
0x3f4: {  	[tilespmem:s18+$0xFFFFFF90] =	vst v23  }
0x3f5: {  	v21 =	vld.idx.msk [tilespmem:v21+s8+$0x0], $0xffff;
	_ =	sdelay $0x3  }
0x3f6: {  	v22 =	vadd.s32 s12, v22  }
0x3f7: {  	v22 =	vadd.s32 v26, v22;
	v21 =	vmul.f32 $8.000000000e+00, v21;
	_ =	sdelay $0x1  }
0x3f8: {  	v21 =	vadd.f32 v21, v25;
	_ =	sdelay $0x1  }
0x3f9: {  	[tilespmem:s18+$0xFFFFFFA0] =	vst v21  }
0x3fa: {  	v21 =	vld.idx.msk [tilespmem:v22+s8+$0x0], $0xffff;
	_ =	sdelay $0x3  }
0x3fb: {  	v20 =	vadd.s32 s12, v20  }
0x3fc: {  	v20 =	vadd.s32 v27, v20;
	v21 =	vmul.f32 $8.000000000e+00, v21;
	_ =	sdelay $0x1  }
0x3fd: {  	v21 =	vadd.f32 v21, v25;
	_ =	sdelay $0x1  }
0x3fe: {  	[tilespmem:s18+$0xFFFFFFB0] =	vst v21  }
0x3ff: {  	v20 =	vld.idx.msk [tilespmem:v20+s8+$0x0], $0xffff;
	_ =	sdelay $0x3  }
0x400: {  	v19 =	vadd.s32 s12, v19  }
0x401: {  	v19 =	vadd.s32 v28, v19;
	v20 =	vmul.f32 $8.000000000e+00, v20;
	_ =	sdelay $0x1  }
0x402: {  	v20 =	vadd.f32 v20, v25;
	_ =	sdelay $0x1  }
0x403: {  	[tilespmem:s18+$0xFFFFFFC0] =	vst v20  }
0x404: {  	v19 =	vld.idx.msk [tilespmem:v19+s8+$0x0], $0xffff;
	_ =	sdelay $0x3  }
0x405: {  	v18 =	vadd.s32 s12, v18  }
0x406: {  	v18 =	vadd.s32 v29, v18;
	v19 =	vmul.f32 $8.000000000e+00, v19;
	_ =	sdelay $0x1  }
0x407: {  	v19 =	vadd.f32 v19, v25;
	_ =	sdelay $0x1  }
0x408: {  	[tilespmem:s18+$0xFFFFFFD0] =	vst v19  }
0x409: {  	v18 =	vld.idx.msk [tilespmem:v18+s8+$0x0], $0xffff;
	_ =	sdelay $0x3  }
0x40a: {  	v17 =	vadd.s32 s12, v17  }
0x40b: {  	v17 =	vadd.s32 v30, v17;
	v18 =	vmul.f32 $8.000000000e+00, v18;
	_ =	sdelay $0x1  }
0x40c: {  	v18 =	vadd.f32 v18, v25;
	_ =	sdelay $0x1  }
0x40d: {  	[tilespmem:s18+$0xFFFFFFE0] =	vst v18  }
0x40e: {  	v17 =	vld.idx.msk [tilespmem:v17+s8+$0x0], $0xffff;
	_ =	sdelay $0x3  }
0x40f: {  	v16 =	vadd.s32 s12, v16  }
0x410: {  	v16 =	vadd.s32 v31, v16;
	v17 =	vmul.f32 $8.000000000e+00, v17;
	_ =	sdelay $0x1  }
0x411: {  	v17 =	vadd.f32 v17, v25;
	_ =	sdelay $0x1  }
0x412: {  	[tilespmem:s18+$0xFFFFFFF0] =	vst v17  }
0x413: {  	v16 =	vld.idx.msk [tilespmem:v16+s8+$0x0], $0xffff;
	_ =	sdelay $0x4  }
0x414: {  	v16 =	vmul.f32 $8.000000000e+00, v16;
	_ =	sdelay $0x1  }
0x415: {  	v16 =	vadd.f32 v16, v25;
	_ =	sdelay $0x1  }
0x416: {  	s19 =	rddreg [dreg:$0x7];
	s24 =	simm.s32 $0x17400;
	s28 =	simm.s32 $0x9;
	[tilespmem:s18+$0x0] =	vst v16  }
0x417: {  	[hbm4b:s19+s11] =	stream.strided.scatter [tilespmem:s24], [sflag:$0xA], $0x2000, s15, s11, $0x38;
	[tilespmem:$0x19400] =	vst v63  }
0x418: {  	_ =	swait.ge [sflag:s28], $0x2000  }
0x419: {  	[sflag:s28] =	ssyncset.done $0x0  }
0x41a: {  	[sflag:s28] =	ssyncadd.s32 $0xFFFFE000  }
0x41b: {  	_ =	swait.ge [sflag:s7], $0x1000  }
0x41c: {  	[sflag:s7] =	ssyncset.done $0x0  }
0x41d: {  	[sflag:s7] =	ssyncadd.s32 $0xFFFFF000  }
0x41e: {  	_ =	swait.ge [sflag:s7], $0x1000  }
0x41f: {  	[sflag:s7] =	ssyncset.done $0x0  }
0x420: {  	[sflag:s7] =	ssyncadd.s32 $0xFFFFF000  }
0x421: {  	_ =	swait.ge [sflag:s7], $0x1000  }
0x422: {  	[sflag:s7] =	ssyncset.done $0x0  }
0x423: {  	[sflag:s7] =	ssyncadd.s32 $0xFFFFF000  }
0x424: {  	_ =	swait.ge [sflag:s7], $0x1000  }
0x425: {  	[sflag:s7] =	ssyncset.done $0x0  }
0x426: {  	[sflag:s7] =	ssyncadd.s32 $0xFFFFF000  }
0x427: {  	v23 =	vld [tilespmem:$0x1200];
	_ =	sdelay $0x3  }
0x428: {  	s0 =	simm.s32 $0x0  }
0x429: {  	v16 =	vadd.s32 s0, v23  }
0x42a: {  	v16 =	vadd.s32 v0, v16;
	_ =	sdelay $0x3  }
0x42b: {  	s30 =	sand.u32 $0x1C00, s0;
	v21 =	vld [tilespmem:$0x1210]  }
0x42c: {  	s31 =	sand.u32 $0x70, s0;
	s9 =	sadd.s32 s30, s26;
	v16 =	vld.idx.msk [tilespmem:v16+s8+$0x0], $0xffff  }
0x42d: {  	s9 =	sadd.s32 s31, s9  }
0x42e: {  	v24 =	vld [tilespmem:s9+$0x0];
	_ =	sdelay $0x1  }
0x42f: {  	v22 =	vld [tilespmem:$0x1220];
	v17 =	vadd.s32 s0, v21  }
0x430: {  	v20 =	vld [tilespmem:$0x1230];
	v25 =	vadd.s32 v1, v17;
	v16 =	vmul.f32 $8.000000000e+00, v16  }
0x431: {  	v19 =	vld [tilespmem:$0x1240]  }
0x432: {  	v18 =	vld [tilespmem:$0x1250];
	v26 =	vadd.f32 v16, v24  }
0x433: {  	s9 =	simm.s32 $0x15440;
	v17 =	vld [tilespmem:$0x1260]  }
0x434: {  	v16 =	vld [tilespmem:$0x1270];
	[tilespmem:s9+$0xFFFFFFC0] =	vst v26  }
0x435: {  	v25 =	vld.idx.msk [tilespmem:v25+s8+$0x0], $0xffff;
	_ =	sdelay $0x3  }
0x436: {  	v26 =	vadd.s32 s0, v22  }
0x437: {  	v26 =	vadd.s32 v2, v26;
	v25 =	vmul.f32 $8.000000000e+00, v25;
	_ =	sdelay $0x1  }
0x438: {  	v25 =	vadd.f32 v25, v24;
	_ =	sdelay $0x1  }
0x439: {  	[tilespmem:s9+$0xFFFFFFD0] =	vst v25  }
0x43a: {  	v25 =	vld.idx.msk [tilespmem:v26+s8+$0x0], $0xffff;
	_ =	sdelay $0x3  }
0x43b: {  	v26 =	vadd.s32 s0, v20  }
0x43c: {  	v26 =	vadd.s32 v3, v26;
	v25 =	vmul.f32 $8.000000000e+00, v25;
	_ =	sdelay $0x1  }
0x43d: {  	v25 =	vadd.f32 v25, v24;
	_ =	sdelay $0x1  }
0x43e: {  	[tilespmem:s9+$0xFFFFFFE0] =	vst v25  }
0x43f: {  	v25 =	vld.idx.msk [tilespmem:v26+s8+$0x0], $0xffff;
	_ =	sdelay $0x3  }
0x440: {  	v26 =	vadd.s32 s0, v19  }
0x441: {  	v26 =	vadd.s32 v4, v26;
	v25 =	vmul.f32 $8.000000000e+00, v25;
	_ =	sdelay $0x1  }
0x442: {  	v25 =	vadd.f32 v25, v24;
	_ =	sdelay $0x1  }
0x443: {  	[tilespmem:s9+$0xFFFFFFF0] =	vst v25  }
0x444: {  	v25 =	vld.idx.msk [tilespmem:v26+s8+$0x0], $0xffff;
	_ =	sdelay $0x3  }
0x445: {  	v26 =	vadd.s32 s0, v18  }
0x446: {  	v26 =	vadd.s32 v5, v26;
	v25 =	vmul.f32 $8.000000000e+00, v25;
	_ =	sdelay $0x1  }
0x447: {  	v25 =	vadd.f32 v25, v24;
	_ =	sdelay $0x1  }
0x448: {  	[tilespmem:s9+$0x0] =	vst v25  }
0x449: {  	v25 =	vld.idx.msk [tilespmem:v26+s8+$0x0], $0xffff;
	_ =	sdelay $0x3  }
0x44a: {  	v26 =	vadd.s32 s0, v17  }
0x44b: {  	v26 =	vadd.s32 v6, v26;
	v25 =	vmul.f32 $8.000000000e+00, v25;
	_ =	sdelay $0x1  }
0x44c: {  	v25 =	vadd.f32 v25, v24;
	_ =	sdelay $0x1  }
0x44d: {  	[tilespmem:s9+$0x10] =	vst v25  }
0x44e: {  	v25 =	vld.idx.msk [tilespmem:v26+s8+$0x0], $0xffff;
	_ =	sdelay $0x3  }
0x44f: {  	v26 =	vadd.s32 s0, v16  }
0x450: {  	v26 =	vadd.s32 v7, v26;
	v25 =	vmul.f32 $8.000000000e+00, v25;
	_ =	sdelay $0x1  }
0x451: {  	v25 =	vadd.f32 v25, v24;
	_ =	sdelay $0x1  }
0x452: {  	[tilespmem:s9+$0x20] =	vst v25  }
0x453: {  	v25 =	vld.idx.msk [tilespmem:v26+s8+$0x0], $0xffff;
	_ =	sdelay $0x2  }
0x454: {  	s12 =	simm.s32 $0x1  }
0x455: {  	s14 =	simm.s32 $0x2;
	s10 =	simm.s32 $0x0;
	s19 =	simm.s32 $0x1000;
	v26 =	vadd.s32 s12, v23  }
.LBB2_12:
0x456: {  	p0 =	sne.s32 s14, $0x3F;
	v26 =	vadd.s32 v0, v26;
	v25 =	vmul.f32 $8.000000000e+00, v25;
	_ =	sdelay $0x1  }
0x457: {  	s0 =	sadd.s32 $0x80, s0;
	v24 =	vadd.f32 v25, v24  }
0x458: {  	s10 =	sadd.s32 $0x10, s10;
	s17 =	sand.u32 $0x1C00, s0  }
0x459: {  	s18 =	sand.u32 $0x70, s10;
	s17 =	sadd.s32 s17, s26;
	[tilespmem:s9+$0x30] =	vst v24  }
0x45a: {  	s17 =	sadd.s32 s18, s17;
	v25 =	vld.idx.msk [tilespmem:v26+s8+$0x0], $0xffff  }
0x45b: {  	v24 =	vld [tilespmem:s17+$0x0];
	_ =	sdelay $0x3  }
0x45c: {  	v26 =	vadd.s32 s12, v21  }
0x45d: {  	v26 =	vadd.s32 v1, v26;
	v25 =	vmul.f32 $8.000000000e+00, v25;
	_ =	sdelay $0x1  }
0x45e: {  	v25 =	vadd.f32 v25, v24  }
0x45f: {  	s9 =	sadd.s32 $0x80, s9  }
0x460: {  	[tilespmem:s9+$0xFFFFFFC0] =	vst v25  }
0x461: {  	v25 =	vld.idx.msk [tilespmem:v26+s8+$0x0], $0xffff;
	_ =	sdelay $0x4  }
0x462: {  	v26 =	vadd.s32 s12, v22  }
0x463: {  	v26 =	vadd.s32 v2, v26;
	v25 =	vmul.f32 $8.000000000e+00, v25;
	_ =	sdelay $0x1  }
0x464: {  	v25 =	vadd.f32 v25, v24;
	_ =	sdelay $0x1  }
0x465: {  	[tilespmem:s9+$0xFFFFFFD0] =	vst v25  }
0x466: {  	v25 =	vld.idx.msk [tilespmem:v26+s8+$0x0], $0xffff;
	_ =	sdelay $0x4  }
0x467: {  	v26 =	vadd.s32 s12, v20  }
0x468: {  	v26 =	vadd.s32 v3, v26;
	v25 =	vmul.f32 $8.000000000e+00, v25;
	_ =	sdelay $0x1  }
0x469: {  	v25 =	vadd.f32 v25, v24;
	_ =	sdelay $0x1  }
0x46a: {  	[tilespmem:s9+$0xFFFFFFE0] =	vst v25  }
0x46b: {  	v25 =	vld.idx.msk [tilespmem:v26+s8+$0x0], $0xffff;
	_ =	sdelay $0x4  }
0x46c: {  	v26 =	vadd.s32 s12, v19  }
0x46d: {  	v26 =	vadd.s32 v4, v26;
	v25 =	vmul.f32 $8.000000000e+00, v25;
	_ =	sdelay $0x1  }
0x46e: {  	v25 =	vadd.f32 v25, v24;
	_ =	sdelay $0x1  }
0x46f: {  	[tilespmem:s9+$0xFFFFFFF0] =	vst v25  }
0x470: {  	v25 =	vld.idx.msk [tilespmem:v26+s8+$0x0], $0xffff;
	_ =	sdelay $0x4  }
0x471: {  	v26 =	vadd.s32 s12, v18  }
0x472: {  	v26 =	vadd.s32 v5, v26;
	v25 =	vmul.f32 $8.000000000e+00, v25;
	_ =	sdelay $0x1  }
0x473: {  	v25 =	vadd.f32 v25, v24;
	_ =	sdelay $0x1  }
0x474: {  	[tilespmem:s9+$0x0] =	vst v25  }
0x475: {  	v25 =	vld.idx.msk [tilespmem:v26+s8+$0x0], $0xffff;
	_ =	sdelay $0x4  }
0x476: {  	v26 =	vadd.s32 s12, v17  }
0x477: {  	v26 =	vadd.s32 v6, v26;
	v25 =	vmul.f32 $8.000000000e+00, v25;
	_ =	sdelay $0x1  }
0x478: {  	v25 =	vadd.f32 v25, v24;
	_ =	sdelay $0x1  }
0x479: {  	[tilespmem:s9+$0x10] =	vst v25  }
0x47a: {  	v25 =	vld.idx.msk [tilespmem:v26+s8+$0x0], $0xffff;
	_ =	sdelay $0x4  }
0x47b: {  	v26 =	vadd.s32 s12, v16;
	s12 =	smov.u32 s14  }
0x47c: {  	v26 =	vadd.s32 v7, v26;
	v25 =	vmul.f32 $8.000000000e+00, v25;
	_ =	sdelay $0x1  }
0x47d: {  	v25 =	vadd.f32 v25, v24;
	_ =	sdelay $0x1  }
0x47e: {  	[tilespmem:s9+$0x20] =	vst v25  }
0x47f: {  	v25 =	vld.idx.msk [tilespmem:v26+s8+$0x0], $0xffff  }
.Ltmp5:
0x480: {  	(pc) =	sbr.rel @p0 .LBB2_12-.Ltmp5, $2  }
0x481: {  	_ =	sdelay $0x2  }
0x482: {  	s14 =	sadd.s32 $0x1, s14;
	v26 =	vadd.s32 s12, v23  }
0x483: {  	v23 =	vadd.s32 v0, v26;
	v25 =	vmul.f32 $8.000000000e+00, v25;
	_ =	sdelay $0x1  }
0x484: {  	v24 =	vadd.f32 v25, v24  }
0x485: {  	s0 =	sadd.s32 $0x80, s0  }
0x486: {  	s10 =	sadd.s32 $0x10, s10;
	s0 =	sand.u32 $0x1C00, s0;
	[tilespmem:s9+$0x30] =	vst v24  }
0x487: {  	s10 =	sand.u32 $0x70, s10;
	s0 =	sadd.s32 s0, s26;
	v23 =	vld.idx.msk [tilespmem:v23+s8+$0x0], $0xffff  }
0x488: {  	s0 =	sadd.s32 s10, s0  }
0x489: {  	v24 =	vld [tilespmem:s0+$0x0];
	_ =	sdelay $0x1  }
0x48a: {  	v21 =	vadd.s32 s12, v21  }
0x48b: {  	v21 =	vadd.s32 v1, v21;
	v23 =	vmul.f32 $8.000000000e+00, v23;
	_ =	sdelay $0x1  }
0x48c: {  	v23 =	vadd.f32 v23, v24  }
0x48d: {  	s10 =	sadd.s32 $0x80, s9  }
0x48e: {  	[tilespmem:s10+$0xFFFFFFC0] =	vst v23  }
0x48f: {  	v21 =	vld.idx.msk [tilespmem:v21+s8+$0x0], $0xffff;
	_ =	sdelay $0x3  }
0x490: {  	v22 =	vadd.s32 s12, v22  }
0x491: {  	v22 =	vadd.s32 v2, v22;
	v21 =	vmul.f32 $8.000000000e+00, v21;
	_ =	sdelay $0x1  }
0x492: {  	v21 =	vadd.f32 v21, v24;
	_ =	sdelay $0x1  }
0x493: {  	[tilespmem:s10+$0xFFFFFFD0] =	vst v21  }
0x494: {  	v21 =	vld.idx.msk [tilespmem:v22+s8+$0x0], $0xffff;
	_ =	sdelay $0x3  }
0x495: {  	v20 =	vadd.s32 s12, v20  }
0x496: {  	v20 =	vadd.s32 v3, v20;
	v21 =	vmul.f32 $8.000000000e+00, v21;
	_ =	sdelay $0x1  }
0x497: {  	v21 =	vadd.f32 v21, v24;
	_ =	sdelay $0x1  }
0x498: {  	[tilespmem:s10+$0xFFFFFFE0] =	vst v21  }
0x499: {  	v20 =	vld.idx.msk [tilespmem:v20+s8+$0x0], $0xffff;
	_ =	sdelay $0x3  }
0x49a: {  	v19 =	vadd.s32 s12, v19  }
0x49b: {  	v19 =	vadd.s32 v4, v19;
	v20 =	vmul.f32 $8.000000000e+00, v20;
	_ =	sdelay $0x1  }
0x49c: {  	v20 =	vadd.f32 v20, v24;
	_ =	sdelay $0x1  }
0x49d: {  	[tilespmem:s10+$0xFFFFFFF0] =	vst v20  }
0x49e: {  	v19 =	vld.idx.msk [tilespmem:v19+s8+$0x0], $0xffff;
	_ =	sdelay $0x3  }
0x49f: {  	v18 =	vadd.s32 s12, v18  }
0x4a0: {  	v18 =	vadd.s32 v5, v18;
	v19 =	vmul.f32 $8.000000000e+00, v19;
	_ =	sdelay $0x1  }
0x4a1: {  	v19 =	vadd.f32 v19, v24;
	_ =	sdelay $0x1  }
0x4a2: {  	[tilespmem:s10+$0x0] =	vst v19  }
0x4a3: {  	v18 =	vld.idx.msk [tilespmem:v18+s8+$0x0], $0xffff;
	_ =	sdelay $0x3  }
0x4a4: {  	v17 =	vadd.s32 s12, v17  }
0x4a5: {  	v17 =	vadd.s32 v6, v17;
	v18 =	vmul.f32 $8.000000000e+00, v18;
	_ =	sdelay $0x1  }
0x4a6: {  	v18 =	vadd.f32 v18, v24;
	_ =	sdelay $0x1  }
0x4a7: {  	[tilespmem:s10+$0x10] =	vst v18  }
0x4a8: {  	v17 =	vld.idx.msk [tilespmem:v17+s8+$0x0], $0xffff;
	_ =	sdelay $0x3  }
0x4a9: {  	v16 =	vadd.s32 s12, v16  }
0x4aa: {  	v16 =	vadd.s32 v7, v16;
	v17 =	vmul.f32 $8.000000000e+00, v17;
	_ =	sdelay $0x1  }
0x4ab: {  	v17 =	vadd.f32 v17, v24;
	_ =	sdelay $0x1  }
0x4ac: {  	[tilespmem:s10+$0x20] =	vst v17  }
0x4ad: {  	v16 =	vld.idx.msk [tilespmem:v16+s8+$0x0], $0xffff;
	_ =	sdelay $0x4  }
0x4ae: {  	v16 =	vmul.f32 $8.000000000e+00, v16;
	_ =	sdelay $0x1  }
0x4af: {  	v16 =	vadd.f32 v16, v24;
	_ =	sdelay $0x1  }
0x4b0: {  	s14 =	rddreg [dreg:$0x11];
	s17 =	simm.s32 $0x15400;
	[tilespmem:s10+$0x30] =	vst v16  }
0x4b1: {  	[hbm4b:s14+s11] =	stream.strided.scatter [tilespmem:s17], [sflag:$0x9], $0x2000, s15, s11, $0x38;
	[tilespmem:$0x19400] =	vst v63  }
0x4b2: {  	_ =	swait.ge [sflag:s23], $0x2000  }
0x4b3: {  	[sflag:s23] =	ssyncset.done $0x0  }
0x4b4: {  	[sflag:s23] =	ssyncadd.s32 $0xFFFFE000  }
0x4b5: {  	_ =	swait.ge [sflag:s21], $0x1000  }
0x4b6: {  	[sflag:s21] =	ssyncset.done $0x0  }
0x4b7: {  	[sflag:s21] =	ssyncadd.s32 $0xFFFFF000  }
0x4b8: {  	_ =	swait.ge [sflag:s21], $0x1000  }
0x4b9: {  	[sflag:s21] =	ssyncset.done $0x0  }
0x4ba: {  	[sflag:s21] =	ssyncadd.s32 $0xFFFFF000  }
0x4bb: {  	_ =	swait.ge [sflag:s21], $0x1000  }
0x4bc: {  	[sflag:s21] =	ssyncset.done $0x0  }
0x4bd: {  	[sflag:s21] =	ssyncadd.s32 $0xFFFFF000  }
0x4be: {  	_ =	swait.ge [sflag:s21], $0x1000  }
0x4bf: {  	[sflag:s21] =	ssyncset.done $0x0  }
0x4c0: {  	[sflag:s21] =	ssyncadd.s32 $0xFFFFF000  }
0x4c1: {  	v23 =	vld [tilespmem:$0x1280];
	_ =	sdelay $0x3  }
0x4c2: {  	s0 =	simm.s32 $0x0  }
0x4c3: {  	v16 =	vadd.s32 s0, v23  }
0x4c4: {  	v16 =	vadd.s32 v8, v16;
	_ =	sdelay $0x3  }
0x4c5: {  	s18 =	sand.u32 $0x1C00, s0;
	v21 =	vld [tilespmem:$0x1290]  }
0x4c6: {  	s24 =	sand.u32 $0x70, s0;
	s9 =	sadd.s32 s18, s29;
	v16 =	vld.idx.msk [tilespmem:v16+s8+$0x0], $0xffff  }
0x4c7: {  	s9 =	sadd.s32 s24, s9  }
0x4c8: {  	v24 =	vld [tilespmem:s9+$0x0];
	_ =	sdelay $0x1  }
0x4c9: {  	v22 =	vld [tilespmem:$0x12A0];
	v17 =	vadd.s32 s0, v21  }
0x4ca: {  	v20 =	vld [tilespmem:$0x12B0];
	v25 =	vadd.s32 v9, v17;
	v16 =	vmul.f32 $8.000000000e+00, v16  }
0x4cb: {  	v19 =	vld [tilespmem:$0x12C0]  }
0x4cc: {  	v18 =	vld [tilespmem:$0x12D0];
	v26 =	vadd.f32 v16, v24  }
0x4cd: {  	s9 =	simm.s32 $0x17470;
	v17 =	vld [tilespmem:$0x12E0]  }
0x4ce: {  	v16 =	vld [tilespmem:$0x12F0];
	[tilespmem:s9+$0xFFFFFF90] =	vst v26  }
0x4cf: {  	v25 =	vld.idx.msk [tilespmem:v25+s8+$0x0], $0xffff;
	_ =	sdelay $0x3  }
0x4d0: {  	v26 =	vadd.s32 s0, v22  }
0x4d1: {  	v26 =	vadd.s32 v10, v26;
	v25 =	vmul.f32 $8.000000000e+00, v25;
	_ =	sdelay $0x1  }
0x4d2: {  	v25 =	vadd.f32 v25, v24;
	_ =	sdelay $0x1  }
0x4d3: {  	[tilespmem:s9+$0xFFFFFFA0] =	vst v25  }
0x4d4: {  	v25 =	vld.idx.msk [tilespmem:v26+s8+$0x0], $0xffff;
	_ =	sdelay $0x3  }
0x4d5: {  	v26 =	vadd.s32 s0, v20  }
0x4d6: {  	v26 =	vadd.s32 v11, v26;
	v25 =	vmul.f32 $8.000000000e+00, v25;
	_ =	sdelay $0x1  }
0x4d7: {  	v25 =	vadd.f32 v25, v24;
	_ =	sdelay $0x1  }
0x4d8: {  	[tilespmem:s9+$0xFFFFFFB0] =	vst v25  }
0x4d9: {  	v25 =	vld.idx.msk [tilespmem:v26+s8+$0x0], $0xffff;
	_ =	sdelay $0x3  }
0x4da: {  	v26 =	vadd.s32 s0, v19  }
0x4db: {  	v26 =	vadd.s32 v12, v26;
	v25 =	vmul.f32 $8.000000000e+00, v25;
	_ =	sdelay $0x1  }
0x4dc: {  	v25 =	vadd.f32 v25, v24;
	_ =	sdelay $0x1  }
0x4dd: {  	[tilespmem:s9+$0xFFFFFFC0] =	vst v25  }
0x4de: {  	v25 =	vld.idx.msk [tilespmem:v26+s8+$0x0], $0xffff;
	_ =	sdelay $0x3  }
0x4df: {  	v26 =	vadd.s32 s0, v18  }
0x4e0: {  	v26 =	vadd.s32 v13, v26;
	v25 =	vmul.f32 $8.000000000e+00, v25;
	_ =	sdelay $0x1  }
0x4e1: {  	v25 =	vadd.f32 v25, v24;
	_ =	sdelay $0x1  }
0x4e2: {  	[tilespmem:s9+$0xFFFFFFD0] =	vst v25  }
0x4e3: {  	v25 =	vld.idx.msk [tilespmem:v26+s8+$0x0], $0xffff;
	_ =	sdelay $0x3  }
0x4e4: {  	v26 =	vadd.s32 s0, v17  }
0x4e5: {  	v26 =	vadd.s32 v14, v26;
	v25 =	vmul.f32 $8.000000000e+00, v25;
	_ =	sdelay $0x1  }
0x4e6: {  	v25 =	vadd.f32 v25, v24;
	_ =	sdelay $0x1  }
0x4e7: {  	[tilespmem:s9+$0xFFFFFFE0] =	vst v25  }
0x4e8: {  	v25 =	vld.idx.msk [tilespmem:v26+s8+$0x0], $0xffff;
	_ =	sdelay $0x3  }
0x4e9: {  	v26 =	vadd.s32 s0, v16  }
0x4ea: {  	v26 =	vadd.s32 v15, v26;
	v25 =	vmul.f32 $8.000000000e+00, v25;
	_ =	sdelay $0x1  }
0x4eb: {  	v25 =	vadd.f32 v25, v24;
	_ =	sdelay $0x1  }
0x4ec: {  	[tilespmem:s9+$0xFFFFFFF0] =	vst v25  }
0x4ed: {  	v25 =	vld.idx.msk [tilespmem:v26+s8+$0x0], $0xffff;
	_ =	sdelay $0x1  }
0x4ee: {  	s12 =	simm.s32 $0x1  }
0x4ef: {  	s28 =	simm.s32 $0x2400;
	s30 =	simm.s32 $0x1040;
	s31 =	simm.s32 $0x3400  }
0x4f0: {  	s24 =	simm.s32 $0x1020;
	s10 =	simm.s32 $0x0;
	s14 =	simm.s32 $0x2;
	v26 =	vadd.s32 s12, v23  }
.LBB2_14:
0x4f1: {  	p0 =	sne.s32 s14, $0x3F;
	v26 =	vadd.s32 v8, v26;
	v25 =	vmul.f32 $8.000000000e+00, v25;
	_ =	sdelay $0x1  }
0x4f2: {  	s0 =	sadd.s32 $0x80, s0;
	v24 =	vadd.f32 v25, v24  }
0x4f3: {  	s10 =	sadd.s32 $0x10, s10;
	s17 =	sand.u32 $0x1C00, s0  }
0x4f4: {  	s18 =	sand.u32 $0x70, s10;
	s17 =	sadd.s32 s17, s29;
	[tilespmem:s9+$0x0] =	vst v24  }
0x4f5: {  	s17 =	sadd.s32 s18, s17;
	v25 =	vld.idx.msk [tilespmem:v26+s8+$0x0], $0xffff  }
0x4f6: {  	v24 =	vld [tilespmem:s17+$0x0];
	_ =	sdelay $0x3  }
0x4f7: {  	v26 =	vadd.s32 s12, v21  }
0x4f8: {  	v26 =	vadd.s32 v9, v26;
	v25 =	vmul.f32 $8.000000000e+00, v25;
	_ =	sdelay $0x1  }
0x4f9: {  	v25 =	vadd.f32 v25, v24  }
0x4fa: {  	s9 =	sadd.s32 $0x80, s9  }
0x4fb: {  	[tilespmem:s9+$0xFFFFFF90] =	vst v25  }
0x4fc: {  	v25 =	vld.idx.msk [tilespmem:v26+s8+$0x0], $0xffff;
	_ =	sdelay $0x4  }
0x4fd: {  	v26 =	vadd.s32 s12, v22  }
0x4fe: {  	v26 =	vadd.s32 v10, v26;
	v25 =	vmul.f32 $8.000000000e+00, v25;
	_ =	sdelay $0x1  }
0x4ff: {  	v25 =	vadd.f32 v25, v24;
	_ =	sdelay $0x1  }
0x500: {  	[tilespmem:s9+$0xFFFFFFA0] =	vst v25  }
0x501: {  	v25 =	vld.idx.msk [tilespmem:v26+s8+$0x0], $0xffff;
	_ =	sdelay $0x4  }
0x502: {  	v26 =	vadd.s32 s12, v20  }
0x503: {  	v26 =	vadd.s32 v11, v26;
	v25 =	vmul.f32 $8.000000000e+00, v25;
	_ =	sdelay $0x1  }
0x504: {  	v25 =	vadd.f32 v25, v24;
	_ =	sdelay $0x1  }
0x505: {  	[tilespmem:s9+$0xFFFFFFB0] =	vst v25  }
0x506: {  	v25 =	vld.idx.msk [tilespmem:v26+s8+$0x0], $0xffff;
	_ =	sdelay $0x4  }
0x507: {  	v26 =	vadd.s32 s12, v19  }
0x508: {  	v26 =	vadd.s32 v12, v26;
	v25 =	vmul.f32 $8.000000000e+00, v25;
	_ =	sdelay $0x1  }
0x509: {  	v25 =	vadd.f32 v25, v24;
	_ =	sdelay $0x1  }
0x50a: {  	[tilespmem:s9+$0xFFFFFFC0] =	vst v25  }
0x50b: {  	v25 =	vld.idx.msk [tilespmem:v26+s8+$0x0], $0xffff;
	_ =	sdelay $0x4  }
0x50c: {  	v26 =	vadd.s32 s12, v18  }
0x50d: {  	v26 =	vadd.s32 v13, v26;
	v25 =	vmul.f32 $8.000000000e+00, v25;
	_ =	sdelay $0x1  }
0x50e: {  	v25 =	vadd.f32 v25, v24;
	_ =	sdelay $0x1  }
0x50f: {  	[tilespmem:s9+$0xFFFFFFD0] =	vst v25  }
0x510: {  	v25 =	vld.idx.msk [tilespmem:v26+s8+$0x0], $0xffff;
	_ =	sdelay $0x4  }
0x511: {  	v26 =	vadd.s32 s12, v17  }
0x512: {  	v26 =	vadd.s32 v14, v26;
	v25 =	vmul.f32 $8.000000000e+00, v25;
	_ =	sdelay $0x1  }
0x513: {  	v25 =	vadd.f32 v25, v24;
	_ =	sdelay $0x1  }
0x514: {  	[tilespmem:s9+$0xFFFFFFE0] =	vst v25  }
0x515: {  	v25 =	vld.idx.msk [tilespmem:v26+s8+$0x0], $0xffff;
	_ =	sdelay $0x4  }
0x516: {  	v26 =	vadd.s32 s12, v16;
	s12 =	smov.u32 s14  }
0x517: {  	v26 =	vadd.s32 v15, v26;
	v25 =	vmul.f32 $8.000000000e+00, v25;
	_ =	sdelay $0x1  }
0x518: {  	v25 =	vadd.f32 v25, v24;
	_ =	sdelay $0x1  }
0x519: {  	[tilespmem:s9+$0xFFFFFFF0] =	vst v25  }
0x51a: {  	v25 =	vld.idx.msk [tilespmem:v26+s8+$0x0], $0xffff  }
.Ltmp6:
0x51b: {  	(pc) =	sbr.rel @p0 .LBB2_14-.Ltmp6, $2  }
0x51c: {  	_ =	sdelay $0x2  }
0x51d: {  	s14 =	sadd.s32 $0x1, s14;
	v26 =	vadd.s32 s12, v23  }
0x51e: {  	v23 =	vadd.s32 v8, v26;
	v25 =	vmul.f32 $8.000000000e+00, v25;
	_ =	sdelay $0x1  }
0x51f: {  	v24 =	vadd.f32 v25, v24  }
0x520: {  	s0 =	sadd.s32 $0x80, s0  }
0x521: {  	s10 =	sadd.s32 $0x10, s10;
	s0 =	sand.u32 $0x1C00, s0;
	[tilespmem:s9+$0x0] =	vst v24  }
0x522: {  	s10 =	sand.u32 $0x70, s10;
	s0 =	sadd.s32 s0, s29;
	v23 =	vld.idx.msk [tilespmem:v23+s8+$0x0], $0xffff  }
0x523: {  	s0 =	sadd.s32 s10, s0  }
0x524: {  	v24 =	vld [tilespmem:s0+$0x0];
	_ =	sdelay $0x1  }
0x525: {  	v21 =	vadd.s32 s12, v21  }
0x526: {  	v21 =	vadd.s32 v9, v21;
	v23 =	vmul.f32 $8.000000000e+00, v23;
	_ =	sdelay $0x1  }
0x527: {  	v23 =	vadd.f32 v23, v24  }
0x528: {  	s9 =	sadd.s32 $0x80, s9  }
0x529: {  	[tilespmem:s9+$0xFFFFFF90] =	vst v23  }
0x52a: {  	v21 =	vld.idx.msk [tilespmem:v21+s8+$0x0], $0xffff;
	_ =	sdelay $0x3  }
0x52b: {  	v22 =	vadd.s32 s12, v22  }
0x52c: {  	v22 =	vadd.s32 v10, v22;
	v21 =	vmul.f32 $8.000000000e+00, v21;
	_ =	sdelay $0x1  }
0x52d: {  	v21 =	vadd.f32 v21, v24;
	_ =	sdelay $0x1  }
0x52e: {  	[tilespmem:s9+$0xFFFFFFA0] =	vst v21  }
0x52f: {  	v21 =	vld.idx.msk [tilespmem:v22+s8+$0x0], $0xffff;
	_ =	sdelay $0x3  }
0x530: {  	v20 =	vadd.s32 s12, v20  }
0x531: {  	v20 =	vadd.s32 v11, v20;
	v21 =	vmul.f32 $8.000000000e+00, v21;
	_ =	sdelay $0x1  }
0x532: {  	v21 =	vadd.f32 v21, v24;
	_ =	sdelay $0x1  }
0x533: {  	[tilespmem:s9+$0xFFFFFFB0] =	vst v21  }
0x534: {  	v20 =	vld.idx.msk [tilespmem:v20+s8+$0x0], $0xffff;
	_ =	sdelay $0x3  }
0x535: {  	v19 =	vadd.s32 s12, v19  }
0x536: {  	v19 =	vadd.s32 v12, v19;
	v20 =	vmul.f32 $8.000000000e+00, v20;
	_ =	sdelay $0x1  }
0x537: {  	v20 =	vadd.f32 v20, v24;
	_ =	sdelay $0x1  }
0x538: {  	[tilespmem:s9+$0xFFFFFFC0] =	vst v20  }
0x539: {  	v19 =	vld.idx.msk [tilespmem:v19+s8+$0x0], $0xffff;
	_ =	sdelay $0x3  }
0x53a: {  	v18 =	vadd.s32 s12, v18  }
0x53b: {  	v18 =	vadd.s32 v13, v18;
	v19 =	vmul.f32 $8.000000000e+00, v19;
	_ =	sdelay $0x1  }
0x53c: {  	v19 =	vadd.f32 v19, v24;
	_ =	sdelay $0x1  }
0x53d: {  	[tilespmem:s9+$0xFFFFFFD0] =	vst v19  }
0x53e: {  	v18 =	vld.idx.msk [tilespmem:v18+s8+$0x0], $0xffff;
	_ =	sdelay $0x3  }
0x53f: {  	v17 =	vadd.s32 s12, v17  }
0x540: {  	v17 =	vadd.s32 v14, v17;
	v18 =	vmul.f32 $8.000000000e+00, v18;
	_ =	sdelay $0x1  }
0x541: {  	v18 =	vadd.f32 v18, v24;
	_ =	sdelay $0x1  }
0x542: {  	[tilespmem:s9+$0xFFFFFFE0] =	vst v18  }
0x543: {  	v17 =	vld.idx.msk [tilespmem:v17+s8+$0x0], $0xffff;
	_ =	sdelay $0x3  }
0x544: {  	v16 =	vadd.s32 s12, v16  }
0x545: {  	v16 =	vadd.s32 v15, v16;
	v17 =	vmul.f32 $8.000000000e+00, v17;
	_ =	sdelay $0x1  }
0x546: {  	v17 =	vadd.f32 v17, v24;
	_ =	sdelay $0x1  }
0x547: {  	[tilespmem:s9+$0xFFFFFFF0] =	vst v17  }
0x548: {  	v16 =	vld.idx.msk [tilespmem:v16+s8+$0x0], $0xffff;
	_ =	sdelay $0x4  }
0x549: {  	v16 =	vmul.f32 $8.000000000e+00, v16;
	_ =	sdelay $0x1  }
0x54a: {  	v16 =	vadd.f32 v16, v24;
	_ =	sdelay $0x1  }
0x54b: {  	s12 =	simm.s32 $0x17400;
	s10 =	rddreg [dreg:$0x8];
	[tilespmem:s9+$0x0] =	vst v16  }
0x54c: {  	[hbm4b:s10+s11] =	stream.strided.scatter [tilespmem:s12], [sflag:$0xA], $0x2000, s15, s11, $0x38;
	[tilespmem:$0x19400] =	vst v63  }
0x54d: {  	s12 =	simm.s32 $0x3  }
0x54e: {  	_ =	swait.ge [sflag:s12], $0x400  }
0x54f: {  	[sflag:s12] =	ssyncset.done $0x0  }
0x550: {  	s14 =	simm.s32 $0x9;
	[sflag:s12] =	ssyncadd.s32 $0xFFFFFC00  }
0x551: {  	_ =	swait.ge [sflag:s14], $0x2000  }
0x552: {  	[sflag:s14] =	ssyncset.done $0x0  }
0x553: {  	[sflag:s14] =	ssyncadd.s32 $0xFFFFE000  }
0x554: {  	_ =	swait.ge [sflag:s23], $0x2000  }
0x555: {  	s17 =	rddreg [dreg:$0x13]  }
0x556: {  	s18 =	rddreg [dreg:$0x12];
	s9 =	sadd.s32 $0x1, s17  }
0x557: {  	p0 =	sne.s32 s9, s18  }
.Ltmp7:
0x558: {  	_ = 	snop;
	(pc) =	sbr.rel @p0 .LBB2_1-.Ltmp7, $3  }
0x559: {  	_ =	sdelay $0x1  }
0x55a: {  	[sflag:s23] =	ssyncset.done $0x0  }
0x55b: {  	[sflag:s23] =	ssyncadd.s32 $0xFFFFE000;
	s18 =	simm.s32 $0x1  }
0x55c: {  	_ =	sfence.sel $0x180000  }
0x55d: {  	[bflag:$0x0] =	sbarrier.arrive $0xFFFF  }
0x55e: {  	_ =	strace $0x90000047  }
0x55f: {  	s0 =	stileid.u32;
	[bflag:$0x2] =	sbarrier.arrive $0xFFFF  }
0x560: {  	p0 =	sne.s32 s0, $0x0;
	s0 =	rddreg [dreg:$0x3]  }
0x561: {  	s0 =	sadd.s32 @!p0 $0x100000, s0  }
0x562: {  	[sflag:s0] =	ssyncadd.tile.s32 @!p0 $0x1;
	_ =	shalt  }
.Lfunc_end2:
_tile_overlayer_lowered:
.L_overlay_start_2:
0x563: {  	(tag) =	ssettag $0x2  }
0x564: {  	s0 =	rddreg [dreg:$0x0];
	s2 =	stileid.u32  }
0x565: {  	s1 =	rddreg [dreg:$0x1];
	p0 =	sne.s32 s2, $0x0  }
0x566: {  	s3 =	rddreg [dreg:$0x2];
	[bflag:$0x3] =	sbarrier.arrive $0xFFFF;
	s2 =	simm.s32 @!p0 $0x1C0B  }
0x567: {  	[timem:s3], [sflag:s2] =	dma.local @!p0 [hbm:s0], s1  }
0x568: {  	s0 =	simm.s32 @!p0 $0xB  }
0x569: {  	_ =	swait.ge @!p0 [sflag:s0], s1  }
0x56a: {  	s1 =	ssub.s32 @!p0 $0x0, s1;
	[sflag:s0] =	ssyncset.done @!p0 $0x0  }
0x56b: {  	[sflag:s0] =	ssyncadd.s32 @!p0 s1  }
0x56c: {  	[bflag:$0x3] =	sbarrier.arrive $0xFFFF  }
0x56d: {  	_ =	shalt  }

</sc_bundles>
